<compile_context>
chip_gen: v7x
topology: tpu7x:2x2x1
jax: 0.10.2.dev20260603
libtpu: 0.0.44.dev20260713+nightly
codegen_flags: <defaults>
</compile_context>

<pallas_src>
import functools

import jax
import jax.numpy as jnp
from jax import lax
from jax.experimental import pallas as pl
from jax.experimental.pallas import tpu as pltpu
from jax.experimental.pallas import tpu_sc as plsc

C = 19
L = 16
NC, NS = 2, 16
NW = NC * NS
B = 8
H = 512
W = 512
ROWS = 8
COLS = 256
TB = 2
SCB = B - TB
CHUNK_PX = ROWS * COLS
CHUNKS_PER_IMG = (H // ROWS) * (W // COLS)
NCHUNKS = (SCB - 1) * CHUNKS_PER_IMG + CHUNKS_PER_IMG // 2
CHUNKS_PER_TILE = NCHUNKS // NW
UNROLL = 2


def _argmax_tree(vals):
    n = len(vals)
    nodes = []
    for a in range(0, n - 1, 2):
        gt = vals[a + 1] > vals[a]
        v = jnp.where(gt, vals[a + 1], vals[a])
        i = jnp.where(gt, jnp.full((L,), a + 1, jnp.int32),
                      jnp.full((L,), a, jnp.int32))
        nodes.append((v, i))
    if n % 2:
        nodes.append((vals[n - 1], jnp.full((L,), n - 1, jnp.int32)))
    while len(nodes) > 1:
        nxt = []
        for k in range(0, len(nodes) - 1, 2):
            (va, ia), (vb, ib) = nodes[k], nodes[k + 1]
            gt = vb > va
            nxt.append((jnp.where(gt, vb, va), jnp.where(gt, ib, ia)))
        if len(nodes) % 2:
            nxt.append(nodes[-1])
        nodes = nxt
    return nodes[0][1]


@functools.partial(
    pl.kernel,
    out_type=(
        jax.ShapeDtypeStruct((NW, C, L), jnp.int32),
        jax.ShapeDtypeStruct((NW, C, L), jnp.int32),
        jax.ShapeDtypeStruct((NW, C, L), jnp.int32),
    ),
    mesh=plsc.VectorSubcoreMesh(core_axis_name="c", subcore_axis_name="s"),
    scratch_types=[
        pltpu.VMEM((2, C, ROWS, COLS), jnp.float32),
        pltpu.VMEM((2, ROWS, COLS), jnp.int32),
        pltpu.VMEM((C, L), jnp.int32),
        pltpu.VMEM((C, L), jnp.int32),
        pltpu.VMEM((C, L), jnp.int32),
        pltpu.SemaphoreType.DMA,
        pltpu.SemaphoreType.DMA,
    ],
    compiler_params=pltpu.CompilerParams(needs_layout_passes=False),
)
def _count_kernel(logits_hbm, targets_hbm, out_lo, out_hi, out_tg,
                  logit_v, tgt_v, hist_lo, hist_hi, hist_tg, sem0, sem1):
    wid = lax.axis_index("s") * NC + lax.axis_index("c")
    q_base = wid * CHUNKS_PER_TILE

    zeros = jnp.zeros((L,), jnp.int32)
    for r in range(C):
        hist_lo[r, :] = zeros
        hist_hi[r, :] = zeros
        hist_tg[r, :] = zeros

    lane = lax.iota(jnp.int32, L)
    ones = jnp.ones((L,), jnp.int32)
    sems = (sem0, sem1)

    def copies(q, buf, sem):
        b = q // CHUNKS_PER_IMG
        rem = q % CHUNKS_PER_IMG
        r0 = (rem // 2) * ROWS
        c0 = (rem % 2) * COLS
        return (
            pltpu.make_async_copy(
                logits_hbm.at[b, :, pl.ds(r0, ROWS), pl.ds(c0, COLS)],
                logit_v.at[buf], sem),
            pltpu.make_async_copy(
                targets_hbm.at[b, pl.ds(r0, ROWS), pl.ds(c0, COLS)],
                tgt_v.at[buf], sem),
        )

    def start(q, buf, sem):
        for cp in copies(q, buf, sem):
            cp.start()

    def wait(q, buf, sem):
        for cp in copies(q, buf, sem):
            cp.wait()

    start(q_base, 0, sem0)
    start(q_base + 1, 1, sem1)

    def compute_chunk(buf):
        @plsc.parallel_loop(0, ROWS, 1)
        def row_body(r):
            @plsc.parallel_loop(0, COLS // L, 1, unroll=UNROLL)
            def vec_body(j):
                off = j * L
                vals = [logit_v[buf, c, r, pl.ds(off, L)]
                        for c in range(C)]
                pred = _argmax_tree(vals)
                t = tgt_v[buf, r, pl.ds(off, L)]
                eqm = pred == t
                plsc.addupdate_scatter(hist_hi, [pred, lane], ones,
                                       mask=eqm)
                plsc.addupdate_scatter(hist_lo, [pred, lane], ones,
                                       mask=jnp.logical_not(eqm))
                plsc.addupdate_scatter(hist_tg, [t, lane], ones)

    def pair_body(i, carry):
        base = q_base + 2 * i
        for p in range(2):
            q = base + p
            wait(q, p, sems[p])
            compute_chunk(p)

            @pl.when(2 * i + p + 2 < CHUNKS_PER_TILE)
            def _():
                start(q + 2, p, sems[p])
        return carry

    lax.fori_loop(0, CHUNKS_PER_TILE // 2, pair_body, 0)

    pltpu.sync_copy(hist_lo, out_lo.at[wid])
    pltpu.sync_copy(hist_hi, out_hi.at[wid])
    pltpu.sync_copy(hist_tg, out_tg.at[wid])


TC_ROWS = 16


def _fold(mf):
    return ((mf[:, 0:128] + mf[:, 128:256])
            + (mf[:, 256:384] + mf[:, 384:512]))


GPB = H // TC_ROWS
TC_G0 = GPB // 2
TCG = TB * GPB + TC_G0


def _tc_count_body(x_ref, t_ref, o_ref, acc_ref):
    gi = pl.program_id(0)

    @pl.when(gi == 0)
    def _init():
        acc_ref[...] = jnp.zeros_like(acc_ref)

    x = x_ref[0]
    t = t_ref[0]
    m = x[0]
    for c in range(1, C):
        m = jnp.maximum(m, x[c])
    pred = jnp.full(t.shape, C - 1, jnp.int32)
    for c in range(C - 2, -1, -1):
        pred = jnp.where(x[c] == m, c, pred)
    for c in range(C):
        pmf = (pred == c).astype(jnp.float32)
        tmf = (t == c).astype(jnp.float32)
        acc_ref[0, c] += _fold(pmf)
        acc_ref[1, c] += _fold(pmf * tmf)
        acc_ref[2, c] += _fold(tmf)

    @pl.when(gi == TCG - 1)
    def _fin():
        s = jnp.sum(acc_ref[...], axis=(2, 3))
        o_ref[0, :] = s[0, :] - s[1, :]
        o_ref[1, :] = s[1, :]
        o_ref[2, :] = s[2, :]


_tc_count = pl.pallas_call(
    _tc_count_body,
    grid=(TCG,),
    in_specs=[
        pl.BlockSpec((1, C, TC_ROWS, W),
                     lambda i: ((SCB - 1) + (i + TC_G0) // GPB, 0,
                                (i + TC_G0) % GPB, 0)),
        pl.BlockSpec((1, TC_ROWS, W),
                     lambda i: ((SCB - 1) + (i + TC_G0) // GPB,
                                (i + TC_G0) % GPB, 0)),
    ],
    out_specs=pl.BlockSpec((3, C), lambda i: (0, 0)),
    out_shape=jax.ShapeDtypeStruct((3, C), jnp.float32),
    scratch_shapes=[pltpu.VMEM((3, C, TC_ROWS, 128), jnp.float32)],
)


def _combine_body(lo_ref, hi_ref, tg_ref, tc_ref, out_ref):
    lo = jnp.sum(lo_ref[...].astype(jnp.float32), axis=(0, 2)) + tc_ref[0]
    hi = jnp.sum(hi_ref[...].astype(jnp.float32), axis=(0, 2)) + tc_ref[1]
    tg = jnp.sum(tg_ref[...].astype(jnp.float32), axis=(0, 2)) + tc_ref[2]
    inter = hi
    pred = lo + hi
    union = pred + tg - inter
    iou = inter / (union + 1e-16)
    out_ref[0, 0] = jnp.sum(iou) / float(C)


_combine = pl.pallas_call(
    _combine_body,
    out_shape=jax.ShapeDtypeStruct((1, 1), jnp.float32),
    out_specs=pl.BlockSpec(memory_space=pltpu.SMEM),
)


def kernel(inputs, targets):
    lo, hi, tg = _count_kernel(inputs, targets)
    tc = _tc_count(inputs, targets)
    return _combine(lo, hi, tg, tc)[0, 0]

# --- scband reference (transcript-rebuilt; emitter-appended) ---
"""Pipeline reference for scband-jaccard-loss-48747878809776 (READ-ONLY COPY).

The authoritative reference and input builder live on the scoring server;
editing this copy changes nothing except your own understanding.
"""

import jax, jax.numpy as jnp
import numpy as np

NUM_CLASSES = 19
EPS = 1e-16

def setup_inputs(seed: int = 0) -> dict:
    key = jax.random.key(seed)
    k1, k2 = jax.random.split(key)
    inputs = jax.random.normal(k1, (8, 19, 512, 512), dtype=jnp.float32)
    targets = jax.random.randint(k2, (8, 512, 512), 0, NUM_CLASSES, dtype=jnp.int32)
    return {"inputs": inputs, "targets": targets}

def reference(inputs, targets):
    # inputs: [B, C, H, W] float logits; targets: [B, H, W] int labels
    preds = jnp.argmax(inputs, axis=1)              # [B, H, W] int
    preds = preds.astype(jnp.uint8).reshape(-1)      # byte().flatten()
    t = targets.astype(jnp.uint8).reshape(-1)        # byte().flatten()
    # ignore_index is None -> no masking
    preds_i = preds.astype(jnp.int32)
    t_i = t.astype(jnp.int32)
    eq = (preds_i == t_i)
    # bincount of preds restricted to positions where preds == targets
    # (equivalent to torch: inputs[inputs == targets].bincount(minlength=C))
    area_intersection = jnp.bincount(preds_i, weights=eq.astype(jnp.float32), length=NUM_CLASSES)
    bincount_pred = jnp.bincount(preds_i, length=NUM_CLASSES).astype(jnp.float32)
    bincount_true = jnp.bincount(t_i, length=NUM_CLASSES).astype(jnp.float32)
    area_union = bincount_pred + bincount_true - area_intersection
    mean_iou = jnp.mean(area_intersection / (area_union + EPS))
    return mean_iou

if __name__ == "__main__":
    import jax
    _d = setup_inputs()
    print(jax.jit(kernel)(*tuple(_d.values())))

</pallas_src>

<mosaic_0001>
#map = affine_map<(d0, d1) -> (0, 0, 0, 0)>
#map1 = affine_map<(d0, d1) -> (0, 0, 0)>
module attributes {stable_mosaic.version = 14 : i64} {
  func.func @_count_kernel(%arg0: i32, %arg1: i32, %arg2: memref<8x19x512x512xf32, #tpu.memory_space<hbm>>, %arg3: memref<8x512x512xi32, #tpu.memory_space<hbm>>, %arg4: memref<32x19x16xi32, #tpu.memory_space<hbm>>, %arg5: memref<32x19x16xi32, #tpu.memory_space<hbm>>, %arg6: memref<32x19x16xi32, #tpu.memory_space<hbm>>, %arg7: memref<2x19x8x256xf32, #tpu.memory_space<vmem>>, %arg8: memref<2x8x256xi32, #tpu.memory_space<vmem>>, %arg9: memref<19x16xi32, #tpu.memory_space<vmem>>, %arg10: memref<19x16xi32, #tpu.memory_space<vmem>>, %arg11: memref<19x16xi32, #tpu.memory_space<vmem>>, %arg12: memref<!tpu.dma_semaphore, #tpu.memory_space<semaphore_mem>>, %arg13: memref<!tpu.dma_semaphore, #tpu.memory_space<semaphore_mem>>) attributes {dimension_semantics = [#tpu.dimension_semantics<core_parallel>, #tpu.dimension_semantics<subcore_parallel>], iteration_bounds = array<i64: 2, 16>, scalar_prefetch = 0 : i64, scratch_operands = 7 : i64, tpu.core_type = #tpu.core_type<sc_vector_subcore>, window_params = [{transform_indices = #map}, {transform_indices = #map1}, {transform_indices = #map1}, {transform_indices = #map1}, {transform_indices = #map1}]} {
    %mul3A = arith.constant 2 : i32
    %mul3A_0 = arith.muli %arg1, %mul3A : i32
    %add3A = arith.addi %mul3A_0, %arg0 : i32
    %mul3A_1 = arith.constant 22 : i32
    %mul3A_2 = arith.muli %add3A, %mul3A_1 : i32
    %broadcast_in_dim3A = arith.constant 0 : i32
    %broadcast_in_dim3A_3 = vector.broadcast %broadcast_in_dim3A : i32 to vector<16xi32>
    %swap3A = arith.constant 0 : i32
    %swap3A_4 = arith.index_cast %swap3A : i32 to index
    %swap3A_5 = arith.constant 0 : index
    %swap3A_6 = tpu.vector_load %arg9[%swap3A_4, %swap3A_5] {strides = array<i32>} : memref<19x16xi32, #tpu.memory_space<vmem>>, vector<16xi32>,
    tpu.vector_store %arg9[%swap3A_4, %swap3A_5], %broadcast_in_dim3A_3 {strides = array<i32>} : memref<19x16xi32, #tpu.memory_space<vmem>>, vector<16xi32>,
    %swap3A_7 = arith.constant 0 : i32
    %swap3A_8 = arith.index_cast %swap3A_7 : i32 to index
    %swap3A_9 = arith.constant 0 : index
    %swap3A_10 = tpu.vector_load %arg10[%swap3A_8, %swap3A_9] {strides = array<i32>} : memref<19x16xi32, #tpu.memory_space<vmem>>, vector<16xi32>,
    tpu.vector_store %arg10[%swap3A_8, %swap3A_9], %broadcast_in_dim3A_3 {strides = array<i32>} : memref<19x16xi32, #tpu.memory_space<vmem>>, vector<16xi32>,
    %swap3A_11 = arith.constant 0 : i32
    %swap3A_12 = arith.index_cast %swap3A_11 : i32 to index
    %swap3A_13 = arith.constant 0 : index
    %swap3A_14 = tpu.vector_load %arg11[%swap3A_12, %swap3A_13] {strides = array<i32>} : memref<19x16xi32, #tpu.memory_space<vmem>>, vector<16xi32>,
    tpu.vector_store %arg11[%swap3A_12, %swap3A_13], %broadcast_in_dim3A_3 {strides = array<i32>} : memref<19x16xi32, #tpu.memory_space<vmem>>, vector<16xi32>,
    %swap3A_15 = arith.constant 1 : i32
    %swap3A_16 = arith.index_cast %swap3A_15 : i32 to index
    %swap3A_17 = arith.constant 0 : index
    %swap3A_18 = tpu.vector_load %arg9[%swap3A_16, %swap3A_17] {strides = array<i32>} : memref<19x16xi32, #tpu.memory_space<vmem>>, vector<16xi32>,
    tpu.vector_store %arg9[%swap3A_16, %swap3A_17], %broadcast_in_dim3A_3 {strides = array<i32>} : memref<19x16xi32, #tpu.memory_space<vmem>>, vector<16xi32>,
    %swap3A_19 = arith.constant 1 : i32
    %swap3A_20 = arith.index_cast %swap3A_19 : i32 to index
    %swap3A_21 = arith.constant 0 : index
    %swap3A_22 = tpu.vector_load %arg10[%swap3A_20, %swap3A_21] {strides = array<i32>} : memref<19x16xi32, #tpu.memory_space<vmem>>, vector<16xi32>,
    tpu.vector_store %arg10[%swap3A_20, %swap3A_21], %broadcast_in_dim3A_3 {strides = array<i32>} : memref<19x16xi32, #tpu.memory_space<vmem>>, vector<16xi32>,
    %swap3A_23 = arith.constant 1 : i32
    %swap3A_24 = arith.index_cast %swap3A_23 : i32 to index
    %swap3A_25 = arith.constant 0 : index
    %swap3A_26 = tpu.vector_load %arg11[%swap3A_24, %swap3A_25] {strides = array<i32>} : memref<19x16xi32, #tpu.memory_space<vmem>>, vector<16xi32>,
    tpu.vector_store %arg11[%swap3A_24, %swap3A_25], %broadcast_in_dim3A_3 {strides = array<i32>} : memref<19x16xi32, #tpu.memory_space<vmem>>, vector<16xi32>,
    %swap3A_27 = arith.constant 2 : i32
    %swap3A_28 = arith.index_cast %swap3A_27 : i32 to index
    %swap3A_29 = arith.constant 0 : index
    %swap3A_30 = tpu.vector_load %arg9[%swap3A_28, %swap3A_29] {strides = array<i32>} : memref<19x16xi32, #tpu.memory_space<vmem>>, vector<16xi32>,
    tpu.vector_store %arg9[%swap3A_28, %swap3A_29], %broadcast_in_dim3A_3 {strides = array<i32>} : memref<19x16xi32, #tpu.memory_space<vmem>>, vector<16xi32>,
    %swap3A_31 = arith.constant 2 : i32
    %swap3A_32 = arith.index_cast %swap3A_31 : i32 to index
    %swap3A_33 = arith.constant 0 : index
    %swap3A_34 = tpu.vector_load %arg10[%swap3A_32, %swap3A_33] {strides = array<i32>} : memref<19x16xi32, #tpu.memory_space<vmem>>, vector<16xi32>,
    tpu.vector_store %arg10[%swap3A_32, %swap3A_33], %broadcast_in_dim3A_3 {strides = array<i32>} : memref<19x16xi32, #tpu.memory_space<vmem>>, vector<16xi32>,
    %swap3A_35 = arith.constant 2 : i32
    %swap3A_36 = arith.index_cast %swap3A_35 : i32 to index
    %swap3A_37 = arith.constant 0 : index
    %swap3A_38 = tpu.vector_load %arg11[%swap3A_36, %swap3A_37] {strides = array<i32>} : memref<19x16xi32, #tpu.memory_space<vmem>>, vector<16xi32>,
    tpu.vector_store %arg11[%swap3A_36, %swap3A_37], %broadcast_in_dim3A_3 {strides = array<i32>} : memref<19x16xi32, #tpu.memory_space<vmem>>, vector<16xi32>,
    %swap3A_39 = arith.constant 3 : i32
    %swap3A_40 = arith.index_cast %swap3A_39 : i32 to index
    %swap3A_41 = arith.constant 0 : index
    %swap3A_42 = tpu.vector_load %arg9[%swap3A_40, %swap3A_41] {strides = array<i32>} : memref<19x16xi32, #tpu.memory_space<vmem>>, vector<16xi32>,
    tpu.vector_store %arg9[%swap3A_40, %swap3A_41], %broadcast_in_dim3A_3 {strides = array<i32>} : memref<19x16xi32, #tpu.memory_space<vmem>>, vector<16xi32>,
    %swap3A_43 = arith.constant 3 : i32
    %swap3A_44 = arith.index_cast %swap3A_43 : i32 to index
    %swap3A_45 = arith.constant 0 : index
    %swap3A_46 = tpu.vector_load %arg10[%swap3A_44, %swap3A_45] {strides = array<i32>} : memref<19x16xi32, #tpu.memory_space<vmem>>, vector<16xi32>,
    tpu.vector_store %arg10[%swap3A_44, %swap3A_45], %broadcast_in_dim3A_3 {strides = array<i32>} : memref<19x16xi32, #tpu.memory_space<vmem>>, vector<16xi32>,
    %swap3A_47 = arith.constant 3 : i32
    %swap3A_48 = arith.index_cast %swap3A_47 : i32 to index
    %swap3A_49 = arith.constant 0 : index
    %swap3A_50 = tpu.vector_load %arg11[%swap3A_48, %swap3A_49] {strides = array<i32>} : memref<19x16xi32, #tpu.memory_space<vmem>>, vector<16xi32>,
    tpu.vector_store %arg11[%swap3A_48, %swap3A_49], %broadcast_in_dim3A_3 {strides = array<i32>} : memref<19x16xi32, #tpu.memory_space<vmem>>, vector<16xi32>,
    %swap3A_51 = arith.constant 4 : i32
    %swap3A_52 = arith.index_cast %swap3A_51 : i32 to index
    %swap3A_53 = arith.constant 0 : index
    %swap3A_54 = tpu.vector_load %arg9[%swap3A_52, %swap3A_53] {strides = array<i32>} : memref<19x16xi32, #tpu.memory_space<vmem>>, vector<16xi32>,
    tpu.vector_store %arg9[%swap3A_52, %swap3A_53], %broadcast_in_dim3A_3 {strides = array<i32>} : memref<19x16xi32, #tpu.memory_space<vmem>>, vector<16xi32>,
    %swap3A_55 = arith.constant 4 : i32
    %swap3A_56 = arith.index_cast %swap3A_55 : i32 to index
    %swap3A_57 = arith.constant 0 : index
    %swap3A_58 = tpu.vector_load %arg10[%swap3A_56, %swap3A_57] {strides = array<i32>} : memref<19x16xi32, #tpu.memory_space<vmem>>, vector<16xi32>,
    tpu.vector_store %arg10[%swap3A_56, %swap3A_57], %broadcast_in_dim3A_3 {strides = array<i32>} : memref<19x16xi32, #tpu.memory_space<vmem>>, vector<16xi32>,
    %swap3A_59 = arith.constant 4 : i32
    %swap3A_60 = arith.index_cast %swap3A_59 : i32 to index
    %swap3A_61 = arith.constant 0 : index
    %swap3A_62 = tpu.vector_load %arg11[%swap3A_60, %swap3A_61] {strides = array<i32>} : memref<19x16xi32, #tpu.memory_space<vmem>>, vector<16xi32>,
    tpu.vector_store %arg11[%swap3A_60, %swap3A_61], %broadcast_in_dim3A_3 {strides = array<i32>} : memref<19x16xi32, #tpu.memory_space<vmem>>, vector<16xi32>,
    %swap3A_63 = arith.constant 5 : i32
    %swap3A_64 = arith.index_cast %swap3A_63 : i32 to index
    %swap3A_65 = arith.constant 0 : index
    %swap3A_66 = tpu.vector_load %arg9[%swap3A_64, %swap3A_65] {strides = array<i32>} : memref<19x16xi32, #tpu.memory_space<vmem>>, vector<16xi32>,
    tpu.vector_store %arg9[%swap3A_64, %swap3A_65], %broadcast_in_dim3A_3 {strides = array<i32>} : memref<19x16xi32, #tpu.memory_space<vmem>>, vector<16xi32>,
    %swap3A_67 = arith.constant 5 : i32
    %swap3A_68 = arith.index_cast %swap3A_67 : i32 to index
    %swap3A_69 = arith.constant 0 : index
    %swap3A_70 = tpu.vector_load %arg10[%swap3A_68, %swap3A_69] {strides = array<i32>} : memref<19x16xi32, #tpu.memory_space<vmem>>, vector<16xi32>,
    tpu.vector_store %arg10[%swap3A_68, %swap3A_69], %broadcast_in_dim3A_3 {strides = array<i32>} : memref<19x16xi32, #tpu.memory_space<vmem>>, vector<16xi32>,
    %swap3A_71 = arith.constant 5 : i32
    %swap3A_72 = arith.index_cast %swap3A_71 : i32 to index
    %swap3A_73 = arith.constant 0 : index
    %swap3A_74 = tpu.vector_load %arg11[%swap3A_72, %swap3A_73] {strides = array<i32>} : memref<19x16xi32, #tpu.memory_space<vmem>>, vector<16xi32>,
    tpu.vector_store %arg11[%swap3A_72, %swap3A_73], %broadcast_in_dim3A_3 {strides = array<i32>} : memref<19x16xi32, #tpu.memory_space<vmem>>, vector<16xi32>,
    %swap3A_75 = arith.constant 6 : i32
    %swap3A_76 = arith.index_cast %swap3A_75 : i32 to index
    %swap3A_77 = arith.constant 0 : index
    %swap3A_78 = tpu.vector_load %arg9[%swap3A_76, %swap3A_77] {strides = array<i32>} : memref<19x16xi32, #tpu.memory_space<vmem>>, vector<16xi32>,
    tpu.vector_store %arg9[%swap3A_76, %swap3A_77], %broadcast_in_dim3A_3 {strides = array<i32>} : memref<19x16xi32, #tpu.memory_space<vmem>>, vector<16xi32>,
    %swap3A_79 = arith.constant 6 : i32
    %swap3A_80 = arith.index_cast %swap3A_79 : i32 to index
    %swap3A_81 = arith.constant 0 : index
    %swap3A_82 = tpu.vector_load %arg10[%swap3A_80, %swap3A_81] {strides = array<i32>} : memref<19x16xi32, #tpu.memory_space<vmem>>, vector<16xi32>,
    tpu.vector_store %arg10[%swap3A_80, %swap3A_81], %broadcast_in_dim3A_3 {strides = array<i32>} : memref<19x16xi32, #tpu.memory_space<vmem>>, vector<16xi32>,
    %swap3A_83 = arith.constant 6 : i32
    %swap3A_84 = arith.index_cast %swap3A_83 : i32 to index
    %swap3A_85 = arith.constant 0 : index
    %swap3A_86 = tpu.vector_load %arg11[%swap3A_84, %swap3A_85] {strides = array<i32>} : memref<19x16xi32, #tpu.memory_space<vmem>>, vector<16xi32>,
    tpu.vector_store %arg11[%swap3A_84, %swap3A_85], %broadcast_in_dim3A_3 {strides = array<i32>} : memref<19x16xi32, #tpu.memory_space<vmem>>, vector<16xi32>,
    %swap3A_87 = arith.constant 7 : i32
    %swap3A_88 = arith.index_cast %swap3A_87 : i32 to index
    %swap3A_89 = arith.constant 0 : index
    %swap3A_90 = tpu.vector_load %arg9[%swap3A_88, %swap3A_89] {strides = array<i32>} : memref<19x16xi32, #tpu.memory_space<vmem>>, vector<16xi32>,
    tpu.vector_store %arg9[%swap3A_88, %swap3A_89], %broadcast_in_dim3A_3 {strides = array<i32>} : memref<19x16xi32, #tpu.memory_space<vmem>>, vector<16xi32>,
    %swap3A_91 = arith.constant 7 : i32
    %swap3A_92 = arith.index_cast %swap3A_91 : i32 to index
    %swap3A_93 = arith.constant 0 : index
    %swap3A_94 = tpu.vector_load %arg10[%swap3A_92, %swap3A_93] {strides = array<i32>} : memref<19x16xi32, #tpu.memory_space<vmem>>, vector<16xi32>,
    tpu.vector_store %arg10[%swap3A_92, %swap3A_93], %broadcast_in_dim3A_3 {strides = array<i32>} : memref<19x16xi32, #tpu.memory_space<vmem>>, vector<16xi32>,
    %swap3A_95 = arith.constant 7 : i32
    %swap3A_96 = arith.index_cast %swap3A_95 : i32 to index
    %swap3A_97 = arith.constant 0 : index
    %swap3A_98 = tpu.vector_load %arg11[%swap3A_96, %swap3A_97] {strides = array<i32>} : memref<19x16xi32, #tpu.memory_space<vmem>>, vector<16xi32>,
    tpu.vector_store %arg11[%swap3A_96, %swap3A_97], %broadcast_in_dim3A_3 {strides = array<i32>} : memref<19x16xi32, #tpu.memory_space<vmem>>, vector<16xi32>,
    %swap3A_99 = arith.constant 8 : i32
    %swap3A_100 = arith.index_cast %swap3A_99 : i32 to index
    %swap3A_101 = arith.constant 0 : index
    %swap3A_102 = tpu.vector_load %arg9[%swap3A_100, %swap3A_101] {strides = array<i32>} : memref<19x16xi32, #tpu.memory_space<vmem>>, vector<16xi32>,
    tpu.vector_store %arg9[%swap3A_100, %swap3A_101], %broadcast_in_dim3A_3 {strides = array<i32>} : memref<19x16xi32, #tpu.memory_space<vmem>>, vector<16xi32>,
    %swap3A_103 = arith.constant 8 : i32
    %swap3A_104 = arith.index_cast %swap3A_103 : i32 to index
    %swap3A_105 = arith.constant 0 : index
    %swap3A_106 = tpu.vector_load %arg10[%swap3A_104, %swap3A_105] {strides = array<i32>} : memref<19x16xi32, #tpu.memory_space<vmem>>, vector<16xi32>,
    tpu.vector_store %arg10[%swap3A_104, %swap3A_105], %broadcast_in_dim3A_3 {strides = array<i32>} : memref<19x16xi32, #tpu.memory_space<vmem>>, vector<16xi32>,
    %swap3A_107 = arith.constant 8 : i32
    %swap3A_108 = arith.index_cast %swap3A_107 : i32 to index
    %swap3A_109 = arith.constant 0 : index
    %swap3A_110 = tpu.vector_load %arg11[%swap3A_108, %swap3A_109] {strides = array<i32>} : memref<19x16xi32, #tpu.memory_space<vmem>>, vector<16xi32>,
    tpu.vector_store %arg11[%swap3A_108, %swap3A_109], %broadcast_in_dim3A_3 {strides = array<i32>} : memref<19x16xi32, #tpu.memory_space<vmem>>, vector<16xi32>,
    %swap3A_111 = arith.constant 9 : i32
    %swap3A_112 = arith.index_cast %swap3A_111 : i32 to index
    %swap3A_113 = arith.constant 0 : index
    %swap3A_114 = tpu.vector_load %arg9[%swap3A_112, %swap3A_113] {strides = array<i32>} : memref<19x16xi32, #tpu.memory_space<vmem>>, vector<16xi32>,
    tpu.vector_store %arg9[%swap3A_112, %swap3A_113], %broadcast_in_dim3A_3 {strides = array<i32>} : memref<19x16xi32, #tpu.memory_space<vmem>>, vector<16xi32>,
    %swap3A_115 = arith.constant 9 : i32
    %swap3A_116 = arith.index_cast %swap3A_115 : i32 to index
    %swap3A_117 = arith.constant 0 : index
    %swap3A_118 = tpu.vector_load %arg10[%swap3A_116, %swap3A_117] {strides = array<i32>} : memref<19x16xi32, #tpu.memory_space<vmem>>, vector<16xi32>,
    tpu.vector_store %arg10[%swap3A_116, %swap3A_117], %broadcast_in_dim3A_3 {strides = array<i32>} : memref<19x16xi32, #tpu.memory_space<vmem>>, vector<16xi32>,
    %swap3A_119 = arith.constant 9 : i32
    %swap3A_120 = arith.index_cast %swap3A_119 : i32 to index
    %swap3A_121 = arith.constant 0 : index
    %swap3A_122 = tpu.vector_load %arg11[%swap3A_120, %swap3A_121] {strides = array<i32>} : memref<19x16xi32, #tpu.memory_space<vmem>>, vector<16xi32>,
    tpu.vector_store %arg11[%swap3A_120, %swap3A_121], %broadcast_in_dim3A_3 {strides = array<i32>} : memref<19x16xi32, #tpu.memory_space<vmem>>, vector<16xi32>,
    %swap3A_123 = arith.constant 10 : i32
    %swap3A_124 = arith.index_cast %swap3A_123 : i32 to index
    %swap3A_125 = arith.constant 0 : index
    %swap3A_126 = tpu.vector_load %arg9[%swap3A_124, %swap3A_125] {strides = array<i32>} : memref<19x16xi32, #tpu.memory_space<vmem>>, vector<16xi32>,
    tpu.vector_store %arg9[%swap3A_124, %swap3A_125], %broadcast_in_dim3A_3 {strides = array<i32>} : memref<19x16xi32, #tpu.memory_space<vmem>>, vector<16xi32>,
    %swap3A_127 = arith.constant 10 : i32
    %swap3A_128 = arith.index_cast %swap3A_127 : i32 to index
    %swap3A_129 = arith.constant 0 : index
    %swap3A_130 = tpu.vector_load %arg10[%swap3A_128, %swap3A_129] {strides = array<i32>} : memref<19x16xi32, #tpu.memory_space<vmem>>, vector<16xi32>,
    tpu.vector_store %arg10[%swap3A_128, %swap3A_129], %broadcast_in_dim3A_3 {strides = array<i32>} : memref<19x16xi32, #tpu.memory_space<vmem>>, vector<16xi32>,
    %swap3A_131 = arith.constant 10 : i32
    %swap3A_132 = arith.index_cast %swap3A_131 : i32 to index
    %swap3A_133 = arith.constant 0 : index
    %swap3A_134 = tpu.vector_load %arg11[%swap3A_132, %swap3A_133] {strides = array<i32>} : memref<19x16xi32, #tpu.memory_space<vmem>>, vector<16xi32>,
    tpu.vector_store %arg11[%swap3A_132, %swap3A_133], %broadcast_in_dim3A_3 {strides = array<i32>} : memref<19x16xi32, #tpu.memory_space<vmem>>, vector<16xi32>,
    %swap3A_135 = arith.constant 11 : i32
    %swap3A_136 = arith.index_cast %swap3A_135 : i32 to index
    %swap3A_137 = arith.constant 0 : index
    %swap3A_138 = tpu.vector_load %arg9[%swap3A_136, %swap3A_137] {strides = array<i32>} : memref<19x16xi32, #tpu.memory_space<vmem>>, vector<16xi32>,
    tpu.vector_store %arg9[%swap3A_136, %swap3A_137], %broadcast_in_dim3A_3 {strides = array<i32>} : memref<19x16xi32, #tpu.memory_space<vmem>>, vector<16xi32>,
    %swap3A_139 = arith.constant 11 : i32
    %swap3A_140 = arith.index_cast %swap3A_139 : i32 to index
    %swap3A_141 = arith.constant 0 : index
    %swap3A_142 = tpu.vector_load %arg10[%swap3A_140, %swap3A_141] {strides = array<i32>} : memref<19x16xi32, #tpu.memory_space<vmem>>, vector<16xi32>,
    tpu.vector_store %arg10[%swap3A_140, %swap3A_141], %broadcast_in_dim3A_3 {strides = array<i32>} : memref<19x16xi32, #tpu.memory_space<vmem>>, vector<16xi32>,
    %swap3A_143 = arith.constant 11 : i32
    %swap3A_144 = arith.index_cast %swap3A_143 : i32 to index
    %swap3A_145 = arith.constant 0 : index
    %swap3A_146 = tpu.vector_load %arg11[%swap3A_144, %swap3A_145] {strides = array<i32>} : memref<19x16xi32, #tpu.memory_space<vmem>>, vector<16xi32>,
    tpu.vector_store %arg11[%swap3A_144, %swap3A_145], %broadcast_in_dim3A_3 {strides = array<i32>} : memref<19x16xi32, #tpu.memory_space<vmem>>, vector<16xi32>,
    %swap3A_147 = arith.constant 12 : i32
    %swap3A_148 = arith.index_cast %swap3A_147 : i32 to index
    %swap3A_149 = arith.constant 0 : index
    %swap3A_150 = tpu.vector_load %arg9[%swap3A_148, %swap3A_149] {strides = array<i32>} : memref<19x16xi32, #tpu.memory_space<vmem>>, vector<16xi32>,
    tpu.vector_store %arg9[%swap3A_148, %swap3A_149], %broadcast_in_dim3A_3 {strides = array<i32>} : memref<19x16xi32, #tpu.memory_space<vmem>>, vector<16xi32>,
    %swap3A_151 = arith.constant 12 : i32
    %swap3A_152 = arith.index_cast %swap3A_151 : i32 to index
    %swap3A_153 = arith.constant 0 : index
    %swap3A_154 = tpu.vector_load %arg10[%swap3A_152, %swap3A_153] {strides = array<i32>} : memref<19x16xi32, #tpu.memory_space<vmem>>, vector<16xi32>,
    tpu.vector_store %arg10[%swap3A_152, %swap3A_153], %broadcast_in_dim3A_3 {strides = array<i32>} : memref<19x16xi32, #tpu.memory_space<vmem>>, vector<16xi32>,
    %swap3A_155 = arith.constant 12 : i32
    %swap3A_156 = arith.index_cast %swap3A_155 : i32 to index
    %swap3A_157 = arith.constant 0 : index
    %swap3A_158 = tpu.vector_load %arg11[%swap3A_156, %swap3A_157] {strides = array<i32>} : memref<19x16xi32, #tpu.memory_space<vmem>>, vector<16xi32>,
    tpu.vector_store %arg11[%swap3A_156, %swap3A_157], %broadcast_in_dim3A_3 {strides = array<i32>} : memref<19x16xi32, #tpu.memory_space<vmem>>, vector<16xi32>,
    %swap3A_159 = arith.constant 13 : i32
    %swap3A_160 = arith.index_cast %swap3A_159 : i32 to index
    %swap3A_161 = arith.constant 0 : index
    %swap3A_162 = tpu.vector_load %arg9[%swap3A_160, %swap3A_161] {strides = array<i32>} : memref<19x16xi32, #tpu.memory_space<vmem>>, vector<16xi32>,
    tpu.vector_store %arg9[%swap3A_160, %swap3A_161], %broadcast_in_dim3A_3 {strides = array<i32>} : memref<19x16xi32, #tpu.memory_space<vmem>>, vector<16xi32>,
    %swap3A_163 = arith.constant 13 : i32
    %swap3A_164 = arith.index_cast %swap3A_163 : i32 to index
    %swap3A_165 = arith.constant 0 : index
    %swap3A_166 = tpu.vector_load %arg10[%swap3A_164, %swap3A_165] {strides = array<i32>} : memref<19x16xi32, #tpu.memory_space<vmem>>, vector<16xi32>,
    tpu.vector_store %arg10[%swap3A_164, %swap3A_165], %broadcast_in_dim3A_3 {strides = array<i32>} : memref<19x16xi32, #tpu.memory_space<vmem>>, vector<16xi32>,
    %swap3A_167 = arith.constant 13 : i32
    %swap3A_168 = arith.index_cast %swap3A_167 : i32 to index
    %swap3A_169 = arith.constant 0 : index
    %swap3A_170 = tpu.vector_load %arg11[%swap3A_168, %swap3A_169] {strides = array<i32>} : memref<19x16xi32, #tpu.memory_space<vmem>>, vector<16xi32>,
    tpu.vector_store %arg11[%swap3A_168, %swap3A_169], %broadcast_in_dim3A_3 {strides = array<i32>} : memref<19x16xi32, #tpu.memory_space<vmem>>, vector<16xi32>,
    %swap3A_171 = arith.constant 14 : i32
    %swap3A_172 = arith.index_cast %swap3A_171 : i32 to index
    %swap3A_173 = arith.constant 0 : index
    %swap3A_174 = tpu.vector_load %arg9[%swap3A_172, %swap3A_173] {strides = array<i32>} : memref<19x16xi32, #tpu.memory_space<vmem>>, vector<16xi32>,
    tpu.vector_store %arg9[%swap3A_172, %swap3A_173], %broadcast_in_dim3A_3 {strides = array<i32>} : memref<19x16xi32, #tpu.memory_space<vmem>>, vector<16xi32>,
    %swap3A_175 = arith.constant 14 : i32
    %swap3A_176 = arith.index_cast %swap3A_175 : i32 to index
    %swap3A_177 = arith.constant 0 : index
    %swap3A_178 = tpu.vector_load %arg10[%swap3A_176, %swap3A_177] {strides = array<i32>} : memref<19x16xi32, #tpu.memory_space<vmem>>, vector<16xi32>,
    tpu.vector_store %arg10[%swap3A_176, %swap3A_177], %broadcast_in_dim3A_3 {strides = array<i32>} : memref<19x16xi32, #tpu.memory_space<vmem>>, vector<16xi32>,
    %swap3A_179 = arith.constant 14 : i32
    %swap3A_180 = arith.index_cast %swap3A_179 : i32 to index
    %swap3A_181 = arith.constant 0 : index
    %swap3A_182 = tpu.vector_load %arg11[%swap3A_180, %swap3A_181] {strides = array<i32>} : memref<19x16xi32, #tpu.memory_space<vmem>>, vector<16xi32>,
    tpu.vector_store %arg11[%swap3A_180, %swap3A_181], %broadcast_in_dim3A_3 {strides = array<i32>} : memref<19x16xi32, #tpu.memory_space<vmem>>, vector<16xi32>,
    %swap3A_183 = arith.constant 15 : i32
    %swap3A_184 = arith.index_cast %swap3A_183 : i32 to index
    %swap3A_185 = arith.constant 0 : index
    %swap3A_186 = tpu.vector_load %arg9[%swap3A_184, %swap3A_185] {strides = array<i32>} : memref<19x16xi32, #tpu.memory_space<vmem>>, vector<16xi32>,
    tpu.vector_store %arg9[%swap3A_184, %swap3A_185], %broadcast_in_dim3A_3 {strides = array<i32>} : memref<19x16xi32, #tpu.memory_space<vmem>>, vector<16xi32>,
    %swap3A_187 = arith.constant 15 : i32
    %swap3A_188 = arith.index_cast %swap3A_187 : i32 to index
    %swap3A_189 = arith.constant 0 : index
    %swap3A_190 = tpu.vector_load %arg10[%swap3A_188, %swap3A_189] {strides = array<i32>} : memref<19x16xi32, #tpu.memory_space<vmem>>, vector<16xi32>,
    tpu.vector_store %arg10[%swap3A_188, %swap3A_189], %broadcast_in_dim3A_3 {strides = array<i32>} : memref<19x16xi32, #tpu.memory_space<vmem>>, vector<16xi32>,
    %swap3A_191 = arith.constant 15 : i32
    %swap3A_192 = arith.index_cast %swap3A_191 : i32 to index
    %swap3A_193 = arith.constant 0 : index
    %swap3A_194 = tpu.vector_load %arg11[%swap3A_192, %swap3A_193] {strides = array<i32>} : memref<19x16xi32, #tpu.memory_space<vmem>>, vector<16xi32>,
    tpu.vector_store %arg11[%swap3A_192, %swap3A_193], %broadcast_in_dim3A_3 {strides = array<i32>} : memref<19x16xi32, #tpu.memory_space<vmem>>, vector<16xi32>,
    %swap3A_195 = arith.constant 16 : i32
    %swap3A_196 = arith.index_cast %swap3A_195 : i32 to index
    %swap3A_197 = arith.constant 0 : index
    %swap3A_198 = tpu.vector_load %arg9[%swap3A_196, %swap3A_197] {strides = array<i32>} : memref<19x16xi32, #tpu.memory_space<vmem>>, vector<16xi32>,
    tpu.vector_store %arg9[%swap3A_196, %swap3A_197], %broadcast_in_dim3A_3 {strides = array<i32>} : memref<19x16xi32, #tpu.memory_space<vmem>>, vector<16xi32>,
    %swap3A_199 = arith.constant 16 : i32
    %swap3A_200 = arith.index_cast %swap3A_199 : i32 to index
    %swap3A_201 = arith.constant 0 : index
    %swap3A_202 = tpu.vector_load %arg10[%swap3A_200, %swap3A_201] {strides = array<i32>} : memref<19x16xi32, #tpu.memory_space<vmem>>, vector<16xi32>,
    tpu.vector_store %arg10[%swap3A_200, %swap3A_201], %broadcast_in_dim3A_3 {strides = array<i32>} : memref<19x16xi32, #tpu.memory_space<vmem>>, vector<16xi32>,
    %swap3A_203 = arith.constant 16 : i32
    %swap3A_204 = arith.index_cast %swap3A_203 : i32 to index
    %swap3A_205 = arith.constant 0 : index
    %swap3A_206 = tpu.vector_load %arg11[%swap3A_204, %swap3A_205] {strides = array<i32>} : memref<19x16xi32, #tpu.memory_space<vmem>>, vector<16xi32>,
    tpu.vector_store %arg11[%swap3A_204, %swap3A_205], %broadcast_in_dim3A_3 {strides = array<i32>} : memref<19x16xi32, #tpu.memory_space<vmem>>, vector<16xi32>,
    %swap3A_207 = arith.constant 17 : i32
    %swap3A_208 = arith.index_cast %swap3A_207 : i32 to index
    %swap3A_209 = arith.constant 0 : index
    %swap3A_210 = tpu.vector_load %arg9[%swap3A_208, %swap3A_209] {strides = array<i32>} : memref<19x16xi32, #tpu.memory_space<vmem>>, vector<16xi32>,
    tpu.vector_store %arg9[%swap3A_208, %swap3A_209], %broadcast_in_dim3A_3 {strides = array<i32>} : memref<19x16xi32, #tpu.memory_space<vmem>>, vector<16xi32>,
    %swap3A_211 = arith.constant 17 : i32
    %swap3A_212 = arith.index_cast %swap3A_211 : i32 to index
    %swap3A_213 = arith.constant 0 : index
    %swap3A_214 = tpu.vector_load %arg10[%swap3A_212, %swap3A_213] {strides = array<i32>} : memref<19x16xi32, #tpu.memory_space<vmem>>, vector<16xi32>,
    tpu.vector_store %arg10[%swap3A_212, %swap3A_213], %broadcast_in_dim3A_3 {strides = array<i32>} : memref<19x16xi32, #tpu.memory_space<vmem>>, vector<16xi32>,
    %swap3A_215 = arith.constant 17 : i32
    %swap3A_216 = arith.index_cast %swap3A_215 : i32 to index
    %swap3A_217 = arith.constant 0 : index
    %swap3A_218 = tpu.vector_load %arg11[%swap3A_216, %swap3A_217] {strides = array<i32>} : memref<19x16xi32, #tpu.memory_space<vmem>>, vector<16xi32>,
    tpu.vector_store %arg11[%swap3A_216, %swap3A_217], %broadcast_in_dim3A_3 {strides = array<i32>} : memref<19x16xi32, #tpu.memory_space<vmem>>, vector<16xi32>,
    %swap3A_219 = arith.constant 18 : i32
    %swap3A_220 = arith.index_cast %swap3A_219 : i32 to index
    %swap3A_221 = arith.constant 0 : index
    %swap3A_222 = tpu.vector_load %arg9[%swap3A_220, %swap3A_221] {strides = array<i32>} : memref<19x16xi32, #tpu.memory_space<vmem>>, vector<16xi32>,
    tpu.vector_store %arg9[%swap3A_220, %swap3A_221], %broadcast_in_dim3A_3 {strides = array<i32>} : memref<19x16xi32, #tpu.memory_space<vmem>>, vector<16xi32>,
    %swap3A_223 = arith.constant 18 : i32
    %swap3A_224 = arith.index_cast %swap3A_223 : i32 to index
    %swap3A_225 = arith.constant 0 : index
    %swap3A_226 = tpu.vector_load %arg10[%swap3A_224, %swap3A_225] {strides = array<i32>} : memref<19x16xi32, #tpu.memory_space<vmem>>, vector<16xi32>,
    tpu.vector_store %arg10[%swap3A_224, %swap3A_225], %broadcast_in_dim3A_3 {strides = array<i32>} : memref<19x16xi32, #tpu.memory_space<vmem>>, vector<16xi32>,
    %swap3A_227 = arith.constant 18 : i32
    %swap3A_228 = arith.index_cast %swap3A_227 : i32 to index
    %swap3A_229 = arith.constant 0 : index
    %swap3A_230 = tpu.vector_load %arg11[%swap3A_228, %swap3A_229] {strides = array<i32>} : memref<19x16xi32, #tpu.memory_space<vmem>>, vector<16xi32>,
    tpu.vector_store %arg11[%swap3A_228, %swap3A_229], %broadcast_in_dim3A_3 {strides = array<i32>} : memref<19x16xi32, #tpu.memory_space<vmem>>, vector<16xi32>,
    %iota3A = tpu.iota {dimensions = array<i32: 0>} : vector<16xi32>
    %broadcast_in_dim3A_231 = arith.constant 1 : i32
    %broadcast_in_dim3A_232 = vector.broadcast %broadcast_in_dim3A_231 : i32 to vector<16xi32>
    %jit3A = arith.constant 128 : i32
    %div3A = arith.divsi %mul3A_2, %jit3A : i32
    %sign3A = arith.constant 0 : i32
    %sign3A_233 = arith.cmpi sgt, %mul3A_2, %sign3A : i32
    %sign3A_234 = arith.extui %sign3A_233 : i1 to i32
    %sign3A_235 = arith.constant 0 : i32
    %sign3A_236 = arith.cmpi slt, %mul3A_2, %sign3A_235 : i32
    %sign3A_237 = arith.extui %sign3A_236 : i1 to i32
    %sign3A_238 = arith.subi %sign3A_234, %sign3A_237 : i32
    %sign3A_239 = arith.constant 0 : i32
    %sign3A_240 = arith.cmpi sgt, %jit3A, %sign3A_239 : i32
    %sign3A_241 = arith.extui %sign3A_240 : i1 to i32
    %sign3A_242 = arith.constant 0 : i32
    %sign3A_243 = arith.cmpi slt, %jit3A, %sign3A_242 : i32
    %sign3A_244 = arith.extui %sign3A_243 : i1 to i32
    %sign3A_245 = arith.subi %sign3A_241, %sign3A_244 : i32
    %ne3A = arith.cmpi ne, %sign3A_238, %sign3A_245 : i32
    %rem3A = arith.remsi %mul3A_2, %jit3A : i32
    %ne3A_246 = arith.constant 0 : i32
    %ne3A_247 = arith.cmpi ne, %rem3A, %ne3A_246 : i32
    %and3A = arith.andi %ne3A, %ne3A_247 : i1
    %sub3A = arith.constant 1 : i32
    %sub3A_248 = arith.subi %div3A, %sub3A : i32
    %select_n3A = arith.select %and3A, %sub3A_248, %div3A : i32
    %jit3A_249 = arith.constant 128 : i32
    %eq3A = arith.constant 0 : i32
    %eq3A_250 = arith.cmpi eq, %jit3A_249, %eq3A : i32
    %jit3A_251 = arith.constant 1 : i32
    %select_n3A_252 = arith.select %eq3A_250, %jit3A_251, %jit3A_249 : i32
    %rem3A_253 = arith.remsi %mul3A_2, %select_n3A_252 : i32
    %ne3A_254 = arith.constant 0 : i32
    %ne3A_255 = arith.cmpi ne, %rem3A_253, %ne3A_254 : i32
    %lt3A = arith.constant 0 : i32
    %lt3A_256 = arith.cmpi slt, %rem3A_253, %lt3A : i32
    %lt3A_257 = arith.constant 0 : i32
    %lt3A_258 = arith.cmpi slt, %select_n3A_252, %lt3A_257 : i32
    %ne3A_259 = arith.xori %lt3A_256, %lt3A_258 : i1
    %and3A_260 = arith.andi %ne3A_259, %ne3A_255 : i1
    %add3A_261 = arith.addi %rem3A_253, %select_n3A_252 : i32
    %select_n3A_262 = arith.select %and3A_260, %add3A_261, %rem3A_253 : i32
    %jit3A_263 = arith.constant 2 : i32
    %div3A_264 = arith.divsi %select_n3A_262, %jit3A_263 : i32
    %sign3A_265 = arith.constant 0 : i32
    %sign3A_266 = arith.cmpi sgt, %select_n3A_262, %sign3A_265 : i32
    %sign3A_267 = arith.extui %sign3A_266 : i1 to i32
    %sign3A_268 = arith.constant 0 : i32
    %sign3A_269 = arith.cmpi slt, %select_n3A_262, %sign3A_268 : i32
    %sign3A_270 = arith.extui %sign3A_269 : i1 to i32
    %sign3A_271 = arith.subi %sign3A_267, %sign3A_270 : i32
    %sign3A_272 = arith.constant 0 : i32
    %sign3A_273 = arith.cmpi sgt, %jit3A_263, %sign3A_272 : i32
    %sign3A_274 = arith.extui %sign3A_273 : i1 to i32
    %sign3A_275 = arith.constant 0 : i32
    %sign3A_276 = arith.cmpi slt, %jit3A_263, %sign3A_275 : i32
    %sign3A_277 = arith.extui %sign3A_276 : i1 to i32
    %sign3A_278 = arith.subi %sign3A_274, %sign3A_277 : i32
    %ne3A_279 = arith.cmpi ne, %sign3A_271, %sign3A_278 : i32
    %rem3A_280 = arith.remsi %select_n3A_262, %jit3A_263 : i32
    %ne3A_281 = arith.constant 0 : i32
    %ne3A_282 = arith.cmpi ne, %rem3A_280, %ne3A_281 : i32
    %and3A_283 = arith.andi %ne3A_279, %ne3A_282 : i1
    %sub3A_284 = arith.constant 1 : i32
    %sub3A_285 = arith.subi %div3A_264, %sub3A_284 : i32
    %select_n3A_286 = arith.select %and3A_283, %sub3A_285, %div3A_264 : i32
    %mul3A_287 = arith.constant 8 : i32
    %mul3A_288 = arith.muli %select_n3A_286, %mul3A_287 : i32
    %jit3A_289 = arith.constant 2 : i32
    %eq3A_290 = arith.constant 0 : i32
    %eq3A_291 = arith.cmpi eq, %jit3A_289, %eq3A_290 : i32
    %jit3A_292 = arith.constant 1 : i32
    %select_n3A_293 = arith.select %eq3A_291, %jit3A_292, %jit3A_289 : i32
    %rem3A_294 = arith.remsi %select_n3A_262, %select_n3A_293 : i32
    %ne3A_295 = arith.constant 0 : i32
    %ne3A_296 = arith.cmpi ne, %rem3A_294, %ne3A_295 : i32
    %lt3A_297 = arith.constant 0 : i32
    %lt3A_298 = arith.cmpi slt, %rem3A_294, %lt3A_297 : i32
    %lt3A_299 = arith.constant 0 : i32
    %lt3A_300 = arith.cmpi slt, %select_n3A_293, %lt3A_299 : i32
    %ne3A_301 = arith.xori %lt3A_298, %lt3A_300 : i1
    %and3A_302 = arith.andi %ne3A_301, %ne3A_296 : i1
    %add3A_303 = arith.addi %rem3A_294, %select_n3A_293 : i32
    %select_n3A_304 = arith.select %and3A_302, %add3A_303, %rem3A_294 : i32
    %mul3A_305 = arith.constant 256 : i32
    %mul3A_306 = arith.muli %select_n3A_304, %mul3A_305 : i32
    %dma_start3A = arith.constant 0 : i32
    %dma_start3A_307 = arith.constant 0 : i32
    %dma_start3A_308 = arith.constant 0 : i32
    %dma_start3A_309 = arith.constant 0 : i32
    %dma_start3A_310 = tpu.memref_slice %arg7[%dma_start3A, %dma_start3A_307, %dma_start3A_308, %dma_start3A_309] : memref<2x19x8x256xf32, #tpu.memory_space<vmem>> -> memref<1x19x8x256xf32, #tpu.memory_space<vmem>>
    %dma_start3A_311 = tpu.memref_squeeze %dma_start3A_310 : memref<1x19x8x256xf32, #tpu.memory_space<vmem>> -> memref<19x8x256xf32, #tpu.memory_space<vmem>>
    %dma_start3A_312 = arith.constant 0 : i32
    %dma_start3A_313 = tpu.memref_slice %arg2[%select_n3A, %dma_start3A_312, %mul3A_288, %mul3A_306] : memref<8x19x512x512xf32, #tpu.memory_space<hbm>> -> memref<1x19x8x256xf32, #tpu.memory_space<hbm>>
    %dma_start3A_314 = tpu.memref_squeeze %dma_start3A_313 : memref<1x19x8x256xf32, #tpu.memory_space<hbm>> -> memref<19x8x256xf32, #tpu.memory_space<hbm>>
    %dma_start3A_315 = arith.constant 0 : i32
    %dma_start3A_316 = arith.constant 0 : i32
    %dma_start3A_317 = arith.constant 0 : i32
    %dma_start3A_318 = tpu.memref_slice %arg7[%dma_start3A, %dma_start3A_315, %dma_start3A_316, %dma_start3A_317] : memref<2x19x8x256xf32, #tpu.memory_space<vmem>> -> memref<1x19x8x256xf32, #tpu.memory_space<vmem>>
    %dma_start3A_319 = tpu.memref_squeeze %dma_start3A_318 : memref<1x19x8x256xf32, #tpu.memory_space<vmem>> -> memref<19x8x256xf32, #tpu.memory_space<vmem>>
    %dma_start3A_320 = arith.constant 0 : i32
    %dma_start3A_321 = tpu.memref_slice %arg2[%select_n3A, %dma_start3A_320, %mul3A_288, %mul3A_306] : memref<8x19x512x512xf32, #tpu.memory_space<hbm>> -> memref<1x19x8x256xf32, #tpu.memory_space<hbm>>
    %dma_start3A_322 = tpu.memref_squeeze %dma_start3A_321 : memref<1x19x8x256xf32, #tpu.memory_space<hbm>> -> memref<19x8x256xf32, #tpu.memory_space<hbm>>
    tpu.enqueue_dma source(%dma_start3A_322 : memref<19x8x256xf32, #tpu.memory_space<hbm>>) target(%dma_start3A_319 : memref<19x8x256xf32, #tpu.memory_space<vmem>>) target_semaphore(%arg12 : memref<!tpu.dma_semaphore, #tpu.memory_space<semaphore_mem>>)
    %dma_start3A_323 = arith.constant 0 : i32
    %dma_start3A_324 = arith.constant 0 : i32
    %dma_start3A_325 = arith.constant 0 : i32
    %dma_start3A_326 = tpu.memref_slice %arg8[%dma_start3A_323, %dma_start3A_324, %dma_start3A_325] : memref<2x8x256xi32, #tpu.memory_space<vmem>> -> memref<1x8x256xi32, #tpu.memory_space<vmem>>
    %dma_start3A_327 = tpu.memref_squeeze %dma_start3A_326 : memref<1x8x256xi32, #tpu.memory_space<vmem>> -> memref<8x256xi32, #tpu.memory_space<vmem>>
    %dma_start3A_328 = tpu.memref_slice %arg3[%select_n3A, %mul3A_288, %mul3A_306] : memref<8x512x512xi32, #tpu.memory_space<hbm>> -> memref<1x8x256xi32, #tpu.memory_space<hbm>>
    %dma_start3A_329 = tpu.memref_squeeze %dma_start3A_328 : memref<1x8x256xi32, #tpu.memory_space<hbm>> -> memref<8x256xi32, #tpu.memory_space<hbm>>
    %dma_start3A_330 = arith.constant 0 : i32
    %dma_start3A_331 = arith.constant 0 : i32
    %dma_start3A_332 = tpu.memref_slice %arg8[%dma_start3A_323, %dma_start3A_330, %dma_start3A_331] : memref<2x8x256xi32, #tpu.memory_space<vmem>> -> memref<1x8x256xi32, #tpu.memory_space<vmem>>
    %dma_start3A_333 = tpu.memref_squeeze %dma_start3A_332 : memref<1x8x256xi32, #tpu.memory_space<vmem>> -> memref<8x256xi32, #tpu.memory_space<vmem>>
    %dma_start3A_334 = tpu.memref_slice %arg3[%select_n3A, %mul3A_288, %mul3A_306] : memref<8x512x512xi32, #tpu.memory_space<hbm>> -> memref<1x8x256xi32, #tpu.memory_space<hbm>>
    %dma_start3A_335 = tpu.memref_squeeze %dma_start3A_334 : memref<1x8x256xi32, #tpu.memory_space<hbm>> -> memref<8x256xi32, #tpu.memory_space<hbm>>
    tpu.enqueue_dma source(%dma_start3A_335 : memref<8x256xi32, #tpu.memory_space<hbm>>) target(%dma_start3A_333 : memref<8x256xi32, #tpu.memory_space<vmem>>) target_semaphore(%arg12 : memref<!tpu.dma_semaphore, #tpu.memory_space<semaphore_mem>>)
    %add3A_336 = arith.constant 1 : i32
    %add3A_337 = arith.addi %mul3A_2, %add3A_336 : i32
    %jit3A_338 = arith.constant 128 : i32
    %div3A_339 = arith.divsi %add3A_337, %jit3A_338 : i32
    %sign3A_340 = arith.constant 0 : i32
    %sign3A_341 = arith.cmpi sgt, %add3A_337, %sign3A_340 : i32
    %sign3A_342 = arith.extui %sign3A_341 : i1 to i32
    %sign3A_343 = arith.constant 0 : i32
    %sign3A_344 = arith.cmpi slt, %add3A_337, %sign3A_343 : i32
    %sign3A_345 = arith.extui %sign3A_344 : i1 to i32
    %sign3A_346 = arith.subi %sign3A_342, %sign3A_345 : i32
    %sign3A_347 = arith.constant 0 : i32
    %sign3A_348 = arith.cmpi sgt, %jit3A_338, %sign3A_347 : i32
    %sign3A_349 = arith.extui %sign3A_348 : i1 to i32
    %sign3A_350 = arith.constant 0 : i32
    %sign3A_351 = arith.cmpi slt, %jit3A_338, %sign3A_350 : i32
    %sign3A_352 = arith.extui %sign3A_351 : i1 to i32
    %sign3A_353 = arith.subi %sign3A_349, %sign3A_352 : i32
    %ne3A_354 = arith.cmpi ne, %sign3A_346, %sign3A_353 : i32
    %rem3A_355 = arith.remsi %add3A_337, %jit3A_338 : i32
    %ne3A_356 = arith.constant 0 : i32
    %ne3A_357 = arith.cmpi ne, %rem3A_355, %ne3A_356 : i32
    %and3A_358 = arith.andi %ne3A_354, %ne3A_357 : i1
    %sub3A_359 = arith.constant 1 : i32
    %sub3A_360 = arith.subi %div3A_339, %sub3A_359 : i32
    %select_n3A_361 = arith.select %and3A_358, %sub3A_360, %div3A_339 : i32
    %jit3A_362 = arith.constant 128 : i32
    %eq3A_363 = arith.constant 0 : i32
    %eq3A_364 = arith.cmpi eq, %jit3A_362, %eq3A_363 : i32
    %jit3A_365 = arith.constant 1 : i32
    %select_n3A_366 = arith.select %eq3A_364, %jit3A_365, %jit3A_362 : i32
    %rem3A_367 = arith.remsi %add3A_337, %select_n3A_366 : i32
    %ne3A_368 = arith.constant 0 : i32
    %ne3A_369 = arith.cmpi ne, %rem3A_367, %ne3A_368 : i32
    %lt3A_370 = arith.constant 0 : i32
    %lt3A_371 = arith.cmpi slt, %rem3A_367, %lt3A_370 : i32
    %lt3A_372 = arith.constant 0 : i32
    %lt3A_373 = arith.cmpi slt, %select_n3A_366, %lt3A_372 : i32
    %ne3A_374 = arith.xori %lt3A_371, %lt3A_373 : i1
    %and3A_375 = arith.andi %ne3A_374, %ne3A_369 : i1
    %add3A_376 = arith.addi %rem3A_367, %select_n3A_366 : i32
    %select_n3A_377 = arith.select %and3A_375, %add3A_376, %rem3A_367 : i32
    %jit3A_378 = arith.constant 2 : i32
    %div3A_379 = arith.divsi %select_n3A_377, %jit3A_378 : i32
    %sign3A_380 = arith.constant 0 : i32
    %sign3A_381 = arith.cmpi sgt, %select_n3A_377, %sign3A_380 : i32
    %sign3A_382 = arith.extui %sign3A_381 : i1 to i32
    %sign3A_383 = arith.constant 0 : i32
    %sign3A_384 = arith.cmpi slt, %select_n3A_377, %sign3A_383 : i32
    %sign3A_385 = arith.extui %sign3A_384 : i1 to i32
    %sign3A_386 = arith.subi %sign3A_382, %sign3A_385 : i32
    %sign3A_387 = arith.constant 0 : i32
    %sign3A_388 = arith.cmpi sgt, %jit3A_378, %sign3A_387 : i32
    %sign3A_389 = arith.extui %sign3A_388 : i1 to i32
    %sign3A_390 = arith.constant 0 : i32
    %sign3A_391 = arith.cmpi slt, %jit3A_378, %sign3A_390 : i32
    %sign3A_392 = arith.extui %sign3A_391 : i1 to i32
    %sign3A_393 = arith.subi %sign3A_389, %sign3A_392 : i32
    %ne3A_394 = arith.cmpi ne, %sign3A_386, %sign3A_393 : i32
    %rem3A_395 = arith.remsi %select_n3A_377, %jit3A_378 : i32
    %ne3A_396 = arith.constant 0 : i32
    %ne3A_397 = arith.cmpi ne, %rem3A_395, %ne3A_396 : i32
    %and3A_398 = arith.andi %ne3A_394, %ne3A_397 : i1
    %sub3A_399 = arith.constant 1 : i32
    %sub3A_400 = arith.subi %div3A_379, %sub3A_399 : i32
    %select_n3A_401 = arith.select %and3A_398, %sub3A_400, %div3A_379 : i32
    %mul3A_402 = arith.constant 8 : i32
    %mul3A_403 = arith.muli %select_n3A_401, %mul3A_402 : i32
    %jit3A_404 = arith.constant 2 : i32
    %eq3A_405 = arith.constant 0 : i32
    %eq3A_406 = arith.cmpi eq, %jit3A_404, %eq3A_405 : i32
    %jit3A_407 = arith.constant 1 : i32
    %select_n3A_408 = arith.select %eq3A_406, %jit3A_407, %jit3A_404 : i32
    %rem3A_409 = arith.remsi %select_n3A_377, %select_n3A_408 : i32
    %ne3A_410 = arith.constant 0 : i32
    %ne3A_411 = arith.cmpi ne, %rem3A_409, %ne3A_410 : i32
    %lt3A_412 = arith.constant 0 : i32
    %lt3A_413 = arith.cmpi slt, %rem3A_409, %lt3A_412 : i32
    %lt3A_414 = arith.constant 0 : i32
    %lt3A_415 = arith.cmpi slt, %select_n3A_408, %lt3A_414 : i32
    %ne3A_416 = arith.xori %lt3A_413, %lt3A_415 : i1
    %and3A_417 = arith.andi %ne3A_416, %ne3A_411 : i1
    %add3A_418 = arith.addi %rem3A_409, %select_n3A_408 : i32
    %select_n3A_419 = arith.select %and3A_417, %add3A_418, %rem3A_409 : i32
    %mul3A_420 = arith.constant 256 : i32
    %mul3A_421 = arith.muli %select_n3A_419, %mul3A_420 : i32
    %dma_start3A_422 = arith.constant 1 : i32
    %dma_start3A_423 = arith.constant 0 : i32
    %dma_start3A_424 = arith.constant 0 : i32
    %dma_start3A_425 = arith.constant 0 : i32
    %dma_start3A_426 = tpu.memref_slice %arg7[%dma_start3A_422, %dma_start3A_423, %dma_start3A_424, %dma_start3A_425] : memref<2x19x8x256xf32, #tpu.memory_space<vmem>> -> memref<1x19x8x256xf32, #tpu.memory_space<vmem>>
    %dma_start3A_427 = tpu.memref_squeeze %dma_start3A_426 : memref<1x19x8x256xf32, #tpu.memory_space<vmem>> -> memref<19x8x256xf32, #tpu.memory_space<vmem>>
    %dma_start3A_428 = arith.constant 0 : i32
    %dma_start3A_429 = tpu.memref_slice %arg2[%select_n3A_361, %dma_start3A_428, %mul3A_403, %mul3A_421] : memref<8x19x512x512xf32, #tpu.memory_space<hbm>> -> memref<1x19x8x256xf32, #tpu.memory_space<hbm>>
    %dma_start3A_430 = tpu.memref_squeeze %dma_start3A_429 : memref<1x19x8x256xf32, #tpu.memory_space<hbm>> -> memref<19x8x256xf32, #tpu.memory_space<hbm>>
    %dma_start3A_431 = arith.constant 0 : i32
    %dma_start3A_432 = arith.constant 0 : i32
    %dma_start3A_433 = arith.constant 0 : i32
    %dma_start3A_434 = tpu.memref_slice %arg7[%dma_start3A_422, %dma_start3A_431, %dma_start3A_432, %dma_start3A_433] : memref<2x19x8x256xf32, #tpu.memory_space<vmem>> -> memref<1x19x8x256xf32, #tpu.memory_space<vmem>>
    %dma_start3A_435 = tpu.memref_squeeze %dma_start3A_434 : memref<1x19x8x256xf32, #tpu.memory_space<vmem>> -> memref<19x8x256xf32, #tpu.memory_space<vmem>>
    %dma_start3A_436 = arith.constant 0 : i32
    %dma_start3A_437 = tpu.memref_slice %arg2[%select_n3A_361, %dma_start3A_436, %mul3A_403, %mul3A_421] : memref<8x19x512x512xf32, #tpu.memory_space<hbm>> -> memref<1x19x8x256xf32, #tpu.memory_space<hbm>>
    %dma_start3A_438 = tpu.memref_squeeze %dma_start3A_437 : memref<1x19x8x256xf32, #tpu.memory_space<hbm>> -> memref<19x8x256xf32, #tpu.memory_space<hbm>>
    tpu.enqueue_dma source(%dma_start3A_438 : memref<19x8x256xf32, #tpu.memory_space<hbm>>) target(%dma_start3A_435 : memref<19x8x256xf32, #tpu.memory_space<vmem>>) target_semaphore(%arg13 : memref<!tpu.dma_semaphore, #tpu.memory_space<semaphore_mem>>)
    %dma_start3A_439 = arith.constant 1 : i32
    %dma_start3A_440 = arith.constant 0 : i32
    %dma_start3A_441 = arith.constant 0 : i32
    %dma_start3A_442 = tpu.memref_slice %arg8[%dma_start3A_439, %dma_start3A_440, %dma_start3A_441] : memref<2x8x256xi32, #tpu.memory_space<vmem>> -> memref<1x8x256xi32, #tpu.memory_space<vmem>>
    %dma_start3A_443 = tpu.memref_squeeze %dma_start3A_442 : memref<1x8x256xi32, #tpu.memory_space<vmem>> -> memref<8x256xi32, #tpu.memory_space<vmem>>
    %dma_start3A_444 = tpu.memref_slice %arg3[%select_n3A_361, %mul3A_403, %mul3A_421] : memref<8x512x512xi32, #tpu.memory_space<hbm>> -> memref<1x8x256xi32, #tpu.memory_space<hbm>>
    %dma_start3A_445 = tpu.memref_squeeze %dma_start3A_444 : memref<1x8x256xi32, #tpu.memory_space<hbm>> -> memref<8x256xi32, #tpu.memory_space<hbm>>
    %dma_start3A_446 = arith.constant 0 : i32
    %dma_start3A_447 = arith.constant 0 : i32
    %dma_start3A_448 = tpu.memref_slice %arg8[%dma_start3A_439, %dma_start3A_446, %dma_start3A_447] : memref<2x8x256xi32, #tpu.memory_space<vmem>> -> memref<1x8x256xi32, #tpu.memory_space<vmem>>
    %dma_start3A_449 = tpu.memref_squeeze %dma_start3A_448 : memref<1x8x256xi32, #tpu.memory_space<vmem>> -> memref<8x256xi32, #tpu.memory_space<vmem>>
    %dma_start3A_450 = tpu.memref_slice %arg3[%select_n3A_361, %mul3A_403, %mul3A_421] : memref<8x512x512xi32, #tpu.memory_space<hbm>> -> memref<1x8x256xi32, #tpu.memory_space<hbm>>
    %dma_start3A_451 = tpu.memref_squeeze %dma_start3A_450 : memref<1x8x256xi32, #tpu.memory_space<hbm>> -> memref<8x256xi32, #tpu.memory_space<hbm>>
    tpu.enqueue_dma source(%dma_start3A_451 : memref<8x256xi32, #tpu.memory_space<hbm>>) target(%dma_start3A_449 : memref<8x256xi32, #tpu.memory_space<vmem>>) target_semaphore(%arg13 : memref<!tpu.dma_semaphore, #tpu.memory_space<semaphore_mem>>)
    %scan3A = arith.constant 0 : i32
    %scan3A_452 = arith.constant 0 : i32
    %scan3A_453 = arith.constant 11 : i32
    %scan3A_454 = arith.addi %scan3A_452, %scan3A_453 : i32
    %scan3A_455 = arith.constant 1 : i32
    scf.for %scan3A_457 = %scan3A_452 to %scan3A_454 step %scan3A_455  : i32 {
      %mul3A_458 = arith.constant 2 : i32
      %mul3A_459 = arith.muli %mul3A_458, %scan3A_457 : i32
      %add3A_460 = arith.addi %mul3A_2, %mul3A_459 : i32
      %add3A_461 = arith.constant 0 : i32
      %add3A_462 = arith.addi %add3A_460, %add3A_461 : i32
      %jit3A_463 = arith.constant 128 : i32
      %div3A_464 = arith.divsi %add3A_462, %jit3A_463 : i32
      %sign3A_465 = arith.constant 0 : i32
      %sign3A_466 = arith.cmpi sgt, %add3A_462, %sign3A_465 : i32
      %sign3A_467 = arith.extui %sign3A_466 : i1 to i32
      %sign3A_468 = arith.constant 0 : i32
      %sign3A_469 = arith.cmpi slt, %add3A_462, %sign3A_468 : i32
      %sign3A_470 = arith.extui %sign3A_469 : i1 to i32
      %sign3A_471 = arith.subi %sign3A_467, %sign3A_470 : i32
      %sign3A_472 = arith.constant 0 : i32
      %sign3A_473 = arith.cmpi sgt, %jit3A_463, %sign3A_472 : i32
      %sign3A_474 = arith.extui %sign3A_473 : i1 to i32
      %sign3A_475 = arith.constant 0 : i32
      %sign3A_476 = arith.cmpi slt, %jit3A_463, %sign3A_475 : i32
      %sign3A_477 = arith.extui %sign3A_476 : i1 to i32
      %sign3A_478 = arith.subi %sign3A_474, %sign3A_477 : i32
      %ne3A_479 = arith.cmpi ne, %sign3A_471, %sign3A_478 : i32
      %rem3A_480 = arith.remsi %add3A_462, %jit3A_463 : i32
      %ne3A_481 = arith.constant 0 : i32
      %ne3A_482 = arith.cmpi ne, %rem3A_480, %ne3A_481 : i32
      %and3A_483 = arith.andi %ne3A_479, %ne3A_482 : i1
      %sub3A_484 = arith.constant 1 : i32
      %sub3A_485 = arith.subi %div3A_464, %sub3A_484 : i32
      %select_n3A_486 = arith.select %and3A_483, %sub3A_485, %div3A_464 : i32
      %jit3A_487 = arith.constant 128 : i32
      %eq3A_488 = arith.constant 0 : i32
      %eq3A_489 = arith.cmpi eq, %jit3A_487, %eq3A_488 : i32
      %jit3A_490 = arith.constant 1 : i32
      %select_n3A_491 = arith.select %eq3A_489, %jit3A_490, %jit3A_487 : i32
      %rem3A_492 = arith.remsi %add3A_462, %select_n3A_491 : i32
      %ne3A_493 = arith.constant 0 : i32
      %ne3A_494 = arith.cmpi ne, %rem3A_492, %ne3A_493 : i32
      %lt3A_495 = arith.constant 0 : i32
      %lt3A_496 = arith.cmpi slt, %rem3A_492, %lt3A_495 : i32
      %lt3A_497 = arith.constant 0 : i32
      %lt3A_498 = arith.cmpi slt, %select_n3A_491, %lt3A_497 : i32
      %ne3A_499 = arith.xori %lt3A_496, %lt3A_498 : i1
      %and3A_500 = arith.andi %ne3A_499, %ne3A_494 : i1
      %add3A_501 = arith.addi %rem3A_492, %select_n3A_491 : i32
      %select_n3A_502 = arith.select %and3A_500, %add3A_501, %rem3A_492 : i32
      %jit3A_503 = arith.constant 2 : i32
      %div3A_504 = arith.divsi %select_n3A_502, %jit3A_503 : i32
      %sign3A_505 = arith.constant 0 : i32
      %sign3A_506 = arith.cmpi sgt, %select_n3A_502, %sign3A_505 : i32
      %sign3A_507 = arith.extui %sign3A_506 : i1 to i32
      %sign3A_508 = arith.constant 0 : i32
      %sign3A_509 = arith.cmpi slt, %select_n3A_502, %sign3A_508 : i32
      %sign3A_510 = arith.extui %sign3A_509 : i1 to i32
      %sign3A_511 = arith.subi %sign3A_507, %sign3A_510 : i32
      %sign3A_512 = arith.constant 0 : i32
      %sign3A_513 = arith.cmpi sgt, %jit3A_503, %sign3A_512 : i32
      %sign3A_514 = arith.extui %sign3A_513 : i1 to i32
      %sign3A_515 = arith.constant 0 : i32
      %sign3A_516 = arith.cmpi slt, %jit3A_503, %sign3A_515 : i32
      %sign3A_517 = arith.extui %sign3A_516 : i1 to i32
      %sign3A_518 = arith.subi %sign3A_514, %sign3A_517 : i32
      %ne3A_519 = arith.cmpi ne, %sign3A_511, %sign3A_518 : i32
      %rem3A_520 = arith.remsi %select_n3A_502, %jit3A_503 : i32
      %ne3A_521 = arith.constant 0 : i32
      %ne3A_522 = arith.cmpi ne, %rem3A_520, %ne3A_521 : i32
      %and3A_523 = arith.andi %ne3A_519, %ne3A_522 : i1
      %sub3A_524 = arith.constant 1 : i32
      %sub3A_525 = arith.subi %div3A_504, %sub3A_524 : i32
      %select_n3A_526 = arith.select %and3A_523, %sub3A_525, %div3A_504 : i32
      %mul3A_527 = arith.constant 8 : i32
      %mul3A_528 = arith.muli %select_n3A_526, %mul3A_527 : i32
      %jit3A_529 = arith.constant 2 : i32
      %eq3A_530 = arith.constant 0 : i32
      %eq3A_531 = arith.cmpi eq, %jit3A_529, %eq3A_530 : i32
      %jit3A_532 = arith.constant 1 : i32
      %select_n3A_533 = arith.select %eq3A_531, %jit3A_532, %jit3A_529 : i32
      %rem3A_534 = arith.remsi %select_n3A_502, %select_n3A_533 : i32
      %ne3A_535 = arith.constant 0 : i32
      %ne3A_536 = arith.cmpi ne, %rem3A_534, %ne3A_535 : i32
      %lt3A_537 = arith.constant 0 : i32
      %lt3A_538 = arith.cmpi slt, %rem3A_534, %lt3A_537 : i32
      %lt3A_539 = arith.constant 0 : i32
      %lt3A_540 = arith.cmpi slt, %select_n3A_533, %lt3A_539 : i32
      %ne3A_541 = arith.xori %lt3A_538, %lt3A_540 : i1
      %and3A_542 = arith.andi %ne3A_541, %ne3A_536 : i1
      %add3A_543 = arith.addi %rem3A_534, %select_n3A_533 : i32
      %select_n3A_544 = arith.select %and3A_542, %add3A_543, %rem3A_534 : i32
      %mul3A_545 = arith.constant 256 : i32
      %mul3A_546 = arith.muli %select_n3A_544, %mul3A_545 : i32
      %dma_wait3A = arith.constant 0 : i32
      %dma_wait3A_547 = arith.constant 0 : i32
      %dma_wait3A_548 = arith.constant 0 : i32
      %dma_wait3A_549 = arith.constant 0 : i32
      %dma_wait3A_550 = tpu.memref_slice %arg7[%dma_wait3A, %dma_wait3A_547, %dma_wait3A_548, %dma_wait3A_549] : memref<2x19x8x256xf32, #tpu.memory_space<vmem>> -> memref<1x19x8x256xf32, #tpu.memory_space<vmem>>
      %dma_wait3A_551 = tpu.memref_squeeze %dma_wait3A_550 : memref<1x19x8x256xf32, #tpu.memory_space<vmem>> -> memref<19x8x256xf32, #tpu.memory_space<vmem>>
      %dma_wait3A_552 = arith.constant 0 : i32
      %dma_wait3A_553 = tpu.memref_slice %arg2[%select_n3A_486, %dma_wait3A_552, %mul3A_528, %mul3A_546] : memref<8x19x512x512xf32, #tpu.memory_space<hbm>> -> memref<1x19x8x256xf32, #tpu.memory_space<hbm>>
      %dma_wait3A_554 = tpu.memref_squeeze %dma_wait3A_553 : memref<1x19x8x256xf32, #tpu.memory_space<hbm>> -> memref<19x8x256xf32, #tpu.memory_space<hbm>>
      %dma_wait3A_555 = arith.constant 0 : i32
      %dma_wait3A_556 = arith.constant 0 : i32
      %dma_wait3A_557 = arith.constant 0 : i32
      %dma_wait3A_558 = tpu.memref_slice %arg7[%dma_wait3A, %dma_wait3A_555, %dma_wait3A_556, %dma_wait3A_557] : memref<2x19x8x256xf32, #tpu.memory_space<vmem>> -> memref<1x19x8x256xf32, #tpu.memory_space<vmem>>
      %dma_wait3A_559 = tpu.memref_squeeze %dma_wait3A_558 : memref<1x19x8x256xf32, #tpu.memory_space<vmem>> -> memref<19x8x256xf32, #tpu.memory_space<vmem>>
      %dma_wait3A_560 = arith.constant 0 : i32
      %dma_wait3A_561 = tpu.memref_slice %arg2[%select_n3A_486, %dma_wait3A_560, %mul3A_528, %mul3A_546] : memref<8x19x512x512xf32, #tpu.memory_space<hbm>> -> memref<1x19x8x256xf32, #tpu.memory_space<hbm>>
      %dma_wait3A_562 = tpu.memref_squeeze %dma_wait3A_561 : memref<1x19x8x256xf32, #tpu.memory_space<hbm>> -> memref<19x8x256xf32, #tpu.memory_space<hbm>>
      tpu.wait_dma2 semaphore(%arg12 : memref<!tpu.dma_semaphore, #tpu.memory_space<semaphore_mem>>) src(%dma_wait3A_562 : memref<19x8x256xf32, #tpu.memory_space<hbm>>) dst(%dma_wait3A_559 : memref<19x8x256xf32, #tpu.memory_space<vmem>>)
      %dma_wait3A_563 = arith.constant 0 : i32
      %dma_wait3A_564 = arith.constant 0 : i32
      %dma_wait3A_565 = arith.constant 0 : i32
      %dma_wait3A_566 = tpu.memref_slice %arg8[%dma_wait3A_563, %dma_wait3A_564, %dma_wait3A_565] : memref<2x8x256xi32, #tpu.memory_space<vmem>> -> memref<1x8x256xi32, #tpu.memory_space<vmem>>
      %dma_wait3A_567 = tpu.memref_squeeze %dma_wait3A_566 : memref<1x8x256xi32, #tpu.memory_space<vmem>> -> memref<8x256xi32, #tpu.memory_space<vmem>>
      %dma_wait3A_568 = tpu.memref_slice %arg3[%select_n3A_486, %mul3A_528, %mul3A_546] : memref<8x512x512xi32, #tpu.memory_space<hbm>> -> memref<1x8x256xi32, #tpu.memory_space<hbm>>
      %dma_wait3A_569 = tpu.memref_squeeze %dma_wait3A_568 : memref<1x8x256xi32, #tpu.memory_space<hbm>> -> memref<8x256xi32, #tpu.memory_space<hbm>>
      %dma_wait3A_570 = arith.constant 0 : i32
      %dma_wait3A_571 = arith.constant 0 : i32
      %dma_wait3A_572 = tpu.memref_slice %arg8[%dma_wait3A_563, %dma_wait3A_570, %dma_wait3A_571] : memref<2x8x256xi32, #tpu.memory_space<vmem>> -> memref<1x8x256xi32, #tpu.memory_space<vmem>>
      %dma_wait3A_573 = tpu.memref_squeeze %dma_wait3A_572 : memref<1x8x256xi32, #tpu.memory_space<vmem>> -> memref<8x256xi32, #tpu.memory_space<vmem>>
      %dma_wait3A_574 = tpu.memref_slice %arg3[%select_n3A_486, %mul3A_528, %mul3A_546] : memref<8x512x512xi32, #tpu.memory_space<hbm>> -> memref<1x8x256xi32, #tpu.memory_space<hbm>>
      %dma_wait3A_575 = tpu.memref_squeeze %dma_wait3A_574 : memref<1x8x256xi32, #tpu.memory_space<hbm>> -> memref<8x256xi32, #tpu.memory_space<hbm>>
      tpu.wait_dma2 semaphore(%arg12 : memref<!tpu.dma_semaphore, #tpu.memory_space<semaphore_mem>>) src(%dma_wait3A_575 : memref<8x256xi32, #tpu.memory_space<hbm>>) dst(%dma_wait3A_573 : memref<8x256xi32, #tpu.memory_space<vmem>>)
      %parallel_loop3A = arith.constant 0 : i32
      %parallel_loop3A_576 = arith.constant 8 : i32
      %parallel_loop3A_577 = arith.constant 1 : i32
      scf.for %parallel_loop3A_717 = %parallel_loop3A to %parallel_loop3A_576 step %parallel_loop3A_577  : i32 {
        %parallel_loop3A_718 = arith.constant 0 : i32
        %parallel_loop3A_719 = arith.constant 16 : i32
        %parallel_loop3A_720 = arith.constant 1 : i32
        scf.for %parallel_loop3A_721 = %parallel_loop3A_718 to %parallel_loop3A_719 step %parallel_loop3A_720  : i32 {
          %parallel_loop3A_722 = arith.constant 16 : i32
          %parallel_loop3A_723 = arith.muli %parallel_loop3A_721, %parallel_loop3A_722 : i32
          %parallel_loop3A_724 = arith.constant 0 : i32
          %parallel_loop3A_725 = arith.constant 0 : i32
          %parallel_loop3A_726 = arith.index_cast %parallel_loop3A_724 : i32 to index
          %parallel_loop3A_727 = arith.index_cast %parallel_loop3A_725 : i32 to index
          %parallel_loop3A_728 = arith.index_cast %parallel_loop3A_717 : i32 to index
          %parallel_loop3A_729 = arith.index_cast %parallel_loop3A_723 : i32 to index
          %parallel_loop3A_730 = tpu.vector_load %arg7[%parallel_loop3A_726, %parallel_loop3A_727, %parallel_loop3A_728, %parallel_loop3A_729] {strides = array<i32>} : memref<2x19x8x256xf32, #tpu.memory_space<vmem>>, vector<16xf32>,
          %parallel_loop3A_731 = arith.constant 0 : i32
          %parallel_loop3A_732 = arith.constant 1 : i32
          %parallel_loop3A_733 = arith.index_cast %parallel_loop3A_731 : i32 to index
          %parallel_loop3A_734 = arith.index_cast %parallel_loop3A_732 : i32 to index
          %parallel_loop3A_735 = arith.index_cast %parallel_loop3A_717 : i32 to index
          %parallel_loop3A_736 = arith.index_cast %parallel_loop3A_723 : i32 to index
          %parallel_loop3A_737 = tpu.vector_load %arg7[%parallel_loop3A_733, %parallel_loop3A_734, %parallel_loop3A_735, %parallel_loop3A_736] {strides = array<i32>} : memref<2x19x8x256xf32, #tpu.memory_space<vmem>>, vector<16xf32>,
          %parallel_loop3A_738 = arith.constant 0 : i32
          %parallel_loop3A_739 = arith.constant 2 : i32
          %parallel_loop3A_740 = arith.index_cast %parallel_loop3A_738 : i32 to index
          %parallel_loop3A_741 = arith.index_cast %parallel_loop3A_739 : i32 to index
          %parallel_loop3A_742 = arith.index_cast %parallel_loop3A_717 : i32 to index
          %parallel_loop3A_743 = arith.index_cast %parallel_loop3A_723 : i32 to index
          %parallel_loop3A_744 = tpu.vector_load %arg7[%parallel_loop3A_740, %parallel_loop3A_741, %parallel_loop3A_742, %parallel_loop3A_743] {strides = array<i32>} : memref<2x19x8x256xf32, #tpu.memory_space<vmem>>, vector<16xf32>,
          %parallel_loop3A_745 = arith.constant 0 : i32
          %parallel_loop3A_746 = arith.constant 3 : i32
          %parallel_loop3A_747 = arith.index_cast %parallel_loop3A_745 : i32 to index
          %parallel_loop3A_748 = arith.index_cast %parallel_loop3A_746 : i32 to index
          %parallel_loop3A_749 = arith.index_cast %parallel_loop3A_717 : i32 to index
          %parallel_loop3A_750 = arith.index_cast %parallel_loop3A_723 : i32 to index
          %parallel_loop3A_751 = tpu.vector_load %arg7[%parallel_loop3A_747, %parallel_loop3A_748, %parallel_loop3A_749, %parallel_loop3A_750] {strides = array<i32>} : memref<2x19x8x256xf32, #tpu.memory_space<vmem>>, vector<16xf32>,
          %parallel_loop3A_752 = arith.constant 0 : i32
          %parallel_loop3A_753 = arith.constant 4 : i32
          %parallel_loop3A_754 = arith.index_cast %parallel_loop3A_752 : i32 to index
          %parallel_loop3A_755 = arith.index_cast %parallel_loop3A_753 : i32 to index
          %parallel_loop3A_756 = arith.index_cast %parallel_loop3A_717 : i32 to index
          %parallel_loop3A_757 = arith.index_cast %parallel_loop3A_723 : i32 to index
          %parallel_loop3A_758 = tpu.vector_load %arg7[%parallel_loop3A_754, %parallel_loop3A_755, %parallel_loop3A_756, %parallel_loop3A_757] {strides = array<i32>} : memref<2x19x8x256xf32, #tpu.memory_space<vmem>>, vector<16xf32>,
          %parallel_loop3A_759 = arith.constant 0 : i32
          %parallel_loop3A_760 = arith.constant 5 : i32
          %parallel_loop3A_761 = arith.index_cast %parallel_loop3A_759 : i32 to index
          %parallel_loop3A_762 = arith.index_cast %parallel_loop3A_760 : i32 to index
          %parallel_loop3A_763 = arith.index_cast %parallel_loop3A_717 : i32 to index
          %parallel_loop3A_764 = arith.index_cast %parallel_loop3A_723 : i32 to index
          %parallel_loop3A_765 = tpu.vector_load %arg7[%parallel_loop3A_761, %parallel_loop3A_762, %parallel_loop3A_763, %parallel_loop3A_764] {strides = array<i32>} : memref<2x19x8x256xf32, #tpu.memory_space<vmem>>, vector<16xf32>,
          %parallel_loop3A_766 = arith.constant 0 : i32
          %parallel_loop3A_767 = arith.constant 6 : i32
          %parallel_loop3A_768 = arith.index_cast %parallel_loop3A_766 : i32 to index
          %parallel_loop3A_769 = arith.index_cast %parallel_loop3A_767 : i32 to index
          %parallel_loop3A_770 = arith.index_cast %parallel_loop3A_717 : i32 to index
          %parallel_loop3A_771 = arith.index_cast %parallel_loop3A_723 : i32 to index
          %parallel_loop3A_772 = tpu.vector_load %arg7[%parallel_loop3A_768, %parallel_loop3A_769, %parallel_loop3A_770, %parallel_loop3A_771] {strides = array<i32>} : memref<2x19x8x256xf32, #tpu.memory_space<vmem>>, vector<16xf32>,
          %parallel_loop3A_773 = arith.constant 0 : i32
          %parallel_loop3A_774 = arith.constant 7 : i32
          %parallel_loop3A_775 = arith.index_cast %parallel_loop3A_773 : i32 to index
          %parallel_loop3A_776 = arith.index_cast %parallel_loop3A_774 : i32 to index
          %parallel_loop3A_777 = arith.index_cast %parallel_loop3A_717 : i32 to index
          %parallel_loop3A_778 = arith.index_cast %parallel_loop3A_723 : i32 to index
          %parallel_loop3A_779 = tpu.vector_load %arg7[%parallel_loop3A_775, %parallel_loop3A_776, %parallel_loop3A_777, %parallel_loop3A_778] {strides = array<i32>} : memref<2x19x8x256xf32, #tpu.memory_space<vmem>>, vector<16xf32>,
          %parallel_loop3A_780 = arith.constant 0 : i32
          %parallel_loop3A_781 = arith.constant 8 : i32
          %parallel_loop3A_782 = arith.index_cast %parallel_loop3A_780 : i32 to index
          %parallel_loop3A_783 = arith.index_cast %parallel_loop3A_781 : i32 to index
          %parallel_loop3A_784 = arith.index_cast %parallel_loop3A_717 : i32 to index
          %parallel_loop3A_785 = arith.index_cast %parallel_loop3A_723 : i32 to index
          %parallel_loop3A_786 = tpu.vector_load %arg7[%parallel_loop3A_782, %parallel_loop3A_783, %parallel_loop3A_784, %parallel_loop3A_785] {strides = array<i32>} : memref<2x19x8x256xf32, #tpu.memory_space<vmem>>, vector<16xf32>,
          %parallel_loop3A_787 = arith.constant 0 : i32
          %parallel_loop3A_788 = arith.constant 9 : i32
          %parallel_loop3A_789 = arith.index_cast %parallel_loop3A_787 : i32 to index
          %parallel_loop3A_790 = arith.index_cast %parallel_loop3A_788 : i32 to index
          %parallel_loop3A_791 = arith.index_cast %parallel_loop3A_717 : i32 to index
          %parallel_loop3A_792 = arith.index_cast %parallel_loop3A_723 : i32 to index
          %parallel_loop3A_793 = tpu.vector_load %arg7[%parallel_loop3A_789, %parallel_loop3A_790, %parallel_loop3A_791, %parallel_loop3A_792] {strides = array<i32>} : memref<2x19x8x256xf32, #tpu.memory_space<vmem>>, vector<16xf32>,
          %parallel_loop3A_794 = arith.constant 0 : i32
          %parallel_loop3A_795 = arith.constant 10 : i32
          %parallel_loop3A_796 = arith.index_cast %parallel_loop3A_794 : i32 to index
          %parallel_loop3A_797 = arith.index_cast %parallel_loop3A_795 : i32 to index
          %parallel_loop3A_798 = arith.index_cast %parallel_loop3A_717 : i32 to index
          %parallel_loop3A_799 = arith.index_cast %parallel_loop3A_723 : i32 to index
          %parallel_loop3A_800 = tpu.vector_load %arg7[%parallel_loop3A_796, %parallel_loop3A_797, %parallel_loop3A_798, %parallel_loop3A_799] {strides = array<i32>} : memref<2x19x8x256xf32, #tpu.memory_space<vmem>>, vector<16xf32>,
          %parallel_loop3A_801 = arith.constant 0 : i32
          %parallel_loop3A_802 = arith.constant 11 : i32
          %parallel_loop3A_803 = arith.index_cast %parallel_loop3A_801 : i32 to index
          %parallel_loop3A_804 = arith.index_cast %parallel_loop3A_802 : i32 to index
          %parallel_loop3A_805 = arith.index_cast %parallel_loop3A_717 : i32 to index
          %parallel_loop3A_806 = arith.index_cast %parallel_loop3A_723 : i32 to index
          %parallel_loop3A_807 = tpu.vector_load %arg7[%parallel_loop3A_803, %parallel_loop3A_804, %parallel_loop3A_805, %parallel_loop3A_806] {strides = array<i32>} : memref<2x19x8x256xf32, #tpu.memory_space<vmem>>, vector<16xf32>,
          %parallel_loop3A_808 = arith.constant 0 : i32
          %parallel_loop3A_809 = arith.constant 12 : i32
          %parallel_loop3A_810 = arith.index_cast %parallel_loop3A_808 : i32 to index
          %parallel_loop3A_811 = arith.index_cast %parallel_loop3A_809 : i32 to index
          %parallel_loop3A_812 = arith.index_cast %parallel_loop3A_717 : i32 to index
          %parallel_loop3A_813 = arith.index_cast %parallel_loop3A_723 : i32 to index
          %parallel_loop3A_814 = tpu.vector_load %arg7[%parallel_loop3A_810, %parallel_loop3A_811, %parallel_loop3A_812, %parallel_loop3A_813] {strides = array<i32>} : memref<2x19x8x256xf32, #tpu.memory_space<vmem>>, vector<16xf32>,
          %parallel_loop3A_815 = arith.constant 0 : i32
          %parallel_loop3A_816 = arith.constant 13 : i32
          %parallel_loop3A_817 = arith.index_cast %parallel_loop3A_815 : i32 to index
          %parallel_loop3A_818 = arith.index_cast %parallel_loop3A_816 : i32 to index
          %parallel_loop3A_819 = arith.index_cast %parallel_loop3A_717 : i32 to index
          %parallel_loop3A_820 = arith.index_cast %parallel_loop3A_723 : i32 to index
          %parallel_loop3A_821 = tpu.vector_load %arg7[%parallel_loop3A_817, %parallel_loop3A_818, %parallel_loop3A_819, %parallel_loop3A_820] {strides = array<i32>} : memref<2x19x8x256xf32, #tpu.memory_space<vmem>>, vector<16xf32>,
          %parallel_loop3A_822 = arith.constant 0 : i32
          %parallel_loop3A_823 = arith.constant 14 : i32
          %parallel_loop3A_824 = arith.index_cast %parallel_loop3A_822 : i32 to index
          %parallel_loop3A_825 = arith.index_cast %parallel_loop3A_823 : i32 to index
          %parallel_loop3A_826 = arith.index_cast %parallel_loop3A_717 : i32 to index
          %parallel_loop3A_827 = arith.index_cast %parallel_loop3A_723 : i32 to index
          %parallel_loop3A_828 = tpu.vector_load %arg7[%parallel_loop3A_824, %parallel_loop3A_825, %parallel_loop3A_826, %parallel_loop3A_827] {strides = array<i32>} : memref<2x19x8x256xf32, #tpu.memory_space<vmem>>, vector<16xf32>,
          %parallel_loop3A_829 = arith.constant 0 : i32
          %parallel_loop3A_830 = arith.constant 15 : i32
          %parallel_loop3A_831 = arith.index_cast %parallel_loop3A_829 : i32 to index
          %parallel_loop3A_832 = arith.index_cast %parallel_loop3A_830 : i32 to index
          %parallel_loop3A_833 = arith.index_cast %parallel_loop3A_717 : i32 to index
          %parallel_loop3A_834 = arith.index_cast %parallel_loop3A_723 : i32 to index
          %parallel_loop3A_835 = tpu.vector_load %arg7[%parallel_loop3A_831, %parallel_loop3A_832, %parallel_loop3A_833, %parallel_loop3A_834] {strides = array<i32>} : memref<2x19x8x256xf32, #tpu.memory_space<vmem>>, vector<16xf32>,
          %parallel_loop3A_836 = arith.constant 0 : i32
          %parallel_loop3A_837 = arith.constant 16 : i32
          %parallel_loop3A_838 = arith.index_cast %parallel_loop3A_836 : i32 to index
          %parallel_loop3A_839 = arith.index_cast %parallel_loop3A_837 : i32 to index
          %parallel_loop3A_840 = arith.index_cast %parallel_loop3A_717 : i32 to index
          %parallel_loop3A_841 = arith.index_cast %parallel_loop3A_723 : i32 to index
          %parallel_loop3A_842 = tpu.vector_load %arg7[%parallel_loop3A_838, %parallel_loop3A_839, %parallel_loop3A_840, %parallel_loop3A_841] {strides = array<i32>} : memref<2x19x8x256xf32, #tpu.memory_space<vmem>>, vector<16xf32>,
          %parallel_loop3A_843 = arith.constant 0 : i32
          %parallel_loop3A_844 = arith.constant 17 : i32
          %parallel_loop3A_845 = arith.index_cast %parallel_loop3A_843 : i32 to index
          %parallel_loop3A_846 = arith.index_cast %parallel_loop3A_844 : i32 to index
          %parallel_loop3A_847 = arith.index_cast %parallel_loop3A_717 : i32 to index
          %parallel_loop3A_848 = arith.index_cast %parallel_loop3A_723 : i32 to index
          %parallel_loop3A_849 = tpu.vector_load %arg7[%parallel_loop3A_845, %parallel_loop3A_846, %parallel_loop3A_847, %parallel_loop3A_848] {strides = array<i32>} : memref<2x19x8x256xf32, #tpu.memory_space<vmem>>, vector<16xf32>,
          %parallel_loop3A_850 = arith.constant 0 : i32
          %parallel_loop3A_851 = arith.constant 18 : i32
          %parallel_loop3A_852 = arith.index_cast %parallel_loop3A_850 : i32 to index
          %parallel_loop3A_853 = arith.index_cast %parallel_loop3A_851 : i32 to index
          %parallel_loop3A_854 = arith.index_cast %parallel_loop3A_717 : i32 to index
          %parallel_loop3A_855 = arith.index_cast %parallel_loop3A_723 : i32 to index
          %parallel_loop3A_856 = tpu.vector_load %arg7[%parallel_loop3A_852, %parallel_loop3A_853, %parallel_loop3A_854, %parallel_loop3A_855] {strides = array<i32>} : memref<2x19x8x256xf32, #tpu.memory_space<vmem>>, vector<16xf32>,
          %parallel_loop3A_857 = arith.cmpf ogt, %parallel_loop3A_737, %parallel_loop3A_730 : vector<16xf32>
          %parallel_loop3A_858 = arith.select %parallel_loop3A_857, %parallel_loop3A_737, %parallel_loop3A_730 : vector<16xi1>, vector<16xf32>
          %parallel_loop3A_859 = arith.constant 1 : i32
          %parallel_loop3A_860 = vector.broadcast %parallel_loop3A_859 : i32 to vector<16xi32>
          %parallel_loop3A_861 = arith.constant 0 : i32
          %parallel_loop3A_862 = vector.broadcast %parallel_loop3A_861 : i32 to vector<16xi32>
          %parallel_loop3A_863 = arith.select %parallel_loop3A_857, %parallel_loop3A_860, %parallel_loop3A_862 : vector<16xi1>, vector<16xi32>
          %parallel_loop3A_864 = arith.cmpf ogt, %parallel_loop3A_751, %parallel_loop3A_744 : vector<16xf32>
          %parallel_loop3A_865 = arith.select %parallel_loop3A_864, %parallel_loop3A_751, %parallel_loop3A_744 : vector<16xi1>, vector<16xf32>
          %parallel_loop3A_866 = arith.constant 3 : i32
          %parallel_loop3A_867 = vector.broadcast %parallel_loop3A_866 : i32 to vector<16xi32>
          %parallel_loop3A_868 = arith.constant 2 : i32
          %parallel_loop3A_869 = vector.broadcast %parallel_loop3A_868 : i32 to vector<16xi32>
          %parallel_loop3A_870 = arith.select %parallel_loop3A_864, %parallel_loop3A_867, %parallel_loop3A_869 : vector<16xi1>, vector<16xi32>
          %parallel_loop3A_871 = arith.cmpf ogt, %parallel_loop3A_765, %parallel_loop3A_758 : vector<16xf32>
          %parallel_loop3A_872 = arith.select %parallel_loop3A_871, %parallel_loop3A_765, %parallel_loop3A_758 : vector<16xi1>, vector<16xf32>
          %parallel_loop3A_873 = arith.constant 5 : i32
          %parallel_loop3A_874 = vector.broadcast %parallel_loop3A_873 : i32 to vector<16xi32>
          %parallel_loop3A_875 = arith.constant 4 : i32
          %parallel_loop3A_876 = vector.broadcast %parallel_loop3A_875 : i32 to vector<16xi32>
          %parallel_loop3A_877 = arith.select %parallel_loop3A_871, %parallel_loop3A_874, %parallel_loop3A_876 : vector<16xi1>, vector<16xi32>
          %parallel_loop3A_878 = arith.cmpf ogt, %parallel_loop3A_779, %parallel_loop3A_772 : vector<16xf32>
          %parallel_loop3A_879 = arith.select %parallel_loop3A_878, %parallel_loop3A_779, %parallel_loop3A_772 : vector<16xi1>, vector<16xf32>
          %parallel_loop3A_880 = arith.constant 7 : i32
          %parallel_loop3A_881 = vector.broadcast %parallel_loop3A_880 : i32 to vector<16xi32>
          %parallel_loop3A_882 = arith.constant 6 : i32
          %parallel_loop3A_883 = vector.broadcast %parallel_loop3A_882 : i32 to vector<16xi32>
          %parallel_loop3A_884 = arith.select %parallel_loop3A_878, %parallel_loop3A_881, %parallel_loop3A_883 : vector<16xi1>, vector<16xi32>
          %parallel_loop3A_885 = arith.cmpf ogt, %parallel_loop3A_793, %parallel_loop3A_786 : vector<16xf32>
          %parallel_loop3A_886 = arith.select %parallel_loop3A_885, %parallel_loop3A_793, %parallel_loop3A_786 : vector<16xi1>, vector<16xf32>
          %parallel_loop3A_887 = arith.constant 9 : i32
          %parallel_loop3A_888 = vector.broadcast %parallel_loop3A_887 : i32 to vector<16xi32>
          %parallel_loop3A_889 = arith.constant 8 : i32
          %parallel_loop3A_890 = vector.broadcast %parallel_loop3A_889 : i32 to vector<16xi32>
          %parallel_loop3A_891 = arith.select %parallel_loop3A_885, %parallel_loop3A_888, %parallel_loop3A_890 : vector<16xi1>, vector<16xi32>
          %parallel_loop3A_892 = arith.cmpf ogt, %parallel_loop3A_807, %parallel_loop3A_800 : vector<16xf32>
          %parallel_loop3A_893 = arith.select %parallel_loop3A_892, %parallel_loop3A_807, %parallel_loop3A_800 : vector<16xi1>, vector<16xf32>
          %parallel_loop3A_894 = arith.constant 11 : i32
          %parallel_loop3A_895 = vector.broadcast %parallel_loop3A_894 : i32 to vector<16xi32>
          %parallel_loop3A_896 = arith.constant 10 : i32
          %parallel_loop3A_897 = vector.broadcast %parallel_loop3A_896 : i32 to vector<16xi32>
          %parallel_loop3A_898 = arith.select %parallel_loop3A_892, %parallel_loop3A_895, %parallel_loop3A_897 : vector<16xi1>, vector<16xi32>
          %parallel_loop3A_899 = arith.cmpf ogt, %parallel_loop3A_821, %parallel_loop3A_814 : vector<16xf32>
          %parallel_loop3A_900 = arith.select %parallel_loop3A_899, %parallel_loop3A_821, %parallel_loop3A_814 : vector<16xi1>, vector<16xf32>
          %parallel_loop3A_901 = arith.constant 13 : i32
          %parallel_loop3A_902 = vector.broadcast %parallel_loop3A_901 : i32 to vector<16xi32>
          %parallel_loop3A_903 = arith.constant 12 : i32
          %parallel_loop3A_904 = vector.broadcast %parallel_loop3A_903 : i32 to vector<16xi32>
          %parallel_loop3A_905 = arith.select %parallel_loop3A_899, %parallel_loop3A_902, %parallel_loop3A_904 : vector<16xi1>, vector<16xi32>
          %parallel_loop3A_906 = arith.cmpf ogt, %parallel_loop3A_835, %parallel_loop3A_828 : vector<16xf32>
          %parallel_loop3A_907 = arith.select %parallel_loop3A_906, %parallel_loop3A_835, %parallel_loop3A_828 : vector<16xi1>, vector<16xf32>
          %parallel_loop3A_908 = arith.constant 15 : i32
          %parallel_loop3A_909 = vector.broadcast %parallel_loop3A_908 : i32 to vector<16xi32>
          %parallel_loop3A_910 = arith.constant 14 : i32
          %parallel_loop3A_911 = vector.broadcast %parallel_loop3A_910 : i32 to vector<16xi32>
          %parallel_loop3A_912 = arith.select %parallel_loop3A_906, %parallel_loop3A_909, %parallel_loop3A_911 : vector<16xi1>, vector<16xi32>
          %parallel_loop3A_913 = arith.cmpf ogt, %parallel_loop3A_849, %parallel_loop3A_842 : vector<16xf32>
          %parallel_loop3A_914 = arith.select %parallel_loop3A_913, %parallel_loop3A_849, %parallel_loop3A_842 : vector<16xi1>, vector<16xf32>
          %parallel_loop3A_915 = arith.constant 17 : i32
          %parallel_loop3A_916 = vector.broadcast %parallel_loop3A_915 : i32 to vector<16xi32>
          %parallel_loop3A_917 = arith.constant 16 : i32
          %parallel_loop3A_918 = vector.broadcast %parallel_loop3A_917 : i32 to vector<16xi32>
          %parallel_loop3A_919 = arith.select %parallel_loop3A_913, %parallel_loop3A_916, %parallel_loop3A_918 : vector<16xi1>, vector<16xi32>
          %parallel_loop3A_920 = arith.constant 18 : i32
          %parallel_loop3A_921 = vector.broadcast %parallel_loop3A_920 : i32 to vector<16xi32>
          %parallel_loop3A_922 = arith.cmpf ogt, %parallel_loop3A_865, %parallel_loop3A_858 : vector<16xf32>
          %parallel_loop3A_923 = arith.select %parallel_loop3A_922, %parallel_loop3A_865, %parallel_loop3A_858 : vector<16xi1>, vector<16xf32>
          %parallel_loop3A_924 = arith.select %parallel_loop3A_922, %parallel_loop3A_870, %parallel_loop3A_863 : vector<16xi1>, vector<16xi32>
          %parallel_loop3A_925 = arith.cmpf ogt, %parallel_loop3A_879, %parallel_loop3A_872 : vector<16xf32>
          %parallel_loop3A_926 = arith.select %parallel_loop3A_925, %parallel_loop3A_879, %parallel_loop3A_872 : vector<16xi1>, vector<16xf32>
          %parallel_loop3A_927 = arith.select %parallel_loop3A_925, %parallel_loop3A_884, %parallel_loop3A_877 : vector<16xi1>, vector<16xi32>
          %parallel_loop3A_928 = arith.cmpf ogt, %parallel_loop3A_893, %parallel_loop3A_886 : vector<16xf32>
          %parallel_loop3A_929 = arith.select %parallel_loop3A_928, %parallel_loop3A_893, %parallel_loop3A_886 : vector<16xi1>, vector<16xf32>
          %parallel_loop3A_930 = arith.select %parallel_loop3A_928, %parallel_loop3A_898, %parallel_loop3A_891 : vector<16xi1>, vector<16xi32>
          %parallel_loop3A_931 = arith.cmpf ogt, %parallel_loop3A_907, %parallel_loop3A_900 : vector<16xf32>
          %parallel_loop3A_932 = arith.select %parallel_loop3A_931, %parallel_loop3A_907, %parallel_loop3A_900 : vector<16xi1>, vector<16xf32>
          %parallel_loop3A_933 = arith.select %parallel_loop3A_931, %parallel_loop3A_912, %parallel_loop3A_905 : vector<16xi1>, vector<16xi32>
          %parallel_loop3A_934 = arith.cmpf ogt, %parallel_loop3A_856, %parallel_loop3A_914 : vector<16xf32>
          %parallel_loop3A_935 = arith.select %parallel_loop3A_934, %parallel_loop3A_856, %parallel_loop3A_914 : vector<16xi1>, vector<16xf32>
          %parallel_loop3A_936 = arith.select %parallel_loop3A_934, %parallel_loop3A_921, %parallel_loop3A_919 : vector<16xi1>, vector<16xi32>
          %parallel_loop3A_937 = arith.cmpf ogt, %parallel_loop3A_926, %parallel_loop3A_923 : vector<16xf32>
          %parallel_loop3A_938 = arith.select %parallel_loop3A_937, %parallel_loop3A_926, %parallel_loop3A_923 : vector<16xi1>, vector<16xf32>
          %parallel_loop3A_939 = arith.select %parallel_loop3A_937, %parallel_loop3A_927, %parallel_loop3A_924 : vector<16xi1>, vector<16xi32>
          %parallel_loop3A_940 = arith.cmpf ogt, %parallel_loop3A_932, %parallel_loop3A_929 : vector<16xf32>
          %parallel_loop3A_941 = arith.select %parallel_loop3A_940, %parallel_loop3A_932, %parallel_loop3A_929 : vector<16xi1>, vector<16xf32>
          %parallel_loop3A_942 = arith.select %parallel_loop3A_940, %parallel_loop3A_933, %parallel_loop3A_930 : vector<16xi1>, vector<16xi32>
          %parallel_loop3A_943 = arith.cmpf ogt, %parallel_loop3A_941, %parallel_loop3A_938 : vector<16xf32>
          %parallel_loop3A_944 = arith.select %parallel_loop3A_943, %parallel_loop3A_941, %parallel_loop3A_938 : vector<16xi1>, vector<16xf32>
          %parallel_loop3A_945 = arith.select %parallel_loop3A_943, %parallel_loop3A_942, %parallel_loop3A_939 : vector<16xi1>, vector<16xi32>
          %parallel_loop3A_946 = arith.cmpf ogt, %parallel_loop3A_935, %parallel_loop3A_944 : vector<16xf32>
          %parallel_loop3A_947 = arith.select %parallel_loop3A_946, %parallel_loop3A_935, %parallel_loop3A_944 : vector<16xi1>, vector<16xf32>
          %parallel_loop3A_948 = arith.select %parallel_loop3A_946, %parallel_loop3A_936, %parallel_loop3A_945 : vector<16xi1>, vector<16xi32>
          %parallel_loop3A_949 = arith.constant 0 : i32
          %parallel_loop3A_950 = arith.index_cast %parallel_loop3A_949 : i32 to index
          %parallel_loop3A_951 = arith.index_cast %parallel_loop3A_717 : i32 to index
          %parallel_loop3A_952 = arith.index_cast %parallel_loop3A_723 : i32 to index
          %parallel_loop3A_953 = tpu.vector_load %arg8[%parallel_loop3A_950, %parallel_loop3A_951, %parallel_loop3A_952] {strides = array<i32>} : memref<2x8x256xi32, #tpu.memory_space<vmem>>, vector<16xi32>,
          %parallel_loop3A_954 = arith.cmpi eq, %parallel_loop3A_948, %parallel_loop3A_953 : vector<16xi32>
          tpu.vector_store_idx %arg10[%parallel_loop3A_948, %iota3A], %broadcast_in_dim3A_232 masked %parallel_loop3A_954 {add = true} : memref<19x16xi32, #tpu.memory_space<vmem>>[vector<16xi32>, vector<16xi32>], vector<16xi32>, vector<16xi1>
          %parallel_loop3A_955 = arith.constant dense<true> : vector<16xi1>
          %parallel_loop3A_956 = arith.xori %parallel_loop3A_954, %parallel_loop3A_955 : vector<16xi1>
          tpu.vector_store_idx %arg9[%parallel_loop3A_948, %iota3A], %broadcast_in_dim3A_232 masked %parallel_loop3A_956 {add = true} : memref<19x16xi32, #tpu.memory_space<vmem>>[vector<16xi32>, vector<16xi32>], vector<16xi32>, vector<16xi1>
          tpu.vector_store_idx %arg11[%parallel_loop3A_953, %iota3A], %broadcast_in_dim3A_232 {add = true} : memref<19x16xi32, #tpu.memory_space<vmem>>[vector<16xi32>, vector<16xi32>], vector<16xi32>,
        } {sc.loop_unroll_factor = 2 : i64, sc.parallel_access}
      } {sc.loop_unroll_factor = 1 : i64, sc.parallel_access}
      %mul3A_578 = arith.constant 2 : i32
      %mul3A_579 = arith.muli %mul3A_578, %scan3A_457 : i32
      %add3A_580 = arith.constant 0 : i32
      %add3A_581 = arith.addi %mul3A_579, %add3A_580 : i32
      %add3A_582 = arith.constant 2 : i32
      %add3A_583 = arith.addi %add3A_581, %add3A_582 : i32
      %lt3A_584 = arith.constant 22 : i32
      %lt3A_585 = arith.cmpi slt, %add3A_583, %lt3A_584 : i32
      %convert_element_type3A = arith.extui %lt3A_585 : i1 to i32
      %cond3A = arith.constant 0 : i32
      %cond3A_586 = arith.cmpi ne, %convert_element_type3A, %cond3A : i32
      scf.if %cond3A_586 {
        %add3A_717 = arith.constant 2 : i32
        %add3A_718 = arith.addi %add3A_462, %add3A_717 : i32
        %jit3A_719 = arith.constant 128 : i32
        %div3A_720 = arith.divsi %add3A_718, %jit3A_719 : i32
        %sign3A_721 = arith.constant 0 : i32
        %sign3A_722 = arith.cmpi sgt, %add3A_718, %sign3A_721 : i32
        %sign3A_723 = arith.extui %sign3A_722 : i1 to i32
        %sign3A_724 = arith.constant 0 : i32
        %sign3A_725 = arith.cmpi slt, %add3A_718, %sign3A_724 : i32
        %sign3A_726 = arith.extui %sign3A_725 : i1 to i32
        %sign3A_727 = arith.subi %sign3A_723, %sign3A_726 : i32
        %sign3A_728 = arith.constant 0 : i32
        %sign3A_729 = arith.cmpi sgt, %jit3A_719, %sign3A_728 : i32
        %sign3A_730 = arith.extui %sign3A_729 : i1 to i32
        %sign3A_731 = arith.constant 0 : i32
        %sign3A_732 = arith.cmpi slt, %jit3A_719, %sign3A_731 : i32
        %sign3A_733 = arith.extui %sign3A_732 : i1 to i32
        %sign3A_734 = arith.subi %sign3A_730, %sign3A_733 : i32
        %ne3A_735 = arith.cmpi ne, %sign3A_727, %sign3A_734 : i32
        %rem3A_736 = arith.remsi %add3A_718, %jit3A_719 : i32
        %ne3A_737 = arith.constant 0 : i32
        %ne3A_738 = arith.cmpi ne, %rem3A_736, %ne3A_737 : i32
        %and3A_739 = arith.andi %ne3A_735, %ne3A_738 : i1
        %sub3A_740 = arith.constant 1 : i32
        %sub3A_741 = arith.subi %div3A_720, %sub3A_740 : i32
        %select_n3A_742 = arith.select %and3A_739, %sub3A_741, %div3A_720 : i32
        %jit3A_743 = arith.constant 128 : i32
        %eq3A_744 = arith.constant 0 : i32
        %eq3A_745 = arith.cmpi eq, %jit3A_743, %eq3A_744 : i32
        %jit3A_746 = arith.constant 1 : i32
        %select_n3A_747 = arith.select %eq3A_745, %jit3A_746, %jit3A_743 : i32
        %rem3A_748 = arith.remsi %add3A_718, %select_n3A_747 : i32
        %ne3A_749 = arith.constant 0 : i32
        %ne3A_750 = arith.cmpi ne, %rem3A_748, %ne3A_749 : i32
        %lt3A_751 = arith.constant 0 : i32
        %lt3A_752 = arith.cmpi slt, %rem3A_748, %lt3A_751 : i32
        %lt3A_753 = arith.constant 0 : i32
        %lt3A_754 = arith.cmpi slt, %select_n3A_747, %lt3A_753 : i32
        %ne3A_755 = arith.xori %lt3A_752, %lt3A_754 : i1
        %and3A_756 = arith.andi %ne3A_755, %ne3A_750 : i1
        %add3A_757 = arith.addi %rem3A_748, %select_n3A_747 : i32
        %select_n3A_758 = arith.select %and3A_756, %add3A_757, %rem3A_748 : i32
        %jit3A_759 = arith.constant 2 : i32
        %div3A_760 = arith.divsi %select_n3A_758, %jit3A_759 : i32
        %sign3A_761 = arith.constant 0 : i32
        %sign3A_762 = arith.cmpi sgt, %select_n3A_758, %sign3A_761 : i32
        %sign3A_763 = arith.extui %sign3A_762 : i1 to i32
        %sign3A_764 = arith.constant 0 : i32
        %sign3A_765 = arith.cmpi slt, %select_n3A_758, %sign3A_764 : i32
        %sign3A_766 = arith.extui %sign3A_765 : i1 to i32
        %sign3A_767 = arith.subi %sign3A_763, %sign3A_766 : i32
        %sign3A_768 = arith.constant 0 : i32
        %sign3A_769 = arith.cmpi sgt, %jit3A_759, %sign3A_768 : i32
        %sign3A_770 = arith.extui %sign3A_769 : i1 to i32
        %sign3A_771 = arith.constant 0 : i32
        %sign3A_772 = arith.cmpi slt, %jit3A_759, %sign3A_771 : i32
        %sign3A_773 = arith.extui %sign3A_772 : i1 to i32
        %sign3A_774 = arith.subi %sign3A_770, %sign3A_773 : i32
        %ne3A_775 = arith.cmpi ne, %sign3A_767, %sign3A_774 : i32
        %rem3A_776 = arith.remsi %select_n3A_758, %jit3A_759 : i32
        %ne3A_777 = arith.constant 0 : i32
        %ne3A_778 = arith.cmpi ne, %rem3A_776, %ne3A_777 : i32
        %and3A_779 = arith.andi %ne3A_775, %ne3A_778 : i1
        %sub3A_780 = arith.constant 1 : i32
        %sub3A_781 = arith.subi %div3A_760, %sub3A_780 : i32
        %select_n3A_782 = arith.select %and3A_779, %sub3A_781, %div3A_760 : i32
        %mul3A_783 = arith.constant 8 : i32
        %mul3A_784 = arith.muli %select_n3A_782, %mul3A_783 : i32
        %jit3A_785 = arith.constant 2 : i32
        %eq3A_786 = arith.constant 0 : i32
        %eq3A_787 = arith.cmpi eq, %jit3A_785, %eq3A_786 : i32
        %jit3A_788 = arith.constant 1 : i32
        %select_n3A_789 = arith.select %eq3A_787, %jit3A_788, %jit3A_785 : i32
        %rem3A_790 = arith.remsi %select_n3A_758, %select_n3A_789 : i32
        %ne3A_791 = arith.constant 0 : i32
        %ne3A_792 = arith.cmpi ne, %rem3A_790, %ne3A_791 : i32
        %lt3A_793 = arith.constant 0 : i32
        %lt3A_794 = arith.cmpi slt, %rem3A_790, %lt3A_793 : i32
        %lt3A_795 = arith.constant 0 : i32
        %lt3A_796 = arith.cmpi slt, %select_n3A_789, %lt3A_795 : i32
        %ne3A_797 = arith.xori %lt3A_794, %lt3A_796 : i1
        %and3A_798 = arith.andi %ne3A_797, %ne3A_792 : i1
        %add3A_799 = arith.addi %rem3A_790, %select_n3A_789 : i32
        %select_n3A_800 = arith.select %and3A_798, %add3A_799, %rem3A_790 : i32
        %mul3A_801 = arith.constant 256 : i32
        %mul3A_802 = arith.muli %select_n3A_800, %mul3A_801 : i32
        %dma_start3A_803 = arith.constant 0 : i32
        %dma_start3A_804 = arith.constant 0 : i32
        %dma_start3A_805 = arith.constant 0 : i32
        %dma_start3A_806 = arith.constant 0 : i32
        %dma_start3A_807 = tpu.memref_slice %arg7[%dma_start3A_803, %dma_start3A_804, %dma_start3A_805, %dma_start3A_806] : memref<2x19x8x256xf32, #tpu.memory_space<vmem>> -> memref<1x19x8x256xf32, #tpu.memory_space<vmem>>
        %dma_start3A_808 = tpu.memref_squeeze %dma_start3A_807 : memref<1x19x8x256xf32, #tpu.memory_space<vmem>> -> memref<19x8x256xf32, #tpu.memory_space<vmem>>
        %dma_start3A_809 = arith.constant 0 : i32
        %dma_start3A_810 = tpu.memref_slice %arg2[%select_n3A_742, %dma_start3A_809, %mul3A_784, %mul3A_802] : memref<8x19x512x512xf32, #tpu.memory_space<hbm>> -> memref<1x19x8x256xf32, #tpu.memory_space<hbm>>
        %dma_start3A_811 = tpu.memref_squeeze %dma_start3A_810 : memref<1x19x8x256xf32, #tpu.memory_space<hbm>> -> memref<19x8x256xf32, #tpu.memory_space<hbm>>
        %dma_start3A_812 = arith.constant 0 : i32
        %dma_start3A_813 = arith.constant 0 : i32
        %dma_start3A_814 = arith.constant 0 : i32
        %dma_start3A_815 = tpu.memref_slice %arg7[%dma_start3A_803, %dma_start3A_812, %dma_start3A_813, %dma_start3A_814] : memref<2x19x8x256xf32, #tpu.memory_space<vmem>> -> memref<1x19x8x256xf32, #tpu.memory_space<vmem>>
        %dma_start3A_816 = tpu.memref_squeeze %dma_start3A_815 : memref<1x19x8x256xf32, #tpu.memory_space<vmem>> -> memref<19x8x256xf32, #tpu.memory_space<vmem>>
        %dma_start3A_817 = arith.constant 0 : i32
        %dma_start3A_818 = tpu.memref_slice %arg2[%select_n3A_742, %dma_start3A_817, %mul3A_784, %mul3A_802] : memref<8x19x512x512xf32, #tpu.memory_space<hbm>> -> memref<1x19x8x256xf32, #tpu.memory_space<hbm>>
        %dma_start3A_819 = tpu.memref_squeeze %dma_start3A_818 : memref<1x19x8x256xf32, #tpu.memory_space<hbm>> -> memref<19x8x256xf32, #tpu.memory_space<hbm>>
        tpu.enqueue_dma source(%dma_start3A_819 : memref<19x8x256xf32, #tpu.memory_space<hbm>>) target(%dma_start3A_816 : memref<19x8x256xf32, #tpu.memory_space<vmem>>) target_semaphore(%arg12 : memref<!tpu.dma_semaphore, #tpu.memory_space<semaphore_mem>>)
        %dma_start3A_820 = arith.constant 0 : i32
        %dma_start3A_821 = arith.constant 0 : i32
        %dma_start3A_822 = arith.constant 0 : i32
        %dma_start3A_823 = tpu.memref_slice %arg8[%dma_start3A_820, %dma_start3A_821, %dma_start3A_822] : memref<2x8x256xi32, #tpu.memory_space<vmem>> -> memref<1x8x256xi32, #tpu.memory_space<vmem>>
        %dma_start3A_824 = tpu.memref_squeeze %dma_start3A_823 : memref<1x8x256xi32, #tpu.memory_space<vmem>> -> memref<8x256xi32, #tpu.memory_space<vmem>>
        %dma_start3A_825 = tpu.memref_slice %arg3[%select_n3A_742, %mul3A_784, %mul3A_802] : memref<8x512x512xi32, #tpu.memory_space<hbm>> -> memref<1x8x256xi32, #tpu.memory_space<hbm>>
        %dma_start3A_826 = tpu.memref_squeeze %dma_start3A_825 : memref<1x8x256xi32, #tpu.memory_space<hbm>> -> memref<8x256xi32, #tpu.memory_space<hbm>>
        %dma_start3A_827 = arith.constant 0 : i32
        %dma_start3A_828 = arith.constant 0 : i32
        %dma_start3A_829 = tpu.memref_slice %arg8[%dma_start3A_820, %dma_start3A_827, %dma_start3A_828] : memref<2x8x256xi32, #tpu.memory_space<vmem>> -> memref<1x8x256xi32, #tpu.memory_space<vmem>>
        %dma_start3A_830 = tpu.memref_squeeze %dma_start3A_829 : memref<1x8x256xi32, #tpu.memory_space<vmem>> -> memref<8x256xi32, #tpu.memory_space<vmem>>
        %dma_start3A_831 = tpu.memref_slice %arg3[%select_n3A_742, %mul3A_784, %mul3A_802] : memref<8x512x512xi32, #tpu.memory_space<hbm>> -> memref<1x8x256xi32, #tpu.memory_space<hbm>>
        %dma_start3A_832 = tpu.memref_squeeze %dma_start3A_831 : memref<1x8x256xi32, #tpu.memory_space<hbm>> -> memref<8x256xi32, #tpu.memory_space<hbm>>
        tpu.enqueue_dma source(%dma_start3A_832 : memref<8x256xi32, #tpu.memory_space<hbm>>) target(%dma_start3A_830 : memref<8x256xi32, #tpu.memory_space<vmem>>) target_semaphore(%arg12 : memref<!tpu.dma_semaphore, #tpu.memory_space<semaphore_mem>>)
      } else {
      }
      %add3A_587 = arith.constant 1 : i32
      %add3A_588 = arith.addi %add3A_460, %add3A_587 : i32
      %jit3A_589 = arith.constant 128 : i32
      %div3A_590 = arith.divsi %add3A_588, %jit3A_589 : i32
      %sign3A_591 = arith.constant 0 : i32
      %sign3A_592 = arith.cmpi sgt, %add3A_588, %sign3A_591 : i32
      %sign3A_593 = arith.extui %sign3A_592 : i1 to i32
      %sign3A_594 = arith.constant 0 : i32
      %sign3A_595 = arith.cmpi slt, %add3A_588, %sign3A_594 : i32
      %sign3A_596 = arith.extui %sign3A_595 : i1 to i32
      %sign3A_597 = arith.subi %sign3A_593, %sign3A_596 : i32
      %sign3A_598 = arith.constant 0 : i32
      %sign3A_599 = arith.cmpi sgt, %jit3A_589, %sign3A_598 : i32
      %sign3A_600 = arith.extui %sign3A_599 : i1 to i32
      %sign3A_601 = arith.constant 0 : i32
      %sign3A_602 = arith.cmpi slt, %jit3A_589, %sign3A_601 : i32
      %sign3A_603 = arith.extui %sign3A_602 : i1 to i32
      %sign3A_604 = arith.subi %sign3A_600, %sign3A_603 : i32
      %ne3A_605 = arith.cmpi ne, %sign3A_597, %sign3A_604 : i32
      %rem3A_606 = arith.remsi %add3A_588, %jit3A_589 : i32
      %ne3A_607 = arith.constant 0 : i32
      %ne3A_608 = arith.cmpi ne, %rem3A_606, %ne3A_607 : i32
      %and3A_609 = arith.andi %ne3A_605, %ne3A_608 : i1
      %sub3A_610 = arith.constant 1 : i32
      %sub3A_611 = arith.subi %div3A_590, %sub3A_610 : i32
      %select_n3A_612 = arith.select %and3A_609, %sub3A_611, %div3A_590 : i32
      %jit3A_613 = arith.constant 128 : i32
      %eq3A_614 = arith.constant 0 : i32
      %eq3A_615 = arith.cmpi eq, %jit3A_613, %eq3A_614 : i32
      %jit3A_616 = arith.constant 1 : i32
      %select_n3A_617 = arith.select %eq3A_615, %jit3A_616, %jit3A_613 : i32
      %rem3A_618 = arith.remsi %add3A_588, %select_n3A_617 : i32
      %ne3A_619 = arith.constant 0 : i32
      %ne3A_620 = arith.cmpi ne, %rem3A_618, %ne3A_619 : i32
      %lt3A_621 = arith.constant 0 : i32
      %lt3A_622 = arith.cmpi slt, %rem3A_618, %lt3A_621 : i32
      %lt3A_623 = arith.constant 0 : i32
      %lt3A_624 = arith.cmpi slt, %select_n3A_617, %lt3A_623 : i32
      %ne3A_625 = arith.xori %lt3A_622, %lt3A_624 : i1
      %and3A_626 = arith.andi %ne3A_625, %ne3A_620 : i1
      %add3A_627 = arith.addi %rem3A_618, %select_n3A_617 : i32
      %select_n3A_628 = arith.select %and3A_626, %add3A_627, %rem3A_618 : i32
      %jit3A_629 = arith.constant 2 : i32
      %div3A_630 = arith.divsi %select_n3A_628, %jit3A_629 : i32
      %sign3A_631 = arith.constant 0 : i32
      %sign3A_632 = arith.cmpi sgt, %select_n3A_628, %sign3A_631 : i32
      %sign3A_633 = arith.extui %sign3A_632 : i1 to i32
      %sign3A_634 = arith.constant 0 : i32
      %sign3A_635 = arith.cmpi slt, %select_n3A_628, %sign3A_634 : i32
      %sign3A_636 = arith.extui %sign3A_635 : i1 to i32
      %sign3A_637 = arith.subi %sign3A_633, %sign3A_636 : i32
      %sign3A_638 = arith.constant 0 : i32
      %sign3A_639 = arith.cmpi sgt, %jit3A_629, %sign3A_638 : i32
      %sign3A_640 = arith.extui %sign3A_639 : i1 to i32
      %sign3A_641 = arith.constant 0 : i32
      %sign3A_642 = arith.cmpi slt, %jit3A_629, %sign3A_641 : i32
      %sign3A_643 = arith.extui %sign3A_642 : i1 to i32
      %sign3A_644 = arith.subi %sign3A_640, %sign3A_643 : i32
      %ne3A_645 = arith.cmpi ne, %sign3A_637, %sign3A_644 : i32
      %rem3A_646 = arith.remsi %select_n3A_628, %jit3A_629 : i32
      %ne3A_647 = arith.constant 0 : i32
      %ne3A_648 = arith.cmpi ne, %rem3A_646, %ne3A_647 : i32
      %and3A_649 = arith.andi %ne3A_645, %ne3A_648 : i1
      %sub3A_650 = arith.constant 1 : i32
      %sub3A_651 = arith.subi %div3A_630, %sub3A_650 : i32
      %select_n3A_652 = arith.select %and3A_649, %sub3A_651, %div3A_630 : i32
      %mul3A_653 = arith.constant 8 : i32
      %mul3A_654 = arith.muli %select_n3A_652, %mul3A_653 : i32
      %jit3A_655 = arith.constant 2 : i32
      %eq3A_656 = arith.constant 0 : i32
      %eq3A_657 = arith.cmpi eq, %jit3A_655, %eq3A_656 : i32
      %jit3A_658 = arith.constant 1 : i32
      %select_n3A_659 = arith.select %eq3A_657, %jit3A_658, %jit3A_655 : i32
      %rem3A_660 = arith.remsi %select_n3A_628, %select_n3A_659 : i32
      %ne3A_661 = arith.constant 0 : i32
      %ne3A_662 = arith.cmpi ne, %rem3A_660, %ne3A_661 : i32
      %lt3A_663 = arith.constant 0 : i32
      %lt3A_664 = arith.cmpi slt, %rem3A_660, %lt3A_663 : i32
      %lt3A_665 = arith.constant 0 : i32
      %lt3A_666 = arith.cmpi slt, %select_n3A_659, %lt3A_665 : i32
      %ne3A_667 = arith.xori %lt3A_664, %lt3A_666 : i1
      %and3A_668 = arith.andi %ne3A_667, %ne3A_662 : i1
      %add3A_669 = arith.addi %rem3A_660, %select_n3A_659 : i32
      %select_n3A_670 = arith.select %and3A_668, %add3A_669, %rem3A_660 : i32
      %mul3A_671 = arith.constant 256 : i32
      %mul3A_672 = arith.muli %select_n3A_670, %mul3A_671 : i32
      %dma_wait3A_673 = arith.constant 1 : i32
      %dma_wait3A_674 = arith.constant 0 : i32
      %dma_wait3A_675 = arith.constant 0 : i32
      %dma_wait3A_676 = arith.constant 0 : i32
      %dma_wait3A_677 = tpu.memref_slice %arg7[%dma_wait3A_673, %dma_wait3A_674, %dma_wait3A_675, %dma_wait3A_676] : memref<2x19x8x256xf32, #tpu.memory_space<vmem>> -> memref<1x19x8x256xf32, #tpu.memory_space<vmem>>
      %dma_wait3A_678 = tpu.memref_squeeze %dma_wait3A_677 : memref<1x19x8x256xf32, #tpu.memory_space<vmem>> -> memref<19x8x256xf32, #tpu.memory_space<vmem>>
      %dma_wait3A_679 = arith.constant 0 : i32
      %dma_wait3A_680 = tpu.memref_slice %arg2[%select_n3A_612, %dma_wait3A_679, %mul3A_654, %mul3A_672] : memref<8x19x512x512xf32, #tpu.memory_space<hbm>> -> memref<1x19x8x256xf32, #tpu.memory_space<hbm>>
      %dma_wait3A_681 = tpu.memref_squeeze %dma_wait3A_680 : memref<1x19x8x256xf32, #tpu.memory_space<hbm>> -> memref<19x8x256xf32, #tpu.memory_space<hbm>>
      %dma_wait3A_682 = arith.constant 0 : i32
      %dma_wait3A_683 = arith.constant 0 : i32
      %dma_wait3A_684 = arith.constant 0 : i32
      %dma_wait3A_685 = tpu.memref_slice %arg7[%dma_wait3A_673, %dma_wait3A_682, %dma_wait3A_683, %dma_wait3A_684] : memref<2x19x8x256xf32, #tpu.memory_space<vmem>> -> memref<1x19x8x256xf32, #tpu.memory_space<vmem>>
      %dma_wait3A_686 = tpu.memref_squeeze %dma_wait3A_685 : memref<1x19x8x256xf32, #tpu.memory_space<vmem>> -> memref<19x8x256xf32, #tpu.memory_space<vmem>>
      %dma_wait3A_687 = arith.constant 0 : i32
      %dma_wait3A_688 = tpu.memref_slice %arg2[%select_n3A_612, %dma_wait3A_687, %mul3A_654, %mul3A_672] : memref<8x19x512x512xf32, #tpu.memory_space<hbm>> -> memref<1x19x8x256xf32, #tpu.memory_space<hbm>>
      %dma_wait3A_689 = tpu.memref_squeeze %dma_wait3A_688 : memref<1x19x8x256xf32, #tpu.memory_space<hbm>> -> memref<19x8x256xf32, #tpu.memory_space<hbm>>
      tpu.wait_dma2 semaphore(%arg13 : memref<!tpu.dma_semaphore, #tpu.memory_space<semaphore_mem>>) src(%dma_wait3A_689 : memref<19x8x256xf32, #tpu.memory_space<hbm>>) dst(%dma_wait3A_686 : memref<19x8x256xf32, #tpu.memory_space<vmem>>)
      %dma_wait3A_690 = arith.constant 1 : i32
      %dma_wait3A_691 = arith.constant 0 : i32
      %dma_wait3A_692 = arith.constant 0 : i32
      %dma_wait3A_693 = tpu.memref_slice %arg8[%dma_wait3A_690, %dma_wait3A_691, %dma_wait3A_692] : memref<2x8x256xi32, #tpu.memory_space<vmem>> -> memref<1x8x256xi32, #tpu.memory_space<vmem>>
      %dma_wait3A_694 = tpu.memref_squeeze %dma_wait3A_693 : memref<1x8x256xi32, #tpu.memory_space<vmem>> -> memref<8x256xi32, #tpu.memory_space<vmem>>
      %dma_wait3A_695 = tpu.memref_slice %arg3[%select_n3A_612, %mul3A_654, %mul3A_672] : memref<8x512x512xi32, #tpu.memory_space<hbm>> -> memref<1x8x256xi32, #tpu.memory_space<hbm>>
      %dma_wait3A_696 = tpu.memref_squeeze %dma_wait3A_695 : memref<1x8x256xi32, #tpu.memory_space<hbm>> -> memref<8x256xi32, #tpu.memory_space<hbm>>
      %dma_wait3A_697 = arith.constant 0 : i32
      %dma_wait3A_698 = arith.constant 0 : i32
      %dma_wait3A_699 = tpu.memref_slice %arg8[%dma_wait3A_690, %dma_wait3A_697, %dma_wait3A_698] : memref<2x8x256xi32, #tpu.memory_space<vmem>> -> memref<1x8x256xi32, #tpu.memory_space<vmem>>
      %dma_wait3A_700 = tpu.memref_squeeze %dma_wait3A_699 : memref<1x8x256xi32, #tpu.memory_space<vmem>> -> memref<8x256xi32, #tpu.memory_space<vmem>>
      %dma_wait3A_701 = tpu.memref_slice %arg3[%select_n3A_612, %mul3A_654, %mul3A_672] : memref<8x512x512xi32, #tpu.memory_space<hbm>> -> memref<1x8x256xi32, #tpu.memory_space<hbm>>
      %dma_wait3A_702 = tpu.memref_squeeze %dma_wait3A_701 : memref<1x8x256xi32, #tpu.memory_space<hbm>> -> memref<8x256xi32, #tpu.memory_space<hbm>>
      tpu.wait_dma2 semaphore(%arg13 : memref<!tpu.dma_semaphore, #tpu.memory_space<semaphore_mem>>) src(%dma_wait3A_702 : memref<8x256xi32, #tpu.memory_space<hbm>>) dst(%dma_wait3A_700 : memref<8x256xi32, #tpu.memory_space<vmem>>)
      %parallel_loop3A_703 = arith.constant 0 : i32
      %parallel_loop3A_704 = arith.constant 8 : i32
      %parallel_loop3A_705 = arith.constant 1 : i32
      scf.for %parallel_loop3A_717 = %parallel_loop3A_703 to %parallel_loop3A_704 step %parallel_loop3A_705  : i32 {
        %parallel_loop3A_718 = arith.constant 0 : i32
        %parallel_loop3A_719 = arith.constant 16 : i32
        %parallel_loop3A_720 = arith.constant 1 : i32
        scf.for %parallel_loop3A_721 = %parallel_loop3A_718 to %parallel_loop3A_719 step %parallel_loop3A_720  : i32 {
          %parallel_loop3A_722 = arith.constant 16 : i32
          %parallel_loop3A_723 = arith.muli %parallel_loop3A_721, %parallel_loop3A_722 : i32
          %parallel_loop3A_724 = arith.constant 1 : i32
          %parallel_loop3A_725 = arith.constant 0 : i32
          %parallel_loop3A_726 = arith.index_cast %parallel_loop3A_724 : i32 to index
          %parallel_loop3A_727 = arith.index_cast %parallel_loop3A_725 : i32 to index
          %parallel_loop3A_728 = arith.index_cast %parallel_loop3A_717 : i32 to index
          %parallel_loop3A_729 = arith.index_cast %parallel_loop3A_723 : i32 to index
          %parallel_loop3A_730 = tpu.vector_load %arg7[%parallel_loop3A_726, %parallel_loop3A_727, %parallel_loop3A_728, %parallel_loop3A_729] {strides = array<i32>} : memref<2x19x8x256xf32, #tpu.memory_space<vmem>>, vector<16xf32>,
          %parallel_loop3A_731 = arith.constant 1 : i32
          %parallel_loop3A_732 = arith.constant 1 : i32
          %parallel_loop3A_733 = arith.index_cast %parallel_loop3A_731 : i32 to index
          %parallel_loop3A_734 = arith.index_cast %parallel_loop3A_732 : i32 to index
          %parallel_loop3A_735 = arith.index_cast %parallel_loop3A_717 : i32 to index
          %parallel_loop3A_736 = arith.index_cast %parallel_loop3A_723 : i32 to index
          %parallel_loop3A_737 = tpu.vector_load %arg7[%parallel_loop3A_733, %parallel_loop3A_734, %parallel_loop3A_735, %parallel_loop3A_736] {strides = array<i32>} : memref<2x19x8x256xf32, #tpu.memory_space<vmem>>, vector<16xf32>,
          %parallel_loop3A_738 = arith.constant 1 : i32
          %parallel_loop3A_739 = arith.constant 2 : i32
          %parallel_loop3A_740 = arith.index_cast %parallel_loop3A_738 : i32 to index
          %parallel_loop3A_741 = arith.index_cast %parallel_loop3A_739 : i32 to index
          %parallel_loop3A_742 = arith.index_cast %parallel_loop3A_717 : i32 to index
          %parallel_loop3A_743 = arith.index_cast %parallel_loop3A_723 : i32 to index
          %parallel_loop3A_744 = tpu.vector_load %arg7[%parallel_loop3A_740, %parallel_loop3A_741, %parallel_loop3A_742, %parallel_loop3A_743] {strides = array<i32>} : memref<2x19x8x256xf32, #tpu.memory_space<vmem>>, vector<16xf32>,
          %parallel_loop3A_745 = arith.constant 1 : i32
          %parallel_loop3A_746 = arith.constant 3 : i32
          %parallel_loop3A_747 = arith.index_cast %parallel_loop3A_745 : i32 to index
          %parallel_loop3A_748 = arith.index_cast %parallel_loop3A_746 : i32 to index
          %parallel_loop3A_749 = arith.index_cast %parallel_loop3A_717 : i32 to index
          %parallel_loop3A_750 = arith.index_cast %parallel_loop3A_723 : i32 to index
          %parallel_loop3A_751 = tpu.vector_load %arg7[%parallel_loop3A_747, %parallel_loop3A_748, %parallel_loop3A_749, %parallel_loop3A_750] {strides = array<i32>} : memref<2x19x8x256xf32, #tpu.memory_space<vmem>>, vector<16xf32>,
          %parallel_loop3A_752 = arith.constant 1 : i32
          %parallel_loop3A_753 = arith.constant 4 : i32
          %parallel_loop3A_754 = arith.index_cast %parallel_loop3A_752 : i32 to index
          %parallel_loop3A_755 = arith.index_cast %parallel_loop3A_753 : i32 to index
          %parallel_loop3A_756 = arith.index_cast %parallel_loop3A_717 : i32 to index
          %parallel_loop3A_757 = arith.index_cast %parallel_loop3A_723 : i32 to index
          %parallel_loop3A_758 = tpu.vector_load %arg7[%parallel_loop3A_754, %parallel_loop3A_755, %parallel_loop3A_756, %parallel_loop3A_757] {strides = array<i32>} : memref<2x19x8x256xf32, #tpu.memory_space<vmem>>, vector<16xf32>,
          %parallel_loop3A_759 = arith.constant 1 : i32
          %parallel_loop3A_760 = arith.constant 5 : i32
          %parallel_loop3A_761 = arith.index_cast %parallel_loop3A_759 : i32 to index
          %parallel_loop3A_762 = arith.index_cast %parallel_loop3A_760 : i32 to index
          %parallel_loop3A_763 = arith.index_cast %parallel_loop3A_717 : i32 to index
          %parallel_loop3A_764 = arith.index_cast %parallel_loop3A_723 : i32 to index
          %parallel_loop3A_765 = tpu.vector_load %arg7[%parallel_loop3A_761, %parallel_loop3A_762, %parallel_loop3A_763, %parallel_loop3A_764] {strides = array<i32>} : memref<2x19x8x256xf32, #tpu.memory_space<vmem>>, vector<16xf32>,
          %parallel_loop3A_766 = arith.constant 1 : i32
          %parallel_loop3A_767 = arith.constant 6 : i32
          %parallel_loop3A_768 = arith.index_cast %parallel_loop3A_766 : i32 to index
          %parallel_loop3A_769 = arith.index_cast %parallel_loop3A_767 : i32 to index
          %parallel_loop3A_770 = arith.index_cast %parallel_loop3A_717 : i32 to index
          %parallel_loop3A_771 = arith.index_cast %parallel_loop3A_723 : i32 to index
          %parallel_loop3A_772 = tpu.vector_load %arg7[%parallel_loop3A_768, %parallel_loop3A_769, %parallel_loop3A_770, %parallel_loop3A_771] {strides = array<i32>} : memref<2x19x8x256xf32, #tpu.memory_space<vmem>>, vector<16xf32>,
          %parallel_loop3A_773 = arith.constant 1 : i32
          %parallel_loop3A_774 = arith.constant 7 : i32
          %parallel_loop3A_775 = arith.index_cast %parallel_loop3A_773 : i32 to index
          %parallel_loop3A_776 = arith.index_cast %parallel_loop3A_774 : i32 to index
          %parallel_loop3A_777 = arith.index_cast %parallel_loop3A_717 : i32 to index
          %parallel_loop3A_778 = arith.index_cast %parallel_loop3A_723 : i32 to index
          %parallel_loop3A_779 = tpu.vector_load %arg7[%parallel_loop3A_775, %parallel_loop3A_776, %parallel_loop3A_777, %parallel_loop3A_778] {strides = array<i32>} : memref<2x19x8x256xf32, #tpu.memory_space<vmem>>, vector<16xf32>,
          %parallel_loop3A_780 = arith.constant 1 : i32
          %parallel_loop3A_781 = arith.constant 8 : i32
          %parallel_loop3A_782 = arith.index_cast %parallel_loop3A_780 : i32 to index
          %parallel_loop3A_783 = arith.index_cast %parallel_loop3A_781 : i32 to index
          %parallel_loop3A_784 = arith.index_cast %parallel_loop3A_717 : i32 to index
          %parallel_loop3A_785 = arith.index_cast %parallel_loop3A_723 : i32 to index
          %parallel_loop3A_786 = tpu.vector_load %arg7[%parallel_loop3A_782, %parallel_loop3A_783, %parallel_loop3A_784, %parallel_loop3A_785] {strides = array<i32>} : memref<2x19x8x256xf32, #tpu.memory_space<vmem>>, vector<16xf32>,
          %parallel_loop3A_787 = arith.constant 1 : i32
          %parallel_loop3A_788 = arith.constant 9 : i32
          %parallel_loop3A_789 = arith.index_cast %parallel_loop3A_787 : i32 to index
          %parallel_loop3A_790 = arith.index_cast %parallel_loop3A_788 : i32 to index
          %parallel_loop3A_791 = arith.index_cast %parallel_loop3A_717 : i32 to index
          %parallel_loop3A_792 = arith.index_cast %parallel_loop3A_723 : i32 to index
          %parallel_loop3A_793 = tpu.vector_load %arg7[%parallel_loop3A_789, %parallel_loop3A_790, %parallel_loop3A_791, %parallel_loop3A_792] {strides = array<i32>} : memref<2x19x8x256xf32, #tpu.memory_space<vmem>>, vector<16xf32>,
          %parallel_loop3A_794 = arith.constant 1 : i32
          %parallel_loop3A_795 = arith.constant 10 : i32
          %parallel_loop3A_796 = arith.index_cast %parallel_loop3A_794 : i32 to index
          %parallel_loop3A_797 = arith.index_cast %parallel_loop3A_795 : i32 to index
          %parallel_loop3A_798 = arith.index_cast %parallel_loop3A_717 : i32 to index
          %parallel_loop3A_799 = arith.index_cast %parallel_loop3A_723 : i32 to index
          %parallel_loop3A_800 = tpu.vector_load %arg7[%parallel_loop3A_796, %parallel_loop3A_797, %parallel_loop3A_798, %parallel_loop3A_799] {strides = array<i32>} : memref<2x19x8x256xf32, #tpu.memory_space<vmem>>, vector<16xf32>,
          %parallel_loop3A_801 = arith.constant 1 : i32
          %parallel_loop3A_802 = arith.constant 11 : i32
          %parallel_loop3A_803 = arith.index_cast %parallel_loop3A_801 : i32 to index
          %parallel_loop3A_804 = arith.index_cast %parallel_loop3A_802 : i32 to index
          %parallel_loop3A_805 = arith.index_cast %parallel_loop3A_717 : i32 to index
          %parallel_loop3A_806 = arith.index_cast %parallel_loop3A_723 : i32 to index
          %parallel_loop3A_807 = tpu.vector_load %arg7[%parallel_loop3A_803, %parallel_loop3A_804, %parallel_loop3A_805, %parallel_loop3A_806] {strides = array<i32>} : memref<2x19x8x256xf32, #tpu.memory_space<vmem>>, vector<16xf32>,
          %parallel_loop3A_808 = arith.constant 1 : i32
          %parallel_loop3A_809 = arith.constant 12 : i32
          %parallel_loop3A_810 = arith.index_cast %parallel_loop3A_808 : i32 to index
          %parallel_loop3A_811 = arith.index_cast %parallel_loop3A_809 : i32 to index
          %parallel_loop3A_812 = arith.index_cast %parallel_loop3A_717 : i32 to index
          %parallel_loop3A_813 = arith.index_cast %parallel_loop3A_723 : i32 to index
          %parallel_loop3A_814 = tpu.vector_load %arg7[%parallel_loop3A_810, %parallel_loop3A_811, %parallel_loop3A_812, %parallel_loop3A_813] {strides = array<i32>} : memref<2x19x8x256xf32, #tpu.memory_space<vmem>>, vector<16xf32>,
          %parallel_loop3A_815 = arith.constant 1 : i32
          %parallel_loop3A_816 = arith.constant 13 : i32
          %parallel_loop3A_817 = arith.index_cast %parallel_loop3A_815 : i32 to index
          %parallel_loop3A_818 = arith.index_cast %parallel_loop3A_816 : i32 to index
          %parallel_loop3A_819 = arith.index_cast %parallel_loop3A_717 : i32 to index
          %parallel_loop3A_820 = arith.index_cast %parallel_loop3A_723 : i32 to index
          %parallel_loop3A_821 = tpu.vector_load %arg7[%parallel_loop3A_817, %parallel_loop3A_818, %parallel_loop3A_819, %parallel_loop3A_820] {strides = array<i32>} : memref<2x19x8x256xf32, #tpu.memory_space<vmem>>, vector<16xf32>,
          %parallel_loop3A_822 = arith.constant 1 : i32
          %parallel_loop3A_823 = arith.constant 14 : i32
          %parallel_loop3A_824 = arith.index_cast %parallel_loop3A_822 : i32 to index
          %parallel_loop3A_825 = arith.index_cast %parallel_loop3A_823 : i32 to index
          %parallel_loop3A_826 = arith.index_cast %parallel_loop3A_717 : i32 to index
          %parallel_loop3A_827 = arith.index_cast %parallel_loop3A_723 : i32 to index
          %parallel_loop3A_828 = tpu.vector_load %arg7[%parallel_loop3A_824, %parallel_loop3A_825, %parallel_loop3A_826, %parallel_loop3A_827] {strides = array<i32>} : memref<2x19x8x256xf32, #tpu.memory_space<vmem>>, vector<16xf32>,
          %parallel_loop3A_829 = arith.constant 1 : i32
          %parallel_loop3A_830 = arith.constant 15 : i32
          %parallel_loop3A_831 = arith.index_cast %parallel_loop3A_829 : i32 to index
          %parallel_loop3A_832 = arith.index_cast %parallel_loop3A_830 : i32 to index
          %parallel_loop3A_833 = arith.index_cast %parallel_loop3A_717 : i32 to index
          %parallel_loop3A_834 = arith.index_cast %parallel_loop3A_723 : i32 to index
          %parallel_loop3A_835 = tpu.vector_load %arg7[%parallel_loop3A_831, %parallel_loop3A_832, %parallel_loop3A_833, %parallel_loop3A_834] {strides = array<i32>} : memref<2x19x8x256xf32, #tpu.memory_space<vmem>>, vector<16xf32>,
          %parallel_loop3A_836 = arith.constant 1 : i32
          %parallel_loop3A_837 = arith.constant 16 : i32
          %parallel_loop3A_838 = arith.index_cast %parallel_loop3A_836 : i32 to index
          %parallel_loop3A_839 = arith.index_cast %parallel_loop3A_837 : i32 to index
          %parallel_loop3A_840 = arith.index_cast %parallel_loop3A_717 : i32 to index
          %parallel_loop3A_841 = arith.index_cast %parallel_loop3A_723 : i32 to index
          %parallel_loop3A_842 = tpu.vector_load %arg7[%parallel_loop3A_838, %parallel_loop3A_839, %parallel_loop3A_840, %parallel_loop3A_841] {strides = array<i32>} : memref<2x19x8x256xf32, #tpu.memory_space<vmem>>, vector<16xf32>,
          %parallel_loop3A_843 = arith.constant 1 : i32
          %parallel_loop3A_844 = arith.constant 17 : i32
          %parallel_loop3A_845 = arith.index_cast %parallel_loop3A_843 : i32 to index
          %parallel_loop3A_846 = arith.index_cast %parallel_loop3A_844 : i32 to index
          %parallel_loop3A_847 = arith.index_cast %parallel_loop3A_717 : i32 to index
          %parallel_loop3A_848 = arith.index_cast %parallel_loop3A_723 : i32 to index
          %parallel_loop3A_849 = tpu.vector_load %arg7[%parallel_loop3A_845, %parallel_loop3A_846, %parallel_loop3A_847, %parallel_loop3A_848] {strides = array<i32>} : memref<2x19x8x256xf32, #tpu.memory_space<vmem>>, vector<16xf32>,
          %parallel_loop3A_850 = arith.constant 1 : i32
          %parallel_loop3A_851 = arith.constant 18 : i32
          %parallel_loop3A_852 = arith.index_cast %parallel_loop3A_850 : i32 to index
          %parallel_loop3A_853 = arith.index_cast %parallel_loop3A_851 : i32 to index
          %parallel_loop3A_854 = arith.index_cast %parallel_loop3A_717 : i32 to index
          %parallel_loop3A_855 = arith.index_cast %parallel_loop3A_723 : i32 to index
          %parallel_loop3A_856 = tpu.vector_load %arg7[%parallel_loop3A_852, %parallel_loop3A_853, %parallel_loop3A_854, %parallel_loop3A_855] {strides = array<i32>} : memref<2x19x8x256xf32, #tpu.memory_space<vmem>>, vector<16xf32>,
          %parallel_loop3A_857 = arith.cmpf ogt, %parallel_loop3A_737, %parallel_loop3A_730 : vector<16xf32>
          %parallel_loop3A_858 = arith.select %parallel_loop3A_857, %parallel_loop3A_737, %parallel_loop3A_730 : vector<16xi1>, vector<16xf32>
          %parallel_loop3A_859 = arith.constant 1 : i32
          %parallel_loop3A_860 = vector.broadcast %parallel_loop3A_859 : i32 to vector<16xi32>
          %parallel_loop3A_861 = arith.constant 0 : i32
          %parallel_loop3A_862 = vector.broadcast %parallel_loop3A_861 : i32 to vector<16xi32>
          %parallel_loop3A_863 = arith.select %parallel_loop3A_857, %parallel_loop3A_860, %parallel_loop3A_862 : vector<16xi1>, vector<16xi32>
          %parallel_loop3A_864 = arith.cmpf ogt, %parallel_loop3A_751, %parallel_loop3A_744 : vector<16xf32>
          %parallel_loop3A_865 = arith.select %parallel_loop3A_864, %parallel_loop3A_751, %parallel_loop3A_744 : vector<16xi1>, vector<16xf32>
          %parallel_loop3A_866 = arith.constant 3 : i32
          %parallel_loop3A_867 = vector.broadcast %parallel_loop3A_866 : i32 to vector<16xi32>
          %parallel_loop3A_868 = arith.constant 2 : i32
          %parallel_loop3A_869 = vector.broadcast %parallel_loop3A_868 : i32 to vector<16xi32>
          %parallel_loop3A_870 = arith.select %parallel_loop3A_864, %parallel_loop3A_867, %parallel_loop3A_869 : vector<16xi1>, vector<16xi32>
          %parallel_loop3A_871 = arith.cmpf ogt, %parallel_loop3A_765, %parallel_loop3A_758 : vector<16xf32>
          %parallel_loop3A_872 = arith.select %parallel_loop3A_871, %parallel_loop3A_765, %parallel_loop3A_758 : vector<16xi1>, vector<16xf32>
          %parallel_loop3A_873 = arith.constant 5 : i32
          %parallel_loop3A_874 = vector.broadcast %parallel_loop3A_873 : i32 to vector<16xi32>
          %parallel_loop3A_875 = arith.constant 4 : i32
          %parallel_loop3A_876 = vector.broadcast %parallel_loop3A_875 : i32 to vector<16xi32>
          %parallel_loop3A_877 = arith.select %parallel_loop3A_871, %parallel_loop3A_874, %parallel_loop3A_876 : vector<16xi1>, vector<16xi32>
          %parallel_loop3A_878 = arith.cmpf ogt, %parallel_loop3A_779, %parallel_loop3A_772 : vector<16xf32>
          %parallel_loop3A_879 = arith.select %parallel_loop3A_878, %parallel_loop3A_779, %parallel_loop3A_772 : vector<16xi1>, vector<16xf32>
          %parallel_loop3A_880 = arith.constant 7 : i32
          %parallel_loop3A_881 = vector.broadcast %parallel_loop3A_880 : i32 to vector<16xi32>
          %parallel_loop3A_882 = arith.constant 6 : i32
          %parallel_loop3A_883 = vector.broadcast %parallel_loop3A_882 : i32 to vector<16xi32>
          %parallel_loop3A_884 = arith.select %parallel_loop3A_878, %parallel_loop3A_881, %parallel_loop3A_883 : vector<16xi1>, vector<16xi32>
          %parallel_loop3A_885 = arith.cmpf ogt, %parallel_loop3A_793, %parallel_loop3A_786 : vector<16xf32>
          %parallel_loop3A_886 = arith.select %parallel_loop3A_885, %parallel_loop3A_793, %parallel_loop3A_786 : vector<16xi1>, vector<16xf32>
          %parallel_loop3A_887 = arith.constant 9 : i32
          %parallel_loop3A_888 = vector.broadcast %parallel_loop3A_887 : i32 to vector<16xi32>
          %parallel_loop3A_889 = arith.constant 8 : i32
          %parallel_loop3A_890 = vector.broadcast %parallel_loop3A_889 : i32 to vector<16xi32>
          %parallel_loop3A_891 = arith.select %parallel_loop3A_885, %parallel_loop3A_888, %parallel_loop3A_890 : vector<16xi1>, vector<16xi32>
          %parallel_loop3A_892 = arith.cmpf ogt, %parallel_loop3A_807, %parallel_loop3A_800 : vector<16xf32>
          %parallel_loop3A_893 = arith.select %parallel_loop3A_892, %parallel_loop3A_807, %parallel_loop3A_800 : vector<16xi1>, vector<16xf32>
          %parallel_loop3A_894 = arith.constant 11 : i32
          %parallel_loop3A_895 = vector.broadcast %parallel_loop3A_894 : i32 to vector<16xi32>
          %parallel_loop3A_896 = arith.constant 10 : i32
          %parallel_loop3A_897 = vector.broadcast %parallel_loop3A_896 : i32 to vector<16xi32>
          %parallel_loop3A_898 = arith.select %parallel_loop3A_892, %parallel_loop3A_895, %parallel_loop3A_897 : vector<16xi1>, vector<16xi32>
          %parallel_loop3A_899 = arith.cmpf ogt, %parallel_loop3A_821, %parallel_loop3A_814 : vector<16xf32>
          %parallel_loop3A_900 = arith.select %parallel_loop3A_899, %parallel_loop3A_821, %parallel_loop3A_814 : vector<16xi1>, vector<16xf32>
          %parallel_loop3A_901 = arith.constant 13 : i32
          %parallel_loop3A_902 = vector.broadcast %parallel_loop3A_901 : i32 to vector<16xi32>
          %parallel_loop3A_903 = arith.constant 12 : i32
          %parallel_loop3A_904 = vector.broadcast %parallel_loop3A_903 : i32 to vector<16xi32>
          %parallel_loop3A_905 = arith.select %parallel_loop3A_899, %parallel_loop3A_902, %parallel_loop3A_904 : vector<16xi1>, vector<16xi32>
          %parallel_loop3A_906 = arith.cmpf ogt, %parallel_loop3A_835, %parallel_loop3A_828 : vector<16xf32>
          %parallel_loop3A_907 = arith.select %parallel_loop3A_906, %parallel_loop3A_835, %parallel_loop3A_828 : vector<16xi1>, vector<16xf32>
          %parallel_loop3A_908 = arith.constant 15 : i32
          %parallel_loop3A_909 = vector.broadcast %parallel_loop3A_908 : i32 to vector<16xi32>
          %parallel_loop3A_910 = arith.constant 14 : i32
          %parallel_loop3A_911 = vector.broadcast %parallel_loop3A_910 : i32 to vector<16xi32>
          %parallel_loop3A_912 = arith.select %parallel_loop3A_906, %parallel_loop3A_909, %parallel_loop3A_911 : vector<16xi1>, vector<16xi32>
          %parallel_loop3A_913 = arith.cmpf ogt, %parallel_loop3A_849, %parallel_loop3A_842 : vector<16xf32>
          %parallel_loop3A_914 = arith.select %parallel_loop3A_913, %parallel_loop3A_849, %parallel_loop3A_842 : vector<16xi1>, vector<16xf32>
          %parallel_loop3A_915 = arith.constant 17 : i32
          %parallel_loop3A_916 = vector.broadcast %parallel_loop3A_915 : i32 to vector<16xi32>
          %parallel_loop3A_917 = arith.constant 16 : i32
          %parallel_loop3A_918 = vector.broadcast %parallel_loop3A_917 : i32 to vector<16xi32>
          %parallel_loop3A_919 = arith.select %parallel_loop3A_913, %parallel_loop3A_916, %parallel_loop3A_918 : vector<16xi1>, vector<16xi32>
          %parallel_loop3A_920 = arith.constant 18 : i32
          %parallel_loop3A_921 = vector.broadcast %parallel_loop3A_920 : i32 to vector<16xi32>
          %parallel_loop3A_922 = arith.cmpf ogt, %parallel_loop3A_865, %parallel_loop3A_858 : vector<16xf32>
          %parallel_loop3A_923 = arith.select %parallel_loop3A_922, %parallel_loop3A_865, %parallel_loop3A_858 : vector<16xi1>, vector<16xf32>
          %parallel_loop3A_924 = arith.select %parallel_loop3A_922, %parallel_loop3A_870, %parallel_loop3A_863 : vector<16xi1>, vector<16xi32>
          %parallel_loop3A_925 = arith.cmpf ogt, %parallel_loop3A_879, %parallel_loop3A_872 : vector<16xf32>
          %parallel_loop3A_926 = arith.select %parallel_loop3A_925, %parallel_loop3A_879, %parallel_loop3A_872 : vector<16xi1>, vector<16xf32>
          %parallel_loop3A_927 = arith.select %parallel_loop3A_925, %parallel_loop3A_884, %parallel_loop3A_877 : vector<16xi1>, vector<16xi32>
          %parallel_loop3A_928 = arith.cmpf ogt, %parallel_loop3A_893, %parallel_loop3A_886 : vector<16xf32>
          %parallel_loop3A_929 = arith.select %parallel_loop3A_928, %parallel_loop3A_893, %parallel_loop3A_886 : vector<16xi1>, vector<16xf32>
          %parallel_loop3A_930 = arith.select %parallel_loop3A_928, %parallel_loop3A_898, %parallel_loop3A_891 : vector<16xi1>, vector<16xi32>
          %parallel_loop3A_931 = arith.cmpf ogt, %parallel_loop3A_907, %parallel_loop3A_900 : vector<16xf32>
          %parallel_loop3A_932 = arith.select %parallel_loop3A_931, %parallel_loop3A_907, %parallel_loop3A_900 : vector<16xi1>, vector<16xf32>
          %parallel_loop3A_933 = arith.select %parallel_loop3A_931, %parallel_loop3A_912, %parallel_loop3A_905 : vector<16xi1>, vector<16xi32>
          %parallel_loop3A_934 = arith.cmpf ogt, %parallel_loop3A_856, %parallel_loop3A_914 : vector<16xf32>
          %parallel_loop3A_935 = arith.select %parallel_loop3A_934, %parallel_loop3A_856, %parallel_loop3A_914 : vector<16xi1>, vector<16xf32>
          %parallel_loop3A_936 = arith.select %parallel_loop3A_934, %parallel_loop3A_921, %parallel_loop3A_919 : vector<16xi1>, vector<16xi32>
          %parallel_loop3A_937 = arith.cmpf ogt, %parallel_loop3A_926, %parallel_loop3A_923 : vector<16xf32>
          %parallel_loop3A_938 = arith.select %parallel_loop3A_937, %parallel_loop3A_926, %parallel_loop3A_923 : vector<16xi1>, vector<16xf32>
          %parallel_loop3A_939 = arith.select %parallel_loop3A_937, %parallel_loop3A_927, %parallel_loop3A_924 : vector<16xi1>, vector<16xi32>
          %parallel_loop3A_940 = arith.cmpf ogt, %parallel_loop3A_932, %parallel_loop3A_929 : vector<16xf32>
          %parallel_loop3A_941 = arith.select %parallel_loop3A_940, %parallel_loop3A_932, %parallel_loop3A_929 : vector<16xi1>, vector<16xf32>
          %parallel_loop3A_942 = arith.select %parallel_loop3A_940, %parallel_loop3A_933, %parallel_loop3A_930 : vector<16xi1>, vector<16xi32>
          %parallel_loop3A_943 = arith.cmpf ogt, %parallel_loop3A_941, %parallel_loop3A_938 : vector<16xf32>
          %parallel_loop3A_944 = arith.select %parallel_loop3A_943, %parallel_loop3A_941, %parallel_loop3A_938 : vector<16xi1>, vector<16xf32>
          %parallel_loop3A_945 = arith.select %parallel_loop3A_943, %parallel_loop3A_942, %parallel_loop3A_939 : vector<16xi1>, vector<16xi32>
          %parallel_loop3A_946 = arith.cmpf ogt, %parallel_loop3A_935, %parallel_loop3A_944 : vector<16xf32>
          %parallel_loop3A_947 = arith.select %parallel_loop3A_946, %parallel_loop3A_935, %parallel_loop3A_944 : vector<16xi1>, vector<16xf32>
          %parallel_loop3A_948 = arith.select %parallel_loop3A_946, %parallel_loop3A_936, %parallel_loop3A_945 : vector<16xi1>, vector<16xi32>
          %parallel_loop3A_949 = arith.constant 1 : i32
          %parallel_loop3A_950 = arith.index_cast %parallel_loop3A_949 : i32 to index
          %parallel_loop3A_951 = arith.index_cast %parallel_loop3A_717 : i32 to index
          %parallel_loop3A_952 = arith.index_cast %parallel_loop3A_723 : i32 to index
          %parallel_loop3A_953 = tpu.vector_load %arg8[%parallel_loop3A_950, %parallel_loop3A_951, %parallel_loop3A_952] {strides = array<i32>} : memref<2x8x256xi32, #tpu.memory_space<vmem>>, vector<16xi32>,
          %parallel_loop3A_954 = arith.cmpi eq, %parallel_loop3A_948, %parallel_loop3A_953 : vector<16xi32>
          tpu.vector_store_idx %arg10[%parallel_loop3A_948, %iota3A], %broadcast_in_dim3A_232 masked %parallel_loop3A_954 {add = true} : memref<19x16xi32, #tpu.memory_space<vmem>>[vector<16xi32>, vector<16xi32>], vector<16xi32>, vector<16xi1>
          %parallel_loop3A_955 = arith.constant dense<true> : vector<16xi1>
          %parallel_loop3A_956 = arith.xori %parallel_loop3A_954, %parallel_loop3A_955 : vector<16xi1>
          tpu.vector_store_idx %arg9[%parallel_loop3A_948, %iota3A], %broadcast_in_dim3A_232 masked %parallel_loop3A_956 {add = true} : memref<19x16xi32, #tpu.memory_space<vmem>>[vector<16xi32>, vector<16xi32>], vector<16xi32>, vector<16xi1>
          tpu.vector_store_idx %arg11[%parallel_loop3A_953, %iota3A], %broadcast_in_dim3A_232 {add = true} : memref<19x16xi32, #tpu.memory_space<vmem>>[vector<16xi32>, vector<16xi32>], vector<16xi32>,
        } {sc.loop_unroll_factor = 2 : i64, sc.parallel_access}
      } {sc.loop_unroll_factor = 1 : i64, sc.parallel_access}
      %mul3A_706 = arith.constant 2 : i32
      %mul3A_707 = arith.muli %mul3A_706, %scan3A_457 : i32
      %add3A_708 = arith.constant 1 : i32
      %add3A_709 = arith.addi %mul3A_707, %add3A_708 : i32
      %add3A_710 = arith.constant 2 : i32
      %add3A_711 = arith.addi %add3A_709, %add3A_710 : i32
      %lt3A_712 = arith.constant 22 : i32
      %lt3A_713 = arith.cmpi slt, %add3A_711, %lt3A_712 : i32
      %convert_element_type3A_714 = arith.extui %lt3A_713 : i1 to i32
      %cond3A_715 = arith.constant 0 : i32
      %cond3A_716 = arith.cmpi ne, %convert_element_type3A_714, %cond3A_715 : i32
      scf.if %cond3A_716 {
        %add3A_717 = arith.constant 2 : i32
        %add3A_718 = arith.addi %add3A_588, %add3A_717 : i32
        %jit3A_719 = arith.constant 128 : i32
        %div3A_720 = arith.divsi %add3A_718, %jit3A_719 : i32
        %sign3A_721 = arith.constant 0 : i32
        %sign3A_722 = arith.cmpi sgt, %add3A_718, %sign3A_721 : i32
        %sign3A_723 = arith.extui %sign3A_722 : i1 to i32
        %sign3A_724 = arith.constant 0 : i32
        %sign3A_725 = arith.cmpi slt, %add3A_718, %sign3A_724 : i32
        %sign3A_726 = arith.extui %sign3A_725 : i1 to i32
        %sign3A_727 = arith.subi %sign3A_723, %sign3A_726 : i32
        %sign3A_728 = arith.constant 0 : i32
        %sign3A_729 = arith.cmpi sgt, %jit3A_719, %sign3A_728 : i32
        %sign3A_730 = arith.extui %sign3A_729 : i1 to i32
        %sign3A_731 = arith.constant 0 : i32
        %sign3A_732 = arith.cmpi slt, %jit3A_719, %sign3A_731 : i32
        %sign3A_733 = arith.extui %sign3A_732 : i1 to i32
        %sign3A_734 = arith.subi %sign3A_730, %sign3A_733 : i32
        %ne3A_735 = arith.cmpi ne, %sign3A_727, %sign3A_734 : i32
        %rem3A_736 = arith.remsi %add3A_718, %jit3A_719 : i32
        %ne3A_737 = arith.constant 0 : i32
        %ne3A_738 = arith.cmpi ne, %rem3A_736, %ne3A_737 : i32
        %and3A_739 = arith.andi %ne3A_735, %ne3A_738 : i1
        %sub3A_740 = arith.constant 1 : i32
        %sub3A_741 = arith.subi %div3A_720, %sub3A_740 : i32
        %select_n3A_742 = arith.select %and3A_739, %sub3A_741, %div3A_720 : i32
        %jit3A_743 = arith.constant 128 : i32
        %eq3A_744 = arith.constant 0 : i32
        %eq3A_745 = arith.cmpi eq, %jit3A_743, %eq3A_744 : i32
        %jit3A_746 = arith.constant 1 : i32
        %select_n3A_747 = arith.select %eq3A_745, %jit3A_746, %jit3A_743 : i32
        %rem3A_748 = arith.remsi %add3A_718, %select_n3A_747 : i32
        %ne3A_749 = arith.constant 0 : i32
        %ne3A_750 = arith.cmpi ne, %rem3A_748, %ne3A_749 : i32
        %lt3A_751 = arith.constant 0 : i32
        %lt3A_752 = arith.cmpi slt, %rem3A_748, %lt3A_751 : i32
        %lt3A_753 = arith.constant 0 : i32
        %lt3A_754 = arith.cmpi slt, %select_n3A_747, %lt3A_753 : i32
        %ne3A_755 = arith.xori %lt3A_752, %lt3A_754 : i1
        %and3A_756 = arith.andi %ne3A_755, %ne3A_750 : i1
        %add3A_757 = arith.addi %rem3A_748, %select_n3A_747 : i32
        %select_n3A_758 = arith.select %and3A_756, %add3A_757, %rem3A_748 : i32
        %jit3A_759 = arith.constant 2 : i32
        %div3A_760 = arith.divsi %select_n3A_758, %jit3A_759 : i32
        %sign3A_761 = arith.constant 0 : i32
        %sign3A_762 = arith.cmpi sgt, %select_n3A_758, %sign3A_761 : i32
        %sign3A_763 = arith.extui %sign3A_762 : i1 to i32
        %sign3A_764 = arith.constant 0 : i32
        %sign3A_765 = arith.cmpi slt, %select_n3A_758, %sign3A_764 : i32
        %sign3A_766 = arith.extui %sign3A_765 : i1 to i32
        %sign3A_767 = arith.subi %sign3A_763, %sign3A_766 : i32
        %sign3A_768 = arith.constant 0 : i32
        %sign3A_769 = arith.cmpi sgt, %jit3A_759, %sign3A_768 : i32
        %sign3A_770 = arith.extui %sign3A_769 : i1 to i32
        %sign3A_771 = arith.constant 0 : i32
        %sign3A_772 = arith.cmpi slt, %jit3A_759, %sign3A_771 : i32
        %sign3A_773 = arith.extui %sign3A_772 : i1 to i32
        %sign3A_774 = arith.subi %sign3A_770, %sign3A_773 : i32
        %ne3A_775 = arith.cmpi ne, %sign3A_767, %sign3A_774 : i32
        %rem3A_776 = arith.remsi %select_n3A_758, %jit3A_759 : i32
        %ne3A_777 = arith.constant 0 : i32
        %ne3A_778 = arith.cmpi ne, %rem3A_776, %ne3A_777 : i32
        %and3A_779 = arith.andi %ne3A_775, %ne3A_778 : i1
        %sub3A_780 = arith.constant 1 : i32
        %sub3A_781 = arith.subi %div3A_760, %sub3A_780 : i32
        %select_n3A_782 = arith.select %and3A_779, %sub3A_781, %div3A_760 : i32
        %mul3A_783 = arith.constant 8 : i32
        %mul3A_784 = arith.muli %select_n3A_782, %mul3A_783 : i32
        %jit3A_785 = arith.constant 2 : i32
        %eq3A_786 = arith.constant 0 : i32
        %eq3A_787 = arith.cmpi eq, %jit3A_785, %eq3A_786 : i32
        %jit3A_788 = arith.constant 1 : i32
        %select_n3A_789 = arith.select %eq3A_787, %jit3A_788, %jit3A_785 : i32
        %rem3A_790 = arith.remsi %select_n3A_758, %select_n3A_789 : i32
        %ne3A_791 = arith.constant 0 : i32
        %ne3A_792 = arith.cmpi ne, %rem3A_790, %ne3A_791 : i32
        %lt3A_793 = arith.constant 0 : i32
        %lt3A_794 = arith.cmpi slt, %rem3A_790, %lt3A_793 : i32
        %lt3A_795 = arith.constant 0 : i32
        %lt3A_796 = arith.cmpi slt, %select_n3A_789, %lt3A_795 : i32
        %ne3A_797 = arith.xori %lt3A_794, %lt3A_796 : i1
        %and3A_798 = arith.andi %ne3A_797, %ne3A_792 : i1
        %add3A_799 = arith.addi %rem3A_790, %select_n3A_789 : i32
        %select_n3A_800 = arith.select %and3A_798, %add3A_799, %rem3A_790 : i32
        %mul3A_801 = arith.constant 256 : i32
        %mul3A_802 = arith.muli %select_n3A_800, %mul3A_801 : i32
        %dma_start3A_803 = arith.constant 1 : i32
        %dma_start3A_804 = arith.constant 0 : i32
        %dma_start3A_805 = arith.constant 0 : i32
        %dma_start3A_806 = arith.constant 0 : i32
        %dma_start3A_807 = tpu.memref_slice %arg7[%dma_start3A_803, %dma_start3A_804, %dma_start3A_805, %dma_start3A_806] : memref<2x19x8x256xf32, #tpu.memory_space<vmem>> -> memref<1x19x8x256xf32, #tpu.memory_space<vmem>>
        %dma_start3A_808 = tpu.memref_squeeze %dma_start3A_807 : memref<1x19x8x256xf32, #tpu.memory_space<vmem>> -> memref<19x8x256xf32, #tpu.memory_space<vmem>>
        %dma_start3A_809 = arith.constant 0 : i32
        %dma_start3A_810 = tpu.memref_slice %arg2[%select_n3A_742, %dma_start3A_809, %mul3A_784, %mul3A_802] : memref<8x19x512x512xf32, #tpu.memory_space<hbm>> -> memref<1x19x8x256xf32, #tpu.memory_space<hbm>>
        %dma_start3A_811 = tpu.memref_squeeze %dma_start3A_810 : memref<1x19x8x256xf32, #tpu.memory_space<hbm>> -> memref<19x8x256xf32, #tpu.memory_space<hbm>>
        %dma_start3A_812 = arith.constant 0 : i32
        %dma_start3A_813 = arith.constant 0 : i32
        %dma_start3A_814 = arith.constant 0 : i32
        %dma_start3A_815 = tpu.memref_slice %arg7[%dma_start3A_803, %dma_start3A_812, %dma_start3A_813, %dma_start3A_814] : memref<2x19x8x256xf32, #tpu.memory_space<vmem>> -> memref<1x19x8x256xf32, #tpu.memory_space<vmem>>
        %dma_start3A_816 = tpu.memref_squeeze %dma_start3A_815 : memref<1x19x8x256xf32, #tpu.memory_space<vmem>> -> memref<19x8x256xf32, #tpu.memory_space<vmem>>
        %dma_start3A_817 = arith.constant 0 : i32
        %dma_start3A_818 = tpu.memref_slice %arg2[%select_n3A_742, %dma_start3A_817, %mul3A_784, %mul3A_802] : memref<8x19x512x512xf32, #tpu.memory_space<hbm>> -> memref<1x19x8x256xf32, #tpu.memory_space<hbm>>
        %dma_start3A_819 = tpu.memref_squeeze %dma_start3A_818 : memref<1x19x8x256xf32, #tpu.memory_space<hbm>> -> memref<19x8x256xf32, #tpu.memory_space<hbm>>
        tpu.enqueue_dma source(%dma_start3A_819 : memref<19x8x256xf32, #tpu.memory_space<hbm>>) target(%dma_start3A_816 : memref<19x8x256xf32, #tpu.memory_space<vmem>>) target_semaphore(%arg13 : memref<!tpu.dma_semaphore, #tpu.memory_space<semaphore_mem>>)
        %dma_start3A_820 = arith.constant 1 : i32
        %dma_start3A_821 = arith.constant 0 : i32
        %dma_start3A_822 = arith.constant 0 : i32
        %dma_start3A_823 = tpu.memref_slice %arg8[%dma_start3A_820, %dma_start3A_821, %dma_start3A_822] : memref<2x8x256xi32, #tpu.memory_space<vmem>> -> memref<1x8x256xi32, #tpu.memory_space<vmem>>
        %dma_start3A_824 = tpu.memref_squeeze %dma_start3A_823 : memref<1x8x256xi32, #tpu.memory_space<vmem>> -> memref<8x256xi32, #tpu.memory_space<vmem>>
        %dma_start3A_825 = tpu.memref_slice %arg3[%select_n3A_742, %mul3A_784, %mul3A_802] : memref<8x512x512xi32, #tpu.memory_space<hbm>> -> memref<1x8x256xi32, #tpu.memory_space<hbm>>
        %dma_start3A_826 = tpu.memref_squeeze %dma_start3A_825 : memref<1x8x256xi32, #tpu.memory_space<hbm>> -> memref<8x256xi32, #tpu.memory_space<hbm>>
        %dma_start3A_827 = arith.constant 0 : i32
        %dma_start3A_828 = arith.constant 0 : i32
        %dma_start3A_829 = tpu.memref_slice %arg8[%dma_start3A_820, %dma_start3A_827, %dma_start3A_828] : memref<2x8x256xi32, #tpu.memory_space<vmem>> -> memref<1x8x256xi32, #tpu.memory_space<vmem>>
        %dma_start3A_830 = tpu.memref_squeeze %dma_start3A_829 : memref<1x8x256xi32, #tpu.memory_space<vmem>> -> memref<8x256xi32, #tpu.memory_space<vmem>>
        %dma_start3A_831 = tpu.memref_slice %arg3[%select_n3A_742, %mul3A_784, %mul3A_802] : memref<8x512x512xi32, #tpu.memory_space<hbm>> -> memref<1x8x256xi32, #tpu.memory_space<hbm>>
        %dma_start3A_832 = tpu.memref_squeeze %dma_start3A_831 : memref<1x8x256xi32, #tpu.memory_space<hbm>> -> memref<8x256xi32, #tpu.memory_space<hbm>>
        tpu.enqueue_dma source(%dma_start3A_832 : memref<8x256xi32, #tpu.memory_space<hbm>>) target(%dma_start3A_830 : memref<8x256xi32, #tpu.memory_space<vmem>>) target_semaphore(%arg13 : memref<!tpu.dma_semaphore, #tpu.memory_space<semaphore_mem>>)
      } else {
      }
    }
    %scan3A_456 = arith.constant 11 : i32
    "tpu.region"() ({
      %run_scoped3A = tpu.sem_alloc : memref<!tpu.dma_semaphore, #tpu.memory_space<semaphore_mem>>
      %dma_start3A_457 = arith.constant 0 : i32
      %dma_start3A_458 = arith.constant 0 : i32
      %dma_start3A_459 = tpu.memref_slice %arg4[%add3A, %dma_start3A_457, %dma_start3A_458] : memref<32x19x16xi32, #tpu.memory_space<hbm>> -> memref<1x19x16xi32, #tpu.memory_space<hbm>>
      %dma_start3A_460 = tpu.memref_squeeze %dma_start3A_459 : memref<1x19x16xi32, #tpu.memory_space<hbm>> -> memref<19x16xi32, #tpu.memory_space<hbm>>
      %dma_start3A_461 = arith.constant 0 : i32
      %dma_start3A_462 = arith.constant 0 : i32
      %dma_start3A_463 = tpu.memref_slice %arg4[%add3A, %dma_start3A_461, %dma_start3A_462] : memref<32x19x16xi32, #tpu.memory_space<hbm>> -> memref<1x19x16xi32, #tpu.memory_space<hbm>>
      %dma_start3A_464 = tpu.memref_squeeze %dma_start3A_463 : memref<1x19x16xi32, #tpu.memory_space<hbm>> -> memref<19x16xi32, #tpu.memory_space<hbm>>
      tpu.enqueue_dma source(%arg9 : memref<19x16xi32, #tpu.memory_space<vmem>>) target(%dma_start3A_464 : memref<19x16xi32, #tpu.memory_space<hbm>>) target_semaphore(%run_scoped3A : memref<!tpu.dma_semaphore, #tpu.memory_space<semaphore_mem>>)
      %dma_wait3A = arith.constant 0 : i32
      %dma_wait3A_465 = arith.constant 0 : i32
      %dma_wait3A_466 = tpu.memref_slice %arg4[%add3A, %dma_wait3A, %dma_wait3A_465] : memref<32x19x16xi32, #tpu.memory_space<hbm>> -> memref<1x19x16xi32, #tpu.memory_space<hbm>>
      %dma_wait3A_467 = tpu.memref_squeeze %dma_wait3A_466 : memref<1x19x16xi32, #tpu.memory_space<hbm>> -> memref<19x16xi32, #tpu.memory_space<hbm>>
      %dma_wait3A_468 = arith.constant 0 : i32
      %dma_wait3A_469 = arith.constant 0 : i32
      %dma_wait3A_470 = tpu.memref_slice %arg4[%add3A, %dma_wait3A_468, %dma_wait3A_469] : memref<32x19x16xi32, #tpu.memory_space<hbm>> -> memref<1x19x16xi32, #tpu.memory_space<hbm>>
      %dma_wait3A_471 = tpu.memref_squeeze %dma_wait3A_470 : memref<1x19x16xi32, #tpu.memory_space<hbm>> -> memref<19x16xi32, #tpu.memory_space<hbm>>
      tpu.wait_dma2 semaphore(%run_scoped3A : memref<!tpu.dma_semaphore, #tpu.memory_space<semaphore_mem>>) src(%arg9 : memref<19x16xi32, #tpu.memory_space<vmem>>) dst(%dma_wait3A_471 : memref<19x16xi32, #tpu.memory_space<hbm>>)
      tpu.yield
    }) : () -> ()
    "tpu.region"() ({
      %run_scoped3A = tpu.sem_alloc : memref<!tpu.dma_semaphore, #tpu.memory_space<semaphore_mem>>
      %dma_start3A_457 = arith.constant 0 : i32
      %dma_start3A_458 = arith.constant 0 : i32
      %dma_start3A_459 = tpu.memref_slice %arg5[%add3A, %dma_start3A_457, %dma_start3A_458] : memref<32x19x16xi32, #tpu.memory_space<hbm>> -> memref<1x19x16xi32, #tpu.memory_space<hbm>>
      %dma_start3A_460 = tpu.memref_squeeze %dma_start3A_459 : memref<1x19x16xi32, #tpu.memory_space<hbm>> -> memref<19x16xi32, #tpu.memory_space<hbm>>
      %dma_start3A_461 = arith.constant 0 : i32
      %dma_start3A_462 = arith.constant 0 : i32
      %dma_start3A_463 = tpu.memref_slice %arg5[%add3A, %dma_start3A_461, %dma_start3A_462] : memref<32x19x16xi32, #tpu.memory_space<hbm>> -> memref<1x19x16xi32, #tpu.memory_space<hbm>>
      %dma_start3A_464 = tpu.memref_squeeze %dma_start3A_463 : memref<1x19x16xi32, #tpu.memory_space<hbm>> -> memref<19x16xi32, #tpu.memory_space<hbm>>
      tpu.enqueue_dma source(%arg10 : memref<19x16xi32, #tpu.memory_space<vmem>>) target(%dma_start3A_464 : memref<19x16xi32, #tpu.memory_space<hbm>>) target_semaphore(%run_scoped3A : memref<!tpu.dma_semaphore, #tpu.memory_space<semaphore_mem>>)
      %dma_wait3A = arith.constant 0 : i32
      %dma_wait3A_465 = arith.constant 0 : i32
      %dma_wait3A_466 = tpu.memref_slice %arg5[%add3A, %dma_wait3A, %dma_wait3A_465] : memref<32x19x16xi32, #tpu.memory_space<hbm>> -> memref<1x19x16xi32, #tpu.memory_space<hbm>>
      %dma_wait3A_467 = tpu.memref_squeeze %dma_wait3A_466 : memref<1x19x16xi32, #tpu.memory_space<hbm>> -> memref<19x16xi32, #tpu.memory_space<hbm>>
      %dma_wait3A_468 = arith.constant 0 : i32
      %dma_wait3A_469 = arith.constant 0 : i32
      %dma_wait3A_470 = tpu.memref_slice %arg5[%add3A, %dma_wait3A_468, %dma_wait3A_469] : memref<32x19x16xi32, #tpu.memory_space<hbm>> -> memref<1x19x16xi32, #tpu.memory_space<hbm>>
      %dma_wait3A_471 = tpu.memref_squeeze %dma_wait3A_470 : memref<1x19x16xi32, #tpu.memory_space<hbm>> -> memref<19x16xi32, #tpu.memory_space<hbm>>
      tpu.wait_dma2 semaphore(%run_scoped3A : memref<!tpu.dma_semaphore, #tpu.memory_space<semaphore_mem>>) src(%arg10 : memref<19x16xi32, #tpu.memory_space<vmem>>) dst(%dma_wait3A_471 : memref<19x16xi32, #tpu.memory_space<hbm>>)
      tpu.yield
    }) : () -> ()
    "tpu.region"() ({
      %run_scoped3A = tpu.sem_alloc : memref<!tpu.dma_semaphore, #tpu.memory_space<semaphore_mem>>
      %dma_start3A_457 = arith.constant 0 : i32
      %dma_start3A_458 = arith.constant 0 : i32
      %dma_start3A_459 = tpu.memref_slice %arg6[%add3A, %dma_start3A_457, %dma_start3A_458] : memref<32x19x16xi32, #tpu.memory_space<hbm>> -> memref<1x19x16xi32, #tpu.memory_space<hbm>>
      %dma_start3A_460 = tpu.memref_squeeze %dma_start3A_459 : memref<1x19x16xi32, #tpu.memory_space<hbm>> -> memref<19x16xi32, #tpu.memory_space<hbm>>
      %dma_start3A_461 = arith.constant 0 : i32
      %dma_start3A_462 = arith.constant 0 : i32
      %dma_start3A_463 = tpu.memref_slice %arg6[%add3A, %dma_start3A_461, %dma_start3A_462] : memref<32x19x16xi32, #tpu.memory_space<hbm>> -> memref<1x19x16xi32, #tpu.memory_space<hbm>>
      %dma_start3A_464 = tpu.memref_squeeze %dma_start3A_463 : memref<1x19x16xi32, #tpu.memory_space<hbm>> -> memref<19x16xi32, #tpu.memory_space<hbm>>
      tpu.enqueue_dma source(%arg11 : memref<19x16xi32, #tpu.memory_space<vmem>>) target(%dma_start3A_464 : memref<19x16xi32, #tpu.memory_space<hbm>>) target_semaphore(%run_scoped3A : memref<!tpu.dma_semaphore, #tpu.memory_space<semaphore_mem>>)
      %dma_wait3A = arith.constant 0 : i32
      %dma_wait3A_465 = arith.constant 0 : i32
      %dma_wait3A_466 = tpu.memref_slice %arg6[%add3A, %dma_wait3A, %dma_wait3A_465] : memref<32x19x16xi32, #tpu.memory_space<hbm>> -> memref<1x19x16xi32, #tpu.memory_space<hbm>>
      %dma_wait3A_467 = tpu.memref_squeeze %dma_wait3A_466 : memref<1x19x16xi32, #tpu.memory_space<hbm>> -> memref<19x16xi32, #tpu.memory_space<hbm>>
      %dma_wait3A_468 = arith.constant 0 : i32
      %dma_wait3A_469 = arith.constant 0 : i32
      %dma_wait3A_470 = tpu.memref_slice %arg6[%add3A, %dma_wait3A_468, %dma_wait3A_469] : memref<32x19x16xi32, #tpu.memory_space<hbm>> -> memref<1x19x16xi32, #tpu.memory_space<hbm>>
      %dma_wait3A_471 = tpu.memref_squeeze %dma_wait3A_470 : memref<1x19x16xi32, #tpu.memory_space<hbm>> -> memref<19x16xi32, #tpu.memory_space<hbm>>
      tpu.wait_dma2 semaphore(%run_scoped3A : memref<!tpu.dma_semaphore, #tpu.memory_space<semaphore_mem>>) src(%arg11 : memref<19x16xi32, #tpu.memory_space<vmem>>) dst(%dma_wait3A_471 : memref<19x16xi32, #tpu.memory_space<hbm>>)
      tpu.yield
    }) : () -> ()
    return
  }
}

module attributes {stable_mosaic.version = 14 : i64} {
  func.func @_combine_body(%arg0: memref<32x19x16xi32, #tpu.memory_space<vmem>>, %arg1: memref<32x19x16xi32, #tpu.memory_space<vmem>>, %arg2: memref<32x19x16xi32, #tpu.memory_space<vmem>>, %arg3: memref<3x19xf32, #tpu.memory_space<vmem>>, %arg4: memref<1x1xf32, #tpu.memory_space<smem>>) attributes {dimension_semantics = [], scalar_prefetch = 0 : i64, scratch_operands = 0 : i64, tpu.core_type = #tpu.core_type<tc>} {
    %get3A = arith.constant 0 : index
    %get3A_0 = arith.constant 0 : index
    %get3A_1 = arith.constant 0 : index
    %get3A_2 = vector.load %arg0[%get3A, %get3A_0, %get3A_1] : memref<32x19x16xi32, #tpu.memory_space<vmem>>, vector<32x19x16xi32>
    %convert_element_type3A = arith.sitofp %get3A_2 : vector<32x19x16xi32> to vector<32x19x16xf32>
    %reduce_sum3A = arith.constant dense<0.000000e+00> : vector<19xf32>
    %reduce_sum3A_3 = vector.multi_reduction <add>, %convert_element_type3A, %reduce_sum3A [0, 2] : vector<32x19x16xf32> to vector<19xf32>
    %get3A_4 = arith.constant 0 : index
    %get3A_5 = arith.constant 0 : index
    %get3A_6 = vector.load %arg3[%get3A_4, %get3A_5] : memref<3x19xf32, #tpu.memory_space<vmem>>, vector<1x19xf32>
    %get3A_7 = vector.shape_cast %get3A_6 : vector<1x19xf32> to vector<19xf32>
    %add3A = arith.addf %reduce_sum3A_3, %get3A_7 : vector<19xf32>
    %get3A_8 = arith.constant 0 : index
    %get3A_9 = arith.constant 0 : index
    %get3A_10 = arith.constant 0 : index
    %get3A_11 = vector.load %arg1[%get3A_8, %get3A_9, %get3A_10] : memref<32x19x16xi32, #tpu.memory_space<vmem>>, vector<32x19x16xi32>
    %convert_element_type3A_12 = arith.sitofp %get3A_11 : vector<32x19x16xi32> to vector<32x19x16xf32>
    %reduce_sum3A_13 = arith.constant dense<0.000000e+00> : vector<19xf32>
    %reduce_sum3A_14 = vector.multi_reduction <add>, %convert_element_type3A_12, %reduce_sum3A_13 [0, 2] : vector<32x19x16xf32> to vector<19xf32>
    %get3A_15 = arith.constant 1 : index
    %get3A_16 = arith.constant 0 : index
    %get3A_17 = vector.load %arg3[%get3A_15, %get3A_16] : memref<3x19xf32, #tpu.memory_space<vmem>>, vector<1x19xf32>
    %get3A_18 = vector.shape_cast %get3A_17 : vector<1x19xf32> to vector<19xf32>
    %add3A_19 = arith.addf %reduce_sum3A_14, %get3A_18 : vector<19xf32>
    %get3A_20 = arith.constant 0 : index
    %get3A_21 = arith.constant 0 : index
    %get3A_22 = arith.constant 0 : index
    %get3A_23 = vector.load %arg2[%get3A_20, %get3A_21, %get3A_22] : memref<32x19x16xi32, #tpu.memory_space<vmem>>, vector<32x19x16xi32>
    %convert_element_type3A_24 = arith.sitofp %get3A_23 : vector<32x19x16xi32> to vector<32x19x16xf32>
    %reduce_sum3A_25 = arith.constant dense<0.000000e+00> : vector<19xf32>
    %reduce_sum3A_26 = vector.multi_reduction <add>, %convert_element_type3A_24, %reduce_sum3A_25 [0, 2] : vector<32x19x16xf32> to vector<19xf32>
    %get3A_27 = arith.constant 2 : index
    %get3A_28 = arith.constant 0 : index
    %get3A_29 = vector.load %arg3[%get3A_27, %get3A_28] : memref<3x19xf32, #tpu.memory_space<vmem>>, vector<1x19xf32>
    %get3A_30 = vector.shape_cast %get3A_29 : vector<1x19xf32> to vector<19xf32>
    %add3A_31 = arith.addf %reduce_sum3A_26, %get3A_30 : vector<19xf32>
    %add3A_32 = arith.addf %add3A, %add3A_19 : vector<19xf32>
    %add3A_33 = arith.addf %add3A_32, %add3A_31 : vector<19xf32>
    %sub3A = arith.subf %add3A_33, %add3A_19 : vector<19xf32>
    %add3A_34 = arith.constant 1.000000e-16 : f32
    %add3A_35 = vector.broadcast %add3A_34 : f32 to vector<19xf32>
    %add3A_36 = arith.addf %sub3A, %add3A_35 : vector<19xf32>
    %div3A = arith.divf %add3A_19, %add3A_36 : vector<19xf32>
    %reduce_sum3A_37 = vector.shape_cast %div3A : vector<19xf32> to vector<1x19xf32>
    %reduce_sum3A_38 = arith.constant dense<0.000000e+00> : vector<1xf32>
    %reduce_sum3A_39 = vector.multi_reduction <add>, %reduce_sum3A_37, %reduce_sum3A_38 [1] : vector<1x19xf32> to vector<1xf32>
    %reduce_sum3A_40 = vector.shape_cast %reduce_sum3A_39 : vector<1xf32> to vector<1x1xf32>
    %reduce_sum3A_41 = vector.extract %reduce_sum3A_40[0, 0] : f32 from vector<1x1xf32>
    %div3A_42 = arith.constant 1.900000e+01 : f32
    %div3A_43 = arith.divf %reduce_sum3A_41, %div3A_42 : f32
    %swap3A = arith.constant 0 : index
    %swap3A_44 = arith.constant 0 : index
    %swap3A_45 = memref.load %arg4[%swap3A, %swap3A_44] : memref<1x1xf32, #tpu.memory_space<smem>>
    memref.store %div3A_43, %arg4[%swap3A, %swap3A_44] : memref<1x1xf32, #tpu.memory_space<smem>>
    return
  }
}

module attributes {stable_mosaic.version = 14 : i64} {
  func.func @_tc_count_body(%arg0: i32, %arg1: memref<1x19x16x512xf32, #tpu.memory_space<vmem>>, %arg2: memref<1x16x512xi32, #tpu.memory_space<vmem>>, %arg3: memref<3x19xf32, #tpu.memory_space<vmem>>, %arg4: memref<3x19x16x128xf32, #tpu.memory_space<vmem>>) attributes {dimension_semantics = [#tpu.dimension_semantics<arbitrary>], iteration_bounds = array<i64: 80>, scalar_prefetch = 0 : i64, scratch_operands = 1 : i64, tpu.core_type = #tpu.core_type<tc>, window_params = [{transform_indices = @transform_0, window_bounds = array<i64: 1, 19, 16, 512>}, {transform_indices = @transform_1, window_bounds = array<i64: 1, 16, 512>}, {pipeline_mode = #tpu.pipeline_mode<synchronous>, transform_indices = @transform_2, window_bounds = array<i64: 3, 19>}]} {
    %eq3A = arith.constant 0 : i32
    %eq3A_0 = arith.cmpi eq, %arg0, %eq3A : i32
    %convert_element_type3A = arith.extui %eq3A_0 : i1 to i32
    %cond3A = arith.constant 0 : i32
    %cond3A_1 = arith.cmpi ne, %convert_element_type3A, %cond3A : i32
    scf.if %cond3A_1 {
      %broadcast_in_dim3A_1580 = arith.constant 0.000000e+00 : f32
      %broadcast_in_dim3A_1581 = vector.broadcast %broadcast_in_dim3A_1580 : f32 to vector<3x19x16x128xf32>
      %swap3A_1582 = arith.constant 0 : index
      %swap3A_1583 = arith.constant 0 : index
      %swap3A_1584 = arith.constant 0 : index
      %swap3A_1585 = arith.constant 0 : index
      %swap3A_1586 = vector.load %arg4[%swap3A_1582, %swap3A_1583, %swap3A_1584, %swap3A_1585] : memref<3x19x16x128xf32, #tpu.memory_space<vmem>>, vector<3x19x16x128xf32>
      tpu.vector_store %arg4[%swap3A_1582, %swap3A_1583, %swap3A_1584, %swap3A_1585], %broadcast_in_dim3A_1581 {strides = array<i32>} : memref<3x19x16x128xf32, #tpu.memory_space<vmem>>, vector<3x19x16x128xf32>,
    } else {
    }
    %get3A = arith.constant 0 : index
    %get3A_2 = arith.constant 0 : index
    %get3A_3 = arith.constant 0 : index
    %get3A_4 = arith.constant 0 : index
    %get3A_5 = vector.load %arg1[%get3A, %get3A_2, %get3A_3, %get3A_4] : memref<1x19x16x512xf32, #tpu.memory_space<vmem>>, vector<1x19x16x512xf32>
    %get3A_6 = vector.shape_cast %get3A_5 : vector<1x19x16x512xf32> to vector<19x16x512xf32>
    %get3A_7 = arith.constant 0 : index
    %get3A_8 = arith.constant 0 : index
    %get3A_9 = arith.constant 0 : index
    %get3A_10 = vector.load %arg2[%get3A_7, %get3A_8, %get3A_9] : memref<1x16x512xi32, #tpu.memory_space<vmem>>, vector<1x16x512xi32>
    %get3A_11 = vector.shape_cast %get3A_10 : vector<1x16x512xi32> to vector<16x512xi32>
    %slice3A = vector.extract_strided_slice %get3A_6 {offsets = [0, 0, 0], sizes = [1, 16, 512], strides = [1, 1, 1]} : vector<19x16x512xf32> to vector<1x16x512xf32>
    %squeeze3A = vector.shape_cast %slice3A : vector<1x16x512xf32> to vector<16x512xf32>
    %slice3A_12 = vector.extract_strided_slice %get3A_6 {offsets = [1, 0, 0], sizes = [1, 16, 512], strides = [1, 1, 1]} : vector<19x16x512xf32> to vector<1x16x512xf32>
    %squeeze3A_13 = vector.shape_cast %slice3A_12 : vector<1x16x512xf32> to vector<16x512xf32>
    %max3A = arith.maximumf %squeeze3A, %squeeze3A_13 : vector<16x512xf32>
    %slice3A_14 = vector.extract_strided_slice %get3A_6 {offsets = [2, 0, 0], sizes = [1, 16, 512], strides = [1, 1, 1]} : vector<19x16x512xf32> to vector<1x16x512xf32>
    %squeeze3A_15 = vector.shape_cast %slice3A_14 : vector<1x16x512xf32> to vector<16x512xf32>
    %max3A_16 = arith.maximumf %max3A, %squeeze3A_15 : vector<16x512xf32>
    %slice3A_17 = vector.extract_strided_slice %get3A_6 {offsets = [3, 0, 0], sizes = [1, 16, 512], strides = [1, 1, 1]} : vector<19x16x512xf32> to vector<1x16x512xf32>
    %squeeze3A_18 = vector.shape_cast %slice3A_17 : vector<1x16x512xf32> to vector<16x512xf32>
    %max3A_19 = arith.maximumf %max3A_16, %squeeze3A_18 : vector<16x512xf32>
    %slice3A_20 = vector.extract_strided_slice %get3A_6 {offsets = [4, 0, 0], sizes = [1, 16, 512], strides = [1, 1, 1]} : vector<19x16x512xf32> to vector<1x16x512xf32>
    %squeeze3A_21 = vector.shape_cast %slice3A_20 : vector<1x16x512xf32> to vector<16x512xf32>
    %max3A_22 = arith.maximumf %max3A_19, %squeeze3A_21 : vector<16x512xf32>
    %slice3A_23 = vector.extract_strided_slice %get3A_6 {offsets = [5, 0, 0], sizes = [1, 16, 512], strides = [1, 1, 1]} : vector<19x16x512xf32> to vector<1x16x512xf32>
    %squeeze3A_24 = vector.shape_cast %slice3A_23 : vector<1x16x512xf32> to vector<16x512xf32>
    %max3A_25 = arith.maximumf %max3A_22, %squeeze3A_24 : vector<16x512xf32>
    %slice3A_26 = vector.extract_strided_slice %get3A_6 {offsets = [6, 0, 0], sizes = [1, 16, 512], strides = [1, 1, 1]} : vector<19x16x512xf32> to vector<1x16x512xf32>
    %squeeze3A_27 = vector.shape_cast %slice3A_26 : vector<1x16x512xf32> to vector<16x512xf32>
    %max3A_28 = arith.maximumf %max3A_25, %squeeze3A_27 : vector<16x512xf32>
    %slice3A_29 = vector.extract_strided_slice %get3A_6 {offsets = [7, 0, 0], sizes = [1, 16, 512], strides = [1, 1, 1]} : vector<19x16x512xf32> to vector<1x16x512xf32>
    %squeeze3A_30 = vector.shape_cast %slice3A_29 : vector<1x16x512xf32> to vector<16x512xf32>
    %max3A_31 = arith.maximumf %max3A_28, %squeeze3A_30 : vector<16x512xf32>
    %slice3A_32 = vector.extract_strided_slice %get3A_6 {offsets = [8, 0, 0], sizes = [1, 16, 512], strides = [1, 1, 1]} : vector<19x16x512xf32> to vector<1x16x512xf32>
    %squeeze3A_33 = vector.shape_cast %slice3A_32 : vector<1x16x512xf32> to vector<16x512xf32>
    %max3A_34 = arith.maximumf %max3A_31, %squeeze3A_33 : vector<16x512xf32>
    %slice3A_35 = vector.extract_strided_slice %get3A_6 {offsets = [9, 0, 0], sizes = [1, 16, 512], strides = [1, 1, 1]} : vector<19x16x512xf32> to vector<1x16x512xf32>
    %squeeze3A_36 = vector.shape_cast %slice3A_35 : vector<1x16x512xf32> to vector<16x512xf32>
    %max3A_37 = arith.maximumf %max3A_34, %squeeze3A_36 : vector<16x512xf32>
    %slice3A_38 = vector.extract_strided_slice %get3A_6 {offsets = [10, 0, 0], sizes = [1, 16, 512], strides = [1, 1, 1]} : vector<19x16x512xf32> to vector<1x16x512xf32>
    %squeeze3A_39 = vector.shape_cast %slice3A_38 : vector<1x16x512xf32> to vector<16x512xf32>
    %max3A_40 = arith.maximumf %max3A_37, %squeeze3A_39 : vector<16x512xf32>
    %slice3A_41 = vector.extract_strided_slice %get3A_6 {offsets = [11, 0, 0], sizes = [1, 16, 512], strides = [1, 1, 1]} : vector<19x16x512xf32> to vector<1x16x512xf32>
    %squeeze3A_42 = vector.shape_cast %slice3A_41 : vector<1x16x512xf32> to vector<16x512xf32>
    %max3A_43 = arith.maximumf %max3A_40, %squeeze3A_42 : vector<16x512xf32>
    %slice3A_44 = vector.extract_strided_slice %get3A_6 {offsets = [12, 0, 0], sizes = [1, 16, 512], strides = [1, 1, 1]} : vector<19x16x512xf32> to vector<1x16x512xf32>
    %squeeze3A_45 = vector.shape_cast %slice3A_44 : vector<1x16x512xf32> to vector<16x512xf32>
    %max3A_46 = arith.maximumf %max3A_43, %squeeze3A_45 : vector<16x512xf32>
    %slice3A_47 = vector.extract_strided_slice %get3A_6 {offsets = [13, 0, 0], sizes = [1, 16, 512], strides = [1, 1, 1]} : vector<19x16x512xf32> to vector<1x16x512xf32>
    %squeeze3A_48 = vector.shape_cast %slice3A_47 : vector<1x16x512xf32> to vector<16x512xf32>
    %max3A_49 = arith.maximumf %max3A_46, %squeeze3A_48 : vector<16x512xf32>
    %slice3A_50 = vector.extract_strided_slice %get3A_6 {offsets = [14, 0, 0], sizes = [1, 16, 512], strides = [1, 1, 1]} : vector<19x16x512xf32> to vector<1x16x512xf32>
    %squeeze3A_51 = vector.shape_cast %slice3A_50 : vector<1x16x512xf32> to vector<16x512xf32>
    %max3A_52 = arith.maximumf %max3A_49, %squeeze3A_51 : vector<16x512xf32>
    %slice3A_53 = vector.extract_strided_slice %get3A_6 {offsets = [15, 0, 0], sizes = [1, 16, 512], strides = [1, 1, 1]} : vector<19x16x512xf32> to vector<1x16x512xf32>
    %squeeze3A_54 = vector.shape_cast %slice3A_53 : vector<1x16x512xf32> to vector<16x512xf32>
    %max3A_55 = arith.maximumf %max3A_52, %squeeze3A_54 : vector<16x512xf32>
    %slice3A_56 = vector.extract_strided_slice %get3A_6 {offsets = [16, 0, 0], sizes = [1, 16, 512], strides = [1, 1, 1]} : vector<19x16x512xf32> to vector<1x16x512xf32>
    %squeeze3A_57 = vector.shape_cast %slice3A_56 : vector<1x16x512xf32> to vector<16x512xf32>
    %max3A_58 = arith.maximumf %max3A_55, %squeeze3A_57 : vector<16x512xf32>
    %slice3A_59 = vector.extract_strided_slice %get3A_6 {offsets = [17, 0, 0], sizes = [1, 16, 512], strides = [1, 1, 1]} : vector<19x16x512xf32> to vector<1x16x512xf32>
    %squeeze3A_60 = vector.shape_cast %slice3A_59 : vector<1x16x512xf32> to vector<16x512xf32>
    %max3A_61 = arith.maximumf %max3A_58, %squeeze3A_60 : vector<16x512xf32>
    %slice3A_62 = vector.extract_strided_slice %get3A_6 {offsets = [18, 0, 0], sizes = [1, 16, 512], strides = [1, 1, 1]} : vector<19x16x512xf32> to vector<1x16x512xf32>
    %squeeze3A_63 = vector.shape_cast %slice3A_62 : vector<1x16x512xf32> to vector<16x512xf32>
    %max3A_64 = arith.maximumf %max3A_61, %squeeze3A_63 : vector<16x512xf32>
    %broadcast_in_dim3A = arith.constant 18 : i32
    %broadcast_in_dim3A_65 = vector.broadcast %broadcast_in_dim3A : i32 to vector<16x512xi32>
    %slice3A_66 = vector.extract_strided_slice %get3A_6 {offsets = [17, 0, 0], sizes = [1, 16, 512], strides = [1, 1, 1]} : vector<19x16x512xf32> to vector<1x16x512xf32>
    %squeeze3A_67 = vector.shape_cast %slice3A_66 : vector<1x16x512xf32> to vector<16x512xf32>
    %eq3A_68 = arith.cmpf oeq, %squeeze3A_67, %max3A_64 : vector<16x512xf32>
    %jit3A = arith.constant 17 : i32
    %broadcast_in_dim3A_69 = vector.broadcast %jit3A : i32 to vector<16x512xi32>
    %select_n3A = arith.select %eq3A_68, %broadcast_in_dim3A_69, %broadcast_in_dim3A_65 : vector<16x512xi1>, vector<16x512xi32>
    %slice3A_70 = vector.extract_strided_slice %get3A_6 {offsets = [16, 0, 0], sizes = [1, 16, 512], strides = [1, 1, 1]} : vector<19x16x512xf32> to vector<1x16x512xf32>
    %squeeze3A_71 = vector.shape_cast %slice3A_70 : vector<1x16x512xf32> to vector<16x512xf32>
    %eq3A_72 = arith.cmpf oeq, %squeeze3A_71, %max3A_64 : vector<16x512xf32>
    %jit3A_73 = arith.constant 16 : i32
    %broadcast_in_dim3A_74 = vector.broadcast %jit3A_73 : i32 to vector<16x512xi32>
    %select_n3A_75 = arith.select %eq3A_72, %broadcast_in_dim3A_74, %select_n3A : vector<16x512xi1>, vector<16x512xi32>
    %slice3A_76 = vector.extract_strided_slice %get3A_6 {offsets = [15, 0, 0], sizes = [1, 16, 512], strides = [1, 1, 1]} : vector<19x16x512xf32> to vector<1x16x512xf32>
    %squeeze3A_77 = vector.shape_cast %slice3A_76 : vector<1x16x512xf32> to vector<16x512xf32>
    %eq3A_78 = arith.cmpf oeq, %squeeze3A_77, %max3A_64 : vector<16x512xf32>
    %jit3A_79 = arith.constant 15 : i32
    %broadcast_in_dim3A_80 = vector.broadcast %jit3A_79 : i32 to vector<16x512xi32>
    %select_n3A_81 = arith.select %eq3A_78, %broadcast_in_dim3A_80, %select_n3A_75 : vector<16x512xi1>, vector<16x512xi32>
    %slice3A_82 = vector.extract_strided_slice %get3A_6 {offsets = [14, 0, 0], sizes = [1, 16, 512], strides = [1, 1, 1]} : vector<19x16x512xf32> to vector<1x16x512xf32>
    %squeeze3A_83 = vector.shape_cast %slice3A_82 : vector<1x16x512xf32> to vector<16x512xf32>
    %eq3A_84 = arith.cmpf oeq, %squeeze3A_83, %max3A_64 : vector<16x512xf32>
    %jit3A_85 = arith.constant 14 : i32
    %broadcast_in_dim3A_86 = vector.broadcast %jit3A_85 : i32 to vector<16x512xi32>
    %select_n3A_87 = arith.select %eq3A_84, %broadcast_in_dim3A_86, %select_n3A_81 : vector<16x512xi1>, vector<16x512xi32>
    %slice3A_88 = vector.extract_strided_slice %get3A_6 {offsets = [13, 0, 0], sizes = [1, 16, 512], strides = [1, 1, 1]} : vector<19x16x512xf32> to vector<1x16x512xf32>
    %squeeze3A_89 = vector.shape_cast %slice3A_88 : vector<1x16x512xf32> to vector<16x512xf32>
    %eq3A_90 = arith.cmpf oeq, %squeeze3A_89, %max3A_64 : vector<16x512xf32>
    %jit3A_91 = arith.constant 13 : i32
    %broadcast_in_dim3A_92 = vector.broadcast %jit3A_91 : i32 to vector<16x512xi32>
    %select_n3A_93 = arith.select %eq3A_90, %broadcast_in_dim3A_92, %select_n3A_87 : vector<16x512xi1>, vector<16x512xi32>
    %slice3A_94 = vector.extract_strided_slice %get3A_6 {offsets = [12, 0, 0], sizes = [1, 16, 512], strides = [1, 1, 1]} : vector<19x16x512xf32> to vector<1x16x512xf32>
    %squeeze3A_95 = vector.shape_cast %slice3A_94 : vector<1x16x512xf32> to vector<16x512xf32>
    %eq3A_96 = arith.cmpf oeq, %squeeze3A_95, %max3A_64 : vector<16x512xf32>
    %jit3A_97 = arith.constant 12 : i32
    %broadcast_in_dim3A_98 = vector.broadcast %jit3A_97 : i32 to vector<16x512xi32>
    %select_n3A_99 = arith.select %eq3A_96, %broadcast_in_dim3A_98, %select_n3A_93 : vector<16x512xi1>, vector<16x512xi32>
    %slice3A_100 = vector.extract_strided_slice %get3A_6 {offsets = [11, 0, 0], sizes = [1, 16, 512], strides = [1, 1, 1]} : vector<19x16x512xf32> to vector<1x16x512xf32>
    %squeeze3A_101 = vector.shape_cast %slice3A_100 : vector<1x16x512xf32> to vector<16x512xf32>
    %eq3A_102 = arith.cmpf oeq, %squeeze3A_101, %max3A_64 : vector<16x512xf32>
    %jit3A_103 = arith.constant 11 : i32
    %broadcast_in_dim3A_104 = vector.broadcast %jit3A_103 : i32 to vector<16x512xi32>
    %select_n3A_105 = arith.select %eq3A_102, %broadcast_in_dim3A_104, %select_n3A_99 : vector<16x512xi1>, vector<16x512xi32>
    %slice3A_106 = vector.extract_strided_slice %get3A_6 {offsets = [10, 0, 0], sizes = [1, 16, 512], strides = [1, 1, 1]} : vector<19x16x512xf32> to vector<1x16x512xf32>
    %squeeze3A_107 = vector.shape_cast %slice3A_106 : vector<1x16x512xf32> to vector<16x512xf32>
    %eq3A_108 = arith.cmpf oeq, %squeeze3A_107, %max3A_64 : vector<16x512xf32>
    %jit3A_109 = arith.constant 10 : i32
    %broadcast_in_dim3A_110 = vector.broadcast %jit3A_109 : i32 to vector<16x512xi32>
    %select_n3A_111 = arith.select %eq3A_108, %broadcast_in_dim3A_110, %select_n3A_105 : vector<16x512xi1>, vector<16x512xi32>
    %slice3A_112 = vector.extract_strided_slice %get3A_6 {offsets = [9, 0, 0], sizes = [1, 16, 512], strides = [1, 1, 1]} : vector<19x16x512xf32> to vector<1x16x512xf32>
    %squeeze3A_113 = vector.shape_cast %slice3A_112 : vector<1x16x512xf32> to vector<16x512xf32>
    %eq3A_114 = arith.cmpf oeq, %squeeze3A_113, %max3A_64 : vector<16x512xf32>
    %jit3A_115 = arith.constant 9 : i32
    %broadcast_in_dim3A_116 = vector.broadcast %jit3A_115 : i32 to vector<16x512xi32>
    %select_n3A_117 = arith.select %eq3A_114, %broadcast_in_dim3A_116, %select_n3A_111 : vector<16x512xi1>, vector<16x512xi32>
    %slice3A_118 = vector.extract_strided_slice %get3A_6 {offsets = [8, 0, 0], sizes = [1, 16, 512], strides = [1, 1, 1]} : vector<19x16x512xf32> to vector<1x16x512xf32>
    %squeeze3A_119 = vector.shape_cast %slice3A_118 : vector<1x16x512xf32> to vector<16x512xf32>
    %eq3A_120 = arith.cmpf oeq, %squeeze3A_119, %max3A_64 : vector<16x512xf32>
    %jit3A_121 = arith.constant 8 : i32
    %broadcast_in_dim3A_122 = vector.broadcast %jit3A_121 : i32 to vector<16x512xi32>
    %select_n3A_123 = arith.select %eq3A_120, %broadcast_in_dim3A_122, %select_n3A_117 : vector<16x512xi1>, vector<16x512xi32>
    %slice3A_124 = vector.extract_strided_slice %get3A_6 {offsets = [7, 0, 0], sizes = [1, 16, 512], strides = [1, 1, 1]} : vector<19x16x512xf32> to vector<1x16x512xf32>
    %squeeze3A_125 = vector.shape_cast %slice3A_124 : vector<1x16x512xf32> to vector<16x512xf32>
    %eq3A_126 = arith.cmpf oeq, %squeeze3A_125, %max3A_64 : vector<16x512xf32>
    %jit3A_127 = arith.constant 7 : i32
    %broadcast_in_dim3A_128 = vector.broadcast %jit3A_127 : i32 to vector<16x512xi32>
    %select_n3A_129 = arith.select %eq3A_126, %broadcast_in_dim3A_128, %select_n3A_123 : vector<16x512xi1>, vector<16x512xi32>
    %slice3A_130 = vector.extract_strided_slice %get3A_6 {offsets = [6, 0, 0], sizes = [1, 16, 512], strides = [1, 1, 1]} : vector<19x16x512xf32> to vector<1x16x512xf32>
    %squeeze3A_131 = vector.shape_cast %slice3A_130 : vector<1x16x512xf32> to vector<16x512xf32>
    %eq3A_132 = arith.cmpf oeq, %squeeze3A_131, %max3A_64 : vector<16x512xf32>
    %jit3A_133 = arith.constant 6 : i32
    %broadcast_in_dim3A_134 = vector.broadcast %jit3A_133 : i32 to vector<16x512xi32>
    %select_n3A_135 = arith.select %eq3A_132, %broadcast_in_dim3A_134, %select_n3A_129 : vector<16x512xi1>, vector<16x512xi32>
    %slice3A_136 = vector.extract_strided_slice %get3A_6 {offsets = [5, 0, 0], sizes = [1, 16, 512], strides = [1, 1, 1]} : vector<19x16x512xf32> to vector<1x16x512xf32>
    %squeeze3A_137 = vector.shape_cast %slice3A_136 : vector<1x16x512xf32> to vector<16x512xf32>
    %eq3A_138 = arith.cmpf oeq, %squeeze3A_137, %max3A_64 : vector<16x512xf32>
    %jit3A_139 = arith.constant 5 : i32
    %broadcast_in_dim3A_140 = vector.broadcast %jit3A_139 : i32 to vector<16x512xi32>
    %select_n3A_141 = arith.select %eq3A_138, %broadcast_in_dim3A_140, %select_n3A_135 : vector<16x512xi1>, vector<16x512xi32>
    %slice3A_142 = vector.extract_strided_slice %get3A_6 {offsets = [4, 0, 0], sizes = [1, 16, 512], strides = [1, 1, 1]} : vector<19x16x512xf32> to vector<1x16x512xf32>
    %squeeze3A_143 = vector.shape_cast %slice3A_142 : vector<1x16x512xf32> to vector<16x512xf32>
    %eq3A_144 = arith.cmpf oeq, %squeeze3A_143, %max3A_64 : vector<16x512xf32>
    %jit3A_145 = arith.constant 4 : i32
    %broadcast_in_dim3A_146 = vector.broadcast %jit3A_145 : i32 to vector<16x512xi32>
    %select_n3A_147 = arith.select %eq3A_144, %broadcast_in_dim3A_146, %select_n3A_141 : vector<16x512xi1>, vector<16x512xi32>
    %slice3A_148 = vector.extract_strided_slice %get3A_6 {offsets = [3, 0, 0], sizes = [1, 16, 512], strides = [1, 1, 1]} : vector<19x16x512xf32> to vector<1x16x512xf32>
    %squeeze3A_149 = vector.shape_cast %slice3A_148 : vector<1x16x512xf32> to vector<16x512xf32>
    %eq3A_150 = arith.cmpf oeq, %squeeze3A_149, %max3A_64 : vector<16x512xf32>
    %jit3A_151 = arith.constant 3 : i32
    %broadcast_in_dim3A_152 = vector.broadcast %jit3A_151 : i32 to vector<16x512xi32>
    %select_n3A_153 = arith.select %eq3A_150, %broadcast_in_dim3A_152, %select_n3A_147 : vector<16x512xi1>, vector<16x512xi32>
    %slice3A_154 = vector.extract_strided_slice %get3A_6 {offsets = [2, 0, 0], sizes = [1, 16, 512], strides = [1, 1, 1]} : vector<19x16x512xf32> to vector<1x16x512xf32>
    %squeeze3A_155 = vector.shape_cast %slice3A_154 : vector<1x16x512xf32> to vector<16x512xf32>
    %eq3A_156 = arith.cmpf oeq, %squeeze3A_155, %max3A_64 : vector<16x512xf32>
    %jit3A_157 = arith.constant 2 : i32
    %broadcast_in_dim3A_158 = vector.broadcast %jit3A_157 : i32 to vector<16x512xi32>
    %select_n3A_159 = arith.select %eq3A_156, %broadcast_in_dim3A_158, %select_n3A_153 : vector<16x512xi1>, vector<16x512xi32>
    %slice3A_160 = vector.extract_strided_slice %get3A_6 {offsets = [1, 0, 0], sizes = [1, 16, 512], strides = [1, 1, 1]} : vector<19x16x512xf32> to vector<1x16x512xf32>
    %squeeze3A_161 = vector.shape_cast %slice3A_160 : vector<1x16x512xf32> to vector<16x512xf32>
    %eq3A_162 = arith.cmpf oeq, %squeeze3A_161, %max3A_64 : vector<16x512xf32>
    %jit3A_163 = arith.constant 1 : i32
    %broadcast_in_dim3A_164 = vector.broadcast %jit3A_163 : i32 to vector<16x512xi32>
    %select_n3A_165 = arith.select %eq3A_162, %broadcast_in_dim3A_164, %select_n3A_159 : vector<16x512xi1>, vector<16x512xi32>
    %slice3A_166 = vector.extract_strided_slice %get3A_6 {offsets = [0, 0, 0], sizes = [1, 16, 512], strides = [1, 1, 1]} : vector<19x16x512xf32> to vector<1x16x512xf32>
    %squeeze3A_167 = vector.shape_cast %slice3A_166 : vector<1x16x512xf32> to vector<16x512xf32>
    %eq3A_168 = arith.cmpf oeq, %squeeze3A_167, %max3A_64 : vector<16x512xf32>
    %jit3A_169 = arith.constant 0 : i32
    %broadcast_in_dim3A_170 = vector.broadcast %jit3A_169 : i32 to vector<16x512xi32>
    %select_n3A_171 = arith.select %eq3A_168, %broadcast_in_dim3A_170, %select_n3A_165 : vector<16x512xi1>, vector<16x512xi32>
    %eq3A_172 = arith.constant 0 : i32
    %eq3A_173 = vector.broadcast %eq3A_172 : i32 to vector<16x512xi32>
    %eq3A_174 = arith.cmpi eq, %select_n3A_171, %eq3A_173 : vector<16x512xi32>
    %convert_element_type3A_175 = arith.extui %eq3A_174 : vector<16x512xi1> to vector<16x512xi32>
    %convert_element_type3A_176 = arith.sitofp %convert_element_type3A_175 : vector<16x512xi32> to vector<16x512xf32>
    %eq3A_177 = arith.constant 0 : i32
    %eq3A_178 = vector.broadcast %eq3A_177 : i32 to vector<16x512xi32>
    %eq3A_179 = arith.cmpi eq, %get3A_11, %eq3A_178 : vector<16x512xi32>
    %convert_element_type3A_180 = arith.extui %eq3A_179 : vector<16x512xi1> to vector<16x512xi32>
    %convert_element_type3A_181 = arith.sitofp %convert_element_type3A_180 : vector<16x512xi32> to vector<16x512xf32>
    %get3A_182 = arith.constant 0 : index
    %get3A_183 = arith.constant 0 : index
    %get3A_184 = arith.constant 0 : index
    %get3A_185 = arith.constant 0 : index
    %get3A_186 = vector.load %arg4[%get3A_182, %get3A_183, %get3A_184, %get3A_185] : memref<3x19x16x128xf32, #tpu.memory_space<vmem>>, vector<1x1x16x128xf32>
    %get3A_187 = vector.shape_cast %get3A_186 : vector<1x1x16x128xf32> to vector<16x128xf32>
    %slice3A_188 = vector.extract_strided_slice %convert_element_type3A_176 {offsets = [0, 0], sizes = [16, 128], strides = [1, 1]} : vector<16x512xf32> to vector<16x128xf32>
    %slice3A_189 = vector.extract_strided_slice %convert_element_type3A_176 {offsets = [0, 128], sizes = [16, 128], strides = [1, 1]} : vector<16x512xf32> to vector<16x128xf32>
    %add3A = arith.addf %slice3A_188, %slice3A_189 : vector<16x128xf32>
    %slice3A_190 = vector.extract_strided_slice %convert_element_type3A_176 {offsets = [0, 256], sizes = [16, 128], strides = [1, 1]} : vector<16x512xf32> to vector<16x128xf32>
    %slice3A_191 = vector.extract_strided_slice %convert_element_type3A_176 {offsets = [0, 384], sizes = [16, 128], strides = [1, 1]} : vector<16x512xf32> to vector<16x128xf32>
    %add3A_192 = arith.addf %slice3A_190, %slice3A_191 : vector<16x128xf32>
    %add3A_193 = arith.addf %add3A, %add3A_192 : vector<16x128xf32>
    %add3A_194 = arith.addf %get3A_187, %add3A_193 : vector<16x128xf32>
    %swap3A = arith.constant 0 : index
    %swap3A_195 = arith.constant 0 : index
    %swap3A_196 = arith.constant 0 : index
    %swap3A_197 = arith.constant 0 : index
    %swap3A_198 = vector.load %arg4[%swap3A, %swap3A_195, %swap3A_196, %swap3A_197] : memref<3x19x16x128xf32, #tpu.memory_space<vmem>>, vector<1x1x16x128xf32>
    %swap3A_199 = vector.shape_cast %swap3A_198 : vector<1x1x16x128xf32> to vector<16x128xf32>
    %swap3A_200 = vector.shape_cast %add3A_194 : vector<16x128xf32> to vector<1x1x16x128xf32>
    tpu.vector_store %arg4[%swap3A, %swap3A_195, %swap3A_196, %swap3A_197], %swap3A_200 {strides = array<i32>} : memref<3x19x16x128xf32, #tpu.memory_space<vmem>>, vector<1x1x16x128xf32>,
    %get3A_201 = arith.constant 1 : index
    %get3A_202 = arith.constant 0 : index
    %get3A_203 = arith.constant 0 : index
    %get3A_204 = arith.constant 0 : index
    %get3A_205 = vector.load %arg4[%get3A_201, %get3A_202, %get3A_203, %get3A_204] : memref<3x19x16x128xf32, #tpu.memory_space<vmem>>, vector<1x1x16x128xf32>
    %get3A_206 = vector.shape_cast %get3A_205 : vector<1x1x16x128xf32> to vector<16x128xf32>
    %mul3A = arith.mulf %convert_element_type3A_176, %convert_element_type3A_181 : vector<16x512xf32>
    %slice3A_207 = vector.extract_strided_slice %mul3A {offsets = [0, 0], sizes = [16, 128], strides = [1, 1]} : vector<16x512xf32> to vector<16x128xf32>
    %slice3A_208 = vector.extract_strided_slice %mul3A {offsets = [0, 128], sizes = [16, 128], strides = [1, 1]} : vector<16x512xf32> to vector<16x128xf32>
    %add3A_209 = arith.addf %slice3A_207, %slice3A_208 : vector<16x128xf32>
    %slice3A_210 = vector.extract_strided_slice %mul3A {offsets = [0, 256], sizes = [16, 128], strides = [1, 1]} : vector<16x512xf32> to vector<16x128xf32>
    %slice3A_211 = vector.extract_strided_slice %mul3A {offsets = [0, 384], sizes = [16, 128], strides = [1, 1]} : vector<16x512xf32> to vector<16x128xf32>
    %add3A_212 = arith.addf %slice3A_210, %slice3A_211 : vector<16x128xf32>
    %add3A_213 = arith.addf %add3A_209, %add3A_212 : vector<16x128xf32>
    %add3A_214 = arith.addf %get3A_206, %add3A_213 : vector<16x128xf32>
    %swap3A_215 = arith.constant 1 : index
    %swap3A_216 = arith.constant 0 : index
    %swap3A_217 = arith.constant 0 : index
    %swap3A_218 = arith.constant 0 : index
    %swap3A_219 = vector.load %arg4[%swap3A_215, %swap3A_216, %swap3A_217, %swap3A_218] : memref<3x19x16x128xf32, #tpu.memory_space<vmem>>, vector<1x1x16x128xf32>
    %swap3A_220 = vector.shape_cast %swap3A_219 : vector<1x1x16x128xf32> to vector<16x128xf32>
    %swap3A_221 = vector.shape_cast %add3A_214 : vector<16x128xf32> to vector<1x1x16x128xf32>
    tpu.vector_store %arg4[%swap3A_215, %swap3A_216, %swap3A_217, %swap3A_218], %swap3A_221 {strides = array<i32>} : memref<3x19x16x128xf32, #tpu.memory_space<vmem>>, vector<1x1x16x128xf32>,
    %get3A_222 = arith.constant 2 : index
    %get3A_223 = arith.constant 0 : index
    %get3A_224 = arith.constant 0 : index
    %get3A_225 = arith.constant 0 : index
    %get3A_226 = vector.load %arg4[%get3A_222, %get3A_223, %get3A_224, %get3A_225] : memref<3x19x16x128xf32, #tpu.memory_space<vmem>>, vector<1x1x16x128xf32>
    %get3A_227 = vector.shape_cast %get3A_226 : vector<1x1x16x128xf32> to vector<16x128xf32>
    %slice3A_228 = vector.extract_strided_slice %convert_element_type3A_181 {offsets = [0, 0], sizes = [16, 128], strides = [1, 1]} : vector<16x512xf32> to vector<16x128xf32>
    %slice3A_229 = vector.extract_strided_slice %convert_element_type3A_181 {offsets = [0, 128], sizes = [16, 128], strides = [1, 1]} : vector<16x512xf32> to vector<16x128xf32>
    %add3A_230 = arith.addf %slice3A_228, %slice3A_229 : vector<16x128xf32>
    %slice3A_231 = vector.extract_strided_slice %convert_element_type3A_181 {offsets = [0, 256], sizes = [16, 128], strides = [1, 1]} : vector<16x512xf32> to vector<16x128xf32>
    %slice3A_232 = vector.extract_strided_slice %convert_element_type3A_181 {offsets = [0, 384], sizes = [16, 128], strides = [1, 1]} : vector<16x512xf32> to vector<16x128xf32>
    %add3A_233 = arith.addf %slice3A_231, %slice3A_232 : vector<16x128xf32>
    %add3A_234 = arith.addf %add3A_230, %add3A_233 : vector<16x128xf32>
    %add3A_235 = arith.addf %get3A_227, %add3A_234 : vector<16x128xf32>
    %swap3A_236 = arith.constant 2 : index
    %swap3A_237 = arith.constant 0 : index
    %swap3A_238 = arith.constant 0 : index
    %swap3A_239 = arith.constant 0 : index
    %swap3A_240 = vector.load %arg4[%swap3A_236, %swap3A_237, %swap3A_238, %swap3A_239] : memref<3x19x16x128xf32, #tpu.memory_space<vmem>>, vector<1x1x16x128xf32>
    %swap3A_241 = vector.shape_cast %swap3A_240 : vector<1x1x16x128xf32> to vector<16x128xf32>
    %swap3A_242 = vector.shape_cast %add3A_235 : vector<16x128xf32> to vector<1x1x16x128xf32>
    tpu.vector_store %arg4[%swap3A_236, %swap3A_237, %swap3A_238, %swap3A_239], %swap3A_242 {strides = array<i32>} : memref<3x19x16x128xf32, #tpu.memory_space<vmem>>, vector<1x1x16x128xf32>,
    %eq3A_243 = arith.constant 1 : i32
    %eq3A_244 = vector.broadcast %eq3A_243 : i32 to vector<16x512xi32>
    %eq3A_245 = arith.cmpi eq, %select_n3A_171, %eq3A_244 : vector<16x512xi32>
    %convert_element_type3A_246 = arith.extui %eq3A_245 : vector<16x512xi1> to vector<16x512xi32>
    %convert_element_type3A_247 = arith.sitofp %convert_element_type3A_246 : vector<16x512xi32> to vector<16x512xf32>
    %eq3A_248 = arith.constant 1 : i32
    %eq3A_249 = vector.broadcast %eq3A_248 : i32 to vector<16x512xi32>
    %eq3A_250 = arith.cmpi eq, %get3A_11, %eq3A_249 : vector<16x512xi32>
    %convert_element_type3A_251 = arith.extui %eq3A_250 : vector<16x512xi1> to vector<16x512xi32>
    %convert_element_type3A_252 = arith.sitofp %convert_element_type3A_251 : vector<16x512xi32> to vector<16x512xf32>
    %get3A_253 = arith.constant 0 : index
    %get3A_254 = arith.constant 1 : index
    %get3A_255 = arith.constant 0 : index
    %get3A_256 = arith.constant 0 : index
    %get3A_257 = vector.load %arg4[%get3A_253, %get3A_254, %get3A_255, %get3A_256] : memref<3x19x16x128xf32, #tpu.memory_space<vmem>>, vector<1x1x16x128xf32>
    %get3A_258 = vector.shape_cast %get3A_257 : vector<1x1x16x128xf32> to vector<16x128xf32>
    %slice3A_259 = vector.extract_strided_slice %convert_element_type3A_247 {offsets = [0, 0], sizes = [16, 128], strides = [1, 1]} : vector<16x512xf32> to vector<16x128xf32>
    %slice3A_260 = vector.extract_strided_slice %convert_element_type3A_247 {offsets = [0, 128], sizes = [16, 128], strides = [1, 1]} : vector<16x512xf32> to vector<16x128xf32>
    %add3A_261 = arith.addf %slice3A_259, %slice3A_260 : vector<16x128xf32>
    %slice3A_262 = vector.extract_strided_slice %convert_element_type3A_247 {offsets = [0, 256], sizes = [16, 128], strides = [1, 1]} : vector<16x512xf32> to vector<16x128xf32>
    %slice3A_263 = vector.extract_strided_slice %convert_element_type3A_247 {offsets = [0, 384], sizes = [16, 128], strides = [1, 1]} : vector<16x512xf32> to vector<16x128xf32>
    %add3A_264 = arith.addf %slice3A_262, %slice3A_263 : vector<16x128xf32>
    %add3A_265 = arith.addf %add3A_261, %add3A_264 : vector<16x128xf32>
    %add3A_266 = arith.addf %get3A_258, %add3A_265 : vector<16x128xf32>
    %swap3A_267 = arith.constant 0 : index
    %swap3A_268 = arith.constant 1 : index
    %swap3A_269 = arith.constant 0 : index
    %swap3A_270 = arith.constant 0 : index
    %swap3A_271 = vector.load %arg4[%swap3A_267, %swap3A_268, %swap3A_269, %swap3A_270] : memref<3x19x16x128xf32, #tpu.memory_space<vmem>>, vector<1x1x16x128xf32>
    %swap3A_272 = vector.shape_cast %swap3A_271 : vector<1x1x16x128xf32> to vector<16x128xf32>
    %swap3A_273 = vector.shape_cast %add3A_266 : vector<16x128xf32> to vector<1x1x16x128xf32>
    tpu.vector_store %arg4[%swap3A_267, %swap3A_268, %swap3A_269, %swap3A_270], %swap3A_273 {strides = array<i32>} : memref<3x19x16x128xf32, #tpu.memory_space<vmem>>, vector<1x1x16x128xf32>,
    %get3A_274 = arith.constant 1 : index
    %get3A_275 = arith.constant 1 : index
    %get3A_276 = arith.constant 0 : index
    %get3A_277 = arith.constant 0 : index
    %get3A_278 = vector.load %arg4[%get3A_274, %get3A_275, %get3A_276, %get3A_277] : memref<3x19x16x128xf32, #tpu.memory_space<vmem>>, vector<1x1x16x128xf32>
    %get3A_279 = vector.shape_cast %get3A_278 : vector<1x1x16x128xf32> to vector<16x128xf32>
    %mul3A_280 = arith.mulf %convert_element_type3A_247, %convert_element_type3A_252 : vector<16x512xf32>
    %slice3A_281 = vector.extract_strided_slice %mul3A_280 {offsets = [0, 0], sizes = [16, 128], strides = [1, 1]} : vector<16x512xf32> to vector<16x128xf32>
    %slice3A_282 = vector.extract_strided_slice %mul3A_280 {offsets = [0, 128], sizes = [16, 128], strides = [1, 1]} : vector<16x512xf32> to vector<16x128xf32>
    %add3A_283 = arith.addf %slice3A_281, %slice3A_282 : vector<16x128xf32>
    %slice3A_284 = vector.extract_strided_slice %mul3A_280 {offsets = [0, 256], sizes = [16, 128], strides = [1, 1]} : vector<16x512xf32> to vector<16x128xf32>
    %slice3A_285 = vector.extract_strided_slice %mul3A_280 {offsets = [0, 384], sizes = [16, 128], strides = [1, 1]} : vector<16x512xf32> to vector<16x128xf32>
    %add3A_286 = arith.addf %slice3A_284, %slice3A_285 : vector<16x128xf32>
    %add3A_287 = arith.addf %add3A_283, %add3A_286 : vector<16x128xf32>
    %add3A_288 = arith.addf %get3A_279, %add3A_287 : vector<16x128xf32>
    %swap3A_289 = arith.constant 1 : index
    %swap3A_290 = arith.constant 1 : index
    %swap3A_291 = arith.constant 0 : index
    %swap3A_292 = arith.constant 0 : index
    %swap3A_293 = vector.load %arg4[%swap3A_289, %swap3A_290, %swap3A_291, %swap3A_292] : memref<3x19x16x128xf32, #tpu.memory_space<vmem>>, vector<1x1x16x128xf32>
    %swap3A_294 = vector.shape_cast %swap3A_293 : vector<1x1x16x128xf32> to vector<16x128xf32>
    %swap3A_295 = vector.shape_cast %add3A_288 : vector<16x128xf32> to vector<1x1x16x128xf32>
    tpu.vector_store %arg4[%swap3A_289, %swap3A_290, %swap3A_291, %swap3A_292], %swap3A_295 {strides = array<i32>} : memref<3x19x16x128xf32, #tpu.memory_space<vmem>>, vector<1x1x16x128xf32>,
    %get3A_296 = arith.constant 2 : index
    %get3A_297 = arith.constant 1 : index
    %get3A_298 = arith.constant 0 : index
    %get3A_299 = arith.constant 0 : index
    %get3A_300 = vector.load %arg4[%get3A_296, %get3A_297, %get3A_298, %get3A_299] : memref<3x19x16x128xf32, #tpu.memory_space<vmem>>, vector<1x1x16x128xf32>
    %get3A_301 = vector.shape_cast %get3A_300 : vector<1x1x16x128xf32> to vector<16x128xf32>
    %slice3A_302 = vector.extract_strided_slice %convert_element_type3A_252 {offsets = [0, 0], sizes = [16, 128], strides = [1, 1]} : vector<16x512xf32> to vector<16x128xf32>
    %slice3A_303 = vector.extract_strided_slice %convert_element_type3A_252 {offsets = [0, 128], sizes = [16, 128], strides = [1, 1]} : vector<16x512xf32> to vector<16x128xf32>
    %add3A_304 = arith.addf %slice3A_302, %slice3A_303 : vector<16x128xf32>
    %slice3A_305 = vector.extract_strided_slice %convert_element_type3A_252 {offsets = [0, 256], sizes = [16, 128], strides = [1, 1]} : vector<16x512xf32> to vector<16x128xf32>
    %slice3A_306 = vector.extract_strided_slice %convert_element_type3A_252 {offsets = [0, 384], sizes = [16, 128], strides = [1, 1]} : vector<16x512xf32> to vector<16x128xf32>
    %add3A_307 = arith.addf %slice3A_305, %slice3A_306 : vector<16x128xf32>
    %add3A_308 = arith.addf %add3A_304, %add3A_307 : vector<16x128xf32>
    %add3A_309 = arith.addf %get3A_301, %add3A_308 : vector<16x128xf32>
    %swap3A_310 = arith.constant 2 : index
    %swap3A_311 = arith.constant 1 : index
    %swap3A_312 = arith.constant 0 : index
    %swap3A_313 = arith.constant 0 : index
    %swap3A_314 = vector.load %arg4[%swap3A_310, %swap3A_311, %swap3A_312, %swap3A_313] : memref<3x19x16x128xf32, #tpu.memory_space<vmem>>, vector<1x1x16x128xf32>
    %swap3A_315 = vector.shape_cast %swap3A_314 : vector<1x1x16x128xf32> to vector<16x128xf32>
    %swap3A_316 = vector.shape_cast %add3A_309 : vector<16x128xf32> to vector<1x1x16x128xf32>
    tpu.vector_store %arg4[%swap3A_310, %swap3A_311, %swap3A_312, %swap3A_313], %swap3A_316 {strides = array<i32>} : memref<3x19x16x128xf32, #tpu.memory_space<vmem>>, vector<1x1x16x128xf32>,
    %eq3A_317 = arith.constant 2 : i32
    %eq3A_318 = vector.broadcast %eq3A_317 : i32 to vector<16x512xi32>
    %eq3A_319 = arith.cmpi eq, %select_n3A_171, %eq3A_318 : vector<16x512xi32>
    %convert_element_type3A_320 = arith.extui %eq3A_319 : vector<16x512xi1> to vector<16x512xi32>
    %convert_element_type3A_321 = arith.sitofp %convert_element_type3A_320 : vector<16x512xi32> to vector<16x512xf32>
    %eq3A_322 = arith.constant 2 : i32
    %eq3A_323 = vector.broadcast %eq3A_322 : i32 to vector<16x512xi32>
    %eq3A_324 = arith.cmpi eq, %get3A_11, %eq3A_323 : vector<16x512xi32>
    %convert_element_type3A_325 = arith.extui %eq3A_324 : vector<16x512xi1> to vector<16x512xi32>
    %convert_element_type3A_326 = arith.sitofp %convert_element_type3A_325 : vector<16x512xi32> to vector<16x512xf32>
    %get3A_327 = arith.constant 0 : index
    %get3A_328 = arith.constant 2 : index
    %get3A_329 = arith.constant 0 : index
    %get3A_330 = arith.constant 0 : index
    %get3A_331 = vector.load %arg4[%get3A_327, %get3A_328, %get3A_329, %get3A_330] : memref<3x19x16x128xf32, #tpu.memory_space<vmem>>, vector<1x1x16x128xf32>
    %get3A_332 = vector.shape_cast %get3A_331 : vector<1x1x16x128xf32> to vector<16x128xf32>
    %slice3A_333 = vector.extract_strided_slice %convert_element_type3A_321 {offsets = [0, 0], sizes = [16, 128], strides = [1, 1]} : vector<16x512xf32> to vector<16x128xf32>
    %slice3A_334 = vector.extract_strided_slice %convert_element_type3A_321 {offsets = [0, 128], sizes = [16, 128], strides = [1, 1]} : vector<16x512xf32> to vector<16x128xf32>
    %add3A_335 = arith.addf %slice3A_333, %slice3A_334 : vector<16x128xf32>
    %slice3A_336 = vector.extract_strided_slice %convert_element_type3A_321 {offsets = [0, 256], sizes = [16, 128], strides = [1, 1]} : vector<16x512xf32> to vector<16x128xf32>
    %slice3A_337 = vector.extract_strided_slice %convert_element_type3A_321 {offsets = [0, 384], sizes = [16, 128], strides = [1, 1]} : vector<16x512xf32> to vector<16x128xf32>
    %add3A_338 = arith.addf %slice3A_336, %slice3A_337 : vector<16x128xf32>
    %add3A_339 = arith.addf %add3A_335, %add3A_338 : vector<16x128xf32>
    %add3A_340 = arith.addf %get3A_332, %add3A_339 : vector<16x128xf32>
    %swap3A_341 = arith.constant 0 : index
    %swap3A_342 = arith.constant 2 : index
    %swap3A_343 = arith.constant 0 : index
    %swap3A_344 = arith.constant 0 : index
    %swap3A_345 = vector.load %arg4[%swap3A_341, %swap3A_342, %swap3A_343, %swap3A_344] : memref<3x19x16x128xf32, #tpu.memory_space<vmem>>, vector<1x1x16x128xf32>
    %swap3A_346 = vector.shape_cast %swap3A_345 : vector<1x1x16x128xf32> to vector<16x128xf32>
    %swap3A_347 = vector.shape_cast %add3A_340 : vector<16x128xf32> to vector<1x1x16x128xf32>
    tpu.vector_store %arg4[%swap3A_341, %swap3A_342, %swap3A_343, %swap3A_344], %swap3A_347 {strides = array<i32>} : memref<3x19x16x128xf32, #tpu.memory_space<vmem>>, vector<1x1x16x128xf32>,
    %get3A_348 = arith.constant 1 : index
    %get3A_349 = arith.constant 2 : index
    %get3A_350 = arith.constant 0 : index
    %get3A_351 = arith.constant 0 : index
    %get3A_352 = vector.load %arg4[%get3A_348, %get3A_349, %get3A_350, %get3A_351] : memref<3x19x16x128xf32, #tpu.memory_space<vmem>>, vector<1x1x16x128xf32>
    %get3A_353 = vector.shape_cast %get3A_352 : vector<1x1x16x128xf32> to vector<16x128xf32>
    %mul3A_354 = arith.mulf %convert_element_type3A_321, %convert_element_type3A_326 : vector<16x512xf32>
    %slice3A_355 = vector.extract_strided_slice %mul3A_354 {offsets = [0, 0], sizes = [16, 128], strides = [1, 1]} : vector<16x512xf32> to vector<16x128xf32>
    %slice3A_356 = vector.extract_strided_slice %mul3A_354 {offsets = [0, 128], sizes = [16, 128], strides = [1, 1]} : vector<16x512xf32> to vector<16x128xf32>
    %add3A_357 = arith.addf %slice3A_355, %slice3A_356 : vector<16x128xf32>
    %slice3A_358 = vector.extract_strided_slice %mul3A_354 {offsets = [0, 256], sizes = [16, 128], strides = [1, 1]} : vector<16x512xf32> to vector<16x128xf32>
    %slice3A_359 = vector.extract_strided_slice %mul3A_354 {offsets = [0, 384], sizes = [16, 128], strides = [1, 1]} : vector<16x512xf32> to vector<16x128xf32>
    %add3A_360 = arith.addf %slice3A_358, %slice3A_359 : vector<16x128xf32>
    %add3A_361 = arith.addf %add3A_357, %add3A_360 : vector<16x128xf32>
    %add3A_362 = arith.addf %get3A_353, %add3A_361 : vector<16x128xf32>
    %swap3A_363 = arith.constant 1 : index
    %swap3A_364 = arith.constant 2 : index
    %swap3A_365 = arith.constant 0 : index
    %swap3A_366 = arith.constant 0 : index
    %swap3A_367 = vector.load %arg4[%swap3A_363, %swap3A_364, %swap3A_365, %swap3A_366] : memref<3x19x16x128xf32, #tpu.memory_space<vmem>>, vector<1x1x16x128xf32>
    %swap3A_368 = vector.shape_cast %swap3A_367 : vector<1x1x16x128xf32> to vector<16x128xf32>
    %swap3A_369 = vector.shape_cast %add3A_362 : vector<16x128xf32> to vector<1x1x16x128xf32>
    tpu.vector_store %arg4[%swap3A_363, %swap3A_364, %swap3A_365, %swap3A_366], %swap3A_369 {strides = array<i32>} : memref<3x19x16x128xf32, #tpu.memory_space<vmem>>, vector<1x1x16x128xf32>,
    %get3A_370 = arith.constant 2 : index
    %get3A_371 = arith.constant 2 : index
    %get3A_372 = arith.constant 0 : index
    %get3A_373 = arith.constant 0 : index
    %get3A_374 = vector.load %arg4[%get3A_370, %get3A_371, %get3A_372, %get3A_373] : memref<3x19x16x128xf32, #tpu.memory_space<vmem>>, vector<1x1x16x128xf32>
    %get3A_375 = vector.shape_cast %get3A_374 : vector<1x1x16x128xf32> to vector<16x128xf32>
    %slice3A_376 = vector.extract_strided_slice %convert_element_type3A_326 {offsets = [0, 0], sizes = [16, 128], strides = [1, 1]} : vector<16x512xf32> to vector<16x128xf32>
    %slice3A_377 = vector.extract_strided_slice %convert_element_type3A_326 {offsets = [0, 128], sizes = [16, 128], strides = [1, 1]} : vector<16x512xf32> to vector<16x128xf32>
    %add3A_378 = arith.addf %slice3A_376, %slice3A_377 : vector<16x128xf32>
    %slice3A_379 = vector.extract_strided_slice %convert_element_type3A_326 {offsets = [0, 256], sizes = [16, 128], strides = [1, 1]} : vector<16x512xf32> to vector<16x128xf32>
    %slice3A_380 = vector.extract_strided_slice %convert_element_type3A_326 {offsets = [0, 384], sizes = [16, 128], strides = [1, 1]} : vector<16x512xf32> to vector<16x128xf32>
    %add3A_381 = arith.addf %slice3A_379, %slice3A_380 : vector<16x128xf32>
    %add3A_382 = arith.addf %add3A_378, %add3A_381 : vector<16x128xf32>
    %add3A_383 = arith.addf %get3A_375, %add3A_382 : vector<16x128xf32>
    %swap3A_384 = arith.constant 2 : index
    %swap3A_385 = arith.constant 2 : index
    %swap3A_386 = arith.constant 0 : index
    %swap3A_387 = arith.constant 0 : index
    %swap3A_388 = vector.load %arg4[%swap3A_384, %swap3A_385, %swap3A_386, %swap3A_387] : memref<3x19x16x128xf32, #tpu.memory_space<vmem>>, vector<1x1x16x128xf32>
    %swap3A_389 = vector.shape_cast %swap3A_388 : vector<1x1x16x128xf32> to vector<16x128xf32>
    %swap3A_390 = vector.shape_cast %add3A_383 : vector<16x128xf32> to vector<1x1x16x128xf32>
    tpu.vector_store %arg4[%swap3A_384, %swap3A_385, %swap3A_386, %swap3A_387], %swap3A_390 {strides = array<i32>} : memref<3x19x16x128xf32, #tpu.memory_space<vmem>>, vector<1x1x16x128xf32>,
    %eq3A_391 = arith.constant 3 : i32
    %eq3A_392 = vector.broadcast %eq3A_391 : i32 to vector<16x512xi32>
    %eq3A_393 = arith.cmpi eq, %select_n3A_171, %eq3A_392 : vector<16x512xi32>
    %convert_element_type3A_394 = arith.extui %eq3A_393 : vector<16x512xi1> to vector<16x512xi32>
    %convert_element_type3A_395 = arith.sitofp %convert_element_type3A_394 : vector<16x512xi32> to vector<16x512xf32>
    %eq3A_396 = arith.constant 3 : i32
    %eq3A_397 = vector.broadcast %eq3A_396 : i32 to vector<16x512xi32>
    %eq3A_398 = arith.cmpi eq, %get3A_11, %eq3A_397 : vector<16x512xi32>
    %convert_element_type3A_399 = arith.extui %eq3A_398 : vector<16x512xi1> to vector<16x512xi32>
    %convert_element_type3A_400 = arith.sitofp %convert_element_type3A_399 : vector<16x512xi32> to vector<16x512xf32>
    %get3A_401 = arith.constant 0 : index
    %get3A_402 = arith.constant 3 : index
    %get3A_403 = arith.constant 0 : index
    %get3A_404 = arith.constant 0 : index
    %get3A_405 = vector.load %arg4[%get3A_401, %get3A_402, %get3A_403, %get3A_404] : memref<3x19x16x128xf32, #tpu.memory_space<vmem>>, vector<1x1x16x128xf32>
    %get3A_406 = vector.shape_cast %get3A_405 : vector<1x1x16x128xf32> to vector<16x128xf32>
    %slice3A_407 = vector.extract_strided_slice %convert_element_type3A_395 {offsets = [0, 0], sizes = [16, 128], strides = [1, 1]} : vector<16x512xf32> to vector<16x128xf32>
    %slice3A_408 = vector.extract_strided_slice %convert_element_type3A_395 {offsets = [0, 128], sizes = [16, 128], strides = [1, 1]} : vector<16x512xf32> to vector<16x128xf32>
    %add3A_409 = arith.addf %slice3A_407, %slice3A_408 : vector<16x128xf32>
    %slice3A_410 = vector.extract_strided_slice %convert_element_type3A_395 {offsets = [0, 256], sizes = [16, 128], strides = [1, 1]} : vector<16x512xf32> to vector<16x128xf32>
    %slice3A_411 = vector.extract_strided_slice %convert_element_type3A_395 {offsets = [0, 384], sizes = [16, 128], strides = [1, 1]} : vector<16x512xf32> to vector<16x128xf32>
    %add3A_412 = arith.addf %slice3A_410, %slice3A_411 : vector<16x128xf32>
    %add3A_413 = arith.addf %add3A_409, %add3A_412 : vector<16x128xf32>
    %add3A_414 = arith.addf %get3A_406, %add3A_413 : vector<16x128xf32>
    %swap3A_415 = arith.constant 0 : index
    %swap3A_416 = arith.constant 3 : index
    %swap3A_417 = arith.constant 0 : index
    %swap3A_418 = arith.constant 0 : index
    %swap3A_419 = vector.load %arg4[%swap3A_415, %swap3A_416, %swap3A_417, %swap3A_418] : memref<3x19x16x128xf32, #tpu.memory_space<vmem>>, vector<1x1x16x128xf32>
    %swap3A_420 = vector.shape_cast %swap3A_419 : vector<1x1x16x128xf32> to vector<16x128xf32>
    %swap3A_421 = vector.shape_cast %add3A_414 : vector<16x128xf32> to vector<1x1x16x128xf32>
    tpu.vector_store %arg4[%swap3A_415, %swap3A_416, %swap3A_417, %swap3A_418], %swap3A_421 {strides = array<i32>} : memref<3x19x16x128xf32, #tpu.memory_space<vmem>>, vector<1x1x16x128xf32>,
    %get3A_422 = arith.constant 1 : index
    %get3A_423 = arith.constant 3 : index
    %get3A_424 = arith.constant 0 : index
    %get3A_425 = arith.constant 0 : index
    %get3A_426 = vector.load %arg4[%get3A_422, %get3A_423, %get3A_424, %get3A_425] : memref<3x19x16x128xf32, #tpu.memory_space<vmem>>, vector<1x1x16x128xf32>
    %get3A_427 = vector.shape_cast %get3A_426 : vector<1x1x16x128xf32> to vector<16x128xf32>
    %mul3A_428 = arith.mulf %convert_element_type3A_395, %convert_element_type3A_400 : vector<16x512xf32>
    %slice3A_429 = vector.extract_strided_slice %mul3A_428 {offsets = [0, 0], sizes = [16, 128], strides = [1, 1]} : vector<16x512xf32> to vector<16x128xf32>
    %slice3A_430 = vector.extract_strided_slice %mul3A_428 {offsets = [0, 128], sizes = [16, 128], strides = [1, 1]} : vector<16x512xf32> to vector<16x128xf32>
    %add3A_431 = arith.addf %slice3A_429, %slice3A_430 : vector<16x128xf32>
    %slice3A_432 = vector.extract_strided_slice %mul3A_428 {offsets = [0, 256], sizes = [16, 128], strides = [1, 1]} : vector<16x512xf32> to vector<16x128xf32>
    %slice3A_433 = vector.extract_strided_slice %mul3A_428 {offsets = [0, 384], sizes = [16, 128], strides = [1, 1]} : vector<16x512xf32> to vector<16x128xf32>
    %add3A_434 = arith.addf %slice3A_432, %slice3A_433 : vector<16x128xf32>
    %add3A_435 = arith.addf %add3A_431, %add3A_434 : vector<16x128xf32>
    %add3A_436 = arith.addf %get3A_427, %add3A_435 : vector<16x128xf32>
    %swap3A_437 = arith.constant 1 : index
    %swap3A_438 = arith.constant 3 : index
    %swap3A_439 = arith.constant 0 : index
    %swap3A_440 = arith.constant 0 : index
    %swap3A_441 = vector.load %arg4[%swap3A_437, %swap3A_438, %swap3A_439, %swap3A_440] : memref<3x19x16x128xf32, #tpu.memory_space<vmem>>, vector<1x1x16x128xf32>
    %swap3A_442 = vector.shape_cast %swap3A_441 : vector<1x1x16x128xf32> to vector<16x128xf32>
    %swap3A_443 = vector.shape_cast %add3A_436 : vector<16x128xf32> to vector<1x1x16x128xf32>
    tpu.vector_store %arg4[%swap3A_437, %swap3A_438, %swap3A_439, %swap3A_440], %swap3A_443 {strides = array<i32>} : memref<3x19x16x128xf32, #tpu.memory_space<vmem>>, vector<1x1x16x128xf32>,
    %get3A_444 = arith.constant 2 : index
    %get3A_445 = arith.constant 3 : index
    %get3A_446 = arith.constant 0 : index
    %get3A_447 = arith.constant 0 : index
    %get3A_448 = vector.load %arg4[%get3A_444, %get3A_445, %get3A_446, %get3A_447] : memref<3x19x16x128xf32, #tpu.memory_space<vmem>>, vector<1x1x16x128xf32>
    %get3A_449 = vector.shape_cast %get3A_448 : vector<1x1x16x128xf32> to vector<16x128xf32>
    %slice3A_450 = vector.extract_strided_slice %convert_element_type3A_400 {offsets = [0, 0], sizes = [16, 128], strides = [1, 1]} : vector<16x512xf32> to vector<16x128xf32>
    %slice3A_451 = vector.extract_strided_slice %convert_element_type3A_400 {offsets = [0, 128], sizes = [16, 128], strides = [1, 1]} : vector<16x512xf32> to vector<16x128xf32>
    %add3A_452 = arith.addf %slice3A_450, %slice3A_451 : vector<16x128xf32>
    %slice3A_453 = vector.extract_strided_slice %convert_element_type3A_400 {offsets = [0, 256], sizes = [16, 128], strides = [1, 1]} : vector<16x512xf32> to vector<16x128xf32>
    %slice3A_454 = vector.extract_strided_slice %convert_element_type3A_400 {offsets = [0, 384], sizes = [16, 128], strides = [1, 1]} : vector<16x512xf32> to vector<16x128xf32>
    %add3A_455 = arith.addf %slice3A_453, %slice3A_454 : vector<16x128xf32>
    %add3A_456 = arith.addf %add3A_452, %add3A_455 : vector<16x128xf32>
    %add3A_457 = arith.addf %get3A_449, %add3A_456 : vector<16x128xf32>
    %swap3A_458 = arith.constant 2 : index
    %swap3A_459 = arith.constant 3 : index
    %swap3A_460 = arith.constant 0 : index
    %swap3A_461 = arith.constant 0 : index
    %swap3A_462 = vector.load %arg4[%swap3A_458, %swap3A_459, %swap3A_460, %swap3A_461] : memref<3x19x16x128xf32, #tpu.memory_space<vmem>>, vector<1x1x16x128xf32>
    %swap3A_463 = vector.shape_cast %swap3A_462 : vector<1x1x16x128xf32> to vector<16x128xf32>
    %swap3A_464 = vector.shape_cast %add3A_457 : vector<16x128xf32> to vector<1x1x16x128xf32>
    tpu.vector_store %arg4[%swap3A_458, %swap3A_459, %swap3A_460, %swap3A_461], %swap3A_464 {strides = array<i32>} : memref<3x19x16x128xf32, #tpu.memory_space<vmem>>, vector<1x1x16x128xf32>,
    %eq3A_465 = arith.constant 4 : i32
    %eq3A_466 = vector.broadcast %eq3A_465 : i32 to vector<16x512xi32>
    %eq3A_467 = arith.cmpi eq, %select_n3A_171, %eq3A_466 : vector<16x512xi32>
    %convert_element_type3A_468 = arith.extui %eq3A_467 : vector<16x512xi1> to vector<16x512xi32>
    %convert_element_type3A_469 = arith.sitofp %convert_element_type3A_468 : vector<16x512xi32> to vector<16x512xf32>
    %eq3A_470 = arith.constant 4 : i32
    %eq3A_471 = vector.broadcast %eq3A_470 : i32 to vector<16x512xi32>
    %eq3A_472 = arith.cmpi eq, %get3A_11, %eq3A_471 : vector<16x512xi32>
    %convert_element_type3A_473 = arith.extui %eq3A_472 : vector<16x512xi1> to vector<16x512xi32>
    %convert_element_type3A_474 = arith.sitofp %convert_element_type3A_473 : vector<16x512xi32> to vector<16x512xf32>
    %get3A_475 = arith.constant 0 : index
    %get3A_476 = arith.constant 4 : index
    %get3A_477 = arith.constant 0 : index
    %get3A_478 = arith.constant 0 : index
    %get3A_479 = vector.load %arg4[%get3A_475, %get3A_476, %get3A_477, %get3A_478] : memref<3x19x16x128xf32, #tpu.memory_space<vmem>>, vector<1x1x16x128xf32>
    %get3A_480 = vector.shape_cast %get3A_479 : vector<1x1x16x128xf32> to vector<16x128xf32>
    %slice3A_481 = vector.extract_strided_slice %convert_element_type3A_469 {offsets = [0, 0], sizes = [16, 128], strides = [1, 1]} : vector<16x512xf32> to vector<16x128xf32>
    %slice3A_482 = vector.extract_strided_slice %convert_element_type3A_469 {offsets = [0, 128], sizes = [16, 128], strides = [1, 1]} : vector<16x512xf32> to vector<16x128xf32>
    %add3A_483 = arith.addf %slice3A_481, %slice3A_482 : vector<16x128xf32>
    %slice3A_484 = vector.extract_strided_slice %convert_element_type3A_469 {offsets = [0, 256], sizes = [16, 128], strides = [1, 1]} : vector<16x512xf32> to vector<16x128xf32>
    %slice3A_485 = vector.extract_strided_slice %convert_element_type3A_469 {offsets = [0, 384], sizes = [16, 128], strides = [1, 1]} : vector<16x512xf32> to vector<16x128xf32>
    %add3A_486 = arith.addf %slice3A_484, %slice3A_485 : vector<16x128xf32>
    %add3A_487 = arith.addf %add3A_483, %add3A_486 : vector<16x128xf32>
    %add3A_488 = arith.addf %get3A_480, %add3A_487 : vector<16x128xf32>
    %swap3A_489 = arith.constant 0 : index
    %swap3A_490 = arith.constant 4 : index
    %swap3A_491 = arith.constant 0 : index
    %swap3A_492 = arith.constant 0 : index
    %swap3A_493 = vector.load %arg4[%swap3A_489, %swap3A_490, %swap3A_491, %swap3A_492] : memref<3x19x16x128xf32, #tpu.memory_space<vmem>>, vector<1x1x16x128xf32>
    %swap3A_494 = vector.shape_cast %swap3A_493 : vector<1x1x16x128xf32> to vector<16x128xf32>
    %swap3A_495 = vector.shape_cast %add3A_488 : vector<16x128xf32> to vector<1x1x16x128xf32>
    tpu.vector_store %arg4[%swap3A_489, %swap3A_490, %swap3A_491, %swap3A_492], %swap3A_495 {strides = array<i32>} : memref<3x19x16x128xf32, #tpu.memory_space<vmem>>, vector<1x1x16x128xf32>,
    %get3A_496 = arith.constant 1 : index
    %get3A_497 = arith.constant 4 : index
    %get3A_498 = arith.constant 0 : index
    %get3A_499 = arith.constant 0 : index
    %get3A_500 = vector.load %arg4[%get3A_496, %get3A_497, %get3A_498, %get3A_499] : memref<3x19x16x128xf32, #tpu.memory_space<vmem>>, vector<1x1x16x128xf32>
    %get3A_501 = vector.shape_cast %get3A_500 : vector<1x1x16x128xf32> to vector<16x128xf32>
    %mul3A_502 = arith.mulf %convert_element_type3A_469, %convert_element_type3A_474 : vector<16x512xf32>
    %slice3A_503 = vector.extract_strided_slice %mul3A_502 {offsets = [0, 0], sizes = [16, 128], strides = [1, 1]} : vector<16x512xf32> to vector<16x128xf32>
    %slice3A_504 = vector.extract_strided_slice %mul3A_502 {offsets = [0, 128], sizes = [16, 128], strides = [1, 1]} : vector<16x512xf32> to vector<16x128xf32>
    %add3A_505 = arith.addf %slice3A_503, %slice3A_504 : vector<16x128xf32>
    %slice3A_506 = vector.extract_strided_slice %mul3A_502 {offsets = [0, 256], sizes = [16, 128], strides = [1, 1]} : vector<16x512xf32> to vector<16x128xf32>
    %slice3A_507 = vector.extract_strided_slice %mul3A_502 {offsets = [0, 384], sizes = [16, 128], strides = [1, 1]} : vector<16x512xf32> to vector<16x128xf32>
    %add3A_508 = arith.addf %slice3A_506, %slice3A_507 : vector<16x128xf32>
    %add3A_509 = arith.addf %add3A_505, %add3A_508 : vector<16x128xf32>
    %add3A_510 = arith.addf %get3A_501, %add3A_509 : vector<16x128xf32>
    %swap3A_511 = arith.constant 1 : index
    %swap3A_512 = arith.constant 4 : index
    %swap3A_513 = arith.constant 0 : index
    %swap3A_514 = arith.constant 0 : index
    %swap3A_515 = vector.load %arg4[%swap3A_511, %swap3A_512, %swap3A_513, %swap3A_514] : memref<3x19x16x128xf32, #tpu.memory_space<vmem>>, vector<1x1x16x128xf32>
    %swap3A_516 = vector.shape_cast %swap3A_515 : vector<1x1x16x128xf32> to vector<16x128xf32>
    %swap3A_517 = vector.shape_cast %add3A_510 : vector<16x128xf32> to vector<1x1x16x128xf32>
    tpu.vector_store %arg4[%swap3A_511, %swap3A_512, %swap3A_513, %swap3A_514], %swap3A_517 {strides = array<i32>} : memref<3x19x16x128xf32, #tpu.memory_space<vmem>>, vector<1x1x16x128xf32>,
    %get3A_518 = arith.constant 2 : index
    %get3A_519 = arith.constant 4 : index
    %get3A_520 = arith.constant 0 : index
    %get3A_521 = arith.constant 0 : index
    %get3A_522 = vector.load %arg4[%get3A_518, %get3A_519, %get3A_520, %get3A_521] : memref<3x19x16x128xf32, #tpu.memory_space<vmem>>, vector<1x1x16x128xf32>
    %get3A_523 = vector.shape_cast %get3A_522 : vector<1x1x16x128xf32> to vector<16x128xf32>
    %slice3A_524 = vector.extract_strided_slice %convert_element_type3A_474 {offsets = [0, 0], sizes = [16, 128], strides = [1, 1]} : vector<16x512xf32> to vector<16x128xf32>
    %slice3A_525 = vector.extract_strided_slice %convert_element_type3A_474 {offsets = [0, 128], sizes = [16, 128], strides = [1, 1]} : vector<16x512xf32> to vector<16x128xf32>
    %add3A_526 = arith.addf %slice3A_524, %slice3A_525 : vector<16x128xf32>
    %slice3A_527 = vector.extract_strided_slice %convert_element_type3A_474 {offsets = [0, 256], sizes = [16, 128], strides = [1, 1]} : vector<16x512xf32> to vector<16x128xf32>
    %slice3A_528 = vector.extract_strided_slice %convert_element_type3A_474 {offsets = [0, 384], sizes = [16, 128], strides = [1, 1]} : vector<16x512xf32> to vector<16x128xf32>
    %add3A_529 = arith.addf %slice3A_527, %slice3A_528 : vector<16x128xf32>
    %add3A_530 = arith.addf %add3A_526, %add3A_529 : vector<16x128xf32>
    %add3A_531 = arith.addf %get3A_523, %add3A_530 : vector<16x128xf32>
    %swap3A_532 = arith.constant 2 : index
    %swap3A_533 = arith.constant 4 : index
    %swap3A_534 = arith.constant 0 : index
    %swap3A_535 = arith.constant 0 : index
    %swap3A_536 = vector.load %arg4[%swap3A_532, %swap3A_533, %swap3A_534, %swap3A_535] : memref<3x19x16x128xf32, #tpu.memory_space<vmem>>, vector<1x1x16x128xf32>
    %swap3A_537 = vector.shape_cast %swap3A_536 : vector<1x1x16x128xf32> to vector<16x128xf32>
    %swap3A_538 = vector.shape_cast %add3A_531 : vector<16x128xf32> to vector<1x1x16x128xf32>
    tpu.vector_store %arg4[%swap3A_532, %swap3A_533, %swap3A_534, %swap3A_535], %swap3A_538 {strides = array<i32>} : memref<3x19x16x128xf32, #tpu.memory_space<vmem>>, vector<1x1x16x128xf32>,
    %eq3A_539 = arith.constant 5 : i32
    %eq3A_540 = vector.broadcast %eq3A_539 : i32 to vector<16x512xi32>
    %eq3A_541 = arith.cmpi eq, %select_n3A_171, %eq3A_540 : vector<16x512xi32>
    %convert_element_type3A_542 = arith.extui %eq3A_541 : vector<16x512xi1> to vector<16x512xi32>
    %convert_element_type3A_543 = arith.sitofp %convert_element_type3A_542 : vector<16x512xi32> to vector<16x512xf32>
    %eq3A_544 = arith.constant 5 : i32
    %eq3A_545 = vector.broadcast %eq3A_544 : i32 to vector<16x512xi32>
    %eq3A_546 = arith.cmpi eq, %get3A_11, %eq3A_545 : vector<16x512xi32>
    %convert_element_type3A_547 = arith.extui %eq3A_546 : vector<16x512xi1> to vector<16x512xi32>
    %convert_element_type3A_548 = arith.sitofp %convert_element_type3A_547 : vector<16x512xi32> to vector<16x512xf32>
    %get3A_549 = arith.constant 0 : index
    %get3A_550 = arith.constant 5 : index
    %get3A_551 = arith.constant 0 : index
    %get3A_552 = arith.constant 0 : index
    %get3A_553 = vector.load %arg4[%get3A_549, %get3A_550, %get3A_551, %get3A_552] : memref<3x19x16x128xf32, #tpu.memory_space<vmem>>, vector<1x1x16x128xf32>
    %get3A_554 = vector.shape_cast %get3A_553 : vector<1x1x16x128xf32> to vector<16x128xf32>
    %slice3A_555 = vector.extract_strided_slice %convert_element_type3A_543 {offsets = [0, 0], sizes = [16, 128], strides = [1, 1]} : vector<16x512xf32> to vector<16x128xf32>
    %slice3A_556 = vector.extract_strided_slice %convert_element_type3A_543 {offsets = [0, 128], sizes = [16, 128], strides = [1, 1]} : vector<16x512xf32> to vector<16x128xf32>
    %add3A_557 = arith.addf %slice3A_555, %slice3A_556 : vector<16x128xf32>
    %slice3A_558 = vector.extract_strided_slice %convert_element_type3A_543 {offsets = [0, 256], sizes = [16, 128], strides = [1, 1]} : vector<16x512xf32> to vector<16x128xf32>
    %slice3A_559 = vector.extract_strided_slice %convert_element_type3A_543 {offsets = [0, 384], sizes = [16, 128], strides = [1, 1]} : vector<16x512xf32> to vector<16x128xf32>
    %add3A_560 = arith.addf %slice3A_558, %slice3A_559 : vector<16x128xf32>
    %add3A_561 = arith.addf %add3A_557, %add3A_560 : vector<16x128xf32>
    %add3A_562 = arith.addf %get3A_554, %add3A_561 : vector<16x128xf32>
    %swap3A_563 = arith.constant 0 : index
    %swap3A_564 = arith.constant 5 : index
    %swap3A_565 = arith.constant 0 : index
    %swap3A_566 = arith.constant 0 : index
    %swap3A_567 = vector.load %arg4[%swap3A_563, %swap3A_564, %swap3A_565, %swap3A_566] : memref<3x19x16x128xf32, #tpu.memory_space<vmem>>, vector<1x1x16x128xf32>
    %swap3A_568 = vector.shape_cast %swap3A_567 : vector<1x1x16x128xf32> to vector<16x128xf32>
    %swap3A_569 = vector.shape_cast %add3A_562 : vector<16x128xf32> to vector<1x1x16x128xf32>
    tpu.vector_store %arg4[%swap3A_563, %swap3A_564, %swap3A_565, %swap3A_566], %swap3A_569 {strides = array<i32>} : memref<3x19x16x128xf32, #tpu.memory_space<vmem>>, vector<1x1x16x128xf32>,
    %get3A_570 = arith.constant 1 : index
    %get3A_571 = arith.constant 5 : index
    %get3A_572 = arith.constant 0 : index
    %get3A_573 = arith.constant 0 : index
    %get3A_574 = vector.load %arg4[%get3A_570, %get3A_571, %get3A_572, %get3A_573] : memref<3x19x16x128xf32, #tpu.memory_space<vmem>>, vector<1x1x16x128xf32>
    %get3A_575 = vector.shape_cast %get3A_574 : vector<1x1x16x128xf32> to vector<16x128xf32>
    %mul3A_576 = arith.mulf %convert_element_type3A_543, %convert_element_type3A_548 : vector<16x512xf32>
    %slice3A_577 = vector.extract_strided_slice %mul3A_576 {offsets = [0, 0], sizes = [16, 128], strides = [1, 1]} : vector<16x512xf32> to vector<16x128xf32>
    %slice3A_578 = vector.extract_strided_slice %mul3A_576 {offsets = [0, 128], sizes = [16, 128], strides = [1, 1]} : vector<16x512xf32> to vector<16x128xf32>
    %add3A_579 = arith.addf %slice3A_577, %slice3A_578 : vector<16x128xf32>
    %slice3A_580 = vector.extract_strided_slice %mul3A_576 {offsets = [0, 256], sizes = [16, 128], strides = [1, 1]} : vector<16x512xf32> to vector<16x128xf32>
    %slice3A_581 = vector.extract_strided_slice %mul3A_576 {offsets = [0, 384], sizes = [16, 128], strides = [1, 1]} : vector<16x512xf32> to vector<16x128xf32>
    %add3A_582 = arith.addf %slice3A_580, %slice3A_581 : vector<16x128xf32>
    %add3A_583 = arith.addf %add3A_579, %add3A_582 : vector<16x128xf32>
    %add3A_584 = arith.addf %get3A_575, %add3A_583 : vector<16x128xf32>
    %swap3A_585 = arith.constant 1 : index
    %swap3A_586 = arith.constant 5 : index
    %swap3A_587 = arith.constant 0 : index
    %swap3A_588 = arith.constant 0 : index
    %swap3A_589 = vector.load %arg4[%swap3A_585, %swap3A_586, %swap3A_587, %swap3A_588] : memref<3x19x16x128xf32, #tpu.memory_space<vmem>>, vector<1x1x16x128xf32>
    %swap3A_590 = vector.shape_cast %swap3A_589 : vector<1x1x16x128xf32> to vector<16x128xf32>
    %swap3A_591 = vector.shape_cast %add3A_584 : vector<16x128xf32> to vector<1x1x16x128xf32>
    tpu.vector_store %arg4[%swap3A_585, %swap3A_586, %swap3A_587, %swap3A_588], %swap3A_591 {strides = array<i32>} : memref<3x19x16x128xf32, #tpu.memory_space<vmem>>, vector<1x1x16x128xf32>,
    %get3A_592 = arith.constant 2 : index
    %get3A_593 = arith.constant 5 : index
    %get3A_594 = arith.constant 0 : index
    %get3A_595 = arith.constant 0 : index
    %get3A_596 = vector.load %arg4[%get3A_592, %get3A_593, %get3A_594, %get3A_595] : memref<3x19x16x128xf32, #tpu.memory_space<vmem>>, vector<1x1x16x128xf32>
    %get3A_597 = vector.shape_cast %get3A_596 : vector<1x1x16x128xf32> to vector<16x128xf32>
    %slice3A_598 = vector.extract_strided_slice %convert_element_type3A_548 {offsets = [0, 0], sizes = [16, 128], strides = [1, 1]} : vector<16x512xf32> to vector<16x128xf32>
    %slice3A_599 = vector.extract_strided_slice %convert_element_type3A_548 {offsets = [0, 128], sizes = [16, 128], strides = [1, 1]} : vector<16x512xf32> to vector<16x128xf32>
    %add3A_600 = arith.addf %slice3A_598, %slice3A_599 : vector<16x128xf32>
    %slice3A_601 = vector.extract_strided_slice %convert_element_type3A_548 {offsets = [0, 256], sizes = [16, 128], strides = [1, 1]} : vector<16x512xf32> to vector<16x128xf32>
    %slice3A_602 = vector.extract_strided_slice %convert_element_type3A_548 {offsets = [0, 384], sizes = [16, 128], strides = [1, 1]} : vector<16x512xf32> to vector<16x128xf32>
    %add3A_603 = arith.addf %slice3A_601, %slice3A_602 : vector<16x128xf32>
    %add3A_604 = arith.addf %add3A_600, %add3A_603 : vector<16x128xf32>
    %add3A_605 = arith.addf %get3A_597, %add3A_604 : vector<16x128xf32>
    %swap3A_606 = arith.constant 2 : index
    %swap3A_607 = arith.constant 5 : index
    %swap3A_608 = arith.constant 0 : index
    %swap3A_609 = arith.constant 0 : index
    %swap3A_610 = vector.load %arg4[%swap3A_606, %swap3A_607, %swap3A_608, %swap3A_609] : memref<3x19x16x128xf32, #tpu.memory_space<vmem>>, vector<1x1x16x128xf32>
    %swap3A_611 = vector.shape_cast %swap3A_610 : vector<1x1x16x128xf32> to vector<16x128xf32>
    %swap3A_612 = vector.shape_cast %add3A_605 : vector<16x128xf32> to vector<1x1x16x128xf32>
    tpu.vector_store %arg4[%swap3A_606, %swap3A_607, %swap3A_608, %swap3A_609], %swap3A_612 {strides = array<i32>} : memref<3x19x16x128xf32, #tpu.memory_space<vmem>>, vector<1x1x16x128xf32>,
    %eq3A_613 = arith.constant 6 : i32
    %eq3A_614 = vector.broadcast %eq3A_613 : i32 to vector<16x512xi32>
    %eq3A_615 = arith.cmpi eq, %select_n3A_171, %eq3A_614 : vector<16x512xi32>
    %convert_element_type3A_616 = arith.extui %eq3A_615 : vector<16x512xi1> to vector<16x512xi32>
    %convert_element_type3A_617 = arith.sitofp %convert_element_type3A_616 : vector<16x512xi32> to vector<16x512xf32>
    %eq3A_618 = arith.constant 6 : i32
    %eq3A_619 = vector.broadcast %eq3A_618 : i32 to vector<16x512xi32>
    %eq3A_620 = arith.cmpi eq, %get3A_11, %eq3A_619 : vector<16x512xi32>
    %convert_element_type3A_621 = arith.extui %eq3A_620 : vector<16x512xi1> to vector<16x512xi32>
    %convert_element_type3A_622 = arith.sitofp %convert_element_type3A_621 : vector<16x512xi32> to vector<16x512xf32>
    %get3A_623 = arith.constant 0 : index
    %get3A_624 = arith.constant 6 : index
    %get3A_625 = arith.constant 0 : index
    %get3A_626 = arith.constant 0 : index
    %get3A_627 = vector.load %arg4[%get3A_623, %get3A_624, %get3A_625, %get3A_626] : memref<3x19x16x128xf32, #tpu.memory_space<vmem>>, vector<1x1x16x128xf32>
    %get3A_628 = vector.shape_cast %get3A_627 : vector<1x1x16x128xf32> to vector<16x128xf32>
    %slice3A_629 = vector.extract_strided_slice %convert_element_type3A_617 {offsets = [0, 0], sizes = [16, 128], strides = [1, 1]} : vector<16x512xf32> to vector<16x128xf32>
    %slice3A_630 = vector.extract_strided_slice %convert_element_type3A_617 {offsets = [0, 128], sizes = [16, 128], strides = [1, 1]} : vector<16x512xf32> to vector<16x128xf32>
    %add3A_631 = arith.addf %slice3A_629, %slice3A_630 : vector<16x128xf32>
    %slice3A_632 = vector.extract_strided_slice %convert_element_type3A_617 {offsets = [0, 256], sizes = [16, 128], strides = [1, 1]} : vector<16x512xf32> to vector<16x128xf32>
    %slice3A_633 = vector.extract_strided_slice %convert_element_type3A_617 {offsets = [0, 384], sizes = [16, 128], strides = [1, 1]} : vector<16x512xf32> to vector<16x128xf32>
    %add3A_634 = arith.addf %slice3A_632, %slice3A_633 : vector<16x128xf32>
    %add3A_635 = arith.addf %add3A_631, %add3A_634 : vector<16x128xf32>
    %add3A_636 = arith.addf %get3A_628, %add3A_635 : vector<16x128xf32>
    %swap3A_637 = arith.constant 0 : index
    %swap3A_638 = arith.constant 6 : index
    %swap3A_639 = arith.constant 0 : index
    %swap3A_640 = arith.constant 0 : index
    %swap3A_641 = vector.load %arg4[%swap3A_637, %swap3A_638, %swap3A_639, %swap3A_640] : memref<3x19x16x128xf32, #tpu.memory_space<vmem>>, vector<1x1x16x128xf32>
    %swap3A_642 = vector.shape_cast %swap3A_641 : vector<1x1x16x128xf32> to vector<16x128xf32>
    %swap3A_643 = vector.shape_cast %add3A_636 : vector<16x128xf32> to vector<1x1x16x128xf32>
    tpu.vector_store %arg4[%swap3A_637, %swap3A_638, %swap3A_639, %swap3A_640], %swap3A_643 {strides = array<i32>} : memref<3x19x16x128xf32, #tpu.memory_space<vmem>>, vector<1x1x16x128xf32>,
    %get3A_644 = arith.constant 1 : index
    %get3A_645 = arith.constant 6 : index
    %get3A_646 = arith.constant 0 : index
    %get3A_647 = arith.constant 0 : index
    %get3A_648 = vector.load %arg4[%get3A_644, %get3A_645, %get3A_646, %get3A_647] : memref<3x19x16x128xf32, #tpu.memory_space<vmem>>, vector<1x1x16x128xf32>
    %get3A_649 = vector.shape_cast %get3A_648 : vector<1x1x16x128xf32> to vector<16x128xf32>
    %mul3A_650 = arith.mulf %convert_element_type3A_617, %convert_element_type3A_622 : vector<16x512xf32>
    %slice3A_651 = vector.extract_strided_slice %mul3A_650 {offsets = [0, 0], sizes = [16, 128], strides = [1, 1]} : vector<16x512xf32> to vector<16x128xf32>
    %slice3A_652 = vector.extract_strided_slice %mul3A_650 {offsets = [0, 128], sizes = [16, 128], strides = [1, 1]} : vector<16x512xf32> to vector<16x128xf32>
    %add3A_653 = arith.addf %slice3A_651, %slice3A_652 : vector<16x128xf32>
    %slice3A_654 = vector.extract_strided_slice %mul3A_650 {offsets = [0, 256], sizes = [16, 128], strides = [1, 1]} : vector<16x512xf32> to vector<16x128xf32>
    %slice3A_655 = vector.extract_strided_slice %mul3A_650 {offsets = [0, 384], sizes = [16, 128], strides = [1, 1]} : vector<16x512xf32> to vector<16x128xf32>
    %add3A_656 = arith.addf %slice3A_654, %slice3A_655 : vector<16x128xf32>
    %add3A_657 = arith.addf %add3A_653, %add3A_656 : vector<16x128xf32>
    %add3A_658 = arith.addf %get3A_649, %add3A_657 : vector<16x128xf32>
    %swap3A_659 = arith.constant 1 : index
    %swap3A_660 = arith.constant 6 : index
    %swap3A_661 = arith.constant 0 : index
    %swap3A_662 = arith.constant 0 : index
    %swap3A_663 = vector.load %arg4[%swap3A_659, %swap3A_660, %swap3A_661, %swap3A_662] : memref<3x19x16x128xf32, #tpu.memory_space<vmem>>, vector<1x1x16x128xf32>
    %swap3A_664 = vector.shape_cast %swap3A_663 : vector<1x1x16x128xf32> to vector<16x128xf32>
    %swap3A_665 = vector.shape_cast %add3A_658 : vector<16x128xf32> to vector<1x1x16x128xf32>
    tpu.vector_store %arg4[%swap3A_659, %swap3A_660, %swap3A_661, %swap3A_662], %swap3A_665 {strides = array<i32>} : memref<3x19x16x128xf32, #tpu.memory_space<vmem>>, vector<1x1x16x128xf32>,
    %get3A_666 = arith.constant 2 : index
    %get3A_667 = arith.constant 6 : index
    %get3A_668 = arith.constant 0 : index
    %get3A_669 = arith.constant 0 : index
    %get3A_670 = vector.load %arg4[%get3A_666, %get3A_667, %get3A_668, %get3A_669] : memref<3x19x16x128xf32, #tpu.memory_space<vmem>>, vector<1x1x16x128xf32>
    %get3A_671 = vector.shape_cast %get3A_670 : vector<1x1x16x128xf32> to vector<16x128xf32>
    %slice3A_672 = vector.extract_strided_slice %convert_element_type3A_622 {offsets = [0, 0], sizes = [16, 128], strides = [1, 1]} : vector<16x512xf32> to vector<16x128xf32>
    %slice3A_673 = vector.extract_strided_slice %convert_element_type3A_622 {offsets = [0, 128], sizes = [16, 128], strides = [1, 1]} : vector<16x512xf32> to vector<16x128xf32>
    %add3A_674 = arith.addf %slice3A_672, %slice3A_673 : vector<16x128xf32>
    %slice3A_675 = vector.extract_strided_slice %convert_element_type3A_622 {offsets = [0, 256], sizes = [16, 128], strides = [1, 1]} : vector<16x512xf32> to vector<16x128xf32>
    %slice3A_676 = vector.extract_strided_slice %convert_element_type3A_622 {offsets = [0, 384], sizes = [16, 128], strides = [1, 1]} : vector<16x512xf32> to vector<16x128xf32>
    %add3A_677 = arith.addf %slice3A_675, %slice3A_676 : vector<16x128xf32>
    %add3A_678 = arith.addf %add3A_674, %add3A_677 : vector<16x128xf32>
    %add3A_679 = arith.addf %get3A_671, %add3A_678 : vector<16x128xf32>
    %swap3A_680 = arith.constant 2 : index
    %swap3A_681 = arith.constant 6 : index
    %swap3A_682 = arith.constant 0 : index
    %swap3A_683 = arith.constant 0 : index
    %swap3A_684 = vector.load %arg4[%swap3A_680, %swap3A_681, %swap3A_682, %swap3A_683] : memref<3x19x16x128xf32, #tpu.memory_space<vmem>>, vector<1x1x16x128xf32>
    %swap3A_685 = vector.shape_cast %swap3A_684 : vector<1x1x16x128xf32> to vector<16x128xf32>
    %swap3A_686 = vector.shape_cast %add3A_679 : vector<16x128xf32> to vector<1x1x16x128xf32>
    tpu.vector_store %arg4[%swap3A_680, %swap3A_681, %swap3A_682, %swap3A_683], %swap3A_686 {strides = array<i32>} : memref<3x19x16x128xf32, #tpu.memory_space<vmem>>, vector<1x1x16x128xf32>,
    %eq3A_687 = arith.constant 7 : i32
    %eq3A_688 = vector.broadcast %eq3A_687 : i32 to vector<16x512xi32>
    %eq3A_689 = arith.cmpi eq, %select_n3A_171, %eq3A_688 : vector<16x512xi32>
    %convert_element_type3A_690 = arith.extui %eq3A_689 : vector<16x512xi1> to vector<16x512xi32>
    %convert_element_type3A_691 = arith.sitofp %convert_element_type3A_690 : vector<16x512xi32> to vector<16x512xf32>
    %eq3A_692 = arith.constant 7 : i32
    %eq3A_693 = vector.broadcast %eq3A_692 : i32 to vector<16x512xi32>
    %eq3A_694 = arith.cmpi eq, %get3A_11, %eq3A_693 : vector<16x512xi32>
    %convert_element_type3A_695 = arith.extui %eq3A_694 : vector<16x512xi1> to vector<16x512xi32>
    %convert_element_type3A_696 = arith.sitofp %convert_element_type3A_695 : vector<16x512xi32> to vector<16x512xf32>
    %get3A_697 = arith.constant 0 : index
    %get3A_698 = arith.constant 7 : index
    %get3A_699 = arith.constant 0 : index
    %get3A_700 = arith.constant 0 : index
    %get3A_701 = vector.load %arg4[%get3A_697, %get3A_698, %get3A_699, %get3A_700] : memref<3x19x16x128xf32, #tpu.memory_space<vmem>>, vector<1x1x16x128xf32>
    %get3A_702 = vector.shape_cast %get3A_701 : vector<1x1x16x128xf32> to vector<16x128xf32>
    %slice3A_703 = vector.extract_strided_slice %convert_element_type3A_691 {offsets = [0, 0], sizes = [16, 128], strides = [1, 1]} : vector<16x512xf32> to vector<16x128xf32>
    %slice3A_704 = vector.extract_strided_slice %convert_element_type3A_691 {offsets = [0, 128], sizes = [16, 128], strides = [1, 1]} : vector<16x512xf32> to vector<16x128xf32>
    %add3A_705 = arith.addf %slice3A_703, %slice3A_704 : vector<16x128xf32>
    %slice3A_706 = vector.extract_strided_slice %convert_element_type3A_691 {offsets = [0, 256], sizes = [16, 128], strides = [1, 1]} : vector<16x512xf32> to vector<16x128xf32>
    %slice3A_707 = vector.extract_strided_slice %convert_element_type3A_691 {offsets = [0, 384], sizes = [16, 128], strides = [1, 1]} : vector<16x512xf32> to vector<16x128xf32>
    %add3A_708 = arith.addf %slice3A_706, %slice3A_707 : vector<16x128xf32>
    %add3A_709 = arith.addf %add3A_705, %add3A_708 : vector<16x128xf32>
    %add3A_710 = arith.addf %get3A_702, %add3A_709 : vector<16x128xf32>
    %swap3A_711 = arith.constant 0 : index
    %swap3A_712 = arith.constant 7 : index
    %swap3A_713 = arith.constant 0 : index
    %swap3A_714 = arith.constant 0 : index
    %swap3A_715 = vector.load %arg4[%swap3A_711, %swap3A_712, %swap3A_713, %swap3A_714] : memref<3x19x16x128xf32, #tpu.memory_space<vmem>>, vector<1x1x16x128xf32>
    %swap3A_716 = vector.shape_cast %swap3A_715 : vector<1x1x16x128xf32> to vector<16x128xf32>
    %swap3A_717 = vector.shape_cast %add3A_710 : vector<16x128xf32> to vector<1x1x16x128xf32>
    tpu.vector_store %arg4[%swap3A_711, %swap3A_712, %swap3A_713, %swap3A_714], %swap3A_717 {strides = array<i32>} : memref<3x19x16x128xf32, #tpu.memory_space<vmem>>, vector<1x1x16x128xf32>,
    %get3A_718 = arith.constant 1 : index
    %get3A_719 = arith.constant 7 : index
    %get3A_720 = arith.constant 0 : index
    %get3A_721 = arith.constant 0 : index
    %get3A_722 = vector.load %arg4[%get3A_718, %get3A_719, %get3A_720, %get3A_721] : memref<3x19x16x128xf32, #tpu.memory_space<vmem>>, vector<1x1x16x128xf32>
    %get3A_723 = vector.shape_cast %get3A_722 : vector<1x1x16x128xf32> to vector<16x128xf32>
    %mul3A_724 = arith.mulf %convert_element_type3A_691, %convert_element_type3A_696 : vector<16x512xf32>
    %slice3A_725 = vector.extract_strided_slice %mul3A_724 {offsets = [0, 0], sizes = [16, 128], strides = [1, 1]} : vector<16x512xf32> to vector<16x128xf32>
    %slice3A_726 = vector.extract_strided_slice %mul3A_724 {offsets = [0, 128], sizes = [16, 128], strides = [1, 1]} : vector<16x512xf32> to vector<16x128xf32>
    %add3A_727 = arith.addf %slice3A_725, %slice3A_726 : vector<16x128xf32>
    %slice3A_728 = vector.extract_strided_slice %mul3A_724 {offsets = [0, 256], sizes = [16, 128], strides = [1, 1]} : vector<16x512xf32> to vector<16x128xf32>
    %slice3A_729 = vector.extract_strided_slice %mul3A_724 {offsets = [0, 384], sizes = [16, 128], strides = [1, 1]} : vector<16x512xf32> to vector<16x128xf32>
    %add3A_730 = arith.addf %slice3A_728, %slice3A_729 : vector<16x128xf32>
    %add3A_731 = arith.addf %add3A_727, %add3A_730 : vector<16x128xf32>
    %add3A_732 = arith.addf %get3A_723, %add3A_731 : vector<16x128xf32>
    %swap3A_733 = arith.constant 1 : index
    %swap3A_734 = arith.constant 7 : index
    %swap3A_735 = arith.constant 0 : index
    %swap3A_736 = arith.constant 0 : index
    %swap3A_737 = vector.load %arg4[%swap3A_733, %swap3A_734, %swap3A_735, %swap3A_736] : memref<3x19x16x128xf32, #tpu.memory_space<vmem>>, vector<1x1x16x128xf32>
    %swap3A_738 = vector.shape_cast %swap3A_737 : vector<1x1x16x128xf32> to vector<16x128xf32>
    %swap3A_739 = vector.shape_cast %add3A_732 : vector<16x128xf32> to vector<1x1x16x128xf32>
    tpu.vector_store %arg4[%swap3A_733, %swap3A_734, %swap3A_735, %swap3A_736], %swap3A_739 {strides = array<i32>} : memref<3x19x16x128xf32, #tpu.memory_space<vmem>>, vector<1x1x16x128xf32>,
    %get3A_740 = arith.constant 2 : index
    %get3A_741 = arith.constant 7 : index
    %get3A_742 = arith.constant 0 : index
    %get3A_743 = arith.constant 0 : index
    %get3A_744 = vector.load %arg4[%get3A_740, %get3A_741, %get3A_742, %get3A_743] : memref<3x19x16x128xf32, #tpu.memory_space<vmem>>, vector<1x1x16x128xf32>
    %get3A_745 = vector.shape_cast %get3A_744 : vector<1x1x16x128xf32> to vector<16x128xf32>
    %slice3A_746 = vector.extract_strided_slice %convert_element_type3A_696 {offsets = [0, 0], sizes = [16, 128], strides = [1, 1]} : vector<16x512xf32> to vector<16x128xf32>
    %slice3A_747 = vector.extract_strided_slice %convert_element_type3A_696 {offsets = [0, 128], sizes = [16, 128], strides = [1, 1]} : vector<16x512xf32> to vector<16x128xf32>
    %add3A_748 = arith.addf %slice3A_746, %slice3A_747 : vector<16x128xf32>
    %slice3A_749 = vector.extract_strided_slice %convert_element_type3A_696 {offsets = [0, 256], sizes = [16, 128], strides = [1, 1]} : vector<16x512xf32> to vector<16x128xf32>
    %slice3A_750 = vector.extract_strided_slice %convert_element_type3A_696 {offsets = [0, 384], sizes = [16, 128], strides = [1, 1]} : vector<16x512xf32> to vector<16x128xf32>
    %add3A_751 = arith.addf %slice3A_749, %slice3A_750 : vector<16x128xf32>
    %add3A_752 = arith.addf %add3A_748, %add3A_751 : vector<16x128xf32>
    %add3A_753 = arith.addf %get3A_745, %add3A_752 : vector<16x128xf32>
    %swap3A_754 = arith.constant 2 : index
    %swap3A_755 = arith.constant 7 : index
    %swap3A_756 = arith.constant 0 : index
    %swap3A_757 = arith.constant 0 : index
    %swap3A_758 = vector.load %arg4[%swap3A_754, %swap3A_755, %swap3A_756, %swap3A_757] : memref<3x19x16x128xf32, #tpu.memory_space<vmem>>, vector<1x1x16x128xf32>
    %swap3A_759 = vector.shape_cast %swap3A_758 : vector<1x1x16x128xf32> to vector<16x128xf32>
    %swap3A_760 = vector.shape_cast %add3A_753 : vector<16x128xf32> to vector<1x1x16x128xf32>
    tpu.vector_store %arg4[%swap3A_754, %swap3A_755, %swap3A_756, %swap3A_757], %swap3A_760 {strides = array<i32>} : memref<3x19x16x128xf32, #tpu.memory_space<vmem>>, vector<1x1x16x128xf32>,
    %eq3A_761 = arith.constant 8 : i32
    %eq3A_762 = vector.broadcast %eq3A_761 : i32 to vector<16x512xi32>
    %eq3A_763 = arith.cmpi eq, %select_n3A_171, %eq3A_762 : vector<16x512xi32>
    %convert_element_type3A_764 = arith.extui %eq3A_763 : vector<16x512xi1> to vector<16x512xi32>
    %convert_element_type3A_765 = arith.sitofp %convert_element_type3A_764 : vector<16x512xi32> to vector<16x512xf32>
    %eq3A_766 = arith.constant 8 : i32
    %eq3A_767 = vector.broadcast %eq3A_766 : i32 to vector<16x512xi32>
    %eq3A_768 = arith.cmpi eq, %get3A_11, %eq3A_767 : vector<16x512xi32>
    %convert_element_type3A_769 = arith.extui %eq3A_768 : vector<16x512xi1> to vector<16x512xi32>
    %convert_element_type3A_770 = arith.sitofp %convert_element_type3A_769 : vector<16x512xi32> to vector<16x512xf32>
    %get3A_771 = arith.constant 0 : index
    %get3A_772 = arith.constant 8 : index
    %get3A_773 = arith.constant 0 : index
    %get3A_774 = arith.constant 0 : index
    %get3A_775 = vector.load %arg4[%get3A_771, %get3A_772, %get3A_773, %get3A_774] : memref<3x19x16x128xf32, #tpu.memory_space<vmem>>, vector<1x1x16x128xf32>
    %get3A_776 = vector.shape_cast %get3A_775 : vector<1x1x16x128xf32> to vector<16x128xf32>
    %slice3A_777 = vector.extract_strided_slice %convert_element_type3A_765 {offsets = [0, 0], sizes = [16, 128], strides = [1, 1]} : vector<16x512xf32> to vector<16x128xf32>
    %slice3A_778 = vector.extract_strided_slice %convert_element_type3A_765 {offsets = [0, 128], sizes = [16, 128], strides = [1, 1]} : vector<16x512xf32> to vector<16x128xf32>
    %add3A_779 = arith.addf %slice3A_777, %slice3A_778 : vector<16x128xf32>
    %slice3A_780 = vector.extract_strided_slice %convert_element_type3A_765 {offsets = [0, 256], sizes = [16, 128], strides = [1, 1]} : vector<16x512xf32> to vector<16x128xf32>
    %slice3A_781 = vector.extract_strided_slice %convert_element_type3A_765 {offsets = [0, 384], sizes = [16, 128], strides = [1, 1]} : vector<16x512xf32> to vector<16x128xf32>
    %add3A_782 = arith.addf %slice3A_780, %slice3A_781 : vector<16x128xf32>
    %add3A_783 = arith.addf %add3A_779, %add3A_782 : vector<16x128xf32>
    %add3A_784 = arith.addf %get3A_776, %add3A_783 : vector<16x128xf32>
    %swap3A_785 = arith.constant 0 : index
    %swap3A_786 = arith.constant 8 : index
    %swap3A_787 = arith.constant 0 : index
    %swap3A_788 = arith.constant 0 : index
    %swap3A_789 = vector.load %arg4[%swap3A_785, %swap3A_786, %swap3A_787, %swap3A_788] : memref<3x19x16x128xf32, #tpu.memory_space<vmem>>, vector<1x1x16x128xf32>
    %swap3A_790 = vector.shape_cast %swap3A_789 : vector<1x1x16x128xf32> to vector<16x128xf32>
    %swap3A_791 = vector.shape_cast %add3A_784 : vector<16x128xf32> to vector<1x1x16x128xf32>
    tpu.vector_store %arg4[%swap3A_785, %swap3A_786, %swap3A_787, %swap3A_788], %swap3A_791 {strides = array<i32>} : memref<3x19x16x128xf32, #tpu.memory_space<vmem>>, vector<1x1x16x128xf32>,
    %get3A_792 = arith.constant 1 : index
    %get3A_793 = arith.constant 8 : index
    %get3A_794 = arith.constant 0 : index
    %get3A_795 = arith.constant 0 : index
    %get3A_796 = vector.load %arg4[%get3A_792, %get3A_793, %get3A_794, %get3A_795] : memref<3x19x16x128xf32, #tpu.memory_space<vmem>>, vector<1x1x16x128xf32>
    %get3A_797 = vector.shape_cast %get3A_796 : vector<1x1x16x128xf32> to vector<16x128xf32>
    %mul3A_798 = arith.mulf %convert_element_type3A_765, %convert_element_type3A_770 : vector<16x512xf32>
    %slice3A_799 = vector.extract_strided_slice %mul3A_798 {offsets = [0, 0], sizes = [16, 128], strides = [1, 1]} : vector<16x512xf32> to vector<16x128xf32>
    %slice3A_800 = vector.extract_strided_slice %mul3A_798 {offsets = [0, 128], sizes = [16, 128], strides = [1, 1]} : vector<16x512xf32> to vector<16x128xf32>
    %add3A_801 = arith.addf %slice3A_799, %slice3A_800 : vector<16x128xf32>
    %slice3A_802 = vector.extract_strided_slice %mul3A_798 {offsets = [0, 256], sizes = [16, 128], strides = [1, 1]} : vector<16x512xf32> to vector<16x128xf32>
    %slice3A_803 = vector.extract_strided_slice %mul3A_798 {offsets = [0, 384], sizes = [16, 128], strides = [1, 1]} : vector<16x512xf32> to vector<16x128xf32>
    %add3A_804 = arith.addf %slice3A_802, %slice3A_803 : vector<16x128xf32>
    %add3A_805 = arith.addf %add3A_801, %add3A_804 : vector<16x128xf32>
    %add3A_806 = arith.addf %get3A_797, %add3A_805 : vector<16x128xf32>
    %swap3A_807 = arith.constant 1 : index
    %swap3A_808 = arith.constant 8 : index
    %swap3A_809 = arith.constant 0 : index
    %swap3A_810 = arith.constant 0 : index
    %swap3A_811 = vector.load %arg4[%swap3A_807, %swap3A_808, %swap3A_809, %swap3A_810] : memref<3x19x16x128xf32, #tpu.memory_space<vmem>>, vector<1x1x16x128xf32>
    %swap3A_812 = vector.shape_cast %swap3A_811 : vector<1x1x16x128xf32> to vector<16x128xf32>
    %swap3A_813 = vector.shape_cast %add3A_806 : vector<16x128xf32> to vector<1x1x16x128xf32>
    tpu.vector_store %arg4[%swap3A_807, %swap3A_808, %swap3A_809, %swap3A_810], %swap3A_813 {strides = array<i32>} : memref<3x19x16x128xf32, #tpu.memory_space<vmem>>, vector<1x1x16x128xf32>,
    %get3A_814 = arith.constant 2 : index
    %get3A_815 = arith.constant 8 : index
    %get3A_816 = arith.constant 0 : index
    %get3A_817 = arith.constant 0 : index
    %get3A_818 = vector.load %arg4[%get3A_814, %get3A_815, %get3A_816, %get3A_817] : memref<3x19x16x128xf32, #tpu.memory_space<vmem>>, vector<1x1x16x128xf32>
    %get3A_819 = vector.shape_cast %get3A_818 : vector<1x1x16x128xf32> to vector<16x128xf32>
    %slice3A_820 = vector.extract_strided_slice %convert_element_type3A_770 {offsets = [0, 0], sizes = [16, 128], strides = [1, 1]} : vector<16x512xf32> to vector<16x128xf32>
    %slice3A_821 = vector.extract_strided_slice %convert_element_type3A_770 {offsets = [0, 128], sizes = [16, 128], strides = [1, 1]} : vector<16x512xf32> to vector<16x128xf32>
    %add3A_822 = arith.addf %slice3A_820, %slice3A_821 : vector<16x128xf32>
    %slice3A_823 = vector.extract_strided_slice %convert_element_type3A_770 {offsets = [0, 256], sizes = [16, 128], strides = [1, 1]} : vector<16x512xf32> to vector<16x128xf32>
    %slice3A_824 = vector.extract_strided_slice %convert_element_type3A_770 {offsets = [0, 384], sizes = [16, 128], strides = [1, 1]} : vector<16x512xf32> to vector<16x128xf32>
    %add3A_825 = arith.addf %slice3A_823, %slice3A_824 : vector<16x128xf32>
    %add3A_826 = arith.addf %add3A_822, %add3A_825 : vector<16x128xf32>
    %add3A_827 = arith.addf %get3A_819, %add3A_826 : vector<16x128xf32>
    %swap3A_828 = arith.constant 2 : index
    %swap3A_829 = arith.constant 8 : index
    %swap3A_830 = arith.constant 0 : index
    %swap3A_831 = arith.constant 0 : index
    %swap3A_832 = vector.load %arg4[%swap3A_828, %swap3A_829, %swap3A_830, %swap3A_831] : memref<3x19x16x128xf32, #tpu.memory_space<vmem>>, vector<1x1x16x128xf32>
    %swap3A_833 = vector.shape_cast %swap3A_832 : vector<1x1x16x128xf32> to vector<16x128xf32>
    %swap3A_834 = vector.shape_cast %add3A_827 : vector<16x128xf32> to vector<1x1x16x128xf32>
    tpu.vector_store %arg4[%swap3A_828, %swap3A_829, %swap3A_830, %swap3A_831], %swap3A_834 {strides = array<i32>} : memref<3x19x16x128xf32, #tpu.memory_space<vmem>>, vector<1x1x16x128xf32>,
    %eq3A_835 = arith.constant 9 : i32
    %eq3A_836 = vector.broadcast %eq3A_835 : i32 to vector<16x512xi32>
    %eq3A_837 = arith.cmpi eq, %select_n3A_171, %eq3A_836 : vector<16x512xi32>
    %convert_element_type3A_838 = arith.extui %eq3A_837 : vector<16x512xi1> to vector<16x512xi32>
    %convert_element_type3A_839 = arith.sitofp %convert_element_type3A_838 : vector<16x512xi32> to vector<16x512xf32>
    %eq3A_840 = arith.constant 9 : i32
    %eq3A_841 = vector.broadcast %eq3A_840 : i32 to vector<16x512xi32>
    %eq3A_842 = arith.cmpi eq, %get3A_11, %eq3A_841 : vector<16x512xi32>
    %convert_element_type3A_843 = arith.extui %eq3A_842 : vector<16x512xi1> to vector<16x512xi32>
    %convert_element_type3A_844 = arith.sitofp %convert_element_type3A_843 : vector<16x512xi32> to vector<16x512xf32>
    %get3A_845 = arith.constant 0 : index
    %get3A_846 = arith.constant 9 : index
    %get3A_847 = arith.constant 0 : index
    %get3A_848 = arith.constant 0 : index
    %get3A_849 = vector.load %arg4[%get3A_845, %get3A_846, %get3A_847, %get3A_848] : memref<3x19x16x128xf32, #tpu.memory_space<vmem>>, vector<1x1x16x128xf32>
    %get3A_850 = vector.shape_cast %get3A_849 : vector<1x1x16x128xf32> to vector<16x128xf32>
    %slice3A_851 = vector.extract_strided_slice %convert_element_type3A_839 {offsets = [0, 0], sizes = [16, 128], strides = [1, 1]} : vector<16x512xf32> to vector<16x128xf32>
    %slice3A_852 = vector.extract_strided_slice %convert_element_type3A_839 {offsets = [0, 128], sizes = [16, 128], strides = [1, 1]} : vector<16x512xf32> to vector<16x128xf32>
    %add3A_853 = arith.addf %slice3A_851, %slice3A_852 : vector<16x128xf32>
    %slice3A_854 = vector.extract_strided_slice %convert_element_type3A_839 {offsets = [0, 256], sizes = [16, 128], strides = [1, 1]} : vector<16x512xf32> to vector<16x128xf32>
    %slice3A_855 = vector.extract_strided_slice %convert_element_type3A_839 {offsets = [0, 384], sizes = [16, 128], strides = [1, 1]} : vector<16x512xf32> to vector<16x128xf32>
    %add3A_856 = arith.addf %slice3A_854, %slice3A_855 : vector<16x128xf32>
    %add3A_857 = arith.addf %add3A_853, %add3A_856 : vector<16x128xf32>
    %add3A_858 = arith.addf %get3A_850, %add3A_857 : vector<16x128xf32>
    %swap3A_859 = arith.constant 0 : index
    %swap3A_860 = arith.constant 9 : index
    %swap3A_861 = arith.constant 0 : index
    %swap3A_862 = arith.constant 0 : index
    %swap3A_863 = vector.load %arg4[%swap3A_859, %swap3A_860, %swap3A_861, %swap3A_862] : memref<3x19x16x128xf32, #tpu.memory_space<vmem>>, vector<1x1x16x128xf32>
    %swap3A_864 = vector.shape_cast %swap3A_863 : vector<1x1x16x128xf32> to vector<16x128xf32>
    %swap3A_865 = vector.shape_cast %add3A_858 : vector<16x128xf32> to vector<1x1x16x128xf32>
    tpu.vector_store %arg4[%swap3A_859, %swap3A_860, %swap3A_861, %swap3A_862], %swap3A_865 {strides = array<i32>} : memref<3x19x16x128xf32, #tpu.memory_space<vmem>>, vector<1x1x16x128xf32>,
    %get3A_866 = arith.constant 1 : index
    %get3A_867 = arith.constant 9 : index
    %get3A_868 = arith.constant 0 : index
    %get3A_869 = arith.constant 0 : index
    %get3A_870 = vector.load %arg4[%get3A_866, %get3A_867, %get3A_868, %get3A_869] : memref<3x19x16x128xf32, #tpu.memory_space<vmem>>, vector<1x1x16x128xf32>
    %get3A_871 = vector.shape_cast %get3A_870 : vector<1x1x16x128xf32> to vector<16x128xf32>
    %mul3A_872 = arith.mulf %convert_element_type3A_839, %convert_element_type3A_844 : vector<16x512xf32>
    %slice3A_873 = vector.extract_strided_slice %mul3A_872 {offsets = [0, 0], sizes = [16, 128], strides = [1, 1]} : vector<16x512xf32> to vector<16x128xf32>
    %slice3A_874 = vector.extract_strided_slice %mul3A_872 {offsets = [0, 128], sizes = [16, 128], strides = [1, 1]} : vector<16x512xf32> to vector<16x128xf32>
    %add3A_875 = arith.addf %slice3A_873, %slice3A_874 : vector<16x128xf32>
    %slice3A_876 = vector.extract_strided_slice %mul3A_872 {offsets = [0, 256], sizes = [16, 128], strides = [1, 1]} : vector<16x512xf32> to vector<16x128xf32>
    %slice3A_877 = vector.extract_strided_slice %mul3A_872 {offsets = [0, 384], sizes = [16, 128], strides = [1, 1]} : vector<16x512xf32> to vector<16x128xf32>
    %add3A_878 = arith.addf %slice3A_876, %slice3A_877 : vector<16x128xf32>
    %add3A_879 = arith.addf %add3A_875, %add3A_878 : vector<16x128xf32>
    %add3A_880 = arith.addf %get3A_871, %add3A_879 : vector<16x128xf32>
    %swap3A_881 = arith.constant 1 : index
    %swap3A_882 = arith.constant 9 : index
    %swap3A_883 = arith.constant 0 : index
    %swap3A_884 = arith.constant 0 : index
    %swap3A_885 = vector.load %arg4[%swap3A_881, %swap3A_882, %swap3A_883, %swap3A_884] : memref<3x19x16x128xf32, #tpu.memory_space<vmem>>, vector<1x1x16x128xf32>
    %swap3A_886 = vector.shape_cast %swap3A_885 : vector<1x1x16x128xf32> to vector<16x128xf32>
    %swap3A_887 = vector.shape_cast %add3A_880 : vector<16x128xf32> to vector<1x1x16x128xf32>
    tpu.vector_store %arg4[%swap3A_881, %swap3A_882, %swap3A_883, %swap3A_884], %swap3A_887 {strides = array<i32>} : memref<3x19x16x128xf32, #tpu.memory_space<vmem>>, vector<1x1x16x128xf32>,
    %get3A_888 = arith.constant 2 : index
    %get3A_889 = arith.constant 9 : index
    %get3A_890 = arith.constant 0 : index
    %get3A_891 = arith.constant 0 : index
    %get3A_892 = vector.load %arg4[%get3A_888, %get3A_889, %get3A_890, %get3A_891] : memref<3x19x16x128xf32, #tpu.memory_space<vmem>>, vector<1x1x16x128xf32>
    %get3A_893 = vector.shape_cast %get3A_892 : vector<1x1x16x128xf32> to vector<16x128xf32>
    %slice3A_894 = vector.extract_strided_slice %convert_element_type3A_844 {offsets = [0, 0], sizes = [16, 128], strides = [1, 1]} : vector<16x512xf32> to vector<16x128xf32>
    %slice3A_895 = vector.extract_strided_slice %convert_element_type3A_844 {offsets = [0, 128], sizes = [16, 128], strides = [1, 1]} : vector<16x512xf32> to vector<16x128xf32>
    %add3A_896 = arith.addf %slice3A_894, %slice3A_895 : vector<16x128xf32>
    %slice3A_897 = vector.extract_strided_slice %convert_element_type3A_844 {offsets = [0, 256], sizes = [16, 128], strides = [1, 1]} : vector<16x512xf32> to vector<16x128xf32>
    %slice3A_898 = vector.extract_strided_slice %convert_element_type3A_844 {offsets = [0, 384], sizes = [16, 128], strides = [1, 1]} : vector<16x512xf32> to vector<16x128xf32>
    %add3A_899 = arith.addf %slice3A_897, %slice3A_898 : vector<16x128xf32>
    %add3A_900 = arith.addf %add3A_896, %add3A_899 : vector<16x128xf32>
    %add3A_901 = arith.addf %get3A_893, %add3A_900 : vector<16x128xf32>
    %swap3A_902 = arith.constant 2 : index
    %swap3A_903 = arith.constant 9 : index
    %swap3A_904 = arith.constant 0 : index
    %swap3A_905 = arith.constant 0 : index
    %swap3A_906 = vector.load %arg4[%swap3A_902, %swap3A_903, %swap3A_904, %swap3A_905] : memref<3x19x16x128xf32, #tpu.memory_space<vmem>>, vector<1x1x16x128xf32>
    %swap3A_907 = vector.shape_cast %swap3A_906 : vector<1x1x16x128xf32> to vector<16x128xf32>
    %swap3A_908 = vector.shape_cast %add3A_901 : vector<16x128xf32> to vector<1x1x16x128xf32>
    tpu.vector_store %arg4[%swap3A_902, %swap3A_903, %swap3A_904, %swap3A_905], %swap3A_908 {strides = array<i32>} : memref<3x19x16x128xf32, #tpu.memory_space<vmem>>, vector<1x1x16x128xf32>,
    %eq3A_909 = arith.constant 10 : i32
    %eq3A_910 = vector.broadcast %eq3A_909 : i32 to vector<16x512xi32>
    %eq3A_911 = arith.cmpi eq, %select_n3A_171, %eq3A_910 : vector<16x512xi32>
    %convert_element_type3A_912 = arith.extui %eq3A_911 : vector<16x512xi1> to vector<16x512xi32>
    %convert_element_type3A_913 = arith.sitofp %convert_element_type3A_912 : vector<16x512xi32> to vector<16x512xf32>
    %eq3A_914 = arith.constant 10 : i32
    %eq3A_915 = vector.broadcast %eq3A_914 : i32 to vector<16x512xi32>
    %eq3A_916 = arith.cmpi eq, %get3A_11, %eq3A_915 : vector<16x512xi32>
    %convert_element_type3A_917 = arith.extui %eq3A_916 : vector<16x512xi1> to vector<16x512xi32>
    %convert_element_type3A_918 = arith.sitofp %convert_element_type3A_917 : vector<16x512xi32> to vector<16x512xf32>
    %get3A_919 = arith.constant 0 : index
    %get3A_920 = arith.constant 10 : index
    %get3A_921 = arith.constant 0 : index
    %get3A_922 = arith.constant 0 : index
    %get3A_923 = vector.load %arg4[%get3A_919, %get3A_920, %get3A_921, %get3A_922] : memref<3x19x16x128xf32, #tpu.memory_space<vmem>>, vector<1x1x16x128xf32>
    %get3A_924 = vector.shape_cast %get3A_923 : vector<1x1x16x128xf32> to vector<16x128xf32>
    %slice3A_925 = vector.extract_strided_slice %convert_element_type3A_913 {offsets = [0, 0], sizes = [16, 128], strides = [1, 1]} : vector<16x512xf32> to vector<16x128xf32>
    %slice3A_926 = vector.extract_strided_slice %convert_element_type3A_913 {offsets = [0, 128], sizes = [16, 128], strides = [1, 1]} : vector<16x512xf32> to vector<16x128xf32>
    %add3A_927 = arith.addf %slice3A_925, %slice3A_926 : vector<16x128xf32>
    %slice3A_928 = vector.extract_strided_slice %convert_element_type3A_913 {offsets = [0, 256], sizes = [16, 128], strides = [1, 1]} : vector<16x512xf32> to vector<16x128xf32>
    %slice3A_929 = vector.extract_strided_slice %convert_element_type3A_913 {offsets = [0, 384], sizes = [16, 128], strides = [1, 1]} : vector<16x512xf32> to vector<16x128xf32>
    %add3A_930 = arith.addf %slice3A_928, %slice3A_929 : vector<16x128xf32>
    %add3A_931 = arith.addf %add3A_927, %add3A_930 : vector<16x128xf32>
    %add3A_932 = arith.addf %get3A_924, %add3A_931 : vector<16x128xf32>
    %swap3A_933 = arith.constant 0 : index
    %swap3A_934 = arith.constant 10 : index
    %swap3A_935 = arith.constant 0 : index
    %swap3A_936 = arith.constant 0 : index
    %swap3A_937 = vector.load %arg4[%swap3A_933, %swap3A_934, %swap3A_935, %swap3A_936] : memref<3x19x16x128xf32, #tpu.memory_space<vmem>>, vector<1x1x16x128xf32>
    %swap3A_938 = vector.shape_cast %swap3A_937 : vector<1x1x16x128xf32> to vector<16x128xf32>
    %swap3A_939 = vector.shape_cast %add3A_932 : vector<16x128xf32> to vector<1x1x16x128xf32>
    tpu.vector_store %arg4[%swap3A_933, %swap3A_934, %swap3A_935, %swap3A_936], %swap3A_939 {strides = array<i32>} : memref<3x19x16x128xf32, #tpu.memory_space<vmem>>, vector<1x1x16x128xf32>,
    %get3A_940 = arith.constant 1 : index
    %get3A_941 = arith.constant 10 : index
    %get3A_942 = arith.constant 0 : index
    %get3A_943 = arith.constant 0 : index
    %get3A_944 = vector.load %arg4[%get3A_940, %get3A_941, %get3A_942, %get3A_943] : memref<3x19x16x128xf32, #tpu.memory_space<vmem>>, vector<1x1x16x128xf32>
    %get3A_945 = vector.shape_cast %get3A_944 : vector<1x1x16x128xf32> to vector<16x128xf32>
    %mul3A_946 = arith.mulf %convert_element_type3A_913, %convert_element_type3A_918 : vector<16x512xf32>
    %slice3A_947 = vector.extract_strided_slice %mul3A_946 {offsets = [0, 0], sizes = [16, 128], strides = [1, 1]} : vector<16x512xf32> to vector<16x128xf32>
    %slice3A_948 = vector.extract_strided_slice %mul3A_946 {offsets = [0, 128], sizes = [16, 128], strides = [1, 1]} : vector<16x512xf32> to vector<16x128xf32>
    %add3A_949 = arith.addf %slice3A_947, %slice3A_948 : vector<16x128xf32>
    %slice3A_950 = vector.extract_strided_slice %mul3A_946 {offsets = [0, 256], sizes = [16, 128], strides = [1, 1]} : vector<16x512xf32> to vector<16x128xf32>
    %slice3A_951 = vector.extract_strided_slice %mul3A_946 {offsets = [0, 384], sizes = [16, 128], strides = [1, 1]} : vector<16x512xf32> to vector<16x128xf32>
    %add3A_952 = arith.addf %slice3A_950, %slice3A_951 : vector<16x128xf32>
    %add3A_953 = arith.addf %add3A_949, %add3A_952 : vector<16x128xf32>
    %add3A_954 = arith.addf %get3A_945, %add3A_953 : vector<16x128xf32>
    %swap3A_955 = arith.constant 1 : index
    %swap3A_956 = arith.constant 10 : index
    %swap3A_957 = arith.constant 0 : index
    %swap3A_958 = arith.constant 0 : index
    %swap3A_959 = vector.load %arg4[%swap3A_955, %swap3A_956, %swap3A_957, %swap3A_958] : memref<3x19x16x128xf32, #tpu.memory_space<vmem>>, vector<1x1x16x128xf32>
    %swap3A_960 = vector.shape_cast %swap3A_959 : vector<1x1x16x128xf32> to vector<16x128xf32>
    %swap3A_961 = vector.shape_cast %add3A_954 : vector<16x128xf32> to vector<1x1x16x128xf32>
    tpu.vector_store %arg4[%swap3A_955, %swap3A_956, %swap3A_957, %swap3A_958], %swap3A_961 {strides = array<i32>} : memref<3x19x16x128xf32, #tpu.memory_space<vmem>>, vector<1x1x16x128xf32>,
    %get3A_962 = arith.constant 2 : index
    %get3A_963 = arith.constant 10 : index
    %get3A_964 = arith.constant 0 : index
    %get3A_965 = arith.constant 0 : index
    %get3A_966 = vector.load %arg4[%get3A_962, %get3A_963, %get3A_964, %get3A_965] : memref<3x19x16x128xf32, #tpu.memory_space<vmem>>, vector<1x1x16x128xf32>
    %get3A_967 = vector.shape_cast %get3A_966 : vector<1x1x16x128xf32> to vector<16x128xf32>
    %slice3A_968 = vector.extract_strided_slice %convert_element_type3A_918 {offsets = [0, 0], sizes = [16, 128], strides = [1, 1]} : vector<16x512xf32> to vector<16x128xf32>
    %slice3A_969 = vector.extract_strided_slice %convert_element_type3A_918 {offsets = [0, 128], sizes = [16, 128], strides = [1, 1]} : vector<16x512xf32> to vector<16x128xf32>
    %add3A_970 = arith.addf %slice3A_968, %slice3A_969 : vector<16x128xf32>
    %slice3A_971 = vector.extract_strided_slice %convert_element_type3A_918 {offsets = [0, 256], sizes = [16, 128], strides = [1, 1]} : vector<16x512xf32> to vector<16x128xf32>
    %slice3A_972 = vector.extract_strided_slice %convert_element_type3A_918 {offsets = [0, 384], sizes = [16, 128], strides = [1, 1]} : vector<16x512xf32> to vector<16x128xf32>
    %add3A_973 = arith.addf %slice3A_971, %slice3A_972 : vector<16x128xf32>
    %add3A_974 = arith.addf %add3A_970, %add3A_973 : vector<16x128xf32>
    %add3A_975 = arith.addf %get3A_967, %add3A_974 : vector<16x128xf32>
    %swap3A_976 = arith.constant 2 : index
    %swap3A_977 = arith.constant 10 : index
    %swap3A_978 = arith.constant 0 : index
    %swap3A_979 = arith.constant 0 : index
    %swap3A_980 = vector.load %arg4[%swap3A_976, %swap3A_977, %swap3A_978, %swap3A_979] : memref<3x19x16x128xf32, #tpu.memory_space<vmem>>, vector<1x1x16x128xf32>
    %swap3A_981 = vector.shape_cast %swap3A_980 : vector<1x1x16x128xf32> to vector<16x128xf32>
    %swap3A_982 = vector.shape_cast %add3A_975 : vector<16x128xf32> to vector<1x1x16x128xf32>
    tpu.vector_store %arg4[%swap3A_976, %swap3A_977, %swap3A_978, %swap3A_979], %swap3A_982 {strides = array<i32>} : memref<3x19x16x128xf32, #tpu.memory_space<vmem>>, vector<1x1x16x128xf32>,
    %eq3A_983 = arith.constant 11 : i32
    %eq3A_984 = vector.broadcast %eq3A_983 : i32 to vector<16x512xi32>
    %eq3A_985 = arith.cmpi eq, %select_n3A_171, %eq3A_984 : vector<16x512xi32>
    %convert_element_type3A_986 = arith.extui %eq3A_985 : vector<16x512xi1> to vector<16x512xi32>
    %convert_element_type3A_987 = arith.sitofp %convert_element_type3A_986 : vector<16x512xi32> to vector<16x512xf32>
    %eq3A_988 = arith.constant 11 : i32
    %eq3A_989 = vector.broadcast %eq3A_988 : i32 to vector<16x512xi32>
    %eq3A_990 = arith.cmpi eq, %get3A_11, %eq3A_989 : vector<16x512xi32>
    %convert_element_type3A_991 = arith.extui %eq3A_990 : vector<16x512xi1> to vector<16x512xi32>
    %convert_element_type3A_992 = arith.sitofp %convert_element_type3A_991 : vector<16x512xi32> to vector<16x512xf32>
    %get3A_993 = arith.constant 0 : index
    %get3A_994 = arith.constant 11 : index
    %get3A_995 = arith.constant 0 : index
    %get3A_996 = arith.constant 0 : index
    %get3A_997 = vector.load %arg4[%get3A_993, %get3A_994, %get3A_995, %get3A_996] : memref<3x19x16x128xf32, #tpu.memory_space<vmem>>, vector<1x1x16x128xf32>
    %get3A_998 = vector.shape_cast %get3A_997 : vector<1x1x16x128xf32> to vector<16x128xf32>
    %slice3A_999 = vector.extract_strided_slice %convert_element_type3A_987 {offsets = [0, 0], sizes = [16, 128], strides = [1, 1]} : vector<16x512xf32> to vector<16x128xf32>
    %slice3A_1000 = vector.extract_strided_slice %convert_element_type3A_987 {offsets = [0, 128], sizes = [16, 128], strides = [1, 1]} : vector<16x512xf32> to vector<16x128xf32>
    %add3A_1001 = arith.addf %slice3A_999, %slice3A_1000 : vector<16x128xf32>
    %slice3A_1002 = vector.extract_strided_slice %convert_element_type3A_987 {offsets = [0, 256], sizes = [16, 128], strides = [1, 1]} : vector<16x512xf32> to vector<16x128xf32>
    %slice3A_1003 = vector.extract_strided_slice %convert_element_type3A_987 {offsets = [0, 384], sizes = [16, 128], strides = [1, 1]} : vector<16x512xf32> to vector<16x128xf32>
    %add3A_1004 = arith.addf %slice3A_1002, %slice3A_1003 : vector<16x128xf32>
    %add3A_1005 = arith.addf %add3A_1001, %add3A_1004 : vector<16x128xf32>
    %add3A_1006 = arith.addf %get3A_998, %add3A_1005 : vector<16x128xf32>
    %swap3A_1007 = arith.constant 0 : index
    %swap3A_1008 = arith.constant 11 : index
    %swap3A_1009 = arith.constant 0 : index
    %swap3A_1010 = arith.constant 0 : index
    %swap3A_1011 = vector.load %arg4[%swap3A_1007, %swap3A_1008, %swap3A_1009, %swap3A_1010] : memref<3x19x16x128xf32, #tpu.memory_space<vmem>>, vector<1x1x16x128xf32>
    %swap3A_1012 = vector.shape_cast %swap3A_1011 : vector<1x1x16x128xf32> to vector<16x128xf32>
    %swap3A_1013 = vector.shape_cast %add3A_1006 : vector<16x128xf32> to vector<1x1x16x128xf32>
    tpu.vector_store %arg4[%swap3A_1007, %swap3A_1008, %swap3A_1009, %swap3A_1010], %swap3A_1013 {strides = array<i32>} : memref<3x19x16x128xf32, #tpu.memory_space<vmem>>, vector<1x1x16x128xf32>,
    %get3A_1014 = arith.constant 1 : index
    %get3A_1015 = arith.constant 11 : index
    %get3A_1016 = arith.constant 0 : index
    %get3A_1017 = arith.constant 0 : index
    %get3A_1018 = vector.load %arg4[%get3A_1014, %get3A_1015, %get3A_1016, %get3A_1017] : memref<3x19x16x128xf32, #tpu.memory_space<vmem>>, vector<1x1x16x128xf32>
    %get3A_1019 = vector.shape_cast %get3A_1018 : vector<1x1x16x128xf32> to vector<16x128xf32>
    %mul3A_1020 = arith.mulf %convert_element_type3A_987, %convert_element_type3A_992 : vector<16x512xf32>
    %slice3A_1021 = vector.extract_strided_slice %mul3A_1020 {offsets = [0, 0], sizes = [16, 128], strides = [1, 1]} : vector<16x512xf32> to vector<16x128xf32>
    %slice3A_1022 = vector.extract_strided_slice %mul3A_1020 {offsets = [0, 128], sizes = [16, 128], strides = [1, 1]} : vector<16x512xf32> to vector<16x128xf32>
    %add3A_1023 = arith.addf %slice3A_1021, %slice3A_1022 : vector<16x128xf32>
    %slice3A_1024 = vector.extract_strided_slice %mul3A_1020 {offsets = [0, 256], sizes = [16, 128], strides = [1, 1]} : vector<16x512xf32> to vector<16x128xf32>
    %slice3A_1025 = vector.extract_strided_slice %mul3A_1020 {offsets = [0, 384], sizes = [16, 128], strides = [1, 1]} : vector<16x512xf32> to vector<16x128xf32>
    %add3A_1026 = arith.addf %slice3A_1024, %slice3A_1025 : vector<16x128xf32>
    %add3A_1027 = arith.addf %add3A_1023, %add3A_1026 : vector<16x128xf32>
    %add3A_1028 = arith.addf %get3A_1019, %add3A_1027 : vector<16x128xf32>
    %swap3A_1029 = arith.constant 1 : index
    %swap3A_1030 = arith.constant 11 : index
    %swap3A_1031 = arith.constant 0 : index
    %swap3A_1032 = arith.constant 0 : index
    %swap3A_1033 = vector.load %arg4[%swap3A_1029, %swap3A_1030, %swap3A_1031, %swap3A_1032] : memref<3x19x16x128xf32, #tpu.memory_space<vmem>>, vector<1x1x16x128xf32>
    %swap3A_1034 = vector.shape_cast %swap3A_1033 : vector<1x1x16x128xf32> to vector<16x128xf32>
    %swap3A_1035 = vector.shape_cast %add3A_1028 : vector<16x128xf32> to vector<1x1x16x128xf32>
    tpu.vector_store %arg4[%swap3A_1029, %swap3A_1030, %swap3A_1031, %swap3A_1032], %swap3A_1035 {strides = array<i32>} : memref<3x19x16x128xf32, #tpu.memory_space<vmem>>, vector<1x1x16x128xf32>,
    %get3A_1036 = arith.constant 2 : index
    %get3A_1037 = arith.constant 11 : index
    %get3A_1038 = arith.constant 0 : index
    %get3A_1039 = arith.constant 0 : index
    %get3A_1040 = vector.load %arg4[%get3A_1036, %get3A_1037, %get3A_1038, %get3A_1039] : memref<3x19x16x128xf32, #tpu.memory_space<vmem>>, vector<1x1x16x128xf32>
    %get3A_1041 = vector.shape_cast %get3A_1040 : vector<1x1x16x128xf32> to vector<16x128xf32>
    %slice3A_1042 = vector.extract_strided_slice %convert_element_type3A_992 {offsets = [0, 0], sizes = [16, 128], strides = [1, 1]} : vector<16x512xf32> to vector<16x128xf32>
    %slice3A_1043 = vector.extract_strided_slice %convert_element_type3A_992 {offsets = [0, 128], sizes = [16, 128], strides = [1, 1]} : vector<16x512xf32> to vector<16x128xf32>
    %add3A_1044 = arith.addf %slice3A_1042, %slice3A_1043 : vector<16x128xf32>
    %slice3A_1045 = vector.extract_strided_slice %convert_element_type3A_992 {offsets = [0, 256], sizes = [16, 128], strides = [1, 1]} : vector<16x512xf32> to vector<16x128xf32>
    %slice3A_1046 = vector.extract_strided_slice %convert_element_type3A_992 {offsets = [0, 384], sizes = [16, 128], strides = [1, 1]} : vector<16x512xf32> to vector<16x128xf32>
    %add3A_1047 = arith.addf %slice3A_1045, %slice3A_1046 : vector<16x128xf32>
    %add3A_1048 = arith.addf %add3A_1044, %add3A_1047 : vector<16x128xf32>
    %add3A_1049 = arith.addf %get3A_1041, %add3A_1048 : vector<16x128xf32>
    %swap3A_1050 = arith.constant 2 : index
    %swap3A_1051 = arith.constant 11 : index
    %swap3A_1052 = arith.constant 0 : index
    %swap3A_1053 = arith.constant 0 : index
    %swap3A_1054 = vector.load %arg4[%swap3A_1050, %swap3A_1051, %swap3A_1052, %swap3A_1053] : memref<3x19x16x128xf32, #tpu.memory_space<vmem>>, vector<1x1x16x128xf32>
    %swap3A_1055 = vector.shape_cast %swap3A_1054 : vector<1x1x16x128xf32> to vector<16x128xf32>
    %swap3A_1056 = vector.shape_cast %add3A_1049 : vector<16x128xf32> to vector<1x1x16x128xf32>
    tpu.vector_store %arg4[%swap3A_1050, %swap3A_1051, %swap3A_1052, %swap3A_1053], %swap3A_1056 {strides = array<i32>} : memref<3x19x16x128xf32, #tpu.memory_space<vmem>>, vector<1x1x16x128xf32>,
    %eq3A_1057 = arith.constant 12 : i32
    %eq3A_1058 = vector.broadcast %eq3A_1057 : i32 to vector<16x512xi32>
    %eq3A_1059 = arith.cmpi eq, %select_n3A_171, %eq3A_1058 : vector<16x512xi32>
    %convert_element_type3A_1060 = arith.extui %eq3A_1059 : vector<16x512xi1> to vector<16x512xi32>
    %convert_element_type3A_1061 = arith.sitofp %convert_element_type3A_1060 : vector<16x512xi32> to vector<16x512xf32>
    %eq3A_1062 = arith.constant 12 : i32
    %eq3A_1063 = vector.broadcast %eq3A_1062 : i32 to vector<16x512xi32>
    %eq3A_1064 = arith.cmpi eq, %get3A_11, %eq3A_1063 : vector<16x512xi32>
    %convert_element_type3A_1065 = arith.extui %eq3A_1064 : vector<16x512xi1> to vector<16x512xi32>
    %convert_element_type3A_1066 = arith.sitofp %convert_element_type3A_1065 : vector<16x512xi32> to vector<16x512xf32>
    %get3A_1067 = arith.constant 0 : index
    %get3A_1068 = arith.constant 12 : index
    %get3A_1069 = arith.constant 0 : index
    %get3A_1070 = arith.constant 0 : index
    %get3A_1071 = vector.load %arg4[%get3A_1067, %get3A_1068, %get3A_1069, %get3A_1070] : memref<3x19x16x128xf32, #tpu.memory_space<vmem>>, vector<1x1x16x128xf32>
    %get3A_1072 = vector.shape_cast %get3A_1071 : vector<1x1x16x128xf32> to vector<16x128xf32>
    %slice3A_1073 = vector.extract_strided_slice %convert_element_type3A_1061 {offsets = [0, 0], sizes = [16, 128], strides = [1, 1]} : vector<16x512xf32> to vector<16x128xf32>
    %slice3A_1074 = vector.extract_strided_slice %convert_element_type3A_1061 {offsets = [0, 128], sizes = [16, 128], strides = [1, 1]} : vector<16x512xf32> to vector<16x128xf32>
    %add3A_1075 = arith.addf %slice3A_1073, %slice3A_1074 : vector<16x128xf32>
    %slice3A_1076 = vector.extract_strided_slice %convert_element_type3A_1061 {offsets = [0, 256], sizes = [16, 128], strides = [1, 1]} : vector<16x512xf32> to vector<16x128xf32>
    %slice3A_1077 = vector.extract_strided_slice %convert_element_type3A_1061 {offsets = [0, 384], sizes = [16, 128], strides = [1, 1]} : vector<16x512xf32> to vector<16x128xf32>
    %add3A_1078 = arith.addf %slice3A_1076, %slice3A_1077 : vector<16x128xf32>
    %add3A_1079 = arith.addf %add3A_1075, %add3A_1078 : vector<16x128xf32>
    %add3A_1080 = arith.addf %get3A_1072, %add3A_1079 : vector<16x128xf32>
    %swap3A_1081 = arith.constant 0 : index
    %swap3A_1082 = arith.constant 12 : index
    %swap3A_1083 = arith.constant 0 : index
    %swap3A_1084 = arith.constant 0 : index
    %swap3A_1085 = vector.load %arg4[%swap3A_1081, %swap3A_1082, %swap3A_1083, %swap3A_1084] : memref<3x19x16x128xf32, #tpu.memory_space<vmem>>, vector<1x1x16x128xf32>
    %swap3A_1086 = vector.shape_cast %swap3A_1085 : vector<1x1x16x128xf32> to vector<16x128xf32>
    %swap3A_1087 = vector.shape_cast %add3A_1080 : vector<16x128xf32> to vector<1x1x16x128xf32>
    tpu.vector_store %arg4[%swap3A_1081, %swap3A_1082, %swap3A_1083, %swap3A_1084], %swap3A_1087 {strides = array<i32>} : memref<3x19x16x128xf32, #tpu.memory_space<vmem>>, vector<1x1x16x128xf32>,
    %get3A_1088 = arith.constant 1 : index
    %get3A_1089 = arith.constant 12 : index
    %get3A_1090 = arith.constant 0 : index
    %get3A_1091 = arith.constant 0 : index
    %get3A_1092 = vector.load %arg4[%get3A_1088, %get3A_1089, %get3A_1090, %get3A_1091] : memref<3x19x16x128xf32, #tpu.memory_space<vmem>>, vector<1x1x16x128xf32>
    %get3A_1093 = vector.shape_cast %get3A_1092 : vector<1x1x16x128xf32> to vector<16x128xf32>
    %mul3A_1094 = arith.mulf %convert_element_type3A_1061, %convert_element_type3A_1066 : vector<16x512xf32>
    %slice3A_1095 = vector.extract_strided_slice %mul3A_1094 {offsets = [0, 0], sizes = [16, 128], strides = [1, 1]} : vector<16x512xf32> to vector<16x128xf32>
    %slice3A_1096 = vector.extract_strided_slice %mul3A_1094 {offsets = [0, 128], sizes = [16, 128], strides = [1, 1]} : vector<16x512xf32> to vector<16x128xf32>
    %add3A_1097 = arith.addf %slice3A_1095, %slice3A_1096 : vector<16x128xf32>
    %slice3A_1098 = vector.extract_strided_slice %mul3A_1094 {offsets = [0, 256], sizes = [16, 128], strides = [1, 1]} : vector<16x512xf32> to vector<16x128xf32>
    %slice3A_1099 = vector.extract_strided_slice %mul3A_1094 {offsets = [0, 384], sizes = [16, 128], strides = [1, 1]} : vector<16x512xf32> to vector<16x128xf32>
    %add3A_1100 = arith.addf %slice3A_1098, %slice3A_1099 : vector<16x128xf32>
    %add3A_1101 = arith.addf %add3A_1097, %add3A_1100 : vector<16x128xf32>
    %add3A_1102 = arith.addf %get3A_1093, %add3A_1101 : vector<16x128xf32>
    %swap3A_1103 = arith.constant 1 : index
    %swap3A_1104 = arith.constant 12 : index
    %swap3A_1105 = arith.constant 0 : index
    %swap3A_1106 = arith.constant 0 : index
    %swap3A_1107 = vector.load %arg4[%swap3A_1103, %swap3A_1104, %swap3A_1105, %swap3A_1106] : memref<3x19x16x128xf32, #tpu.memory_space<vmem>>, vector<1x1x16x128xf32>
    %swap3A_1108 = vector.shape_cast %swap3A_1107 : vector<1x1x16x128xf32> to vector<16x128xf32>
    %swap3A_1109 = vector.shape_cast %add3A_1102 : vector<16x128xf32> to vector<1x1x16x128xf32>
    tpu.vector_store %arg4[%swap3A_1103, %swap3A_1104, %swap3A_1105, %swap3A_1106], %swap3A_1109 {strides = array<i32>} : memref<3x19x16x128xf32, #tpu.memory_space<vmem>>, vector<1x1x16x128xf32>,
    %get3A_1110 = arith.constant 2 : index
    %get3A_1111 = arith.constant 12 : index
    %get3A_1112 = arith.constant 0 : index
    %get3A_1113 = arith.constant 0 : index
    %get3A_1114 = vector.load %arg4[%get3A_1110, %get3A_1111, %get3A_1112, %get3A_1113] : memref<3x19x16x128xf32, #tpu.memory_space<vmem>>, vector<1x1x16x128xf32>
    %get3A_1115 = vector.shape_cast %get3A_1114 : vector<1x1x16x128xf32> to vector<16x128xf32>
    %slice3A_1116 = vector.extract_strided_slice %convert_element_type3A_1066 {offsets = [0, 0], sizes = [16, 128], strides = [1, 1]} : vector<16x512xf32> to vector<16x128xf32>
    %slice3A_1117 = vector.extract_strided_slice %convert_element_type3A_1066 {offsets = [0, 128], sizes = [16, 128], strides = [1, 1]} : vector<16x512xf32> to vector<16x128xf32>
    %add3A_1118 = arith.addf %slice3A_1116, %slice3A_1117 : vector<16x128xf32>
    %slice3A_1119 = vector.extract_strided_slice %convert_element_type3A_1066 {offsets = [0, 256], sizes = [16, 128], strides = [1, 1]} : vector<16x512xf32> to vector<16x128xf32>
    %slice3A_1120 = vector.extract_strided_slice %convert_element_type3A_1066 {offsets = [0, 384], sizes = [16, 128], strides = [1, 1]} : vector<16x512xf32> to vector<16x128xf32>
    %add3A_1121 = arith.addf %slice3A_1119, %slice3A_1120 : vector<16x128xf32>
    %add3A_1122 = arith.addf %add3A_1118, %add3A_1121 : vector<16x128xf32>
    %add3A_1123 = arith.addf %get3A_1115, %add3A_1122 : vector<16x128xf32>
    %swap3A_1124 = arith.constant 2 : index
    %swap3A_1125 = arith.constant 12 : index
    %swap3A_1126 = arith.constant 0 : index
    %swap3A_1127 = arith.constant 0 : index
    %swap3A_1128 = vector.load %arg4[%swap3A_1124, %swap3A_1125, %swap3A_1126, %swap3A_1127] : memref<3x19x16x128xf32, #tpu.memory_space<vmem>>, vector<1x1x16x128xf32>
    %swap3A_1129 = vector.shape_cast %swap3A_1128 : vector<1x1x16x128xf32> to vector<16x128xf32>
    %swap3A_1130 = vector.shape_cast %add3A_1123 : vector<16x128xf32> to vector<1x1x16x128xf32>
    tpu.vector_store %arg4[%swap3A_1124, %swap3A_1125, %swap3A_1126, %swap3A_1127], %swap3A_1130 {strides = array<i32>} : memref<3x19x16x128xf32, #tpu.memory_space<vmem>>, vector<1x1x16x128xf32>,
    %eq3A_1131 = arith.constant 13 : i32
    %eq3A_1132 = vector.broadcast %eq3A_1131 : i32 to vector<16x512xi32>
    %eq3A_1133 = arith.cmpi eq, %select_n3A_171, %eq3A_1132 : vector<16x512xi32>
    %convert_element_type3A_1134 = arith.extui %eq3A_1133 : vector<16x512xi1> to vector<16x512xi32>
    %convert_element_type3A_1135 = arith.sitofp %convert_element_type3A_1134 : vector<16x512xi32> to vector<16x512xf32>
    %eq3A_1136 = arith.constant 13 : i32
    %eq3A_1137 = vector.broadcast %eq3A_1136 : i32 to vector<16x512xi32>
    %eq3A_1138 = arith.cmpi eq, %get3A_11, %eq3A_1137 : vector<16x512xi32>
    %convert_element_type3A_1139 = arith.extui %eq3A_1138 : vector<16x512xi1> to vector<16x512xi32>
    %convert_element_type3A_1140 = arith.sitofp %convert_element_type3A_1139 : vector<16x512xi32> to vector<16x512xf32>
    %get3A_1141 = arith.constant 0 : index
    %get3A_1142 = arith.constant 13 : index
    %get3A_1143 = arith.constant 0 : index
    %get3A_1144 = arith.constant 0 : index
    %get3A_1145 = vector.load %arg4[%get3A_1141, %get3A_1142, %get3A_1143, %get3A_1144] : memref<3x19x16x128xf32, #tpu.memory_space<vmem>>, vector<1x1x16x128xf32>
    %get3A_1146 = vector.shape_cast %get3A_1145 : vector<1x1x16x128xf32> to vector<16x128xf32>
    %slice3A_1147 = vector.extract_strided_slice %convert_element_type3A_1135 {offsets = [0, 0], sizes = [16, 128], strides = [1, 1]} : vector<16x512xf32> to vector<16x128xf32>
    %slice3A_1148 = vector.extract_strided_slice %convert_element_type3A_1135 {offsets = [0, 128], sizes = [16, 128], strides = [1, 1]} : vector<16x512xf32> to vector<16x128xf32>
    %add3A_1149 = arith.addf %slice3A_1147, %slice3A_1148 : vector<16x128xf32>
    %slice3A_1150 = vector.extract_strided_slice %convert_element_type3A_1135 {offsets = [0, 256], sizes = [16, 128], strides = [1, 1]} : vector<16x512xf32> to vector<16x128xf32>
    %slice3A_1151 = vector.extract_strided_slice %convert_element_type3A_1135 {offsets = [0, 384], sizes = [16, 128], strides = [1, 1]} : vector<16x512xf32> to vector<16x128xf32>
    %add3A_1152 = arith.addf %slice3A_1150, %slice3A_1151 : vector<16x128xf32>
    %add3A_1153 = arith.addf %add3A_1149, %add3A_1152 : vector<16x128xf32>
    %add3A_1154 = arith.addf %get3A_1146, %add3A_1153 : vector<16x128xf32>
    %swap3A_1155 = arith.constant 0 : index
    %swap3A_1156 = arith.constant 13 : index
    %swap3A_1157 = arith.constant 0 : index
    %swap3A_1158 = arith.constant 0 : index
    %swap3A_1159 = vector.load %arg4[%swap3A_1155, %swap3A_1156, %swap3A_1157, %swap3A_1158] : memref<3x19x16x128xf32, #tpu.memory_space<vmem>>, vector<1x1x16x128xf32>
    %swap3A_1160 = vector.shape_cast %swap3A_1159 : vector<1x1x16x128xf32> to vector<16x128xf32>
    %swap3A_1161 = vector.shape_cast %add3A_1154 : vector<16x128xf32> to vector<1x1x16x128xf32>
    tpu.vector_store %arg4[%swap3A_1155, %swap3A_1156, %swap3A_1157, %swap3A_1158], %swap3A_1161 {strides = array<i32>} : memref<3x19x16x128xf32, #tpu.memory_space<vmem>>, vector<1x1x16x128xf32>,
    %get3A_1162 = arith.constant 1 : index
    %get3A_1163 = arith.constant 13 : index
    %get3A_1164 = arith.constant 0 : index
    %get3A_1165 = arith.constant 0 : index
    %get3A_1166 = vector.load %arg4[%get3A_1162, %get3A_1163, %get3A_1164, %get3A_1165] : memref<3x19x16x128xf32, #tpu.memory_space<vmem>>, vector<1x1x16x128xf32>
    %get3A_1167 = vector.shape_cast %get3A_1166 : vector<1x1x16x128xf32> to vector<16x128xf32>
    %mul3A_1168 = arith.mulf %convert_element_type3A_1135, %convert_element_type3A_1140 : vector<16x512xf32>
    %slice3A_1169 = vector.extract_strided_slice %mul3A_1168 {offsets = [0, 0], sizes = [16, 128], strides = [1, 1]} : vector<16x512xf32> to vector<16x128xf32>
    %slice3A_1170 = vector.extract_strided_slice %mul3A_1168 {offsets = [0, 128], sizes = [16, 128], strides = [1, 1]} : vector<16x512xf32> to vector<16x128xf32>
    %add3A_1171 = arith.addf %slice3A_1169, %slice3A_1170 : vector<16x128xf32>
    %slice3A_1172 = vector.extract_strided_slice %mul3A_1168 {offsets = [0, 256], sizes = [16, 128], strides = [1, 1]} : vector<16x512xf32> to vector<16x128xf32>
    %slice3A_1173 = vector.extract_strided_slice %mul3A_1168 {offsets = [0, 384], sizes = [16, 128], strides = [1, 1]} : vector<16x512xf32> to vector<16x128xf32>
    %add3A_1174 = arith.addf %slice3A_1172, %slice3A_1173 : vector<16x128xf32>
    %add3A_1175 = arith.addf %add3A_1171, %add3A_1174 : vector<16x128xf32>
    %add3A_1176 = arith.addf %get3A_1167, %add3A_1175 : vector<16x128xf32>
    %swap3A_1177 = arith.constant 1 : index
    %swap3A_1178 = arith.constant 13 : index
    %swap3A_1179 = arith.constant 0 : index
    %swap3A_1180 = arith.constant 0 : index
    %swap3A_1181 = vector.load %arg4[%swap3A_1177, %swap3A_1178, %swap3A_1179, %swap3A_1180] : memref<3x19x16x128xf32, #tpu.memory_space<vmem>>, vector<1x1x16x128xf32>
    %swap3A_1182 = vector.shape_cast %swap3A_1181 : vector<1x1x16x128xf32> to vector<16x128xf32>
    %swap3A_1183 = vector.shape_cast %add3A_1176 : vector<16x128xf32> to vector<1x1x16x128xf32>
    tpu.vector_store %arg4[%swap3A_1177, %swap3A_1178, %swap3A_1179, %swap3A_1180], %swap3A_1183 {strides = array<i32>} : memref<3x19x16x128xf32, #tpu.memory_space<vmem>>, vector<1x1x16x128xf32>,
    %get3A_1184 = arith.constant 2 : index
    %get3A_1185 = arith.constant 13 : index
    %get3A_1186 = arith.constant 0 : index
    %get3A_1187 = arith.constant 0 : index
    %get3A_1188 = vector.load %arg4[%get3A_1184, %get3A_1185, %get3A_1186, %get3A_1187] : memref<3x19x16x128xf32, #tpu.memory_space<vmem>>, vector<1x1x16x128xf32>
    %get3A_1189 = vector.shape_cast %get3A_1188 : vector<1x1x16x128xf32> to vector<16x128xf32>
    %slice3A_1190 = vector.extract_strided_slice %convert_element_type3A_1140 {offsets = [0, 0], sizes = [16, 128], strides = [1, 1]} : vector<16x512xf32> to vector<16x128xf32>
    %slice3A_1191 = vector.extract_strided_slice %convert_element_type3A_1140 {offsets = [0, 128], sizes = [16, 128], strides = [1, 1]} : vector<16x512xf32> to vector<16x128xf32>
    %add3A_1192 = arith.addf %slice3A_1190, %slice3A_1191 : vector<16x128xf32>
    %slice3A_1193 = vector.extract_strided_slice %convert_element_type3A_1140 {offsets = [0, 256], sizes = [16, 128], strides = [1, 1]} : vector<16x512xf32> to vector<16x128xf32>
    %slice3A_1194 = vector.extract_strided_slice %convert_element_type3A_1140 {offsets = [0, 384], sizes = [16, 128], strides = [1, 1]} : vector<16x512xf32> to vector<16x128xf32>
    %add3A_1195 = arith.addf %slice3A_1193, %slice3A_1194 : vector<16x128xf32>
    %add3A_1196 = arith.addf %add3A_1192, %add3A_1195 : vector<16x128xf32>
    %add3A_1197 = arith.addf %get3A_1189, %add3A_1196 : vector<16x128xf32>
    %swap3A_1198 = arith.constant 2 : index
    %swap3A_1199 = arith.constant 13 : index
    %swap3A_1200 = arith.constant 0 : index
    %swap3A_1201 = arith.constant 0 : index
    %swap3A_1202 = vector.load %arg4[%swap3A_1198, %swap3A_1199, %swap3A_1200, %swap3A_1201] : memref<3x19x16x128xf32, #tpu.memory_space<vmem>>, vector<1x1x16x128xf32>
    %swap3A_1203 = vector.shape_cast %swap3A_1202 : vector<1x1x16x128xf32> to vector<16x128xf32>
    %swap3A_1204 = vector.shape_cast %add3A_1197 : vector<16x128xf32> to vector<1x1x16x128xf32>
    tpu.vector_store %arg4[%swap3A_1198, %swap3A_1199, %swap3A_1200, %swap3A_1201], %swap3A_1204 {strides = array<i32>} : memref<3x19x16x128xf32, #tpu.memory_space<vmem>>, vector<1x1x16x128xf32>,
    %eq3A_1205 = arith.constant 14 : i32
    %eq3A_1206 = vector.broadcast %eq3A_1205 : i32 to vector<16x512xi32>
    %eq3A_1207 = arith.cmpi eq, %select_n3A_171, %eq3A_1206 : vector<16x512xi32>
    %convert_element_type3A_1208 = arith.extui %eq3A_1207 : vector<16x512xi1> to vector<16x512xi32>
    %convert_element_type3A_1209 = arith.sitofp %convert_element_type3A_1208 : vector<16x512xi32> to vector<16x512xf32>
    %eq3A_1210 = arith.constant 14 : i32
    %eq3A_1211 = vector.broadcast %eq3A_1210 : i32 to vector<16x512xi32>
    %eq3A_1212 = arith.cmpi eq, %get3A_11, %eq3A_1211 : vector<16x512xi32>
    %convert_element_type3A_1213 = arith.extui %eq3A_1212 : vector<16x512xi1> to vector<16x512xi32>
    %convert_element_type3A_1214 = arith.sitofp %convert_element_type3A_1213 : vector<16x512xi32> to vector<16x512xf32>
    %get3A_1215 = arith.constant 0 : index
    %get3A_1216 = arith.constant 14 : index
    %get3A_1217 = arith.constant 0 : index
    %get3A_1218 = arith.constant 0 : index
    %get3A_1219 = vector.load %arg4[%get3A_1215, %get3A_1216, %get3A_1217, %get3A_1218] : memref<3x19x16x128xf32, #tpu.memory_space<vmem>>, vector<1x1x16x128xf32>
    %get3A_1220 = vector.shape_cast %get3A_1219 : vector<1x1x16x128xf32> to vector<16x128xf32>
    %slice3A_1221 = vector.extract_strided_slice %convert_element_type3A_1209 {offsets = [0, 0], sizes = [16, 128], strides = [1, 1]} : vector<16x512xf32> to vector<16x128xf32>
    %slice3A_1222 = vector.extract_strided_slice %convert_element_type3A_1209 {offsets = [0, 128], sizes = [16, 128], strides = [1, 1]} : vector<16x512xf32> to vector<16x128xf32>
    %add3A_1223 = arith.addf %slice3A_1221, %slice3A_1222 : vector<16x128xf32>
    %slice3A_1224 = vector.extract_strided_slice %convert_element_type3A_1209 {offsets = [0, 256], sizes = [16, 128], strides = [1, 1]} : vector<16x512xf32> to vector<16x128xf32>
    %slice3A_1225 = vector.extract_strided_slice %convert_element_type3A_1209 {offsets = [0, 384], sizes = [16, 128], strides = [1, 1]} : vector<16x512xf32> to vector<16x128xf32>
    %add3A_1226 = arith.addf %slice3A_1224, %slice3A_1225 : vector<16x128xf32>
    %add3A_1227 = arith.addf %add3A_1223, %add3A_1226 : vector<16x128xf32>
    %add3A_1228 = arith.addf %get3A_1220, %add3A_1227 : vector<16x128xf32>
    %swap3A_1229 = arith.constant 0 : index
    %swap3A_1230 = arith.constant 14 : index
    %swap3A_1231 = arith.constant 0 : index
    %swap3A_1232 = arith.constant 0 : index
    %swap3A_1233 = vector.load %arg4[%swap3A_1229, %swap3A_1230, %swap3A_1231, %swap3A_1232] : memref<3x19x16x128xf32, #tpu.memory_space<vmem>>, vector<1x1x16x128xf32>
    %swap3A_1234 = vector.shape_cast %swap3A_1233 : vector<1x1x16x128xf32> to vector<16x128xf32>
    %swap3A_1235 = vector.shape_cast %add3A_1228 : vector<16x128xf32> to vector<1x1x16x128xf32>
    tpu.vector_store %arg4[%swap3A_1229, %swap3A_1230, %swap3A_1231, %swap3A_1232], %swap3A_1235 {strides = array<i32>} : memref<3x19x16x128xf32, #tpu.memory_space<vmem>>, vector<1x1x16x128xf32>,
    %get3A_1236 = arith.constant 1 : index
    %get3A_1237 = arith.constant 14 : index
    %get3A_1238 = arith.constant 0 : index
    %get3A_1239 = arith.constant 0 : index
    %get3A_1240 = vector.load %arg4[%get3A_1236, %get3A_1237, %get3A_1238, %get3A_1239] : memref<3x19x16x128xf32, #tpu.memory_space<vmem>>, vector<1x1x16x128xf32>
    %get3A_1241 = vector.shape_cast %get3A_1240 : vector<1x1x16x128xf32> to vector<16x128xf32>
    %mul3A_1242 = arith.mulf %convert_element_type3A_1209, %convert_element_type3A_1214 : vector<16x512xf32>
    %slice3A_1243 = vector.extract_strided_slice %mul3A_1242 {offsets = [0, 0], sizes = [16, 128], strides = [1, 1]} : vector<16x512xf32> to vector<16x128xf32>
    %slice3A_1244 = vector.extract_strided_slice %mul3A_1242 {offsets = [0, 128], sizes = [16, 128], strides = [1, 1]} : vector<16x512xf32> to vector<16x128xf32>
    %add3A_1245 = arith.addf %slice3A_1243, %slice3A_1244 : vector<16x128xf32>
    %slice3A_1246 = vector.extract_strided_slice %mul3A_1242 {offsets = [0, 256], sizes = [16, 128], strides = [1, 1]} : vector<16x512xf32> to vector<16x128xf32>
    %slice3A_1247 = vector.extract_strided_slice %mul3A_1242 {offsets = [0, 384], sizes = [16, 128], strides = [1, 1]} : vector<16x512xf32> to vector<16x128xf32>
    %add3A_1248 = arith.addf %slice3A_1246, %slice3A_1247 : vector<16x128xf32>
    %add3A_1249 = arith.addf %add3A_1245, %add3A_1248 : vector<16x128xf32>
    %add3A_1250 = arith.addf %get3A_1241, %add3A_1249 : vector<16x128xf32>
    %swap3A_1251 = arith.constant 1 : index
    %swap3A_1252 = arith.constant 14 : index
    %swap3A_1253 = arith.constant 0 : index
    %swap3A_1254 = arith.constant 0 : index
    %swap3A_1255 = vector.load %arg4[%swap3A_1251, %swap3A_1252, %swap3A_1253, %swap3A_1254] : memref<3x19x16x128xf32, #tpu.memory_space<vmem>>, vector<1x1x16x128xf32>
    %swap3A_1256 = vector.shape_cast %swap3A_1255 : vector<1x1x16x128xf32> to vector<16x128xf32>
    %swap3A_1257 = vector.shape_cast %add3A_1250 : vector<16x128xf32> to vector<1x1x16x128xf32>
    tpu.vector_store %arg4[%swap3A_1251, %swap3A_1252, %swap3A_1253, %swap3A_1254], %swap3A_1257 {strides = array<i32>} : memref<3x19x16x128xf32, #tpu.memory_space<vmem>>, vector<1x1x16x128xf32>,
    %get3A_1258 = arith.constant 2 : index
    %get3A_1259 = arith.constant 14 : index
    %get3A_1260 = arith.constant 0 : index
    %get3A_1261 = arith.constant 0 : index
    %get3A_1262 = vector.load %arg4[%get3A_1258, %get3A_1259, %get3A_1260, %get3A_1261] : memref<3x19x16x128xf32, #tpu.memory_space<vmem>>, vector<1x1x16x128xf32>
    %get3A_1263 = vector.shape_cast %get3A_1262 : vector<1x1x16x128xf32> to vector<16x128xf32>
    %slice3A_1264 = vector.extract_strided_slice %convert_element_type3A_1214 {offsets = [0, 0], sizes = [16, 128], strides = [1, 1]} : vector<16x512xf32> to vector<16x128xf32>
    %slice3A_1265 = vector.extract_strided_slice %convert_element_type3A_1214 {offsets = [0, 128], sizes = [16, 128], strides = [1, 1]} : vector<16x512xf32> to vector<16x128xf32>
    %add3A_1266 = arith.addf %slice3A_1264, %slice3A_1265 : vector<16x128xf32>
    %slice3A_1267 = vector.extract_strided_slice %convert_element_type3A_1214 {offsets = [0, 256], sizes = [16, 128], strides = [1, 1]} : vector<16x512xf32> to vector<16x128xf32>
    %slice3A_1268 = vector.extract_strided_slice %convert_element_type3A_1214 {offsets = [0, 384], sizes = [16, 128], strides = [1, 1]} : vector<16x512xf32> to vector<16x128xf32>
    %add3A_1269 = arith.addf %slice3A_1267, %slice3A_1268 : vector<16x128xf32>
    %add3A_1270 = arith.addf %add3A_1266, %add3A_1269 : vector<16x128xf32>
    %add3A_1271 = arith.addf %get3A_1263, %add3A_1270 : vector<16x128xf32>
    %swap3A_1272 = arith.constant 2 : index
    %swap3A_1273 = arith.constant 14 : index
    %swap3A_1274 = arith.constant 0 : index
    %swap3A_1275 = arith.constant 0 : index
    %swap3A_1276 = vector.load %arg4[%swap3A_1272, %swap3A_1273, %swap3A_1274, %swap3A_1275] : memref<3x19x16x128xf32, #tpu.memory_space<vmem>>, vector<1x1x16x128xf32>
    %swap3A_1277 = vector.shape_cast %swap3A_1276 : vector<1x1x16x128xf32> to vector<16x128xf32>
    %swap3A_1278 = vector.shape_cast %add3A_1271 : vector<16x128xf32> to vector<1x1x16x128xf32>
    tpu.vector_store %arg4[%swap3A_1272, %swap3A_1273, %swap3A_1274, %swap3A_1275], %swap3A_1278 {strides = array<i32>} : memref<3x19x16x128xf32, #tpu.memory_space<vmem>>, vector<1x1x16x128xf32>,
    %eq3A_1279 = arith.constant 15 : i32
    %eq3A_1280 = vector.broadcast %eq3A_1279 : i32 to vector<16x512xi32>
    %eq3A_1281 = arith.cmpi eq, %select_n3A_171, %eq3A_1280 : vector<16x512xi32>
    %convert_element_type3A_1282 = arith.extui %eq3A_1281 : vector<16x512xi1> to vector<16x512xi32>
    %convert_element_type3A_1283 = arith.sitofp %convert_element_type3A_1282 : vector<16x512xi32> to vector<16x512xf32>
    %eq3A_1284 = arith.constant 15 : i32
    %eq3A_1285 = vector.broadcast %eq3A_1284 : i32 to vector<16x512xi32>
    %eq3A_1286 = arith.cmpi eq, %get3A_11, %eq3A_1285 : vector<16x512xi32>
    %convert_element_type3A_1287 = arith.extui %eq3A_1286 : vector<16x512xi1> to vector<16x512xi32>
    %convert_element_type3A_1288 = arith.sitofp %convert_element_type3A_1287 : vector<16x512xi32> to vector<16x512xf32>
    %get3A_1289 = arith.constant 0 : index
    %get3A_1290 = arith.constant 15 : index
    %get3A_1291 = arith.constant 0 : index
    %get3A_1292 = arith.constant 0 : index
    %get3A_1293 = vector.load %arg4[%get3A_1289, %get3A_1290, %get3A_1291, %get3A_1292] : memref<3x19x16x128xf32, #tpu.memory_space<vmem>>, vector<1x1x16x128xf32>
    %get3A_1294 = vector.shape_cast %get3A_1293 : vector<1x1x16x128xf32> to vector<16x128xf32>
    %slice3A_1295 = vector.extract_strided_slice %convert_element_type3A_1283 {offsets = [0, 0], sizes = [16, 128], strides = [1, 1]} : vector<16x512xf32> to vector<16x128xf32>
    %slice3A_1296 = vector.extract_strided_slice %convert_element_type3A_1283 {offsets = [0, 128], sizes = [16, 128], strides = [1, 1]} : vector<16x512xf32> to vector<16x128xf32>
    %add3A_1297 = arith.addf %slice3A_1295, %slice3A_1296 : vector<16x128xf32>
    %slice3A_1298 = vector.extract_strided_slice %convert_element_type3A_1283 {offsets = [0, 256], sizes = [16, 128], strides = [1, 1]} : vector<16x512xf32> to vector<16x128xf32>
    %slice3A_1299 = vector.extract_strided_slice %convert_element_type3A_1283 {offsets = [0, 384], sizes = [16, 128], strides = [1, 1]} : vector<16x512xf32> to vector<16x128xf32>
    %add3A_1300 = arith.addf %slice3A_1298, %slice3A_1299 : vector<16x128xf32>
    %add3A_1301 = arith.addf %add3A_1297, %add3A_1300 : vector<16x128xf32>
    %add3A_1302 = arith.addf %get3A_1294, %add3A_1301 : vector<16x128xf32>
    %swap3A_1303 = arith.constant 0 : index
    %swap3A_1304 = arith.constant 15 : index
    %swap3A_1305 = arith.constant 0 : index
    %swap3A_1306 = arith.constant 0 : index
    %swap3A_1307 = vector.load %arg4[%swap3A_1303, %swap3A_1304, %swap3A_1305, %swap3A_1306] : memref<3x19x16x128xf32, #tpu.memory_space<vmem>>, vector<1x1x16x128xf32>
    %swap3A_1308 = vector.shape_cast %swap3A_1307 : vector<1x1x16x128xf32> to vector<16x128xf32>
    %swap3A_1309 = vector.shape_cast %add3A_1302 : vector<16x128xf32> to vector<1x1x16x128xf32>
    tpu.vector_store %arg4[%swap3A_1303, %swap3A_1304, %swap3A_1305, %swap3A_1306], %swap3A_1309 {strides = array<i32>} : memref<3x19x16x128xf32, #tpu.memory_space<vmem>>, vector<1x1x16x128xf32>,
    %get3A_1310 = arith.constant 1 : index
    %get3A_1311 = arith.constant 15 : index
    %get3A_1312 = arith.constant 0 : index
    %get3A_1313 = arith.constant 0 : index
    %get3A_1314 = vector.load %arg4[%get3A_1310, %get3A_1311, %get3A_1312, %get3A_1313] : memref<3x19x16x128xf32, #tpu.memory_space<vmem>>, vector<1x1x16x128xf32>
    %get3A_1315 = vector.shape_cast %get3A_1314 : vector<1x1x16x128xf32> to vector<16x128xf32>
    %mul3A_1316 = arith.mulf %convert_element_type3A_1283, %convert_element_type3A_1288 : vector<16x512xf32>
    %slice3A_1317 = vector.extract_strided_slice %mul3A_1316 {offsets = [0, 0], sizes = [16, 128], strides = [1, 1]} : vector<16x512xf32> to vector<16x128xf32>
    %slice3A_1318 = vector.extract_strided_slice %mul3A_1316 {offsets = [0, 128], sizes = [16, 128], strides = [1, 1]} : vector<16x512xf32> to vector<16x128xf32>
    %add3A_1319 = arith.addf %slice3A_1317, %slice3A_1318 : vector<16x128xf32>
    %slice3A_1320 = vector.extract_strided_slice %mul3A_1316 {offsets = [0, 256], sizes = [16, 128], strides = [1, 1]} : vector<16x512xf32> to vector<16x128xf32>
    %slice3A_1321 = vector.extract_strided_slice %mul3A_1316 {offsets = [0, 384], sizes = [16, 128], strides = [1, 1]} : vector<16x512xf32> to vector<16x128xf32>
    %add3A_1322 = arith.addf %slice3A_1320, %slice3A_1321 : vector<16x128xf32>
    %add3A_1323 = arith.addf %add3A_1319, %add3A_1322 : vector<16x128xf32>
    %add3A_1324 = arith.addf %get3A_1315, %add3A_1323 : vector<16x128xf32>
    %swap3A_1325 = arith.constant 1 : index
    %swap3A_1326 = arith.constant 15 : index
    %swap3A_1327 = arith.constant 0 : index
    %swap3A_1328 = arith.constant 0 : index
    %swap3A_1329 = vector.load %arg4[%swap3A_1325, %swap3A_1326, %swap3A_1327, %swap3A_1328] : memref<3x19x16x128xf32, #tpu.memory_space<vmem>>, vector<1x1x16x128xf32>
    %swap3A_1330 = vector.shape_cast %swap3A_1329 : vector<1x1x16x128xf32> to vector<16x128xf32>
    %swap3A_1331 = vector.shape_cast %add3A_1324 : vector<16x128xf32> to vector<1x1x16x128xf32>
    tpu.vector_store %arg4[%swap3A_1325, %swap3A_1326, %swap3A_1327, %swap3A_1328], %swap3A_1331 {strides = array<i32>} : memref<3x19x16x128xf32, #tpu.memory_space<vmem>>, vector<1x1x16x128xf32>,
    %get3A_1332 = arith.constant 2 : index
    %get3A_1333 = arith.constant 15 : index
    %get3A_1334 = arith.constant 0 : index
    %get3A_1335 = arith.constant 0 : index
    %get3A_1336 = vector.load %arg4[%get3A_1332, %get3A_1333, %get3A_1334, %get3A_1335] : memref<3x19x16x128xf32, #tpu.memory_space<vmem>>, vector<1x1x16x128xf32>
    %get3A_1337 = vector.shape_cast %get3A_1336 : vector<1x1x16x128xf32> to vector<16x128xf32>
    %slice3A_1338 = vector.extract_strided_slice %convert_element_type3A_1288 {offsets = [0, 0], sizes = [16, 128], strides = [1, 1]} : vector<16x512xf32> to vector<16x128xf32>
    %slice3A_1339 = vector.extract_strided_slice %convert_element_type3A_1288 {offsets = [0, 128], sizes = [16, 128], strides = [1, 1]} : vector<16x512xf32> to vector<16x128xf32>
    %add3A_1340 = arith.addf %slice3A_1338, %slice3A_1339 : vector<16x128xf32>
    %slice3A_1341 = vector.extract_strided_slice %convert_element_type3A_1288 {offsets = [0, 256], sizes = [16, 128], strides = [1, 1]} : vector<16x512xf32> to vector<16x128xf32>
    %slice3A_1342 = vector.extract_strided_slice %convert_element_type3A_1288 {offsets = [0, 384], sizes = [16, 128], strides = [1, 1]} : vector<16x512xf32> to vector<16x128xf32>
    %add3A_1343 = arith.addf %slice3A_1341, %slice3A_1342 : vector<16x128xf32>
    %add3A_1344 = arith.addf %add3A_1340, %add3A_1343 : vector<16x128xf32>
    %add3A_1345 = arith.addf %get3A_1337, %add3A_1344 : vector<16x128xf32>
    %swap3A_1346 = arith.constant 2 : index
    %swap3A_1347 = arith.constant 15 : index
    %swap3A_1348 = arith.constant 0 : index
    %swap3A_1349 = arith.constant 0 : index
    %swap3A_1350 = vector.load %arg4[%swap3A_1346, %swap3A_1347, %swap3A_1348, %swap3A_1349] : memref<3x19x16x128xf32, #tpu.memory_space<vmem>>, vector<1x1x16x128xf32>
    %swap3A_1351 = vector.shape_cast %swap3A_1350 : vector<1x1x16x128xf32> to vector<16x128xf32>
    %swap3A_1352 = vector.shape_cast %add3A_1345 : vector<16x128xf32> to vector<1x1x16x128xf32>
    tpu.vector_store %arg4[%swap3A_1346, %swap3A_1347, %swap3A_1348, %swap3A_1349], %swap3A_1352 {strides = array<i32>} : memref<3x19x16x128xf32, #tpu.memory_space<vmem>>, vector<1x1x16x128xf32>,
    %eq3A_1353 = arith.constant 16 : i32
    %eq3A_1354 = vector.broadcast %eq3A_1353 : i32 to vector<16x512xi32>
    %eq3A_1355 = arith.cmpi eq, %select_n3A_171, %eq3A_1354 : vector<16x512xi32>
    %convert_element_type3A_1356 = arith.extui %eq3A_1355 : vector<16x512xi1> to vector<16x512xi32>
    %convert_element_type3A_1357 = arith.sitofp %convert_element_type3A_1356 : vector<16x512xi32> to vector<16x512xf32>
    %eq3A_1358 = arith.constant 16 : i32
    %eq3A_1359 = vector.broadcast %eq3A_1358 : i32 to vector<16x512xi32>
    %eq3A_1360 = arith.cmpi eq, %get3A_11, %eq3A_1359 : vector<16x512xi32>
    %convert_element_type3A_1361 = arith.extui %eq3A_1360 : vector<16x512xi1> to vector<16x512xi32>
    %convert_element_type3A_1362 = arith.sitofp %convert_element_type3A_1361 : vector<16x512xi32> to vector<16x512xf32>
    %get3A_1363 = arith.constant 0 : index
    %get3A_1364 = arith.constant 16 : index
    %get3A_1365 = arith.constant 0 : index
    %get3A_1366 = arith.constant 0 : index
    %get3A_1367 = vector.load %arg4[%get3A_1363, %get3A_1364, %get3A_1365, %get3A_1366] : memref<3x19x16x128xf32, #tpu.memory_space<vmem>>, vector<1x1x16x128xf32>
    %get3A_1368 = vector.shape_cast %get3A_1367 : vector<1x1x16x128xf32> to vector<16x128xf32>
    %slice3A_1369 = vector.extract_strided_slice %convert_element_type3A_1357 {offsets = [0, 0], sizes = [16, 128], strides = [1, 1]} : vector<16x512xf32> to vector<16x128xf32>
    %slice3A_1370 = vector.extract_strided_slice %convert_element_type3A_1357 {offsets = [0, 128], sizes = [16, 128], strides = [1, 1]} : vector<16x512xf32> to vector<16x128xf32>
    %add3A_1371 = arith.addf %slice3A_1369, %slice3A_1370 : vector<16x128xf32>
    %slice3A_1372 = vector.extract_strided_slice %convert_element_type3A_1357 {offsets = [0, 256], sizes = [16, 128], strides = [1, 1]} : vector<16x512xf32> to vector<16x128xf32>
    %slice3A_1373 = vector.extract_strided_slice %convert_element_type3A_1357 {offsets = [0, 384], sizes = [16, 128], strides = [1, 1]} : vector<16x512xf32> to vector<16x128xf32>
    %add3A_1374 = arith.addf %slice3A_1372, %slice3A_1373 : vector<16x128xf32>
    %add3A_1375 = arith.addf %add3A_1371, %add3A_1374 : vector<16x128xf32>
    %add3A_1376 = arith.addf %get3A_1368, %add3A_1375 : vector<16x128xf32>
    %swap3A_1377 = arith.constant 0 : index
    %swap3A_1378 = arith.constant 16 : index
    %swap3A_1379 = arith.constant 0 : index
    %swap3A_1380 = arith.constant 0 : index
    %swap3A_1381 = vector.load %arg4[%swap3A_1377, %swap3A_1378, %swap3A_1379, %swap3A_1380] : memref<3x19x16x128xf32, #tpu.memory_space<vmem>>, vector<1x1x16x128xf32>
    %swap3A_1382 = vector.shape_cast %swap3A_1381 : vector<1x1x16x128xf32> to vector<16x128xf32>
    %swap3A_1383 = vector.shape_cast %add3A_1376 : vector<16x128xf32> to vector<1x1x16x128xf32>
    tpu.vector_store %arg4[%swap3A_1377, %swap3A_1378, %swap3A_1379, %swap3A_1380], %swap3A_1383 {strides = array<i32>} : memref<3x19x16x128xf32, #tpu.memory_space<vmem>>, vector<1x1x16x128xf32>,
    %get3A_1384 = arith.constant 1 : index
    %get3A_1385 = arith.constant 16 : index
    %get3A_1386 = arith.constant 0 : index
    %get3A_1387 = arith.constant 0 : index
    %get3A_1388 = vector.load %arg4[%get3A_1384, %get3A_1385, %get3A_1386, %get3A_1387] : memref<3x19x16x128xf32, #tpu.memory_space<vmem>>, vector<1x1x16x128xf32>
    %get3A_1389 = vector.shape_cast %get3A_1388 : vector<1x1x16x128xf32> to vector<16x128xf32>
    %mul3A_1390 = arith.mulf %convert_element_type3A_1357, %convert_element_type3A_1362 : vector<16x512xf32>
    %slice3A_1391 = vector.extract_strided_slice %mul3A_1390 {offsets = [0, 0], sizes = [16, 128], strides = [1, 1]} : vector<16x512xf32> to vector<16x128xf32>
    %slice3A_1392 = vector.extract_strided_slice %mul3A_1390 {offsets = [0, 128], sizes = [16, 128], strides = [1, 1]} : vector<16x512xf32> to vector<16x128xf32>
    %add3A_1393 = arith.addf %slice3A_1391, %slice3A_1392 : vector<16x128xf32>
    %slice3A_1394 = vector.extract_strided_slice %mul3A_1390 {offsets = [0, 256], sizes = [16, 128], strides = [1, 1]} : vector<16x512xf32> to vector<16x128xf32>
    %slice3A_1395 = vector.extract_strided_slice %mul3A_1390 {offsets = [0, 384], sizes = [16, 128], strides = [1, 1]} : vector<16x512xf32> to vector<16x128xf32>
    %add3A_1396 = arith.addf %slice3A_1394, %slice3A_1395 : vector<16x128xf32>
    %add3A_1397 = arith.addf %add3A_1393, %add3A_1396 : vector<16x128xf32>
    %add3A_1398 = arith.addf %get3A_1389, %add3A_1397 : vector<16x128xf32>
    %swap3A_1399 = arith.constant 1 : index
    %swap3A_1400 = arith.constant 16 : index
    %swap3A_1401 = arith.constant 0 : index
    %swap3A_1402 = arith.constant 0 : index
    %swap3A_1403 = vector.load %arg4[%swap3A_1399, %swap3A_1400, %swap3A_1401, %swap3A_1402] : memref<3x19x16x128xf32, #tpu.memory_space<vmem>>, vector<1x1x16x128xf32>
    %swap3A_1404 = vector.shape_cast %swap3A_1403 : vector<1x1x16x128xf32> to vector<16x128xf32>
    %swap3A_1405 = vector.shape_cast %add3A_1398 : vector<16x128xf32> to vector<1x1x16x128xf32>
    tpu.vector_store %arg4[%swap3A_1399, %swap3A_1400, %swap3A_1401, %swap3A_1402], %swap3A_1405 {strides = array<i32>} : memref<3x19x16x128xf32, #tpu.memory_space<vmem>>, vector<1x1x16x128xf32>,
    %get3A_1406 = arith.constant 2 : index
    %get3A_1407 = arith.constant 16 : index
    %get3A_1408 = arith.constant 0 : index
    %get3A_1409 = arith.constant 0 : index
    %get3A_1410 = vector.load %arg4[%get3A_1406, %get3A_1407, %get3A_1408, %get3A_1409] : memref<3x19x16x128xf32, #tpu.memory_space<vmem>>, vector<1x1x16x128xf32>
    %get3A_1411 = vector.shape_cast %get3A_1410 : vector<1x1x16x128xf32> to vector<16x128xf32>
    %slice3A_1412 = vector.extract_strided_slice %convert_element_type3A_1362 {offsets = [0, 0], sizes = [16, 128], strides = [1, 1]} : vector<16x512xf32> to vector<16x128xf32>
    %slice3A_1413 = vector.extract_strided_slice %convert_element_type3A_1362 {offsets = [0, 128], sizes = [16, 128], strides = [1, 1]} : vector<16x512xf32> to vector<16x128xf32>
    %add3A_1414 = arith.addf %slice3A_1412, %slice3A_1413 : vector<16x128xf32>
    %slice3A_1415 = vector.extract_strided_slice %convert_element_type3A_1362 {offsets = [0, 256], sizes = [16, 128], strides = [1, 1]} : vector<16x512xf32> to vector<16x128xf32>
    %slice3A_1416 = vector.extract_strided_slice %convert_element_type3A_1362 {offsets = [0, 384], sizes = [16, 128], strides = [1, 1]} : vector<16x512xf32> to vector<16x128xf32>
    %add3A_1417 = arith.addf %slice3A_1415, %slice3A_1416 : vector<16x128xf32>
    %add3A_1418 = arith.addf %add3A_1414, %add3A_1417 : vector<16x128xf32>
    %add3A_1419 = arith.addf %get3A_1411, %add3A_1418 : vector<16x128xf32>
    %swap3A_1420 = arith.constant 2 : index
    %swap3A_1421 = arith.constant 16 : index
    %swap3A_1422 = arith.constant 0 : index
    %swap3A_1423 = arith.constant 0 : index
    %swap3A_1424 = vector.load %arg4[%swap3A_1420, %swap3A_1421, %swap3A_1422, %swap3A_1423] : memref<3x19x16x128xf32, #tpu.memory_space<vmem>>, vector<1x1x16x128xf32>
    %swap3A_1425 = vector.shape_cast %swap3A_1424 : vector<1x1x16x128xf32> to vector<16x128xf32>
    %swap3A_1426 = vector.shape_cast %add3A_1419 : vector<16x128xf32> to vector<1x1x16x128xf32>
    tpu.vector_store %arg4[%swap3A_1420, %swap3A_1421, %swap3A_1422, %swap3A_1423], %swap3A_1426 {strides = array<i32>} : memref<3x19x16x128xf32, #tpu.memory_space<vmem>>, vector<1x1x16x128xf32>,
    %eq3A_1427 = arith.constant 17 : i32
    %eq3A_1428 = vector.broadcast %eq3A_1427 : i32 to vector<16x512xi32>
    %eq3A_1429 = arith.cmpi eq, %select_n3A_171, %eq3A_1428 : vector<16x512xi32>
    %convert_element_type3A_1430 = arith.extui %eq3A_1429 : vector<16x512xi1> to vector<16x512xi32>
    %convert_element_type3A_1431 = arith.sitofp %convert_element_type3A_1430 : vector<16x512xi32> to vector<16x512xf32>
    %eq3A_1432 = arith.constant 17 : i32
    %eq3A_1433 = vector.broadcast %eq3A_1432 : i32 to vector<16x512xi32>
    %eq3A_1434 = arith.cmpi eq, %get3A_11, %eq3A_1433 : vector<16x512xi32>
    %convert_element_type3A_1435 = arith.extui %eq3A_1434 : vector<16x512xi1> to vector<16x512xi32>
    %convert_element_type3A_1436 = arith.sitofp %convert_element_type3A_1435 : vector<16x512xi32> to vector<16x512xf32>
    %get3A_1437 = arith.constant 0 : index
    %get3A_1438 = arith.constant 17 : index
    %get3A_1439 = arith.constant 0 : index
    %get3A_1440 = arith.constant 0 : index
    %get3A_1441 = vector.load %arg4[%get3A_1437, %get3A_1438, %get3A_1439, %get3A_1440] : memref<3x19x16x128xf32, #tpu.memory_space<vmem>>, vector<1x1x16x128xf32>
    %get3A_1442 = vector.shape_cast %get3A_1441 : vector<1x1x16x128xf32> to vector<16x128xf32>
    %slice3A_1443 = vector.extract_strided_slice %convert_element_type3A_1431 {offsets = [0, 0], sizes = [16, 128], strides = [1, 1]} : vector<16x512xf32> to vector<16x128xf32>
    %slice3A_1444 = vector.extract_strided_slice %convert_element_type3A_1431 {offsets = [0, 128], sizes = [16, 128], strides = [1, 1]} : vector<16x512xf32> to vector<16x128xf32>
    %add3A_1445 = arith.addf %slice3A_1443, %slice3A_1444 : vector<16x128xf32>
    %slice3A_1446 = vector.extract_strided_slice %convert_element_type3A_1431 {offsets = [0, 256], sizes = [16, 128], strides = [1, 1]} : vector<16x512xf32> to vector<16x128xf32>
    %slice3A_1447 = vector.extract_strided_slice %convert_element_type3A_1431 {offsets = [0, 384], sizes = [16, 128], strides = [1, 1]} : vector<16x512xf32> to vector<16x128xf32>
    %add3A_1448 = arith.addf %slice3A_1446, %slice3A_1447 : vector<16x128xf32>
    %add3A_1449 = arith.addf %add3A_1445, %add3A_1448 : vector<16x128xf32>
    %add3A_1450 = arith.addf %get3A_1442, %add3A_1449 : vector<16x128xf32>
    %swap3A_1451 = arith.constant 0 : index
    %swap3A_1452 = arith.constant 17 : index
    %swap3A_1453 = arith.constant 0 : index
    %swap3A_1454 = arith.constant 0 : index
    %swap3A_1455 = vector.load %arg4[%swap3A_1451, %swap3A_1452, %swap3A_1453, %swap3A_1454] : memref<3x19x16x128xf32, #tpu.memory_space<vmem>>, vector<1x1x16x128xf32>
    %swap3A_1456 = vector.shape_cast %swap3A_1455 : vector<1x1x16x128xf32> to vector<16x128xf32>
    %swap3A_1457 = vector.shape_cast %add3A_1450 : vector<16x128xf32> to vector<1x1x16x128xf32>
    tpu.vector_store %arg4[%swap3A_1451, %swap3A_1452, %swap3A_1453, %swap3A_1454], %swap3A_1457 {strides = array<i32>} : memref<3x19x16x128xf32, #tpu.memory_space<vmem>>, vector<1x1x16x128xf32>,
    %get3A_1458 = arith.constant 1 : index
    %get3A_1459 = arith.constant 17 : index
    %get3A_1460 = arith.constant 0 : index
    %get3A_1461 = arith.constant 0 : index
    %get3A_1462 = vector.load %arg4[%get3A_1458, %get3A_1459, %get3A_1460, %get3A_1461] : memref<3x19x16x128xf32, #tpu.memory_space<vmem>>, vector<1x1x16x128xf32>
    %get3A_1463 = vector.shape_cast %get3A_1462 : vector<1x1x16x128xf32> to vector<16x128xf32>
    %mul3A_1464 = arith.mulf %convert_element_type3A_1431, %convert_element_type3A_1436 : vector<16x512xf32>
    %slice3A_1465 = vector.extract_strided_slice %mul3A_1464 {offsets = [0, 0], sizes = [16, 128], strides = [1, 1]} : vector<16x512xf32> to vector<16x128xf32>
    %slice3A_1466 = vector.extract_strided_slice %mul3A_1464 {offsets = [0, 128], sizes = [16, 128], strides = [1, 1]} : vector<16x512xf32> to vector<16x128xf32>
    %add3A_1467 = arith.addf %slice3A_1465, %slice3A_1466 : vector<16x128xf32>
    %slice3A_1468 = vector.extract_strided_slice %mul3A_1464 {offsets = [0, 256], sizes = [16, 128], strides = [1, 1]} : vector<16x512xf32> to vector<16x128xf32>
    %slice3A_1469 = vector.extract_strided_slice %mul3A_1464 {offsets = [0, 384], sizes = [16, 128], strides = [1, 1]} : vector<16x512xf32> to vector<16x128xf32>
    %add3A_1470 = arith.addf %slice3A_1468, %slice3A_1469 : vector<16x128xf32>
    %add3A_1471 = arith.addf %add3A_1467, %add3A_1470 : vector<16x128xf32>
    %add3A_1472 = arith.addf %get3A_1463, %add3A_1471 : vector<16x128xf32>
    %swap3A_1473 = arith.constant 1 : index
    %swap3A_1474 = arith.constant 17 : index
    %swap3A_1475 = arith.constant 0 : index
    %swap3A_1476 = arith.constant 0 : index
    %swap3A_1477 = vector.load %arg4[%swap3A_1473, %swap3A_1474, %swap3A_1475, %swap3A_1476] : memref<3x19x16x128xf32, #tpu.memory_space<vmem>>, vector<1x1x16x128xf32>
    %swap3A_1478 = vector.shape_cast %swap3A_1477 : vector<1x1x16x128xf32> to vector<16x128xf32>
    %swap3A_1479 = vector.shape_cast %add3A_1472 : vector<16x128xf32> to vector<1x1x16x128xf32>
    tpu.vector_store %arg4[%swap3A_1473, %swap3A_1474, %swap3A_1475, %swap3A_1476], %swap3A_1479 {strides = array<i32>} : memref<3x19x16x128xf32, #tpu.memory_space<vmem>>, vector<1x1x16x128xf32>,
    %get3A_1480 = arith.constant 2 : index
    %get3A_1481 = arith.constant 17 : index
    %get3A_1482 = arith.constant 0 : index
    %get3A_1483 = arith.constant 0 : index
    %get3A_1484 = vector.load %arg4[%get3A_1480, %get3A_1481, %get3A_1482, %get3A_1483] : memref<3x19x16x128xf32, #tpu.memory_space<vmem>>, vector<1x1x16x128xf32>
    %get3A_1485 = vector.shape_cast %get3A_1484 : vector<1x1x16x128xf32> to vector<16x128xf32>
    %slice3A_1486 = vector.extract_strided_slice %convert_element_type3A_1436 {offsets = [0, 0], sizes = [16, 128], strides = [1, 1]} : vector<16x512xf32> to vector<16x128xf32>
    %slice3A_1487 = vector.extract_strided_slice %convert_element_type3A_1436 {offsets = [0, 128], sizes = [16, 128], strides = [1, 1]} : vector<16x512xf32> to vector<16x128xf32>
    %add3A_1488 = arith.addf %slice3A_1486, %slice3A_1487 : vector<16x128xf32>
    %slice3A_1489 = vector.extract_strided_slice %convert_element_type3A_1436 {offsets = [0, 256], sizes = [16, 128], strides = [1, 1]} : vector<16x512xf32> to vector<16x128xf32>
    %slice3A_1490 = vector.extract_strided_slice %convert_element_type3A_1436 {offsets = [0, 384], sizes = [16, 128], strides = [1, 1]} : vector<16x512xf32> to vector<16x128xf32>
    %add3A_1491 = arith.addf %slice3A_1489, %slice3A_1490 : vector<16x128xf32>
    %add3A_1492 = arith.addf %add3A_1488, %add3A_1491 : vector<16x128xf32>
    %add3A_1493 = arith.addf %get3A_1485, %add3A_1492 : vector<16x128xf32>
    %swap3A_1494 = arith.constant 2 : index
    %swap3A_1495 = arith.constant 17 : index
    %swap3A_1496 = arith.constant 0 : index
    %swap3A_1497 = arith.constant 0 : index
    %swap3A_1498 = vector.load %arg4[%swap3A_1494, %swap3A_1495, %swap3A_1496, %swap3A_1497] : memref<3x19x16x128xf32, #tpu.memory_space<vmem>>, vector<1x1x16x128xf32>
    %swap3A_1499 = vector.shape_cast %swap3A_1498 : vector<1x1x16x128xf32> to vector<16x128xf32>
    %swap3A_1500 = vector.shape_cast %add3A_1493 : vector<16x128xf32> to vector<1x1x16x128xf32>
    tpu.vector_store %arg4[%swap3A_1494, %swap3A_1495, %swap3A_1496, %swap3A_1497], %swap3A_1500 {strides = array<i32>} : memref<3x19x16x128xf32, #tpu.memory_space<vmem>>, vector<1x1x16x128xf32>,
    %eq3A_1501 = arith.constant 18 : i32
    %eq3A_1502 = vector.broadcast %eq3A_1501 : i32 to vector<16x512xi32>
    %eq3A_1503 = arith.cmpi eq, %select_n3A_171, %eq3A_1502 : vector<16x512xi32>
    %convert_element_type3A_1504 = arith.extui %eq3A_1503 : vector<16x512xi1> to vector<16x512xi32>
    %convert_element_type3A_1505 = arith.sitofp %convert_element_type3A_1504 : vector<16x512xi32> to vector<16x512xf32>
    %eq3A_1506 = arith.constant 18 : i32
    %eq3A_1507 = vector.broadcast %eq3A_1506 : i32 to vector<16x512xi32>
    %eq3A_1508 = arith.cmpi eq, %get3A_11, %eq3A_1507 : vector<16x512xi32>
    %convert_element_type3A_1509 = arith.extui %eq3A_1508 : vector<16x512xi1> to vector<16x512xi32>
    %convert_element_type3A_1510 = arith.sitofp %convert_element_type3A_1509 : vector<16x512xi32> to vector<16x512xf32>
    %get3A_1511 = arith.constant 0 : index
    %get3A_1512 = arith.constant 18 : index
    %get3A_1513 = arith.constant 0 : index
    %get3A_1514 = arith.constant 0 : index
    %get3A_1515 = vector.load %arg4[%get3A_1511, %get3A_1512, %get3A_1513, %get3A_1514] : memref<3x19x16x128xf32, #tpu.memory_space<vmem>>, vector<1x1x16x128xf32>
    %get3A_1516 = vector.shape_cast %get3A_1515 : vector<1x1x16x128xf32> to vector<16x128xf32>
    %slice3A_1517 = vector.extract_strided_slice %convert_element_type3A_1505 {offsets = [0, 0], sizes = [16, 128], strides = [1, 1]} : vector<16x512xf32> to vector<16x128xf32>
    %slice3A_1518 = vector.extract_strided_slice %convert_element_type3A_1505 {offsets = [0, 128], sizes = [16, 128], strides = [1, 1]} : vector<16x512xf32> to vector<16x128xf32>
    %add3A_1519 = arith.addf %slice3A_1517, %slice3A_1518 : vector<16x128xf32>
    %slice3A_1520 = vector.extract_strided_slice %convert_element_type3A_1505 {offsets = [0, 256], sizes = [16, 128], strides = [1, 1]} : vector<16x512xf32> to vector<16x128xf32>
    %slice3A_1521 = vector.extract_strided_slice %convert_element_type3A_1505 {offsets = [0, 384], sizes = [16, 128], strides = [1, 1]} : vector<16x512xf32> to vector<16x128xf32>
    %add3A_1522 = arith.addf %slice3A_1520, %slice3A_1521 : vector<16x128xf32>
    %add3A_1523 = arith.addf %add3A_1519, %add3A_1522 : vector<16x128xf32>
    %add3A_1524 = arith.addf %get3A_1516, %add3A_1523 : vector<16x128xf32>
    %swap3A_1525 = arith.constant 0 : index
    %swap3A_1526 = arith.constant 18 : index
    %swap3A_1527 = arith.constant 0 : index
    %swap3A_1528 = arith.constant 0 : index
    %swap3A_1529 = vector.load %arg4[%swap3A_1525, %swap3A_1526, %swap3A_1527, %swap3A_1528] : memref<3x19x16x128xf32, #tpu.memory_space<vmem>>, vector<1x1x16x128xf32>
    %swap3A_1530 = vector.shape_cast %swap3A_1529 : vector<1x1x16x128xf32> to vector<16x128xf32>
    %swap3A_1531 = vector.shape_cast %add3A_1524 : vector<16x128xf32> to vector<1x1x16x128xf32>
    tpu.vector_store %arg4[%swap3A_1525, %swap3A_1526, %swap3A_1527, %swap3A_1528], %swap3A_1531 {strides = array<i32>} : memref<3x19x16x128xf32, #tpu.memory_space<vmem>>, vector<1x1x16x128xf32>,
    %get3A_1532 = arith.constant 1 : index
    %get3A_1533 = arith.constant 18 : index
    %get3A_1534 = arith.constant 0 : index
    %get3A_1535 = arith.constant 0 : index
    %get3A_1536 = vector.load %arg4[%get3A_1532, %get3A_1533, %get3A_1534, %get3A_1535] : memref<3x19x16x128xf32, #tpu.memory_space<vmem>>, vector<1x1x16x128xf32>
    %get3A_1537 = vector.shape_cast %get3A_1536 : vector<1x1x16x128xf32> to vector<16x128xf32>
    %mul3A_1538 = arith.mulf %convert_element_type3A_1505, %convert_element_type3A_1510 : vector<16x512xf32>
    %slice3A_1539 = vector.extract_strided_slice %mul3A_1538 {offsets = [0, 0], sizes = [16, 128], strides = [1, 1]} : vector<16x512xf32> to vector<16x128xf32>
    %slice3A_1540 = vector.extract_strided_slice %mul3A_1538 {offsets = [0, 128], sizes = [16, 128], strides = [1, 1]} : vector<16x512xf32> to vector<16x128xf32>
    %add3A_1541 = arith.addf %slice3A_1539, %slice3A_1540 : vector<16x128xf32>
    %slice3A_1542 = vector.extract_strided_slice %mul3A_1538 {offsets = [0, 256], sizes = [16, 128], strides = [1, 1]} : vector<16x512xf32> to vector<16x128xf32>
    %slice3A_1543 = vector.extract_strided_slice %mul3A_1538 {offsets = [0, 384], sizes = [16, 128], strides = [1, 1]} : vector<16x512xf32> to vector<16x128xf32>
    %add3A_1544 = arith.addf %slice3A_1542, %slice3A_1543 : vector<16x128xf32>
    %add3A_1545 = arith.addf %add3A_1541, %add3A_1544 : vector<16x128xf32>
    %add3A_1546 = arith.addf %get3A_1537, %add3A_1545 : vector<16x128xf32>
    %swap3A_1547 = arith.constant 1 : index
    %swap3A_1548 = arith.constant 18 : index
    %swap3A_1549 = arith.constant 0 : index
    %swap3A_1550 = arith.constant 0 : index
    %swap3A_1551 = vector.load %arg4[%swap3A_1547, %swap3A_1548, %swap3A_1549, %swap3A_1550] : memref<3x19x16x128xf32, #tpu.memory_space<vmem>>, vector<1x1x16x128xf32>
    %swap3A_1552 = vector.shape_cast %swap3A_1551 : vector<1x1x16x128xf32> to vector<16x128xf32>
    %swap3A_1553 = vector.shape_cast %add3A_1546 : vector<16x128xf32> to vector<1x1x16x128xf32>
    tpu.vector_store %arg4[%swap3A_1547, %swap3A_1548, %swap3A_1549, %swap3A_1550], %swap3A_1553 {strides = array<i32>} : memref<3x19x16x128xf32, #tpu.memory_space<vmem>>, vector<1x1x16x128xf32>,
    %get3A_1554 = arith.constant 2 : index
    %get3A_1555 = arith.constant 18 : index
    %get3A_1556 = arith.constant 0 : index
    %get3A_1557 = arith.constant 0 : index
    %get3A_1558 = vector.load %arg4[%get3A_1554, %get3A_1555, %get3A_1556, %get3A_1557] : memref<3x19x16x128xf32, #tpu.memory_space<vmem>>, vector<1x1x16x128xf32>
    %get3A_1559 = vector.shape_cast %get3A_1558 : vector<1x1x16x128xf32> to vector<16x128xf32>
    %slice3A_1560 = vector.extract_strided_slice %convert_element_type3A_1510 {offsets = [0, 0], sizes = [16, 128], strides = [1, 1]} : vector<16x512xf32> to vector<16x128xf32>
    %slice3A_1561 = vector.extract_strided_slice %convert_element_type3A_1510 {offsets = [0, 128], sizes = [16, 128], strides = [1, 1]} : vector<16x512xf32> to vector<16x128xf32>
    %add3A_1562 = arith.addf %slice3A_1560, %slice3A_1561 : vector<16x128xf32>
    %slice3A_1563 = vector.extract_strided_slice %convert_element_type3A_1510 {offsets = [0, 256], sizes = [16, 128], strides = [1, 1]} : vector<16x512xf32> to vector<16x128xf32>
    %slice3A_1564 = vector.extract_strided_slice %convert_element_type3A_1510 {offsets = [0, 384], sizes = [16, 128], strides = [1, 1]} : vector<16x512xf32> to vector<16x128xf32>
    %add3A_1565 = arith.addf %slice3A_1563, %slice3A_1564 : vector<16x128xf32>
    %add3A_1566 = arith.addf %add3A_1562, %add3A_1565 : vector<16x128xf32>
    %add3A_1567 = arith.addf %get3A_1559, %add3A_1566 : vector<16x128xf32>
    %swap3A_1568 = arith.constant 2 : index
    %swap3A_1569 = arith.constant 18 : index
    %swap3A_1570 = arith.constant 0 : index
    %swap3A_1571 = arith.constant 0 : index
    %swap3A_1572 = vector.load %arg4[%swap3A_1568, %swap3A_1569, %swap3A_1570, %swap3A_1571] : memref<3x19x16x128xf32, #tpu.memory_space<vmem>>, vector<1x1x16x128xf32>
    %swap3A_1573 = vector.shape_cast %swap3A_1572 : vector<1x1x16x128xf32> to vector<16x128xf32>
    %swap3A_1574 = vector.shape_cast %add3A_1567 : vector<16x128xf32> to vector<1x1x16x128xf32>
    tpu.vector_store %arg4[%swap3A_1568, %swap3A_1569, %swap3A_1570, %swap3A_1571], %swap3A_1574 {strides = array<i32>} : memref<3x19x16x128xf32, #tpu.memory_space<vmem>>, vector<1x1x16x128xf32>,
    %eq3A_1575 = arith.constant 79 : i32
    %eq3A_1576 = arith.cmpi eq, %arg0, %eq3A_1575 : i32
    %convert_element_type3A_1577 = arith.extui %eq3A_1576 : i1 to i32
    %cond3A_1578 = arith.constant 0 : i32
    %cond3A_1579 = arith.cmpi ne, %convert_element_type3A_1577, %cond3A_1578 : i32
    scf.if %cond3A_1579 {
      %get3A_1580 = arith.constant 0 : index
      %get3A_1581 = arith.constant 0 : index
      %get3A_1582 = arith.constant 0 : index
      %get3A_1583 = arith.constant 0 : index
      %get3A_1584 = vector.load %arg4[%get3A_1580, %get3A_1581, %get3A_1582, %get3A_1583] : memref<3x19x16x128xf32, #tpu.memory_space<vmem>>, vector<3x19x16x128xf32>
      %reduce_sum3A = arith.constant dense<0.000000e+00> : vector<3x19xf32>
      %reduce_sum3A_1585 = vector.multi_reduction <add>, %get3A_1584, %reduce_sum3A [2, 3] : vector<3x19x16x128xf32> to vector<3x19xf32>
      %slice3A_1586 = vector.extract_strided_slice %reduce_sum3A_1585 {offsets = [0, 0], sizes = [1, 19], strides = [1, 1]} : vector<3x19xf32> to vector<1x19xf32>
      %squeeze3A_1587 = vector.shape_cast %slice3A_1586 : vector<1x19xf32> to vector<19xf32>
      %slice3A_1588 = vector.extract_strided_slice %reduce_sum3A_1585 {offsets = [1, 0], sizes = [1, 19], strides = [1, 1]} : vector<3x19xf32> to vector<1x19xf32>
      %squeeze3A_1589 = vector.shape_cast %slice3A_1588 : vector<1x19xf32> to vector<19xf32>
      %sub3A = arith.subf %squeeze3A_1587, %squeeze3A_1589 : vector<19xf32>
      %swap3A_1590 = arith.constant 0 : index
      %swap3A_1591 = arith.constant 0 : index
      %swap3A_1592 = vector.load %arg3[%swap3A_1590, %swap3A_1591] : memref<3x19xf32, #tpu.memory_space<vmem>>, vector<1x19xf32>
      %swap3A_1593 = vector.shape_cast %swap3A_1592 : vector<1x19xf32> to vector<19xf32>
      %swap3A_1594 = vector.shape_cast %sub3A : vector<19xf32> to vector<1x19xf32>
      tpu.vector_store %arg3[%swap3A_1590, %swap3A_1591], %swap3A_1594 {strides = array<i32>} : memref<3x19xf32, #tpu.memory_space<vmem>>, vector<1x19xf32>,
      %slice3A_1595 = vector.extract_strided_slice %reduce_sum3A_1585 {offsets = [1, 0], sizes = [1, 19], strides = [1, 1]} : vector<3x19xf32> to vector<1x19xf32>
      %squeeze3A_1596 = vector.shape_cast %slice3A_1595 : vector<1x19xf32> to vector<19xf32>
      %swap3A_1597 = arith.constant 1 : index
      %swap3A_1598 = arith.constant 0 : index
      %swap3A_1599 = vector.load %arg3[%swap3A_1597, %swap3A_1598] : memref<3x19xf32, #tpu.memory_space<vmem>>, vector<1x19xf32>
      %swap3A_1600 = vector.shape_cast %swap3A_1599 : vector<1x19xf32> to vector<19xf32>
      %swap3A_1601 = vector.shape_cast %squeeze3A_1596 : vector<19xf32> to vector<1x19xf32>
      tpu.vector_store %arg3[%swap3A_1597, %swap3A_1598], %swap3A_1601 {strides = array<i32>} : memref<3x19xf32, #tpu.memory_space<vmem>>, vector<1x19xf32>,
      %slice3A_1602 = vector.extract_strided_slice %reduce_sum3A_1585 {offsets = [2, 0], sizes = [1, 19], strides = [1, 1]} : vector<3x19xf32> to vector<1x19xf32>
      %squeeze3A_1603 = vector.shape_cast %slice3A_1602 : vector<1x19xf32> to vector<19xf32>
      %swap3A_1604 = arith.constant 2 : index
      %swap3A_1605 = arith.constant 0 : index
      %swap3A_1606 = vector.load %arg3[%swap3A_1604, %swap3A_1605] : memref<3x19xf32, #tpu.memory_space<vmem>>, vector<1x19xf32>
      %swap3A_1607 = vector.shape_cast %swap3A_1606 : vector<1x19xf32> to vector<19xf32>
      %swap3A_1608 = vector.shape_cast %squeeze3A_1603 : vector<19xf32> to vector<1x19xf32>
      tpu.vector_store %arg3[%swap3A_1604, %swap3A_1605], %swap3A_1608 {strides = array<i32>} : memref<3x19xf32, #tpu.memory_space<vmem>>, vector<1x19xf32>,
    } else {
    }
    return
  }
  func.func @transform_0(%arg0: i32) -> (i32, i32, i32, i32) {
    %add3A = arith.constant 16 : i32
    %add3A_0 = arith.addi %arg0, %add3A : i32
    %jit3A = arith.constant 32 : i32
    %div3A = arith.divsi %add3A_0, %jit3A : i32
    %sign3A = arith.constant 0 : i32
    %sign3A_1 = arith.cmpi sgt, %add3A_0, %sign3A : i32
    %sign3A_2 = arith.extui %sign3A_1 : i1 to i32
    %sign3A_3 = arith.constant 0 : i32
    %sign3A_4 = arith.cmpi slt, %add3A_0, %sign3A_3 : i32
    %sign3A_5 = arith.extui %sign3A_4 : i1 to i32
    %sign3A_6 = arith.subi %sign3A_2, %sign3A_5 : i32
    %sign3A_7 = arith.constant 0 : i32
    %sign3A_8 = arith.cmpi sgt, %jit3A, %sign3A_7 : i32
    %sign3A_9 = arith.extui %sign3A_8 : i1 to i32
    %sign3A_10 = arith.constant 0 : i32
    %sign3A_11 = arith.cmpi slt, %jit3A, %sign3A_10 : i32
    %sign3A_12 = arith.extui %sign3A_11 : i1 to i32
    %sign3A_13 = arith.subi %sign3A_9, %sign3A_12 : i32
    %ne3A = arith.cmpi ne, %sign3A_6, %sign3A_13 : i32
    %rem3A = arith.remsi %add3A_0, %jit3A : i32
    %ne3A_14 = arith.constant 0 : i32
    %ne3A_15 = arith.cmpi ne, %rem3A, %ne3A_14 : i32
    %and3A = arith.andi %ne3A, %ne3A_15 : i1
    %sub3A = arith.constant 1 : i32
    %sub3A_16 = arith.subi %div3A, %sub3A : i32
    %select_n3A = arith.select %and3A, %sub3A_16, %div3A : i32
    %add3A_17 = arith.constant 5 : i32
    %add3A_18 = arith.addi %add3A_17, %select_n3A : i32
    %add3A_19 = arith.constant 16 : i32
    %add3A_20 = arith.addi %arg0, %add3A_19 : i32
    %jit3A_21 = arith.constant 32 : i32
    %eq3A = arith.constant 0 : i32
    %eq3A_22 = arith.cmpi eq, %jit3A_21, %eq3A : i32
    %jit3A_23 = arith.constant 1 : i32
    %select_n3A_24 = arith.select %eq3A_22, %jit3A_23, %jit3A_21 : i32
    %rem3A_25 = arith.remsi %add3A_20, %select_n3A_24 : i32
    %ne3A_26 = arith.constant 0 : i32
    %ne3A_27 = arith.cmpi ne, %rem3A_25, %ne3A_26 : i32
    %lt3A = arith.constant 0 : i32
    %lt3A_28 = arith.cmpi slt, %rem3A_25, %lt3A : i32
    %lt3A_29 = arith.constant 0 : i32
    %lt3A_30 = arith.cmpi slt, %select_n3A_24, %lt3A_29 : i32
    %ne3A_31 = arith.xori %lt3A_28, %lt3A_30 : i1
    %and3A_32 = arith.andi %ne3A_31, %ne3A_27 : i1
    %add3A_33 = arith.addi %rem3A_25, %select_n3A_24 : i32
    %select_n3A_34 = arith.select %and3A_32, %add3A_33, %rem3A_25 : i32
    %c0_i32 = arith.constant 0 : i32
    %c0_i32_35 = arith.constant 0 : i32
    %c0_i32_36 = arith.constant 0 : i32
    return %add3A_18, %c0_i32, %select_n3A_34, %c0_i32_35 : i32, i32, i32, i32
  }
  func.func @transform_1(%arg0: i32) -> (i32, i32, i32) {
    %add3A = arith.constant 16 : i32
    %add3A_0 = arith.addi %arg0, %add3A : i32
    %jit3A = arith.constant 32 : i32
    %div3A = arith.divsi %add3A_0, %jit3A : i32
    %sign3A = arith.constant 0 : i32
    %sign3A_1 = arith.cmpi sgt, %add3A_0, %sign3A : i32
    %sign3A_2 = arith.extui %sign3A_1 : i1 to i32
    %sign3A_3 = arith.constant 0 : i32
    %sign3A_4 = arith.cmpi slt, %add3A_0, %sign3A_3 : i32
    %sign3A_5 = arith.extui %sign3A_4 : i1 to i32
    %sign3A_6 = arith.subi %sign3A_2, %sign3A_5 : i32
    %sign3A_7 = arith.constant 0 : i32
    %sign3A_8 = arith.cmpi sgt, %jit3A, %sign3A_7 : i32
    %sign3A_9 = arith.extui %sign3A_8 : i1 to i32
    %sign3A_10 = arith.constant 0 : i32
    %sign3A_11 = arith.cmpi slt, %jit3A, %sign3A_10 : i32
    %sign3A_12 = arith.extui %sign3A_11 : i1 to i32
    %sign3A_13 = arith.subi %sign3A_9, %sign3A_12 : i32
    %ne3A = arith.cmpi ne, %sign3A_6, %sign3A_13 : i32
    %rem3A = arith.remsi %add3A_0, %jit3A : i32
    %ne3A_14 = arith.constant 0 : i32
    %ne3A_15 = arith.cmpi ne, %rem3A, %ne3A_14 : i32
    %and3A = arith.andi %ne3A, %ne3A_15 : i1
    %sub3A = arith.constant 1 : i32
    %sub3A_16 = arith.subi %div3A, %sub3A : i32
    %select_n3A = arith.select %and3A, %sub3A_16, %div3A : i32
    %add3A_17 = arith.constant 5 : i32
    %add3A_18 = arith.addi %add3A_17, %select_n3A : i32
    %add3A_19 = arith.constant 16 : i32
    %add3A_20 = arith.addi %arg0, %add3A_19 : i32
    %jit3A_21 = arith.constant 32 : i32
    %eq3A = arith.constant 0 : i32
    %eq3A_22 = arith.cmpi eq, %jit3A_21, %eq3A : i32
    %jit3A_23 = arith.constant 1 : i32
    %select_n3A_24 = arith.select %eq3A_22, %jit3A_23, %jit3A_21 : i32
    %rem3A_25 = arith.remsi %add3A_20, %select_n3A_24 : i32
    %ne3A_26 = arith.constant 0 : i32
    %ne3A_27 = arith.cmpi ne, %rem3A_25, %ne3A_26 : i32
    %lt3A = arith.constant 0 : i32
    %lt3A_28 = arith.cmpi slt, %rem3A_25, %lt3A : i32
    %lt3A_29 = arith.constant 0 : i32
    %lt3A_30 = arith.cmpi slt, %select_n3A_24, %lt3A_29 : i32
    %ne3A_31 = arith.xori %lt3A_28, %lt3A_30 : i1
    %and3A_32 = arith.andi %ne3A_31, %ne3A_27 : i1
    %add3A_33 = arith.addi %rem3A_25, %select_n3A_24 : i32
    %select_n3A_34 = arith.select %and3A_32, %add3A_33, %rem3A_25 : i32
    %c0_i32 = arith.constant 0 : i32
    %c0_i32_35 = arith.constant 0 : i32
    return %add3A_18, %select_n3A_34, %c0_i32 : i32, i32, i32
  }
  func.func @transform_2(%arg0: i32) -> (i32, i32) {
    %c0_i32 = arith.constant 0 : i32
    %c0_i32_0 = arith.constant 0 : i32
    %c0_i32_1 = arith.constant 0 : i32
    return %c0_i32, %c0_i32_0 : i32, i32
  }
}

</mosaic_0001>

<sc_bundles>
// kernel: kernel.5.cloned.1.call-start
scs
__scs_entry_jumppad:
0x0: {  	(pc) =	sbr.rel $0x88, $3  }
0x1: {  	(tag) =	ssettag $0x0;
	lr =	simm.s32 $0x1  }
0x2: {  	[smem:$0x3F9F] =	sst lr;
	_ =	strace $0xD0000000  }
0x3: {  	_ = 	snop  }
0x4: {  	_ = 	snop  }
0x5: {  	_ = 	snop  }
0x6: {  	_ = 	snop  }
0x7: {  	_ = 	snop  }
__scs_overlays_trampoline_lowered:
0x8: {  	[smem:$0x3FAE] =	sst s0  }
0x9: {  	[smem:$0x3FAF] =	sst s1  }
0xa: {  	[smem:$0x3FB0] =	sst s2  }
0xb: {  	[smem:$0x3FB1] =	sst s3  }
0xc: {  	[smem:$0x3FB2] =	sst s4  }
0xd: {  	[smem:$0x3FB3] =	sst s5  }
0xe: {  	[smem:$0x3FB4] =	sst s6  }
0xf: {  	[smem:$0x3FB5] =	sst s7  }
0x10: {  	[smem:$0x3FB6] =	sst s8  }
0x11: {  	[smem:$0x3FB7] =	sst s9;
	s0 =	simm.s32 @!p0 $0x0  }
0x12: {  	s1 =	sld [smem:$0x3F9D];
	s0 =	simm.s32 @p0 $0x1  }
0x13: {  	[smem:$0x3FB8] =	sst s0;
	s0 =	simm.s32 @!p1 $0x0  }
0x14: {  	s2 =	sld [smem:$0x3F9C];
	s0 =	simm.s32 @p1 $0x1  }
0x15: {  	[smem:$0x3FB9] =	sst s0;
	s0 =	simm.s32 @!p2 $0x0  }
0x16: {  	s3 =	sld [smem:$0x3FDB];
	s0 =	simm.s32 @p2 $0x1  }
0x17: {  	s4 =	simm.s32 $0x1BF5;
	[smem:$0x3FBB] =	sst s0  }
0x18: {  	s0 =	sld [smem:$0x3F9E];
	_ =	swait.ge [sflag:s4], $0x0  }
0x19: {  	s7 =	sld [smem:$0x3F9F]  }
0x1a: {  	s8 =	sadd.s32 $0xFFFFE003, lr  }
0x1b: {  	s9 =	sadd.s32 $0xFFFFFEF7, lr;
	s5 =	simm.s32 $0xFFFFFFFF;
	p2 =	slt.u32 s8, $0xFFFFF086  }
0x1c: {  	p1 =	slt.u32 s9, $0xF7A;
	s5 =	simm.s32 @!p2 $0x0  }
0x1d: {  	s5 =	simm.s32 @p1 $0x1;
	p0 =	seq.s32 s7, s2  }
0x1e: {  	s7 =	smul.u32 @!p0 $0xF7A, s2;
	p2 =	seq.s32 @!p0 s5, $0x0  }
0x1f: {  	s9 =	smul.u32 $0xF7A, s1;
	s8 =	simm.s32 @!p0 $0x1BF5;
	p2 =	por !p2, p0  }
0x20: {  	[sflag:s8] =	ssyncset.s32 @!p0 $0xFFFFF086;
	s6 =	sadd.s32 @!p0 s3, s7;
	s7 =	simm.s32 @!p0 $0x108  }
0x21: {  	s3 =	sadd.s32 s3, s9;
	s6 =	sadd.s32 @!p0 $0x88, s6;
	s7 =	simm.s32 @p2 $0x1082  }
0x22: {  	[simem:s7], [sflag:s8] =	dma.local @!p0 [hbm:s6], $0xF7A  }
0x23: {  	s9 =	sor.u32 $0xD0000000, s2;
	s6 =	simm.s32 $0x108;
	_ =	swait.ge @!p0 [sflag:s8], $0x0  }
0x24: {  	s3 =	sadd.s32 $0x88, s3;
	s6 =	simm.s32 @!p1 $0x1082;
	[sflag:s4] =	ssyncset.s32 $0xFFFFF086  }
0x25: {  	[simem:s6], [sflag:s4] =	dma.local [hbm:s3], $0xF7A  }
0x26: {  	[smem:$0x3F9F] =	sst s1;
	(tag) =	ssettag s2;
	_ =	strace s9  }
0x27: {  	s1 =	sld [smem:$0x3FAF]  }
0x28: {  	s2 =	sld [smem:$0x3FB0]  }
0x29: {  	s4 =	sld [smem:$0x3FB2]  }
0x2a: {  	p0 =	seq.s32 s5, $0x0;
	s5 =	sld [smem:$0x3FB3]  }
0x2b: {  	s6 =	sld [smem:$0x3FB4]  }
0x2c: {  	s7 =	sld [smem:$0x3FB5]  }
0x2d: {  	s3 =	simm.s32 $0x108;
	s8 =	sld [smem:$0x3FB6]  }
0x2e: {  	s3 =	simm.s32 @!p0 $0x1082;
	s9 =	sld [smem:$0x3FB7]  }
0x2f: {  	lr =	sadd.s32 s0, s3;
	s0 =	sld [smem:$0x3FAE]  }
0x30: {  	s3 =	sld [smem:$0x3FB1]  }
0x31: {  	[smem:$0x3FBA] =	sst s10  }
0x32: {  	s10 =	sld [smem:$0x3FB8];
	_ =	sdelay $0x3  }
0x33: {  	p0 =	seq.s32 s10, $0x1;
	s10 =	sld [smem:$0x3FBA];
	_ =	sdelay $0x3  }
0x34: {  	[smem:$0x3FBA] =	sst s10  }
0x35: {  	s10 =	sld [smem:$0x3FB9];
	_ =	sdelay $0x3  }
0x36: {  	p1 =	seq.s32 s10, $0x1;
	s10 =	sld [smem:$0x3FBA];
	_ =	sdelay $0x3  }
0x37: {  	[smem:$0x3FBA] =	sst s10  }
0x38: {  	s10 =	sld [smem:$0x3FBB]  }
0x39: {  	_ = 	snop;
	(pc) =	sbr.ind lr, $3  }
0x3a: {  	_ = 	snop  }
0x3b: {  	_ = 	snop  }
0x3c: {  	p2 =	seq.s32 s10, $0x1;
	s10 =	sld [smem:$0x3FBA]  }
0x3d: {  	_ =	shalt  }
0x3e: {  	_ =	shalt  }
0x3f: {  	_ =	shalt  }
0x40: {  	_ =	shalt  }
0x41: {  	_ =	shalt  }
0x42: {  	_ =	shalt  }
0x43: {  	_ =	shalt  }
0x44: {  	_ =	shalt  }
0x45: {  	_ =	shalt  }
0x46: {  	_ =	shalt  }
0x47: {  	_ =	shalt  }
0x48: {  	_ =	shalt  }
0x49: {  	_ =	shalt  }
0x4a: {  	_ =	shalt  }
0x4b: {  	_ =	shalt  }
0x4c: {  	_ =	shalt  }
0x4d: {  	_ =	shalt  }
0x4e: {  	_ =	shalt  }
0x4f: {  	_ =	shalt  }
0x50: {  	_ =	shalt  }
0x51: {  	_ =	shalt  }
0x52: {  	_ =	shalt  }
0x53: {  	_ =	shalt  }
0x54: {  	_ =	shalt  }
0x55: {  	_ =	shalt  }
0x56: {  	_ =	shalt  }
0x57: {  	_ =	shalt  }
0x58: {  	_ =	shalt  }
0x59: {  	_ =	shalt  }
0x5a: {  	_ =	shalt  }
0x5b: {  	_ =	shalt  }
0x5c: {  	_ =	shalt  }
0x5d: {  	_ =	shalt  }
0x5e: {  	_ =	shalt  }
0x5f: {  	_ =	shalt  }
0x60: {  	_ =	shalt  }
0x61: {  	_ =	shalt  }
0x62: {  	_ =	shalt  }
0x63: {  	_ =	shalt  }
0x64: {  	_ =	shalt  }
0x65: {  	_ =	shalt  }
0x66: {  	_ =	shalt  }
0x67: {  	_ =	shalt  }
0x68: {  	_ =	shalt  }
0x69: {  	_ =	shalt  }
0x6a: {  	_ =	shalt  }
0x6b: {  	_ =	shalt  }
0x6c: {  	_ =	shalt  }
0x6d: {  	_ =	shalt  }
0x6e: {  	_ =	shalt  }
0x6f: {  	_ =	shalt  }
0x70: {  	_ =	shalt  }
0x71: {  	_ =	shalt  }
0x72: {  	_ =	shalt  }
0x73: {  	_ =	shalt  }
0x74: {  	_ =	shalt  }
0x75: {  	_ =	shalt  }
0x76: {  	_ =	shalt  }
0x77: {  	_ =	shalt  }
0x78: {  	_ =	shalt  }
0x79: {  	_ =	shalt  }
0x7a: {  	_ =	shalt  }
0x7b: {  	_ =	shalt  }
0x7c: {  	_ =	shalt  }
0x7d: {  	_ =	shalt  }
0x7e: {  	_ =	shalt  }
0x7f: {  	_ =	shalt  }
0x80: {  	_ =	shalt  }
0x81: {  	_ =	shalt  }
0x82: {  	_ =	shalt  }
0x83: {  	_ =	shalt  }
0x84: {  	_ =	shalt  }
0x85: {  	_ =	shalt  }
0x86: {  	_ =	shalt  }
0x87: {  	_ =	shalt  }
.Lfunc_end0:
.L_simem_size_0:
called_computation_lowered:
.L_overlay_start_0:
0x88: {  	s2 =	sld [smem:$0x3FD9]  }
0x89: {  	s3 =	sld [smem:$0x3FFE];
	_ =	sdelay $0x1  }
0x8a: {  	s1 =	srdreg.scid  }
0x8b: {  	s0 =	sand.u32 $0x1, s1  }
0x8c: {  	s17 =	sshll.u32 s0, $0xA;
	s2 =	sadd.s32 s3, s2  }
0x8d: {  	s2 =	sadd.s32 s2, s17  }
0x8e: {  	[smem:$0x3FC6] =	sst s2  }
0x8f: {  	_ = 	snop  }
0x90: {  	s2 =	sld [smem:$0x3FC9]  }
0x91: {  	s18 =	sld [smem:$0x3FC8];
	(tm) =	ssettm $0x1  }
0x92: {  	s4 =	sld [smem:$0x3FFB];
	_ =	sdelay $0x3  }
0x93: {  	_ =	strace s4  }
0x94: {  	s4 =	sld [smem:$0x3FFC];
	_ =	sdelay $0x3  }
0x95: {  	_ =	strace s4  }
0x96: {  	s4 =	sld [smem:$0x3FFD];
	_ =	sdelay $0x3  }
0x97: {  	_ =	strace s4  }
0x98: {  	_ =	strace $0x8FFFFFFF  }
0x99: {  	s19 =	sld [smem:$0x3FDB];
	_ =	sdelay $0x1  }
0x9a: {  	s5 =	simm.s32 $_scs_section_size  }
0x9b: {  	s6 =	simm.s32 $_size__tile_overlayer_lowered;
	s7 =	simm.s32 $_tile_overlayer_lowered  }
0x9c: {  	s22 =	simm.s32 $0x1BFF;
	s21 =	sshll.u32 s7, $0x1;
	s4 =	sadd.s32 s5, s19  }
0x9d: {  	s8 =	simm.s32 $0x0;
	s20 =	sshll.u32 s6, $0x1;
	s6 =	sadd.s32 s21, s4  }
0x9e: {  	[timem:s8], [sflag:s22] =	dma.local [hbm:s6], s20  }
0x9f: {  	_ =	swait.ge [sflag:s22], s20  }
0xa0: {  	s5 =	ssub.s32 $0x0, s20;
	[sflag:s22] =	ssyncset.done $0x0  }
0xa1: {  	[sflag:s22] =	ssyncadd.s32 s5;
	_ =	sdelay $0x1  }
0xa2: {  	s23 =	simm.s32 $0x1B8B  }
0xa3: {  	_ =	swait.ge [sflag:s23], $0x1  }
0xa4: {  	[sflag:s23] =	ssyncset.done $0x0  }
0xa5: {  	s25 =	simm.s32 $0x1B8E;
	s24 =	sld [smem:$0x3FFE];
	[sflag:s23] =	ssyncadd.s32 $0xFFFFFFFF  }
0xa6: {  	s26 =	simm.s32 $execute0_lowered;
	[smem:$0x3FD2] =	sst s25  }
0xa7: {  	s6 =	sshll.u32 s26, $0x1;
	_ =	strace $0x80000046;
	[dreg:$0x1] =	wrdreg $0xFFFFFFFF  }
0xa8: {  	s28 =	simm.s32 $_size_execute0_lowered;
	s4 =	sadd.s32 s4, s6;
	[dreg:$0x0] =	wrdreg $0x0  }
0xa9: {  	s6 =	sshll.u32 s28, $0x1;
	[dreg:$0x2] =	wrdreg s4  }
0xaa: {  	[dreg:$0x3] =	wrdreg s6  }
0xab: {  	[dreg:$0x4] =	wrdreg $0xC0  }
0xac: {  	_ =	task [dreg:s8], $0x5FFFF  }
0xad: {  	[dreg:$0x1] =	wrdreg $0xFFFFFFFF  }
0xae: {  	[dreg:$0x0] =	wrdreg $0x60  }
0xaf: {  	[dreg:$0x2] =	wrdreg s2  }
0xb0: {  	[dreg:$0x3] =	wrdreg s18  }
0xb1: {  	[dreg:$0x4] =	wrdreg s24  }
0xb2: {  	[dreg:$0x5] =	wrdreg $0x9  }
0xb3: {  	_ =	task.clear_ibuf [dreg:s8], $0x6FFFF;
	_ =	strace $0x90000046  }
0xb4: {  	s29 =	simm.s32 $0x9;
	_ =	strace $0x80000048  }
0xb5: {  	_ =	swait.ge [sflag:s29], $0x1  }
0xb6: {  	[sflag:s29] =	ssyncadd.s32 $0xFFFFFFFF  }
0xb7: {  	_ =	strace $0x90000048  }
0xb8: {  	_ =	sfence  }
0xb9: {  	s30 =	sld [smem:$0x0];
	_ =	sdelay $0x2  }
0xba: {  	s31 =	sshll.u32 s1, $0xD;
	s1 =	sshrl.u32 s1, $0x2  }
0xbb: {  	s3 =	sand.u32 $0x4000, s31;
	s1 =	sadd.s32 s1, s30  }
0xbc: {  	s0 =	sor.u32 s3, s0;
	s1 =	sshll.u32 s1, $0x11  }
0xbd: {  	s0 =	sor.u32 s1, s0  }
0xbe: {  	s0 =	sadd.s32 $0x8F2B, s0  }
0xbf: {  	[sflag:s0] =	ssyncadd.remote.s32 $0x1  }
0xc0: {  	_ =	sfence.sel $0xFFFF  }
0xc1: {  	[dreg:$0x0] =	wrdreg $0xFFFFFFFF;
	(pc) =	sbr.abs _section_cstart, $3  }
0xc2: {  	[dreg:$0x1] =	wrdreg $0xFFFFFFFF  }
0xc3: {  	_ =	task.clear_ibuf [dreg:s8], $0x2FFFF;
	_ =	strace $0x9FFFFFFF  }
0xc4: {  	(tm) =	ssettm $0x7FFFFFFF  }
0xc5: {  	_ =	shalt  }
tec
execute0_lowered:
.L_overlay_start_1:
0x0: {  	(tag) =	ssettag $0x1  }
0x1: {  	s0 =	srdreg.scid  }
0x2: {  	s1 =	stileid.u32;
	s6 =	rddreg [dreg:$0x0]  }
0x3: {  	s7 =	rddreg [dreg:$0x1];
	s0 =	sand.u32 $0x1, s0;
	s1 =	sshll.u32 s1, $0x1  }
0x4: {  	s2 =	rddreg [dreg:$0x2];
	s8 =	simm.s32 $0x0;
	s1 =	sor.u32 s0, s1  }
0x5: {  	[smem:$0x7FF] =	sst s8;
	s4 =	smul.u32 $0x16, s1  }
0x6: {  	s25 =	sadd.s32 $0x100, s6;
	s0 =	ssub.s32 $0x2, s0;
	s3 =	smul.u32 $0x180, s1  }
0x7: {  	s26 =	sadd.s32 $0x100, s7;
	s1 =	smul.u32 $0xB000, s1;
	s22 =	sshrl.u32 s0, $0x1  }
0x8: {  	s0 =	ssub.s32 s0, s22;
	[smem:$0x7F3] =	sst s4;
	s4 =	sshrl.u32 s4, $0x7  }
0x9: {  	s2 =	sadd.s32 s3, s2;
	_ =	strace $0x80000047;
	[smem:$0x7F6] =	sst s25  }
0xa: {  	s1 =	sand.u32 $0x3F000, s1;
	s0 =	smax.u32 s0, $0x1;
	[smem:$0x7F8] =	sst s26  }
0xb: {  	s5 =	smul.u32 $0x4C0000, s4;
	s28 =	sadd.s32 $0x1000, s2;
	[smem:$0x7FD] =	sst s0  }
0xc: {  	s4 =	sshll.u32 s4, $0x12;
	s29 =	sadd.s32 $0x4000, s2;
	[smem:$0x7FA] =	sst s28  }
0xd: {  	s31 =	sadd.s32 $0x7000, s2;
	[smem:$0x7FB] =	sst s29;
	s21 =	sor.u32 s1, s5  }
0xe: {  	[smem:$0x7FC] =	sst s31;
	s1 =	sor.u32 s1, s4;
	s3 =	sshrl.u32 s21, $0x3  }
.Ltmp0:
0xf: {  	s1 =	sshrl.u32 s1, $0x3;
	s23 =	sadd.s32 s6, s3;
	(pc) =	sbr.rel .LBB2_1-.Ltmp0, $4  }
0x10: {  	v0 =	vimm.s32 $0x0;
	v1 =	vimm.s32 $0x2;
	s24 =	sadd.s32 s7, s1;
	[smem:$0x7F4] =	sst s23  }
0x11: {  	v2 =	vimm.s32 $0x4;
	v3 =	vimm.s32 $0x6;
	v4 =	vimm.s32 $0x8;
	s30 =	simm.s32 $0x14C00;
	s3 =	sadd.s32 s3, s25;
	[smem:$0x7F5] =	sst s24  }
0x12: {  	v5 =	vimm.s32 $0xA;
	v6 =	vimm.s32 $0xC;
	v7 =	vimm.s32 $0xE;
	s22 =	simm.s32 $0x14000;
	s1 =	sadd.s32 s1, s26;
	[smem:$0x7F7] =	sst s3  }
0x13: {  	v8 =	vimm.s32 $0x10;
	v9 =	vlaneseq.u32;
	v10 =	vimm.s32 $0x1;
	s2 =	simm.s32 $0x0;
	[smem:$0x7F9] =	sst s1;
	s24 =	simm.s32 $0x15800  }
.LBB2_12:
0x14: {  	s0 =	sld [smem:$0x7FA];
	_ =	sdelay $0x1  }
0x15: {  	s8 =	simm.s32 $0x0;
	s1 =	simm.s32 $0x3  }
0x16: {  	[hbm4b:s0+s8] =	stream.linear.scatter [tilespmem:s22], [sflag:$0x3], $0x980, $0x38;
	[tilespmem:$0x16400] =	vst v63  }
0x17: {  	_ =	swait.ge [sflag:s1], $0x980  }
0x18: {  	s28 =	sld [smem:$0x7FB]  }
0x19: {  	[sflag:s1] =	ssyncset.done $0x0  }
0x1a: {  	[sflag:s1] =	ssyncadd.s32 $0xFFFFF680  }
0x1b: {  	[hbm4b:s28+s8] =	stream.linear.scatter [tilespmem:s30], [sflag:$0x3], $0x980, $0x38;
	[tilespmem:$0x16400] =	vst v63  }
0x1c: {  	_ =	swait.ge [sflag:s1], $0x980  }
0x1d: {  	s29 =	sld [smem:$0x7FC]  }
0x1e: {  	[sflag:s1] =	ssyncset.done $0x0  }
0x1f: {  	[sflag:s1] =	ssyncadd.s32 $0xFFFFF680  }
0x20: {  	[hbm4b:s29+s8] =	stream.linear.scatter [tilespmem:s24], [sflag:$0x3], $0x980, $0x38;
	[tilespmem:$0x16400] =	vst v63  }
0x21: {  	_ =	swait.ge [sflag:s1], $0x980  }
0x22: {  	s2 =	sld [smem:$0x7F1]  }
0x23: {  	s31 =	sld [smem:$0x7FD];
	_ =	sdelay $0x1  }
0x24: {  	s2 =	sadd.s32 $0x1, s2  }
0x25: {  	p0 =	sne.s32 s2, s31  }
.Ltmp1:
0x26: {  	_ = 	snop;
	(pc) =	sbr.rel @!p0 .LBB2_13-.Ltmp1, $3  }
0x27: {  	_ =	sdelay $0x1  }
0x28: {  	[sflag:s1] =	ssyncset.done $0x0  }
0x29: {  	[sflag:s1] =	ssyncadd.s32 $0xFFFFF680  }
.LBB2_1:
0x2a: {  	[tilespmem:$0x14000] =	vst v0  }
0x2b: {  	[tilespmem:$0x14C00] =	vst v0  }
0x2c: {  	[tilespmem:$0x15800] =	vst v0  }
0x2d: {  	[tilespmem:$0x14080] =	vst v0  }
0x2e: {  	[tilespmem:$0x14C80] =	vst v0  }
0x2f: {  	[tilespmem:$0x15880] =	vst v0  }
0x30: {  	[tilespmem:$0x14100] =	vst v0  }
0x31: {  	[tilespmem:$0x14D00] =	vst v0  }
0x32: {  	[tilespmem:$0x15900] =	vst v0  }
0x33: {  	[tilespmem:$0x14180] =	vst v0  }
0x34: {  	[tilespmem:$0x14D80] =	vst v0  }
0x35: {  	[tilespmem:$0x15980] =	vst v0  }
0x36: {  	[tilespmem:$0x14200] =	vst v0  }
0x37: {  	[tilespmem:$0x14E00] =	vst v0  }
0x38: {  	[tilespmem:$0x15A00] =	vst v0  }
0x39: {  	[tilespmem:$0x14280] =	vst v0  }
0x3a: {  	[tilespmem:$0x14E80] =	vst v0  }
0x3b: {  	[tilespmem:$0x15A80] =	vst v0  }
0x3c: {  	[tilespmem:$0x14300] =	vst v0  }
0x3d: {  	[tilespmem:$0x14F00] =	vst v0  }
0x3e: {  	[tilespmem:$0x15B00] =	vst v0  }
0x3f: {  	[tilespmem:$0x14380] =	vst v0  }
0x40: {  	[tilespmem:$0x14F80] =	vst v0  }
0x41: {  	[tilespmem:$0x15B80] =	vst v0  }
0x42: {  	[tilespmem:$0x14400] =	vst v0  }
0x43: {  	[tilespmem:$0x15000] =	vst v0  }
0x44: {  	[tilespmem:$0x15C00] =	vst v0  }
0x45: {  	[tilespmem:$0x14480] =	vst v0  }
0x46: {  	[tilespmem:$0x15080] =	vst v0  }
0x47: {  	[tilespmem:$0x15C80] =	vst v0  }
0x48: {  	[tilespmem:$0x14500] =	vst v0  }
0x49: {  	[tilespmem:$0x15100] =	vst v0  }
0x4a: {  	[tilespmem:$0x15D00] =	vst v0  }
0x4b: {  	[tilespmem:$0x14580] =	vst v0  }
0x4c: {  	[tilespmem:$0x15180] =	vst v0  }
0x4d: {  	[tilespmem:$0x15D80] =	vst v0  }
0x4e: {  	[tilespmem:$0x14600] =	vst v0  }
0x4f: {  	[tilespmem:$0x15200] =	vst v0  }
0x50: {  	[tilespmem:$0x15E00] =	vst v0  }
0x51: {  	[tilespmem:$0x14680] =	vst v0  }
0x52: {  	[tilespmem:$0x15280] =	vst v0  }
0x53: {  	[tilespmem:$0x15E80] =	vst v0  }
0x54: {  	[tilespmem:$0x14700] =	vst v0  }
0x55: {  	[tilespmem:$0x15300] =	vst v0  }
0x56: {  	[tilespmem:$0x15F00] =	vst v0  }
0x57: {  	[tilespmem:$0x14780] =	vst v0  }
0x58: {  	[tilespmem:$0x15380] =	vst v0  }
0x59: {  	[tilespmem:$0x15F80] =	vst v0  }
0x5a: {  	[tilespmem:$0x14800] =	vst v0  }
0x5b: {  	[tilespmem:$0x15400] =	vst v0  }
0x5c: {  	[tilespmem:$0x16000] =	vst v0  }
0x5d: {  	[tilespmem:$0x14880] =	vst v0  }
0x5e: {  	[tilespmem:$0x15480] =	vst v0  }
0x5f: {  	[tilespmem:$0x16080] =	vst v0  }
0x60: {  	[tilespmem:$0x14900] =	vst v0;
	s0 =	sld [smem:$0x7F4]  }
0x61: {  	[smem:$0x7F1] =	sst s2;
	[tilespmem:$0x15500] =	vst v0  }
0x62: {  	[tilespmem:$0x16100] =	vst v0;
	s1 =	simm.s32 $0x800;
	s21 =	simm.s32 $0x40000;
	s23 =	sld [smem:$0x7F5]  }
0x63: {  	[tilespmem:s8], [sflag:$0x1] =	stream.strided.gather [hbm4b:s0+s1], $0x9800, s21, s1, $0x38;
	[tilespmem:$0x16400] =	vst v63  }
0x64: {  	s3 =	simm.s32 $0x13000;
	s25 =	sld [smem:$0x7F7]  }
0x65: {  	[tilespmem:s3], [sflag:$0x1] =	stream.linear.gather [hbm4b:s23+s8], $0x800, $0x38;
	[tilespmem:$0x16400] =	vst v63  }
0x66: {  	s26 =	simm.s32 $0x9800;
	s28 =	sld [smem:$0x7F9];
	s31 =	simm.s32 $0x0  }
0x67: {  	[tilespmem:s26], [sflag:$0x2] =	stream.strided.gather [hbm4b:s25+s1], $0x9800, s21, s1, $0x38;
	[tilespmem:$0x16400] =	vst v63  }
0x68: {  	s29 =	simm.s32 $0x13800;
	[smem:$0x7F2] =	sst s31  }
0x69: {  	[tilespmem:s29], [sflag:$0x2] =	stream.linear.gather [hbm4b:s28+s8], $0x800, $0x38;
	[tilespmem:$0x16400] =	vst v63  }
.LBB2_2:
0x6a: {  	s0 =	simm.s32 $0x1  }
0x6b: {  	_ =	swait.ge [sflag:s0], $0x9800  }
0x6c: {  	[sflag:s0] =	ssyncset.done $0x0  }
0x6d: {  	[sflag:s0] =	ssyncadd.s32 $0xFFFF6800  }
0x6e: {  	_ =	swait.ge [sflag:s0], $0x800  }
0x6f: {  	[sflag:s0] =	ssyncset.done $0x0  }
0x70: {  	[sflag:s0] =	ssyncadd.s32 $0xFFFFF800;
	s0 =	simm.s32 $0x0  }
.LBB2_3:
0x71: {  	s31 =	sshll.u32 s0, $0x7  }
0x72: {  	[smem:$0x7F0] =	sst s0;
	s0 =	sadd.s32 $0x800, s31  }
0x73: {  	s4 =	sadd.s32 $0x1000, s31;
	[dreg:$0x4] =	wrdreg s0  }
0x74: {  	s5 =	sadd.s32 $0x1800, s31;
	[dreg:$0x5] =	wrdreg s4  }
0x75: {  	s6 =	sadd.s32 $0x2000, s31;
	[dreg:$0x6] =	wrdreg s5  }
0x76: {  	s7 =	sadd.s32 $0x2800, s31;
	[dreg:$0x7] =	wrdreg s6  }
0x77: {  	s8 =	sadd.s32 $0x3000, s31;
	[dreg:$0x8] =	wrdreg s7  }
0x78: {  	s9 =	sadd.s32 $0x3800, s31;
	[dreg:$0x9] =	wrdreg s8  }
0x79: {  	s10 =	sadd.s32 $0x4000, s31;
	[dreg:$0xa] =	wrdreg s9  }
0x7a: {  	s11 =	sadd.s32 $0x4800, s31;
	[dreg:$0xb] =	wrdreg s10  }
0x7b: {  	s12 =	sadd.s32 $0x5000, s31;
	[dreg:$0xc] =	wrdreg s11  }
0x7c: {  	s13 =	sadd.s32 $0x5800, s31;
	[dreg:$0xd] =	wrdreg s12  }
0x7d: {  	s14 =	sadd.s32 $0x6000, s31;
	[dreg:$0xe] =	wrdreg s13  }
0x7e: {  	s15 =	sadd.s32 $0x6800, s31;
	[dreg:$0xf] =	wrdreg s14  }
0x7f: {  	s16 =	sadd.s32 $0x7000, s31;
	[dreg:$0x10] =	wrdreg s15  }
0x80: {  	s17 =	sadd.s32 $0x7800, s31;
	[dreg:$0x11] =	wrdreg s16  }
0x81: {  	s18 =	sadd.s32 $0x8000, s31;
	[dreg:$0x12] =	wrdreg s17  }
0x82: {  	s19 =	sadd.s32 $0x8800, s31;
	[dreg:$0x13] =	wrdreg s18  }
0x83: {  	s1 =	simm.s32 $0x0;
	s20 =	sadd.s32 $0x9000, s31;
	[dreg:$0x14] =	wrdreg s19  }
0x84: {  	s3 =	sand.u32 $0x400, s1;
	[dreg:$0x15] =	wrdreg s20;
	s0 =	sand.u32 $0x60, s1  }
0x85: {  	s7 =	sor.u32 s31, s3;
	s4 =	rddreg [dreg:$0x13];
	s1 =	sor.u32 $0x10, s0  }
0x86: {  	s5 =	rddreg [dreg:$0x14];
	s6 =	sadd.s32 s3, s4;
	s11 =	sor.u32 s1, s7  }
0x87: {  	s8 =	rddreg [dreg:$0x4];
	s10 =	sadd.s32 s3, s5;
	v12 =	vld [tilespmem:s11+$0x0];
	s23 =	sadd.s32 s1, s6  }
0x88: {  	s9 =	rddreg [dreg:$0x5];
	s13 =	sadd.s32 s3, s8;
	s26 =	sadd.s32 s1, s10;
	v13 =	vld [tilespmem:s23+$0x0]  }
0x89: {  	s21 =	rddreg [dreg:$0x6];
	s14 =	sadd.s32 s3, s9;
	s12 =	sadd.s32 s1, s13;
	v14 =	vld [tilespmem:s26+$0x0]  }
0x8a: {  	s25 =	rddreg [dreg:$0x7];
	s15 =	sadd.s32 s3, s21;
	s2 =	sadd.s32 s1, s14;
	v15 =	vld [tilespmem:s12+$0x0]  }
0x8b: {  	s28 =	rddreg [dreg:$0x8];
	s16 =	sadd.s32 s3, s25;
	s19 =	sadd.s32 s1, s15;
	v18 =	vld [tilespmem:s2+$0x0]  }
0x8c: {  	s29 =	rddreg [dreg:$0x9];
	s17 =	sadd.s32 s3, s28;
	s21 =	sadd.s32 s1, s16;
	v19 =	vld [tilespmem:s19+$0x0]  }
0x8d: {  	s20 =	rddreg [dreg:$0xb];
	s18 =	sadd.s32 s3, s29;
	s25 =	sadd.s32 s1, s17;
	v20 =	vld [tilespmem:s21+$0x0]  }
0x8e: {  	s20 =	sadd.s32 s3, s20;
	s29 =	sadd.s32 s1, s18;
	v21 =	vld [tilespmem:s25+$0x0]  }
0x8f: {  	s28 =	sadd.s32 s1, s20;
	v22 =	vld [tilespmem:s29+$0x0]  }
0x90: {  	s8 =	rddreg [dreg:$0x10];
	s13 =	sadd.s32 s0, s13;
	v24 =	vld [tilespmem:s28+$0x0]  }
0x91: {  	s8 =	sadd.s32 s3, s8;
	s14 =	sadd.s32 s0, s14;
	s12 =	rddreg [dreg:$0xa];
	v11 =	vld [tilespmem:s13+$0x0]  }
0x92: {  	s15 =	sadd.s32 s0, s15;
	s23 =	rddreg [dreg:$0xc];
	v16 =	vld [tilespmem:s14+$0x0];
	s19 =	sadd.s32 s3, s12  }
0x93: {  	s26 =	rddreg [dreg:$0xd];
	v32 =	vld [tilespmem:s15+$0x0];
	s21 =	sadd.s32 s3, s23;
	s12 =	sadd.s32 s1, s19  }
0x94: {  	s2 =	rddreg [dreg:$0xe];
	s25 =	sadd.s32 s3, s26;
	s29 =	sadd.s32 s1, s21;
	v23 =	vld [tilespmem:s12+$0x0]  }
0x95: {  	s23 =	rddreg [dreg:$0xf];
	s12 =	sadd.s32 s3, s2;
	v25 =	vld [tilespmem:s29+$0x0];
	s2 =	sadd.s32 s1, s25  }
0x96: {  	s26 =	rddreg [dreg:$0x11];
	s9 =	sadd.s32 s3, s23;
	s29 =	sadd.s32 s1, s8;
	v26 =	vld [tilespmem:s2+$0x0]  }
0x97: {  	s23 =	rddreg [dreg:$0x12];
	s5 =	sadd.s32 s3, s26;
	s28 =	sadd.s32 s1, s12;
	v29 =	vld [tilespmem:s29+$0x0]  }
0x98: {  	s4 =	sadd.s32 s3, s23;
	s2 =	sadd.s32 s1, s5;
	v27 =	vld [tilespmem:s28+$0x0]  }
0x99: {  	s23 =	sadd.s32 s1, s4;
	v30 =	vld [tilespmem:s2+$0x0]  }
0x9a: {  	s29 =	sadd.s32 s0, s16;
	v31 =	vld [tilespmem:s23+$0x0]  }
0x9b: {  	s16 =	sadd.s32 s0, s18;
	v17 =	vld [tilespmem:s29+$0x0]  }
0x9c: {  	s18 =	sadd.s32 s0, s20;
	vm0 =	vgt.f32 v14, v13;
	vm1 =	vgt.f32 v15, v12;
	vm2 =	vgt.f32 v19, v18;
	v37 =	vld [tilespmem:s16+$0x0]  }
0x9d: {  	s28 =	sadd.s32 s1, s9;
	vm3 =	vgt.f32 v21, v20;
	v45 =	vld [tilespmem:s18+$0x0];
	v35 =	vsel vm0, $0x11, v8;
	v36 =	vsel vm1, $0x1, v0  }
0x9e: {  	s2 =	sadd.s32 s0, s17;
	v28 =	vld [tilespmem:s28+$0x0];
	v38 =	vsel vm2, $0x3, v1;
	v39 =	vsel vm3, $0x5, v2;
	v13 =	vsel vm0, v14, v13  }
0x9f: {  	s17 =	sadd.s32 s0, s19;
	v33 =	vld [tilespmem:s2+$0x0];
	v12 =	vsel vm1, v15, v12;
	v14 =	vsel vm2, v19, v18;
	v15 =	vsel vm3, v21, v20  }
0xa0: {  	s19 =	sadd.s32 s0, s21;
	s28 =	rddreg [dreg:$0x15];
	v41 =	vld [tilespmem:s17+$0x0];
	vm1 =	vgt.f32 v14, v12;
	vm4 =	vgt.f32 v23, v22;
	vm5 =	vgt.f32 v25, v24  }
0xa1: {  	s20 =	sadd.s32 s0, s25;
	v47 =	vld [tilespmem:s19+$0x0];
	s3 =	sadd.s32 s3, s28;
	v12 =	vsel vm1, v14, v12;
	v40 =	vsel vm4, $0x7, v3;
	v42 =	vsel vm5, $0x9, v4  }
0xa2: {  	v19 =	vld [tilespmem:s20+$0x0];
	s1 =	sadd.s32 s1, s3;
	v18 =	vsel vm4, v23, v22;
	v20 =	vsel vm5, v25, v24;
	vm6 =	vgt.f32 v27, v26  }
0xa3: {  	s26 =	sor.u32 s0, s7;
	s21 =	sadd.s32 s0, s12;
	v34 =	vld [tilespmem:s1+$0x0];
	vm8 =	vgt.f32 v31, v30;
	vm2 =	vgt.f32 v18, v15;
	vm7 =	vgt.f32 v29, v28  }
0xa4: {  	s5 =	sadd.s32 s0, s5;
	s25 =	sadd.s32 s0, s4;
	s9 =	sadd.s32 s0, s9;
	v23 =	vld [tilespmem:s21+$0x0];
	v43 =	vsel vm6, $0xB, v5;
	v46 =	vsel vm8, $0xF, v7;
	v21 =	vsel vm6, v27, v26  }
0xa5: {  	s23 =	sadd.s32 s0, s8;
	s29 =	sadd.s32 s0, s10;
	s18 =	simm.s32 $0x20;
	v25 =	vld [tilespmem:s9+$0x0];
	v24 =	vsel vm8, v31, v30;
	v14 =	vsel vm2, v18, v15;
	vm8 =	vgt.f32 v32, v16  }
0xa6: {  	s28 =	sadd.s32 s0, s6;
	s3 =	sadd.s32 s0, s3;
	s0 =	simm.s32 $0x100;
	v26 =	vld [tilespmem:s23+$0x0];
	v44 =	vsel vm7, $0xD, v6;
	v22 =	vsel vm7, v29, v28;
	vm3 =	vgt.f32 v21, v20  }
0xa7: {  	s8 =	rddreg [dreg:$0x4];
	s6 =	sand.u32 $0x60, s18;
	s14 =	sand.u32 $0x400, s0;
	v27 =	vld [tilespmem:s5+$0x0];
	vm7 =	vgt.f32 v33, v17;
	vm4 =	vgt.f32 v24, v22;
	v15 =	vsel vm3, v21, v20  }
0xa8: {  	s13 =	sor.u32 $0x10, s6;
	s15 =	sadd.s32 s14, s8;
	v28 =	vld [tilespmem:s26+$0x0];
	v20 =	vsel vm1, v38, v36;
	vm1 =	vgt.f32 v14, v12;
	v17 =	vsel vm7, v33, v17  }
0xa9: {  	s21 =	sadd.s32 s13, s15;
	v29 =	vld [tilespmem:s29+$0x0];
	v57 =	vsel vm7, $0x5, v2;
	vm0 =	vgt.f32 v34, v13;
	v18 =	vsel vm4, v24, v22  }
0xaa: {  	v54 =	vld [tilespmem:s21+$0x0];
	v22 =	vsel vm2, v40, v39;
	v12 =	vsel vm1, v14, v12;
	vm6 =	vgt.f32 v23, v19  }
0xab: {  	s7 =	rddreg [dreg:$0x14];
	v21 =	vld [tilespmem:s11+$0x13000];
	v13 =	vsel vm0, v34, v13;
	vm5 =	vgt.f32 v18, v15;
	v20 =	vsel vm1, v22, v20  }
0xac: {  	s7 =	sadd.s32 s14, s7;
	v24 =	vld [tilespmem:s25+$0x0];
	v19 =	vsel vm6, v23, v19;
	v14 =	vsel vm5, v18, v15;
	v15 =	vsel vm3, v43, v42  }
0xad: {  	s16 =	rddreg [dreg:$0x6];
	s19 =	sadd.s32 s13, s7;
	v22 =	vld [tilespmem:s28+$0x0];
	v18 =	vsel vm4, v46, v44;
	vm3 =	vgt.f32 v47, v45;
	vm4 =	vgt.f32 v26, v25  }
0xae: {  	s2 =	rddreg [dreg:$0x13];
	vm2 =	vgt.f32 v14, v12;
	v15 =	vsel vm5, v18, v15;
	vm9 =	vgt.f32 v11, v28;
	v18 =	vld [tilespmem:s19+$0x0]  }
0xaf: {  	s17 =	rddreg [dreg:$0x7];
	s11 =	sor.u32 s31, s14;
	v56 =	vsel vm3, v47, v45;
	v12 =	vsel vm2, v14, v12;
	v15 =	vsel vm2, v15, v20;
	v20 =	vld [tilespmem:s3+$0x0]  }
0xb0: {  	s20 =	rddreg [dreg:$0x8];
	s12 =	sor.u32 s13, s11;
	v25 =	vsel vm4, v26, v25;
	v14 =	vsel vm0, $0x12, v35;
	s3 =	sadd.s32 s14, s16;
	vm0 =	vgt.f32 v13, v12;
	v12 =	vld [tilespmem:s26+$0x13000]  }
0xb1: {  	s23 =	rddreg [dreg:$0x9];
	v11 =	vsel vm9, v11, v28;
	v28 =	vsel vm8, v32, v16;
	s16 =	sadd.s32 s14, s17;
	s28 =	sadd.s32 s13, s3;
	v13 =	vsel vm0, v14, v15;
	v14 =	vld [tilespmem:s12+$0x0]  }
0xb2: {  	s10 =	sadd.s32 s14, s2;
	v23 =	vsel vm9, $0x1, v0;
	s17 =	sadd.s32 s14, s23;
	vm7 =	vgt.f32 v19, v56;
	vm5 =	vgt.f32 v24, v27;
	s2 =	sadd.s32 s13, s16;
	v26 =	vld [tilespmem:s28+$0x0]  }
0xb3: {  	s4 =	sadd.s32 s14, s20;
	s26 =	rddreg [dreg:$0xa];
	v24 =	vsel vm5, v24, v27;
	v27 =	vsel vm8, $0x3, v1;
	vm8 =	vgt.f32 v28, v11;
	v33 =	vld [tilespmem:s2+$0x0];
	s2 =	sadd.s32 s13, s17  }
0xb4: {  	s20 =	rddreg [dreg:$0xc];
	s1 =	sadd.s32 s13, s10;
	vm0 =	vgt.f32 v41, v37;
	s5 =	sadd.s32 s14, s26;
	v15 =	vshll.u32 v13, $0x7;
	v11 =	vsel vm8, v28, v11;
	v28 =	vld [tilespmem:s2+$0x0]  }
0xb5: {  	s8 =	sadd.s32 s14, s20;
	s26 =	rddreg [dreg:$0xd];
	vm2 =	veq.s32 v13, v21;
	vm1 =	vne.s32 v13, v21;
	s28 =	sadd.s32 s13, s5;
	v13 =	vor.u32 v9, v15;
	v15 =	vld [tilespmem:s1+$0x0]  }
0xb6: {  	s23 =	rddreg [dreg:$0xe];
	v19 =	vsel vm7, v19, v56;
	v62 =	vsel vm5, $0xF, v7;
	v55 =	vsel vm0, v41, v37;
	s19 =	sadd.s32 s14, s26;
	s2 =	sadd.s32 s13, s8;
	v59 =	vld [tilespmem:s28+$0x0]  }
0xb7: {  	s9 =	rddreg [dreg:$0x5];
	s20 =	sadd.s32 s14, s23;
	vm10 =	vgt.f32 v24, v25;
	v58 =	vsel vm0, $0x7, v3;
	vm0 =	vgt.f32 v29, v22;
	v61 =	vld [tilespmem:s2+$0x0];
	s23 =	sadd.s32 s13, s19  }
0xb8: {  	s29 =	rddreg [dreg:$0xb];
	v23 =	vsel vm8, v27, v23;
	s1 =	sadd.s32 s14, s9;
	vm9 =	vgt.f32 v55, v17;
	v24 =	vsel vm10, v24, v25;
	s2 =	sadd.s32 s13, s20;
	v63 =	vld [tilespmem:s23+$0x0]  }
0xb9: {  	s9 =	sadd.s32 s14, s29;
	v25 =	vsel vm3, $0x9, v4;
	v22 =	vsel vm0, v29, v22;
	s25 =	sadd.s32 s13, s1;
	v17 =	vsel vm9, v55, v17;
	v29 =	vld [tilespmem:s2+$0x0]  }
0xba: {  	s21 =	rddreg [dreg:$0xf];
	s29 =	sadd.s32 s13, s9;
	v27 =	vsel vm9, v58, v57;
	vm5 =	vgt.f32 v20, v22;
	v16 =	vld [tilespmem:s25+$0x0];
	vm3 =	vgt.f32 v17, v11  }
0xbb: {  	s21 =	sadd.s32 s14, s21;
	s25 =	sadd.s32 s13, s4;
	v60 =	vld [tilespmem:s29+$0x0];
	s29 =	rddreg [dreg:$0x12];
	v11 =	vsel vm3, v17, v11;
	v17 =	vsel vm6, $0xB, v5;
	vm6 =	vgt.f32 v24, v19  }
0xbc: {  	s23 =	sadd.s32 s13, s21;
	v20 =	vsel vm5, v20, v22;
	v35 =	vld [tilespmem:s25+$0x0];
	v23 =	vsel vm3, v27, v23;
	s26 =	sadd.s32 s14, s29;
	v19 =	vsel vm6, v24, v19  }
0xbd: {  	s28 =	rddreg [dreg:$0x10];
	v24 =	vsel vm4, $0xD, v6;
	v17 =	vsel vm7, v17, v25;
	v25 =	vld [tilespmem:s23+$0x0];
	s23 =	sadd.s32 s13, s26;
	vm4 =	vgt.f32 v19, v11  }
0xbe: {  	s28 =	sadd.s32 s14, s28;
	s25 =	rddreg [dreg:$0x11];
	v24 =	vsel vm10, v62, v24;
	v27 =	vld [tilespmem:s23+$0x0];
	vm3 =	vgt.f32 v18, v15;
	vm8 =	vgt.f32 v59, v28  }
0xbf: {  	v21 =	vshll.u32 v21, $0x7;
	s2 =	sadd.s32 s13, s28;
	s25 =	sadd.s32 s14, s25;
	[tilespmem:v13+s30+$0x0] =	vst.idx.add.s32.msk vm2, v10;
	v17 =	vsel vm6, v24, v17;
	v11 =	vsel vm4, v19, v11  }
0xc0: {  	s29 =	sadd.s32 s13, s25;
	v24 =	vld [tilespmem:s2+$0x0];
	v19 =	vsel vm0, $0x11, v8;
	vm10 =	vgt.f32 v29, v63;
	v48 =	vsel vm3, $0x11, v8  }
0xc1: {  	s23 =	sadd.s32 s6, s3;
	v22 =	vld [tilespmem:s29+$0x0];
	v15 =	vsel vm3, v18, v15;
	v53 =	vsel vm8, $0x7, v3;
	v28 =	vsel vm8, v59, v28  }
0xc2: {  	s3 =	sadd.s32 s6, s4;
	v31 =	vld [tilespmem:s23+$0x0];
	v17 =	vsel vm4, v17, v23;
	v19 =	vsel vm5, $0x12, v19;
	vm0 =	vgt.f32 v20, v11  }
0xc3: {  	v34 =	vld [tilespmem:s3+$0x0];
	v20 =	vor.u32 v9, v21;
	v11 =	vshll.u32 v12, $0x7;
	vm5 =	vgt.f32 v54, v14  }
0xc4: {  	s1 =	sadd.s32 s6, s1;
	[tilespmem:v13+s22+$0x0] =	vst.idx.add.s32.msk vm1, v10;
	vm6 =	vgt.f32 v26, v16;
	vm9 =	vgt.f32 v61, v60;
	v56 =	vsel vm10, $0xB, v5  }
0xc5: {  	s23 =	sadd.s32 s6, s25;
	s25 =	sadd.s32 s6, s26;
	v21 =	vld [tilespmem:s1+$0x0];
	v29 =	vsel vm10, v29, v63;
	v17 =	vsel vm0, v19, v17;
	v11 =	vor.u32 v9, v11  }
0xc6: {  	s29 =	sadd.s32 s6, s15;
	s15 =	rddreg [dreg:$0x15];
	v63 =	vld [tilespmem:s25+$0x0];
	vm7 =	vgt.f32 v35, v33;
	v49 =	vsel vm5, $0x1, v0;
	v14 =	vsel vm5, v54, v14  }
0xc7: {  	s1 =	sadd.s32 s14, s15;
	s14 =	sadd.s32 s6, s5;
	v19 =	vld [tilespmem:s29+$0x0];
	v51 =	vsel vm6, $0x3, v1;
	v55 =	vsel vm9, $0x9, v4;
	v16 =	vsel vm6, v26, v16  }
0xc8: {  	s4 =	sadd.s32 s13, s1;
	v50 =	vld [tilespmem:s14+$0x0];
	v59 =	vsel vm9, v61, v60;
	vm0 =	vne.s32 v17, v12;
	v23 =	vshll.u32 v17, $0x7  }
0xc9: {  	s15 =	sadd.s32 s6, s9;
	vm4 =	veq.s32 v17, v12;
	v17 =	vld [tilespmem:s4+$0x0];
	v33 =	vsel vm7, v35, v33;
	vm6 =	vgt.f32 v29, v59  }
0xca: {  	s13 =	sadd.s32 s6, s17;
	v54 =	vld [tilespmem:s15+$0x0];
	v12 =	vor.u32 v9, v23;
	vm3 =	vgt.f32 v24, v25;
	vm5 =	vgt.f32 v27, v22  }
0xcb: {  	s29 =	sadd.s32 s6, s16;
	s16 =	sadd.s32 s6, s8;
	v18 =	vld [tilespmem:s13+$0x0];
	v57 =	vsel vm3, $0xD, v6;
	v26 =	vsel vm5, $0xF, v7;
	v24 =	vsel vm3, v24, v25  }
0xcc: {  	v58 =	vld [tilespmem:s16+$0x0];
	v22 =	vsel vm5, v27, v22;
	vm3 =	vgt.f32 v16, v14;
	vm5 =	vgt.f32 v28, v33  }
0xcd: {  	s17 =	sadd.s32 s6, s19;
	v52 =	vsel vm7, $0x5, v2;
	[tilespmem:v20+s24+$0x0] =	vst.idx.add.s32.msk $0xffff, v10;
	v14 =	vsel vm3, v16, v14;
	vm7 =	vgt.f32 v22, v24  }
0xce: {  	s19 =	sadd.s32 s6, s20;
	s20 =	sadd.s32 s6, s21;
	v60 =	vld [tilespmem:s17+$0x0];
	v16 =	vsel vm5, v28, v33;
	v25 =	vsel vm3, v51, v49;
	vm2 =	vgt.f32 v17, v15  }
0xcf: {  	s21 =	sadd.s32 s6, s28;
	v61 =	vld [tilespmem:s20+$0x0];
	v22 =	vsel vm7, v22, v24;
	v15 =	vsel vm2, v17, v15;
	v17 =	vsel vm6, v29, v59  }
0xd0: {  	v62 =	vld [tilespmem:s21+$0x0];
	vm3 =	vgt.f32 v16, v14;
	v29 =	vsel vm5, v53, v52;
	vm8 =	vgt.f32 v22, v17  }
0xd1: {  	v28 =	vld [tilespmem:s12+$0x13000];
	v14 =	vsel vm3, v16, v14;
	v13 =	vsel vm2, $0x12, v48;
	v16 =	vsel vm8, v22, v17  }
0xd2: {  	v23 =	vld [tilespmem:s29+$0x0];
	v17 =	vsel vm6, v56, v55;
	v22 =	vsel vm7, v26, v57;
	vm5 =	vgt.f32 v16, v14  }
0xd3: {  	v27 =	vld [tilespmem:s19+$0x0];
	v25 =	vsel vm3, v29, v25;
	v17 =	vsel vm8, v22, v17;
	v14 =	vsel vm5, v16, v14  }
0xd4: {  	v24 =	vld [tilespmem:s23+$0x0];
	vm2 =	vgt.f32 v58, v54;
	v16 =	vsel vm5, v17, v25;
	vm1 =	vgt.f32 v15, v14  }
0xd5: {  	s26 =	sor.u32 s6, s11;
	[tilespmem:v12+s30+$0x0] =	vst.idx.add.s32.msk vm4, v10;
	vm3 =	vgt.f32 v50, v18;
	v13 =	vsel vm1, v13, v16  }
0xd6: {  	v26 =	vld [tilespmem:s26+$0x0];
	vm7 =	vgt.f32 v31, v21;
	vm8 =	veq.s32 v13, v28;
	v14 =	vshll.u32 v13, $0x7  }
0xd7: {  	s29 =	sadd.s32 s6, s7;
	vm6 =	vgt.f32 v34, v23;
	vm10 =	vne.s32 v13, v28;
	v20 =	vor.u32 v9, v14  }
0xd8: {  	s1 =	sadd.s32 s6, s1;
	v21 =	vsel vm7, v31, v21;
	v22 =	vsel vm6, v34, v23;
	v17 =	vld [tilespmem:s29+$0x0];
	v13 =	vshll.u32 v28, $0x7  }
0xd9: {  	s28 =	sadd.s32 s6, s10;
	vm5 =	vgt.f32 v27, v60;
	vm4 =	vgt.f32 v63, v24;
	v15 =	vld [tilespmem:s1+$0x0];
	v28 =	vor.u32 v9, v13  }
0xda: {  	v25 =	vsel vm3, v50, v18;
	v27 =	vsel vm5, v27, v60;
	v16 =	vld [tilespmem:s28+$0x0];
	vm1 =	vgt.f32 v62, v61  }
0xdb: {  	v24 =	vsel vm4, v63, v24;
	vm9 =	vgt.f32 v19, v26;
	v23 =	vsel vm1, v62, v61;
	v13 =	vld [tilespmem:s26+$0x13000]  }
0xdc: {  	v14 =	vsel vm9, v19, v26;
	v26 =	vsel vm2, v58, v54;
	v18 =	vsel vm9, $0x1, v0;
	[tilespmem:v20+s30+$0x0] =	vst.idx.add.s32.msk vm8, v10  }
0xdd: {  	v19 =	vsel vm7, $0x3, v1;
	vm9 =	vgt.f32 v25, v22;
	vm7 =	vgt.f32 v24, v23;
	[tilespmem:v20+s22+$0x0] =	vst.idx.add.s32.msk vm10, v10  }
0xde: {  	s6 =	simm.s32 $0x2;
	vm8 =	vgt.f32 v21, v14;
	v20 =	vsel vm6, $0x5, v2;
	vm6 =	vgt.f32 v27, v26;
	[tilespmem:v28+s24+$0x0] =	vst.idx.add.s32.msk $0xffff, v10  }
.LBB2_4:
0xdf: {  	s0 =	sadd.s32 $0x100, s0;
	s18 =	sadd.s32 $0x20, s18  }
0xe0: {  	v14 =	vsel vm8, v21, v14;
	s10 =	sand.u32 $0x60, s18;
	s12 =	sand.u32 $0x400, s0  }
0xe1: {  	s1 =	rddreg [dreg:$0x13];
	v21 =	vsel vm9, v25, v22;
	v22 =	vsel vm6, v27, v26;
	[tilespmem:v12+s22+$0x0] =	vst.idx.add.s32.msk vm0, v10;
	s13 =	sor.u32 s31, s12;
	s11 =	sor.u32 $0x10, s10  }
0xe2: {  	s2 =	rddreg [dreg:$0x14];
	v23 =	vsel vm7, v24, v23;
	v24 =	vsel vm3, $0x7, v3;
	vm11 =	vgt.f32 v21, v14;
	[tilespmem:v11+s24+$0x0] =	vst.idx.add.s32.msk $0xffff, v10;
	s14 =	sadd.s32 s12, s1;
	s7 =	sor.u32 s11, s13  }
0xe3: {  	s3 =	rddreg [dreg:$0x4];
	v12 =	vsel vm2, $0x9, v4;
	vm10 =	vgt.f32 v17, v16;
	v21 =	vsel vm11, v21, v14;
	s15 =	sadd.s32 s12, s2;
	s26 =	sadd.s32 s11, s14;
	v14 =	vld [tilespmem:s7+$0x0]  }
0xe4: {  	s4 =	rddreg [dreg:$0x5];
	v25 =	vsel vm5, $0xB, v5;
	v19 =	vsel vm8, v19, v18;
	s1 =	sadd.s32 s12, s3;
	v26 =	vsel vm10, v17, v16;
	s28 =	sadd.s32 s11, s15;
	v16 =	vld [tilespmem:s26+$0x0]  }
0xe5: {  	s5 =	rddreg [dreg:$0x6];
	vm3 =	vgt.f32 v23, v22;
	v11 =	vsel vm1, $0xD, v6;
	v20 =	vsel vm9, v24, v20;
	s3 =	sadd.s32 s12, s4;
	s16 =	sadd.s32 s11, s1;
	v17 =	vld [tilespmem:s28+$0x0]  }
0xe6: {  	v12 =	vsel vm6, v25, v12;
	v22 =	vsel vm3, v23, v22;
	v23 =	vsel vm4, $0xF, v7;
	s4 =	sadd.s32 s12, s5;
	s19 =	sadd.s32 s11, s3;
	v18 =	vld [tilespmem:s16+$0x0]  }
0xe7: {  	s8 =	rddreg [dreg:$0x7];
	v20 =	vsel vm11, v20, v19;
	vm0 =	vgt.f32 v22, v21;
	v11 =	vsel vm7, v23, v11;
	s20 =	sadd.s32 s11, s4;
	v19 =	vld [tilespmem:s19+$0x0]  }
0xe8: {  	s9 =	rddreg [dreg:$0x8];
	s3 =	sadd.s32 s10, s3;
	v11 =	vsel vm3, v11, v12;
	v12 =	vsel vm0, v22, v21;
	v22 =	vld [tilespmem:s20+$0x0]  }
0xe9: {  	s17 =	rddreg [dreg:$0xa];
	s5 =	sadd.s32 s12, s8;
	s4 =	sadd.s32 s10, s4;
	v32 =	vld [tilespmem:s3+$0x0]  }
0xea: {  	s8 =	sadd.s32 s12, s9;
	s22 =	sadd.s32 s11, s5;
	s5 =	sadd.s32 s10, s5;
	v33 =	vld [tilespmem:s4+$0x0]  }
0xeb: {  	s21 =	rddreg [dreg:$0xb];
	s17 =	sadd.s32 s12, s17;
	s23 =	sadd.s32 s11, s8;
	vm1 =	vgt.f32 v15, v26;
	v21 =	vsel vm10, $0x11, v8;
	v34 =	vld [tilespmem:s5+$0x0]  }
0xec: {  	s29 =	rddreg [dreg:$0x9];
	s9 =	sadd.s32 s12, s21;
	s26 =	sadd.s32 s11, s17;
	v11 =	vsel vm0, v11, v20;
	v20 =	vsel vm1, $0x12, v21;
	v21 =	vld [tilespmem:s23+$0x0]  }
0xed: {  	s21 =	rddreg [dreg:$0xe];
	s28 =	sadd.s32 s11, s9;
	v23 =	vld [tilespmem:s26+$0x0]  }
0xee: {  	s21 =	sadd.s32 s12, s21;
	s19 =	rddreg [dreg:$0xc];
	v15 =	vsel vm1, v15, v26;
	v24 =	vld [tilespmem:s28+$0x0]  }
0xef: {  	s20 =	rddreg [dreg:$0xd];
	s19 =	sadd.s32 s12, s19;
	s23 =	sadd.s32 s11, s21;
	vm0 =	vgt.f32 v15, v12;
	v15 =	vld [tilespmem:s22+$0x0]  }
0xf0: {  	s2 =	sadd.s32 s12, s29;
	s20 =	sadd.s32 s12, s20;
	s29 =	sadd.s32 s11, s19;
	v27 =	vld [tilespmem:s23+$0x0]  }
0xf1: {  	s26 =	rddreg [dreg:$0x10];
	v12 =	vshll.u32 v13, $0x7;
	s22 =	sadd.s32 s11, s20;
	v25 =	vld [tilespmem:s29+$0x0]  }
0xf2: {  	s25 =	sadd.s32 s11, s2;
	s26 =	sadd.s32 s12, s26;
	v20 =	vsel vm0, v20, v11;
	v11 =	vor.u32 v9, v12;
	v26 =	vld [tilespmem:s22+$0x0]  }
0xf3: {  	s29 =	rddreg [dreg:$0x12];
	s23 =	sadd.s32 s11, s26;
	vm0 =	vne.s32 v20, v13;
	vm1 =	veq.s32 v20, v13;
	v12 =	vshll.u32 v20, $0x7;
	v13 =	vld [tilespmem:s25+$0x0]  }
0xf4: {  	s1 =	sadd.s32 s10, s1;
	s25 =	rddreg [dreg:$0xf];
	s29 =	sadd.s32 s12, s29;
	v29 =	vld [tilespmem:s23+$0x0];
	v12 =	vor.u32 v9, v12;
	vm2 =	vgt.f32 v17, v16;
	vm3 =	vgt.f32 v18, v14  }
0xf5: {  	s28 =	rddreg [dreg:$0x11];
	v20 =	vld [tilespmem:s1+$0x0];
	s25 =	sadd.s32 s12, s25;
	s23 =	sadd.s32 s11, s29;
	vm4 =	vgt.f32 v22, v19;
	v36 =	vsel vm2, $0x11, v8;
	v38 =	vsel vm3, $0x1, v0  }
0xf6: {  	s28 =	sadd.s32 s12, s28;
	s22 =	sadd.s32 s11, s25;
	v31 =	vld [tilespmem:s23+$0x0];
	v16 =	vsel vm2, v17, v16;
	v14 =	vsel vm3, v18, v14;
	v17 =	vsel vm4, v22, v19  }
0xf7: {  	s23 =	rddreg [dreg:$0x15];
	v39 =	vsel vm4, $0x3, v1;
	v28 =	vld [tilespmem:s22+$0x0];
	s22 =	sadd.s32 s11, s28;
	vm5 =	vgt.f32 v21, v15;
	vm3 =	vgt.f32 v17, v14  }
0xf8: {  	s8 =	sadd.s32 s10, s8;
	s1 =	sadd.s32 s10, s26;
	s26 =	sadd.s32 s12, s23;
	v30 =	vld [tilespmem:s22+$0x0];
	vm7 =	vgt.f32 v25, v24;
	vm8 =	vgt.f32 v27, v26;
	v40 =	vsel vm5, $0x5, v2  }
0xf9: {  	v35 =	vld [tilespmem:s8+$0x0];
	s11 =	sadd.s32 s11, s26;
	v15 =	vsel vm5, v21, v15;
	v14 =	vsel vm3, v17, v14;
	vm6 =	vgt.f32 v23, v13  }
0xfa: {  	s2 =	sadd.s32 s10, s2;
	v37 =	vld [tilespmem:s11+$0x0];
	v43 =	vsel vm7, $0x9, v4;
	v44 =	vsel vm8, $0xB, v5;
	v19 =	vsel vm7, v25, v24  }
0xfb: {  	s30 =	sadd.s32 s10, s17;
	v41 =	vld [tilespmem:s2+$0x0];
	v21 =	vsel vm8, v27, v26;
	v42 =	vsel vm6, $0x7, v3;
	v13 =	vsel vm6, v23, v13  }
0xfc: {  	v45 =	vld [tilespmem:s30+$0x0];
	s16 =	sadd.s32 s10, s25;
	s25 =	sor.u32 s10, s13;
	vm5 =	vgt.f32 v21, v19;
	vm4 =	vgt.f32 v13, v15;
	vm9 =	vgt.f32 v29, v28  }
0xfd: {  	s9 =	sadd.s32 s10, s9;
	v25 =	vld [tilespmem:s25+$0x0];
	v13 =	vsel vm4, v13, v15;
	v15 =	vsel vm5, v21, v19;
	vm10 =	vgt.f32 v31, v30  }
0xfe: {  	v48 =	vld [tilespmem:s9+$0x0];
	s19 =	sadd.s32 s10, s19;
	v21 =	vsel vm3, v39, v38;
	v22 =	vsel vm9, v29, v28;
	v24 =	vsel vm10, v31, v30  }
0xff: {  	s21 =	sadd.s32 s10, s21;
	v18 =	vld [tilespmem:s19+$0x0];
	v46 =	vsel vm9, $0xD, v6;
	vm2 =	vgt.f32 v37, v16;
	vm6 =	vgt.f32 v24, v22  }
0x100: {  	s20 =	sadd.s32 s10, s20;
	v27 =	vld [tilespmem:s21+$0x0];
	vm3 =	vgt.f32 v13, v14;
	v17 =	vsel vm2, v37, v16;
	v16 =	vsel vm6, v24, v22  }
0x101: {  	v23 =	vld [tilespmem:s20+$0x0];
	v47 =	vsel vm10, $0xF, v7;
	v13 =	vsel vm3, v13, v14;
	vm7 =	vgt.f32 v16, v15  }
0x102: {  	s4 =	sadd.s32 s10, s29;
	vm9 =	vgt.f32 v20, v25;
	v22 =	vsel vm4, v42, v40;
	v24 =	vld [tilespmem:s7+$0x13000];
	v14 =	vsel vm7, v16, v15  }
0x103: {  	s3 =	sadd.s32 s10, s28;
	v61 =	vld [tilespmem:s4+$0x0];
	v15 =	vsel vm5, v44, v43;
	v16 =	vsel vm6, v47, v46;
	vm4 =	vgt.f32 v14, v13  }
0x104: {  	v19 =	vld [tilespmem:s3+$0x0];
	v21 =	vsel vm3, v22, v21;
	v15 =	vsel vm7, v16, v15;
	v13 =	vsel vm4, v14, v13  }
0x105: {  	v28 =	vld [tilespmem:s16+$0x0];
	v14 =	vsel vm2, $0x12, v36;
	v15 =	vsel vm4, v15, v21;
	vm2 =	vgt.f32 v17, v13  }
0x106: {  	s28 =	sadd.s32 s10, s14;
	v29 =	vld [tilespmem:s1+$0x0];
	vm3 =	vgt.f32 v45, v41;
	vm6 =	vgt.f32 v35, v34;
	v14 =	vsel vm2, v14, v15  }
0x107: {  	s29 =	sadd.s32 s10, s15;
	vm5 =	vgt.f32 v27, v23;
	v16 =	vld [tilespmem:s28+$0x0];
	vm8 =	veq.s32 v14, v24;
	v21 =	vshll.u32 v14, $0x7  }
0x108: {  	vm7 =	vgt.f32 v33, v32;
	v17 =	vld [tilespmem:s29+$0x0];
	vm10 =	vne.s32 v14, v24;
	v62 =	vor.u32 v9, v21  }
0x109: {  	s6 =	sadd.s32 $0x2, s6;
	s5 =	sadd.s32 s10, s26;
	v22 =	vsel vm6, v35, v34;
	v27 =	vsel vm5, v27, v23;
	v13 =	vld [tilespmem:s25+$0x13000];
	v14 =	vshll.u32 v24, $0x7  }
0x10a: {  	p0 =	slt.u32 s6, $0xE;
	s30 =	simm.s32 $0x14C00;
	vm4 =	vgt.f32 v61, v19;
	v15 =	vld [tilespmem:s5+$0x0];
	vm2 =	vgt.f32 v18, v48;
	v63 =	vor.u32 v9, v14  }
.Ltmp2:
0x10b: {  	[tilespmem:v12+s30+$0x0] =	vst.idx.add.s32.msk vm1, v10;
	vm1 =	vgt.f32 v29, v28;
	v26 =	vsel vm2, v18, v48;
	(pc) =	sbr.rel @p0 .LBB2_4-.Ltmp2, $4  }
0x10c: {  	v23 =	vsel vm1, v29, v28;
	v24 =	vsel vm4, v61, v19;
	v14 =	vsel vm9, v20, v25  }
0x10d: {  	s22 =	simm.s32 $0x14000;
	v19 =	vsel vm7, $0x3, v1;
	v21 =	vsel vm7, v33, v32;
	v25 =	vsel vm3, v45, v41;
	[tilespmem:v62+s30+$0x0] =	vst.idx.add.s32.msk vm8, v10  }
0x10e: {  	v20 =	vsel vm6, $0x5, v2;
	vm6 =	vgt.f32 v27, v26;
	vm7 =	vgt.f32 v24, v23;
	[tilespmem:v62+s22+$0x0] =	vst.idx.add.s32.msk vm10, v10  }
0x10f: {  	v18 =	vsel vm9, $0x1, v0;
	vm9 =	vgt.f32 v25, v22;
	vm8 =	vgt.f32 v21, v14;
	[tilespmem:v63+s24+$0x0] =	vst.idx.add.s32.msk $0xffff, v10  }
0x110: {  	v14 =	vsel vm8, v21, v14;
	v46 =	vsel vm9, v25, v22  }
0x111: {  	v47 =	vsel vm6, v27, v26;
	vm10 =	vgt.f32 v17, v16;
	v23 =	vsel vm7, v24, v23  }
0x112: {  	v48 =	vsel vm3, $0x7, v3;
	v49 =	vsel vm2, $0x9, v4;
	v50 =	vsel vm5, $0xB, v5  }
0x113: {  	v51 =	vsel vm1, $0xD, v6;
	v52 =	vsel vm4, $0xF, v7;
	v53 =	vsel vm8, v19, v18  }
0x114: {  	vm11 =	vgt.f32 v46, v14;
	vm15 =	vgt.f32 v23, v47;
	v16 =	vsel vm10, v17, v16  }
0x115: {  	v54 =	vsel vm9, v48, v20;
	v55 =	vsel vm6, v50, v49;
	v56 =	vsel vm7, v52, v51  }
0x116: {  	v58 =	vsel vm10, $0x11, v8;
	v14 =	vsel vm11, v46, v14;
	v22 =	vsel vm15, v23, v47  }
0x117: {  	vm13 =	vgt.f32 v15, v16;
	v17 =	vsel vm11, v54, v53;
	vm12 =	vgt.f32 v22, v14  }
0x118: {  	v57 =	vsel vm15, v56, v55;
	v15 =	vsel vm13, v15, v16;
	v14 =	vsel vm12, v22, v14  }
0x119: {  	v60 =	vsel vm13, $0x12, v58;
	v59 =	vsel vm12, v57, v17;
	vm14 =	vgt.f32 v15, v14  }
0x11a: {  	v14 =	vsel vm14, v60, v59  }
0x11b: {  	vm1 =	veq.s32 v14, v13;
	v61 =	vshll.u32 v14, $0x7  }
0x11c: {  	v62 =	vor.u32 v9, v61;
	_ =	sdelay $0x2  }
0x11d: {  	[tilespmem:v12+s22+$0x0] =	vst.idx.add.s32.msk vm0, v10  }
0x11e: {  	[tilespmem:v11+s24+$0x0] =	vst.idx.add.s32.msk $0xffff, v10  }
0x11f: {  	[tilespmem:v62+s30+$0x0] =	vst.idx.add.s32.msk vm1, v10  }
0x120: {  	s0 =	sld [smem:$0x7F0];
	_ =	sdelay $0x1  }
0x121: {  	vm15 =	vne.s32 v14, v13  }
0x122: {  	v63 =	vshll.u32 v13, $0x7;
	s0 =	sadd.s32 $0x1, s0  }
0x123: {  	v13 =	vor.u32 v9, v63;
	p0 =	sne.s32 s0, $0x8  }
.Ltmp3:
0x124: {  	_ = 	snop;
	(pc) =	sbr.rel @p0 .LBB2_3-.Ltmp3, $3  }
0x125: {  	_ =	sdelay $0x1  }
0x126: {  	[tilespmem:v62+s22+$0x0] =	vst.idx.add.s32.msk vm15, v10  }
0x127: {  	[tilespmem:v13+s24+$0x0] =	vst.idx.add.s32.msk $0xffff, v10  }
0x128: {  	s2 =	sld [smem:$0x7F2]  }
0x129: {  	s1 =	sld [smem:$0x7F3];
	_ =	sdelay $0x1  }
0x12a: {  	s0 =	sshll.u32 s2, $0x1  }
0x12b: {  	p0 =	seq.s32 s2, $0xA;
	s0 =	sadd.s32 s1, s0  }
0x12c: {  	[smem:$0x7EF] =	sst s0;
	s0 =	sadd.s32 @!p0 $0x2, s0  }
0x12d: {  	s1 =	sshrl.u32 @!p0 s0, $0x7  }
0x12e: {  	s0 =	sshll.u32 @!p0 s0, $0xB;
	s2 =	smul.u32 @!p0 $0x4C0000, s1  }
0x12f: {  	s3 =	rddreg [dreg:$0x0];
	s4 =	simm.s32 @!p0 $0x40000;
	s0 =	sand.u32 @!p0 $0x3F000, s0  }
0x130: {  	s5 =	simm.s32 @!p0 $0x0;
	s1 =	sshll.u32 @!p0 s1, $0x12;
	s2 =	sor.u32 @!p0 s0, s2  }
0x131: {  	s0 =	sor.u32 @!p0 s0, s1;
	s1 =	rddreg [dreg:$0x1];
	s2 =	sshrl.u32 @!p0 s2, $0x3  }
0x132: {  	s0 =	sshrl.u32 @!p0 s0, $0x3;
	s2 =	sadd.s32 @!p0 s3, s2;
	s3 =	simm.s32 @!p0 $0x800  }
0x133: {  	[tilespmem:s5], [sflag:$0x1] =	stream.strided.gather @!p0 [hbm4b:s2+s3], $0x9800, s4, s3, $0x38;
	[tilespmem:$0x16400] =	vst v63  }
0x134: {  	s29 =	simm.s32 $0x2;
	s0 =	sadd.s32 @!p0 s1, s0;
	s1 =	simm.s32 @!p0 $0x13000  }
0x135: {  	[tilespmem:s1], [sflag:$0x1] =	stream.linear.gather @!p0 [hbm4b:s0+s5], $0x800, $0x38;
	[tilespmem:$0x16400] =	vst v63  }
0x136: {  	_ =	swait.ge [sflag:s29], $0x9800  }
0x137: {  	[sflag:s29] =	ssyncset.done $0x0  }
0x138: {  	[sflag:s29] =	ssyncadd.s32 $0xFFFF6800  }
0x139: {  	_ =	swait.ge [sflag:s29], $0x800  }
0x13a: {  	[sflag:s29] =	ssyncset.done $0x0  }
0x13b: {  	s31 =	simm.s32 $0x0;
	s2 =	simm.s32 $0x0;
	[sflag:s29] =	ssyncadd.s32 $0xFFFFF800  }
.LBB2_7:
0x13c: {  	s0 =	sshll.u32 s2, $0x7  }
0x13d: {  	s1 =	sadd.s32 $0x9800, s0  }
0x13e: {  	s22 =	sadd.s32 $0xA000, s0;
	[dreg:$0x16] =	wrdreg s1  }
0x13f: {  	s23 =	sadd.s32 $0xA800, s0;
	[dreg:$0x17] =	wrdreg s22  }
0x140: {  	s25 =	sadd.s32 $0xB000, s0;
	[dreg:$0x18] =	wrdreg s23  }
0x141: {  	s26 =	sadd.s32 $0xB800, s0;
	[dreg:$0x19] =	wrdreg s25  }
0x142: {  	s28 =	sadd.s32 $0xC000, s0;
	[dreg:$0x1a] =	wrdreg s26  }
0x143: {  	s29 =	sadd.s32 $0xC800, s0;
	[dreg:$0x1b] =	wrdreg s28  }
0x144: {  	s3 =	sadd.s32 $0xD000, s0;
	[dreg:$0x1c] =	wrdreg s29  }
0x145: {  	s4 =	sadd.s32 $0xD800, s0;
	[dreg:$0x1d] =	wrdreg s3  }
0x146: {  	s5 =	sadd.s32 $0xE000, s0;
	[dreg:$0x1e] =	wrdreg s4  }
0x147: {  	s6 =	sadd.s32 $0xE800, s0;
	[dreg:$0x1f] =	wrdreg s5  }
0x148: {  	s7 =	sadd.s32 $0xF000, s0;
	[smem:$0x7E7] =	sst s6  }
0x149: {  	s8 =	sadd.s32 $0xF800, s0;
	[smem:$0x7E8] =	sst s7  }
0x14a: {  	s9 =	sadd.s32 $0x10000, s0;
	[smem:$0x7E9] =	sst s8  }
0x14b: {  	s10 =	sadd.s32 $0x10800, s0;
	[smem:$0x7EA] =	sst s9  }
0x14c: {  	s11 =	sadd.s32 $0x11000, s0;
	[smem:$0x7EB] =	sst s10  }
0x14d: {  	s12 =	sadd.s32 $0x11800, s0;
	[smem:$0x7EC] =	sst s11  }
0x14e: {  	s13 =	sadd.s32 $0x12000, s0;
	[smem:$0x7E5] =	sst s12  }
0x14f: {  	s14 =	sadd.s32 $0x12800, s0;
	[smem:$0x7E6] =	sst s13  }
0x150: {  	s0 =	sadd.s32 $0x13800, s0;
	[smem:$0x7ED] =	sst s14  }
0x151: {  	[smem:$0x7EE] =	sst s0  }
0x152: {  	s0 =	sand.u32 $0x60, s31;
	s11 =	sand.u32 $0x400, s31;
	s4 =	rddreg [dreg:$0x16]  }
0x153: {  	s5 =	rddreg [dreg:$0x17];
	s10 =	sor.u32 $0x10, s0;
	s8 =	sadd.s32 s11, s4  }
0x154: {  	s19 =	rddreg [dreg:$0x19];
	s17 =	sadd.s32 s11, s5;
	s9 =	sadd.s32 s10, s8  }
0x155: {  	s15 =	sld [smem:$0x7E5];
	s19 =	sadd.s32 s11, s19;
	s23 =	sadd.s32 s10, s17;
	v14 =	vld [tilespmem:s9+$0x0]  }
0x156: {  	s3 =	sld [smem:$0x7E6];
	s29 =	sadd.s32 s10, s19;
	v15 =	vld [tilespmem:s23+$0x0]  }
0x157: {  	s8 =	sadd.s32 s0, s8;
	v21 =	vld [tilespmem:s29+$0x0]  }
0x158: {  	s17 =	sadd.s32 s0, s17;
	s6 =	sadd.s32 s11, s15;
	v11 =	vld [tilespmem:s8+$0x0]  }
0x159: {  	s28 =	rddreg [dreg:$0x1d];
	s7 =	sadd.s32 s11, s3;
	v17 =	vld [tilespmem:s17+$0x0];
	s18 =	sadd.s32 s10, s6  }
0x15a: {  	s16 =	rddreg [dreg:$0x18];
	s15 =	sadd.s32 s11, s28;
	s20 =	sadd.s32 s10, s7;
	v12 =	vld [tilespmem:s18+$0x0]  }
0x15b: {  	s21 =	rddreg [dreg:$0x1a];
	s28 =	sadd.s32 s10, s15;
	v13 =	vld [tilespmem:s20+$0x0];
	s18 =	sadd.s32 s11, s16  }
0x15c: {  	s22 =	rddreg [dreg:$0x1b];
	s20 =	sadd.s32 s11, s21;
	v25 =	vld [tilespmem:s28+$0x0];
	s26 =	sadd.s32 s10, s18  }
0x15d: {  	s25 =	rddreg [dreg:$0x1c];
	s21 =	sadd.s32 s11, s22;
	s12 =	sadd.s32 s10, s20;
	v16 =	vld [tilespmem:s26+$0x0]  }
0x15e: {  	s13 =	rddreg [dreg:$0x1f];
	s16 =	sadd.s32 s11, s25;
	s14 =	sadd.s32 s10, s21;
	v22 =	vld [tilespmem:s12+$0x0]  }
0x15f: {  	s9 =	rddreg [dreg:$0x1e];
	s25 =	sadd.s32 s10, s16;
	v23 =	vld [tilespmem:s14+$0x0]  }
0x160: {  	s29 =	sld [smem:$0x7E9];
	s18 =	sadd.s32 s0, s18;
	v24 =	vld [tilespmem:s25+$0x0]  }
0x161: {  	s13 =	sadd.s32 s11, s13;
	s22 =	sld [smem:$0x7E7];
	s16 =	sadd.s32 s0, s16;
	v18 =	vld [tilespmem:s18+$0x0]  }
0x162: {  	s14 =	sadd.s32 s11, s9;
	s25 =	sadd.s32 s10, s13;
	v41 =	vld [tilespmem:s16+$0x0]  }
0x163: {  	s5 =	sadd.s32 s11, s29;
	s26 =	sld [smem:$0x7E8];
	s23 =	sadd.s32 s10, s14;
	v27 =	vld [tilespmem:s25+$0x0]  }
0x164: {  	s12 =	sadd.s32 s11, s22;
	s22 =	sld [smem:$0x7EA];
	s25 =	sadd.s32 s10, s5;
	v26 =	vld [tilespmem:s23+$0x0]  }
0x165: {  	s14 =	sadd.s32 s0, s14;
	s23 =	sld [smem:$0x7EC];
	v30 =	vld [tilespmem:s25+$0x0]  }
0x166: {  	vm1 =	vgt.f32 v15, v14;
	s28 =	sadd.s32 s10, s12;
	v47 =	vld [tilespmem:s14+$0x0];
	s9 =	sadd.s32 s11, s26;
	s26 =	sld [smem:$0x7EB]  }
0x167: {  	vm9 =	vgt.f32 v17, v11;
	v36 =	vsel vm1, $0x1, v0;
	v28 =	vld [tilespmem:s28+$0x0];
	s29 =	sadd.s32 s10, s9  }
0x168: {  	s13 =	sadd.s32 s0, s13;
	v11 =	vsel vm9, v17, v11;
	vm0 =	vgt.f32 v13, v12;
	s4 =	sadd.s32 s11, s22;
	v29 =	vld [tilespmem:s29+$0x0];
	vm2 =	vgt.f32 v21, v16  }
0x169: {  	v12 =	vsel vm0, v13, v12;
	v13 =	vsel vm1, v15, v14;
	s1 =	sadd.s32 s11, s23;
	s3 =	sadd.s32 s11, s26;
	s26 =	sadd.s32 s10, s4;
	v14 =	vsel vm2, v21, v16;
	v21 =	vld [tilespmem:s13+$0x0]  }
0x16a: {  	v35 =	vsel vm0, $0x11, v8;
	vm3 =	vgt.f32 v23, v22;
	vm4 =	vgt.f32 v25, v24;
	s29 =	sadd.s32 s10, s1;
	v31 =	vld [tilespmem:s26+$0x0]  }
0x16b: {  	s23 =	sld [smem:$0x7ED];
	v38 =	vsel vm2, $0x3, v1;
	v39 =	vsel vm3, $0x5, v2;
	v40 =	vsel vm4, $0x7, v3;
	s28 =	sadd.s32 s10, s3;
	v33 =	vld [tilespmem:s29+$0x0]  }
0x16c: {  	v15 =	vsel vm3, v23, v22;
	v16 =	vsel vm4, v25, v24;
	s26 =	sadd.s32 s0, s20;
	vm5 =	vgt.f32 v27, v26;
	v32 =	vld [tilespmem:s28+$0x0]  }
0x16d: {  	s17 =	sld [smem:$0x7EE];
	s29 =	sadd.s32 s0, s21;
	vm1 =	vgt.f32 v14, v13;
	vm2 =	vgt.f32 v16, v15;
	v20 =	vld [tilespmem:s26+$0x0];
	v42 =	vsel vm5, $0x9, v4  }
0x16e: {  	s25 =	sadd.s32 s0, s19;
	s8 =	sadd.s32 s11, s23;
	v37 =	vld [tilespmem:s29+$0x0];
	v22 =	vsel vm5, v27, v26;
	v13 =	vsel vm1, v14, v13;
	vm6 =	vgt.f32 v29, v28  }
0x16f: {  	v19 =	vld [tilespmem:s25+$0x0];
	v14 =	vsel vm2, v16, v15;
	s28 =	sadd.s32 s10, s8;
	v43 =	vsel vm6, $0xB, v5;
	v23 =	vsel vm6, v29, v28  }
0x170: {  	s15 =	sadd.s32 s0, s15;
	s18 =	sadd.s32 s11, s17;
	s16 =	rddreg [dreg:$0x1a];
	v34 =	vld [tilespmem:s28+$0x0];
	vm6 =	vgt.f32 v21, v47;
	vm7 =	vgt.f32 v31, v30;
	vm3 =	vgt.f32 v23, v22  }
0x171: {  	v45 =	vld [tilespmem:s15+$0x0];
	s17 =	rddreg [dreg:$0x1b];
	s5 =	sadd.s32 s0, s5;
	s12 =	sadd.s32 s0, s12;
	v21 =	vsel vm6, v21, v47;
	vm8 =	vgt.f32 v33, v32;
	v44 =	vsel vm7, $0xD, v6  }
0x172: {  	s19 =	sadd.s32 s10, s18;
	s9 =	sadd.s32 s0, s9;
	v25 =	vld [tilespmem:s12+$0x0];
	s4 =	sadd.s32 s0, s4;
	v24 =	vsel vm7, v31, v30;
	v15 =	vsel vm3, v23, v22;
	v22 =	vsel vm1, v38, v36  }
0x173: {  	s1 =	sadd.s32 s0, s1;
	s21 =	sadd.s32 s0, s7;
	v27 =	vld [tilespmem:s9+$0x0];
	s26 =	rddreg [dreg:$0x16];
	vm1 =	vgt.f32 v14, v13;
	vm7 =	vgt.f32 v37, v20;
	v46 =	vsel vm8, $0xF, v7  }
0x174: {  	s3 =	sadd.s32 s0, s3;
	s20 =	sadd.s32 s0, s6;
	v53 =	vld [tilespmem:s21+$0x0];
	s9 =	rddreg [dreg:$0x19];
	v26 =	vsel vm8, v33, v32;
	v13 =	vsel vm1, v14, v13;
	vm8 =	vgt.f32 v19, v18  }
0x175: {  	s21 =	rddreg [dreg:$0x1c];
	v28 =	vld [tilespmem:s5+$0x0];
	s5 =	sadd.s32 s0, s18;
	s18 =	simm.s32 $0x20;
	v20 =	vsel vm7, v37, v20;
	v56 =	vsel vm7, $0x5, v2;
	vm0 =	vgt.f32 v34, v12  }
0x176: {  	v52 =	vld [tilespmem:s1+$0x0];
	s22 =	sadd.s32 s0, s8;
	s0 =	simm.s32 $0x100;
	s6 =	sand.u32 $0x60, s18;
	vm4 =	vgt.f32 v26, v24;
	v18 =	vsel vm8, v19, v18;
	v55 =	vsel vm8, $0x3, v1  }
0x177: {  	s28 =	rddreg [dreg:$0x17];
	v29 =	vld [tilespmem:s4+$0x0];
	s12 =	sand.u32 $0x400, s0;
	s11 =	sor.u32 $0x10, s6;
	v12 =	vsel vm0, v34, v12;
	v16 =	vsel vm4, v26, v24;
	v24 =	vsel vm2, v40, v39  }
0x178: {  	v23 =	vld [tilespmem:s19+$0x0];
	s13 =	sadd.s32 s12, s26;
	s14 =	sadd.s32 s12, s28;
	s19 =	sadd.s32 s12, s16;
	vm8 =	vgt.f32 v18, v11;
	vm5 =	vgt.f32 v16, v15;
	v22 =	vsel vm1, v24, v22  }
0x179: {  	s26 =	sadd.s32 s12, s9;
	s28 =	sadd.s32 s12, s17;
	s9 =	sadd.s32 s11, s19;
	v26 =	vld [tilespmem:s3+$0x0];
	v11 =	vsel vm8, v18, v11;
	v14 =	vsel vm5, v16, v15;
	v15 =	vsel vm3, v43, v42  }
0x17a: {  	s23 =	sld [smem:$0x7E5];
	s1 =	sadd.s32 s12, s21;
	s21 =	sadd.s32 s11, s28;
	v33 =	vld [tilespmem:s9+$0x0];
	v16 =	vsel vm4, v46, v44;
	vm4 =	vgt.f32 v27, v25;
	vm2 =	vgt.f32 v14, v13  }
0x17b: {  	v57 =	vld [tilespmem:s21+$0x0];
	v15 =	vsel vm5, v16, v15;
	vm5 =	vgt.f32 v45, v41;
	v25 =	vsel vm4, v27, v25  }
0x17c: {  	v24 =	vld [tilespmem:s20+$0x0];
	s20 =	sadd.s32 s11, s14;
	v27 =	vsel vm9, $0x1, v0;
	v13 =	vsel vm2, v14, v13;
	v14 =	vsel vm0, $0x12, v35  }
0x17d: {  	s10 =	sadd.s32 s12, s23;
	s23 =	rddreg [dreg:$0x1d];
	s8 =	sadd.s32 s11, s13;
	v19 =	vld [tilespmem:s20+$0x0];
	v15 =	vsel vm2, v15, v22;
	v54 =	vsel vm5, v45, v41;
	vm7 =	vgt.f32 v25, v21  }
0x17e: {  	s20 =	sadd.s32 s12, s23;
	v16 =	vld [tilespmem:s8+$0x0];
	v27 =	vsel vm8, v55, v27;
	vm0 =	vgt.f32 v12, v13;
	vm3 =	vgt.f32 v52, v26  }
0x17f: {  	s25 =	sld [smem:$0x7E6];
	s17 =	sadd.s32 s11, s20;
	v22 =	vld [tilespmem:s22+$0x0];
	vm9 =	vgt.f32 v54, v20;
	v21 =	vsel vm7, v25, v21;
	v25 =	vsel vm5, $0x7, v3  }
0x180: {  	v32 =	vld [tilespmem:s17+$0x0];
	v13 =	vsel vm0, v14, v15;
	vm0 =	vgt.f32 v29, v28;
	v26 =	vsel vm3, v52, v26  }
0x181: {  	v12 =	vld [tilespmem:s5+$0x0];
	s5 =	sadd.s32 s11, s10;
	v18 =	vsel vm9, v54, v20;
	vm5 =	vgt.f32 v53, v24;
	v60 =	vsel vm3, $0xF, v7  }
0x182: {  	s7 =	sadd.s32 s12, s25;
	s16 =	rddreg [dreg:$0x1f];
	s25 =	sadd.s32 s11, s26;
	v14 =	vld [tilespmem:s5+$0x0];
	v25 =	vsel vm9, v25, v56;
	vm2 =	veq.s32 v13, v23;
	v28 =	vsel vm0, v29, v28  }
0x183: {  	s29 =	rddreg [dreg:$0x18];
	s15 =	sadd.s32 s11, s7;
	s16 =	sadd.s32 s12, s16;
	v15 =	vshll.u32 v13, $0x7;
	vm1 =	vne.s32 v13, v23;
	v29 =	vld [tilespmem:s25+$0x0];
	vm10 =	vgt.f32 v26, v28  }
0x184: {  	s25 =	sadd.s32 s11, s1;
	v24 =	vsel vm5, v53, v24;
	v13 =	vor.u32 v9, v15;
	v15 =	vld [tilespmem:s15+$0x0];
	s15 =	sadd.s32 s12, s29;
	s29 =	rddreg [dreg:$0x1e];
	v26 =	vsel vm10, v26, v28  }
0x185: {  	v20 =	vld [tilespmem:s25+$0x0];
	s25 =	sadd.s32 s11, s16;
	s3 =	sadd.s32 s12, s29;
	s29 =	sld [smem:$0x7E8];
	v28 =	vsel vm6, $0x9, v4;
	vm6 =	vgt.f32 v18, v11;
	vm3 =	vgt.f32 v22, v24  }
0x186: {  	s22 =	sadd.s32 s11, s15;
	v59 =	vld [tilespmem:s25+$0x0];
	v11 =	vsel vm6, v18, v11;
	v18 =	vsel vm4, $0xB, v5;
	vm4 =	vgt.f32 v26, v21  }
0x187: {  	s21 =	sld [smem:$0x7E9];
	v17 =	vld [tilespmem:s22+$0x0];
	s23 =	sadd.s32 s11, s3;
	v25 =	vsel vm6, v25, v27;
	v21 =	vsel vm4, v26, v21;
	v26 =	vsel vm0, $0xD, v6  }
0x188: {  	s22 =	sld [smem:$0x7E7];
	v22 =	vsel vm3, v22, v24;
	v58 =	vld [tilespmem:s23+$0x0];
	v18 =	vsel vm7, v18, v28;
	s8 =	sadd.s32 s12, s29;
	v26 =	vsel vm10, v60, v26  }
0x189: {  	s9 =	sld [smem:$0x7EA];
	v23 =	vshll.u32 v23, $0x7;
	vm0 =	vgt.f32 v21, v11;
	s25 =	sadd.s32 s11, s8;
	v18 =	vsel vm4, v26, v18;
	[tilespmem:v13+s30+$0x0] =	vst.idx.add.s32.msk vm2, v10  }
0x18a: {  	s14 =	sadd.s32 s6, s14;
	v11 =	vsel vm0, v21, v11;
	v21 =	vsel vm5, $0x11, v8;
	vm5 =	vgt.f32 v19, v16;
	v62 =	vld [tilespmem:s25+$0x0]  }
0x18b: {  	s4 =	sadd.s32 s12, s21;
	s1 =	sadd.s32 s6, s1;
	s5 =	sadd.s32 s12, s22;
	v18 =	vsel vm0, v18, v25;
	vm0 =	vgt.f32 v22, v11;
	v22 =	vor.u32 v9, v23;
	v23 =	vld [tilespmem:s14+$0x0]  }
0x18c: {  	s21 =	sadd.s32 s12, s9;
	s23 =	sld [smem:$0x7EC];
	s29 =	sadd.s32 s11, s5;
	v16 =	vsel vm5, v19, v16;
	v19 =	vld [tilespmem:s1+$0x0]  }
0x18d: {  	s25 =	sadd.s32 s11, s21;
	v61 =	vld [tilespmem:s29+$0x0]  }
0x18e: {  	s13 =	sadd.s32 s6, s13;
	v21 =	vsel vm3, $0x12, v21;
	v26 =	vld [tilespmem:s25+$0x0]  }
0x18f: {  	vm7 =	vgt.f32 v57, v33;
	s9 =	sadd.s32 s12, s23;
	s29 =	sadd.s32 s11, s4;
	v18 =	vsel vm0, v21, v18;
	v21 =	vld [tilespmem:s13+$0x0]  }
0x190: {  	v51 =	vsel vm7, $0x5, v2;
	s22 =	sld [smem:$0x7EB];
	s23 =	sadd.s32 s11, s9;
	v28 =	vld [tilespmem:s29+$0x0]  }
0x191: {  	vm4 =	vgt.f32 v15, v14;
	v11 =	vshll.u32 v12, $0x7;
	v27 =	vld [tilespmem:s23+$0x0];
	v25 =	vshll.u32 v18, $0x7;
	s23 =	sadd.s32 s6, s19  }
0x192: {  	s25 =	sld [smem:$0x7ED];
	vm0 =	vne.s32 v18, v12;
	vm3 =	veq.s32 v18, v12;
	s19 =	sadd.s32 s6, s4;
	v12 =	vor.u32 v9, v25;
	v25 =	vld [tilespmem:s23+$0x0]  }
0x193: {  	v33 =	vsel vm7, v57, v33;
	vm8 =	vgt.f32 v32, v20;
	v48 =	vsel vm4, $0x11, v8;
	s17 =	sadd.s32 s12, s22;
	s22 =	simm.s32 $0x14000;
	v60 =	vld [tilespmem:s19+$0x0]  }
0x194: {  	v14 =	vsel vm4, v15, v14;
	v15 =	vsel vm5, $0x1, v0;
	v52 =	vsel vm8, $0x7, v3;
	s29 =	sadd.s32 s11, s17;
	[tilespmem:v13+s22+$0x0] =	vst.idx.add.s32.msk vm1, v10  }
0x195: {  	v20 =	vsel vm8, v32, v20;
	v11 =	vor.u32 v9, v11;
	vm6 =	vgt.f32 v29, v17;
	v24 =	vld [tilespmem:s29+$0x0];
	s29 =	sadd.s32 s6, s15;
	s13 =	sadd.s32 s12, s25  }
0x196: {  	vm9 =	vgt.f32 v59, v58;
	v50 =	vsel vm6, $0x3, v1;
	v17 =	vsel vm6, v29, v17;
	v31 =	vld [tilespmem:s29+$0x0];
	s25 =	sadd.s32 s11, s13  }
0x197: {  	v54 =	vsel vm9, $0x9, v4;
	v58 =	vsel vm9, v59, v58;
	s15 =	sadd.s32 s6, s26;
	vm10 =	vgt.f32 v62, v61;
	v63 =	vld [tilespmem:s25+$0x0]  }
0x198: {  	s26 =	sadd.s32 s6, s28;
	v18 =	vld [tilespmem:s15+$0x0];
	vm4 =	vgt.f32 v26, v28;
	v55 =	vsel vm10, $0xB, v5;
	v30 =	vsel vm10, v62, v61  }
0x199: {  	s28 =	sadd.s32 s6, s20;
	v49 =	vld [tilespmem:s26+$0x0];
	v56 =	vsel vm4, $0xD, v6;
	v26 =	vsel vm4, v26, v28;
	vm4 =	vgt.f32 v17, v16  }
0x19a: {  	v53 =	vld [tilespmem:s28+$0x0];
	s15 =	sld [smem:$0x7EE];
	vm6 =	vgt.f32 v30, v58;
	vm5 =	vgt.f32 v27, v24;
	v16 =	vsel vm4, v17, v16  }
0x19b: {  	s29 =	sadd.s32 s6, s3;
	[tilespmem:v22+s24+$0x0] =	vst.idx.add.s32.msk $0xffff, v10;
	v15 =	vsel vm4, v50, v15;
	v29 =	vsel vm5, $0xF, v7;
	v24 =	vsel vm5, v27, v24  }
0x19c: {  	s3 =	sadd.s32 s6, s16;
	v57 =	vld [tilespmem:s29+$0x0];
	vm5 =	vgt.f32 v20, v33;
	vm2 =	vgt.f32 v63, v14;
	vm7 =	vgt.f32 v24, v26  }
0x19d: {  	s20 =	sadd.s32 s6, s21;
	v59 =	vld [tilespmem:s3+$0x0];
	s1 =	sadd.s32 s12, s15;
	v17 =	vsel vm5, v20, v33;
	v20 =	vsel vm6, v30, v58;
	v24 =	vsel vm7, v24, v26  }
0x19e: {  	v61 =	vld [tilespmem:s20+$0x0];
	s21 =	sadd.s32 s11, s1;
	v62 =	vsel vm5, v52, v51;
	vm4 =	vgt.f32 v17, v16;
	vm8 =	vgt.f32 v24, v20  }
0x19f: {  	s16 =	sadd.s32 s6, s8;
	v14 =	vsel vm2, v63, v14;
	v26 =	vld [tilespmem:s21+$0x0];
	v16 =	vsel vm4, v17, v16;
	v17 =	vsel vm8, v24, v20  }
0x1a0: {  	s14 =	sadd.s32 s6, s5;
	v28 =	vld [tilespmem:s16+$0x0];
	v29 =	vsel vm7, v29, v56;
	v20 =	vsel vm6, v55, v54;
	vm5 =	vgt.f32 v17, v16  }
0x1a1: {  	v27 =	vld [tilespmem:s14+$0x0];
	v15 =	vsel vm4, v62, v15;
	v20 =	vsel vm8, v29, v20;
	v16 =	vsel vm5, v17, v16  }
0x1a2: {  	s25 =	sadd.s32 s6, s9;
	[tilespmem:v12+s30+$0x0] =	vst.idx.add.s32.msk vm3, v10;
	v13 =	vsel vm2, $0x12, v48;
	v15 =	vsel vm5, v20, v15;
	vm1 =	vgt.f32 v14, v16  }
0x1a3: {  	s23 =	sadd.s32 s6, s17;
	vm9 =	vgt.f32 v23, v21;
	v63 =	vld [tilespmem:s25+$0x0];
	vm7 =	vgt.f32 v18, v31;
	v13 =	vsel vm1, v13, v15  }
0x1a4: {  	vm4 =	vgt.f32 v59, v57;
	v24 =	vld [tilespmem:s23+$0x0];
	vm10 =	veq.s32 v13, v26;
	v14 =	vshll.u32 v13, $0x7  }
0x1a5: {  	s28 =	sadd.s32 s6, s7;
	v22 =	vsel vm7, v18, v31;
	vm11 =	vne.s32 v13, v26;
	v29 =	vor.u32 v9, v14  }
0x1a6: {  	s26 =	sadd.s32 s6, s10;
	vm6 =	vgt.f32 v53, v19;
	vm8 =	vgt.f32 v49, v25;
	vm5 =	vgt.f32 v28, v27;
	v17 =	vld [tilespmem:s28+$0x0]  }
0x1a7: {  	s29 =	sadd.s32 s6, s13;
	v20 =	vsel vm9, v23, v21;
	v23 =	vsel vm8, v49, v25;
	v25 =	vsel vm4, v59, v57;
	v16 =	vld [tilespmem:s26+$0x0]  }
0x1a8: {  	s1 =	sadd.s32 s6, s1;
	v27 =	vsel vm5, v28, v27;
	vm3 =	vgt.f32 v22, v20;
	v15 =	vld [tilespmem:s29+$0x0];
	v13 =	vshll.u32 v26, $0x7  }
0x1a9: {  	vm1 =	vgt.f32 v61, v60;
	vm2 =	vgt.f32 v63, v24;
	v14 =	vor.u32 v9, v13;
	v13 =	vld [tilespmem:s1+$0x0]  }
0x1aa: {  	v18 =	vsel vm9, $0x1, v0;
	v26 =	vsel vm6, v53, v19;
	v21 =	vsel vm1, v61, v60;
	[tilespmem:v29+s30+$0x0] =	vst.idx.add.s32.msk vm10, v10  }
0x1ab: {  	s6 =	simm.s32 $0x2;
	v19 =	vsel vm7, $0x3, v1;
	v24 =	vsel vm2, v63, v24;
	vm7 =	vgt.f32 v26, v23;
	[tilespmem:v29+s22+$0x0] =	vst.idx.add.s32.msk vm11, v10  }
.LBB2_8:
0x1ac: {  	s1 =	sld [smem:$0x7E5]  }
0x1ad: {  	s3 =	sld [smem:$0x7E6]  }
0x1ae: {  	s4 =	rddreg [dreg:$0x16]  }
0x1af: {  	s8 =	rddreg [dreg:$0x18]  }
0x1b0: {  	s0 =	sadd.s32 $0x100, s0;
	s18 =	sadd.s32 $0x20, s18;
	s14 =	rddreg [dreg:$0x1a]  }
0x1b1: {  	s19 =	rddreg [dreg:$0x1f];
	s7 =	sand.u32 $0x60, s18;
	s11 =	sand.u32 $0x400, s0  }
0x1b2: {  	vm9 =	vgt.f32 v27, v25;
	[tilespmem:v14+s24+$0x0] =	vst.idx.add.s32.msk $0xffff, v10;
	s28 =	rddreg [dreg:$0x1d];
	s10 =	sor.u32 $0x10, s7;
	s19 =	sadd.s32 s11, s19  }
0x1b3: {  	v28 =	vsel vm8, $0x5, v2;
	vm10 =	vgt.f32 v24, v21;
	v14 =	vsel vm3, v22, v20;
	[tilespmem:v12+s22+$0x0] =	vst.idx.add.s32.msk vm0, v10;
	s12 =	sadd.s32 s11, s1;
	s1 =	sadd.s32 s11, s4;
	s4 =	sadd.s32 s11, s8  }
0x1b4: {  	v20 =	vsel vm7, v26, v23;
	v23 =	vsel vm6, $0x7, v3;
	v12 =	vsel vm4, $0x9, v4;
	[tilespmem:v11+s24+$0x0] =	vst.idx.add.s32.msk $0xffff, v10;
	s8 =	sadd.s32 s11, s14;
	s14 =	sadd.s32 s11, s28;
	s28 =	sadd.s32 s10, s19  }
0x1b5: {  	v19 =	vsel vm3, v19, v18;
	v22 =	vsel vm9, v27, v25;
	vm11 =	vgt.f32 v20, v14;
	s13 =	sadd.s32 s11, s3;
	s21 =	sadd.s32 s10, s12;
	v26 =	vld [tilespmem:s28+$0x0]  }
0x1b6: {  	s5 =	rddreg [dreg:$0x17];
	v21 =	vsel vm10, v24, v21;
	v20 =	vsel vm11, v20, v14;
	vm8 =	vgt.f32 v17, v16;
	s22 =	sadd.s32 s10, s13;
	v14 =	vld [tilespmem:s21+$0x0]  }
0x1b7: {  	s20 =	sld [smem:$0x7E7];
	v24 =	vsel vm5, $0xB, v5;
	vm6 =	vgt.f32 v21, v22;
	s3 =	sadd.s32 s11, s5;
	v25 =	vsel vm8, v17, v16;
	s23 =	sadd.s32 s10, s1;
	v16 =	vld [tilespmem:s22+$0x0]  }
0x1b8: {  	s9 =	rddreg [dreg:$0x19];
	v11 =	vsel vm1, $0xD, v6;
	v21 =	vsel vm6, v21, v22;
	v22 =	vsel vm2, $0xF, v7;
	s25 =	sadd.s32 s10, s3;
	v17 =	vld [tilespmem:s23+$0x0]  }
0x1b9: {  	s15 =	rddreg [dreg:$0x1b];
	v12 =	vsel vm9, v24, v12;
	s5 =	sadd.s32 s11, s9;
	vm0 =	vgt.f32 v21, v20;
	v11 =	vsel vm10, v22, v11;
	s26 =	sadd.s32 s10, s4;
	v18 =	vld [tilespmem:s25+$0x0]  }
0x1ba: {  	s29 =	rddreg [dreg:$0x1e];
	s20 =	sadd.s32 s11, s20;
	s17 =	sadd.s32 s10, s5;
	v11 =	vsel vm6, v11, v12;
	v12 =	vsel vm0, v21, v20;
	v20 =	vld [tilespmem:s26+$0x0]  }
0x1bb: {  	s9 =	sadd.s32 s11, s15;
	s15 =	sadd.s32 s11, s29;
	s29 =	sadd.s32 s10, s20;
	v22 =	vld [tilespmem:s17+$0x0]  }
0x1bc: {  	s4 =	sadd.s32 s7, s4;
	v27 =	vld [tilespmem:s29+$0x0]  }
0x1bd: {  	s5 =	sadd.s32 s7, s5;
	v33 =	vld [tilespmem:s4+$0x0]  }
0x1be: {  	v23 =	vsel vm7, v23, v28;
	s22 =	sadd.s32 s10, s9;
	v34 =	vld [tilespmem:s5+$0x0]  }
0x1bf: {  	v19 =	vsel vm11, v23, v19;
	s25 =	sadd.s32 s10, s14;
	v23 =	vld [tilespmem:s22+$0x0]  }
0x1c0: {  	s16 =	rddreg [dreg:$0x1c];
	vm1 =	vgt.f32 v15, v25;
	s26 =	sadd.s32 s10, s15;
	v24 =	vld [tilespmem:s25+$0x0]  }
0x1c1: {  	s21 =	sadd.s32 s10, s8;
	v15 =	vsel vm1, v15, v25;
	s22 =	sld [smem:$0x7E9];
	v25 =	vld [tilespmem:s26+$0x0]  }
0x1c2: {  	s3 =	sadd.s32 s7, s3;
	v21 =	vsel vm8, $0x11, v8;
	v11 =	vsel vm0, v11, v19;
	vm0 =	vgt.f32 v15, v12;
	v15 =	vld [tilespmem:s21+$0x0];
	s21 =	sld [smem:$0x7E8]  }
0x1c3: {  	s16 =	sadd.s32 s11, s16;
	s8 =	sadd.s32 s7, s8;
	v19 =	vsel vm1, $0x12, v21;
	s25 =	sld [smem:$0x7EB];
	v21 =	vld [tilespmem:s3+$0x0];
	v12 =	vshll.u32 v13, $0x7  }
0x1c4: {  	s23 =	sadd.s32 s10, s16;
	s26 =	sld [smem:$0x7EC];
	v35 =	vld [tilespmem:s8+$0x0];
	v19 =	vsel vm0, v19, v11;
	v11 =	vor.u32 v9, v12;
	s22 =	sadd.s32 s11, s22  }
0x1c5: {  	vm0 =	vne.s32 v19, v13;
	vm1 =	veq.s32 v19, v13;
	v12 =	vshll.u32 v19, $0x7;
	v13 =	vld [tilespmem:s23+$0x0];
	s23 =	sld [smem:$0x7EA];
	s21 =	sadd.s32 s11, s21;
	s29 =	sadd.s32 s10, s22  }
0x1c6: {  	s30 =	sld [smem:$0x7ED];
	s25 =	sadd.s32 s11, s25;
	v12 =	vor.u32 v9, v12;
	vm2 =	vgt.f32 v16, v14;
	s28 =	sadd.s32 s10, s21;
	v29 =	vld [tilespmem:s29+$0x0]  }
0x1c7: {  	s26 =	sadd.s32 s11, s26;
	vm3 =	vgt.f32 v18, v17;
	vm4 =	vgt.f32 v22, v20;
	s29 =	sadd.s32 s10, s25;
	vm7 =	vgt.f32 v26, v25;
	v28 =	vld [tilespmem:s28+$0x0]  }
0x1c8: {  	s17 =	sadd.s32 s10, s26;
	v36 =	vsel vm2, $0x11, v8;
	v38 =	vsel vm3, $0x1, v0;
	v39 =	vsel vm4, $0x3, v1;
	s23 =	sadd.s32 s11, s23;
	v31 =	vld [tilespmem:s29+$0x0];
	s29 =	sadd.s32 s7, s14  }
0x1c9: {  	v32 =	vld [tilespmem:s17+$0x0];
	v14 =	vsel vm2, v16, v14;
	v16 =	vsel vm3, v18, v17;
	v17 =	vsel vm4, v22, v20;
	s14 =	sadd.s32 s7, s21;
	s21 =	sadd.s32 s11, s30;
	s28 =	sadd.s32 s10, s23  }
0x1ca: {  	s3 =	sadd.s32 s7, s26;
	vm5 =	vgt.f32 v23, v15;
	v43 =	vsel vm7, $0x9, v4;
	v20 =	vsel vm7, v26, v25;
	s26 =	sadd.s32 s10, s21;
	v30 =	vld [tilespmem:s28+$0x0]  }
0x1cb: {  	s16 =	sadd.s32 s7, s16;
	vm3 =	vgt.f32 v17, v16;
	v40 =	vsel vm5, $0x5, v2;
	vm6 =	vgt.f32 v24, v13;
	v37 =	vld [tilespmem:s26+$0x0]  }
0x1cc: {  	s1 =	sadd.s32 s7, s1;
	v45 =	vld [tilespmem:s16+$0x0];
	v15 =	vsel vm5, v23, v15;
	v16 =	vsel vm3, v17, v16;
	v13 =	vsel vm6, v24, v13  }
0x1cd: {  	s15 =	sadd.s32 s7, s15;
	v19 =	vld [tilespmem:s1+$0x0];
	v42 =	vsel vm6, $0x7, v3;
	vm4 =	vgt.f32 v13, v15;
	vm8 =	vgt.f32 v28, v27  }
0x1ce: {  	v18 =	vld [tilespmem:s15+$0x0];
	s28 =	sadd.s32 s7, s9;
	vm10 =	vgt.f32 v32, v31;
	v13 =	vsel vm4, v13, v15;
	v44 =	vsel vm8, $0xB, v5  }
0x1cf: {  	s4 =	sadd.s32 s7, s25;
	v41 =	vld [tilespmem:s28+$0x0];
	s28 =	sld [smem:$0x7EE];
	v47 =	vsel vm10, $0xF, v7;
	v22 =	vsel vm8, v28, v27;
	vm9 =	vgt.f32 v30, v29  }
0x1d0: {  	v61 =	vld [tilespmem:s4+$0x0];
	v25 =	vsel vm10, v32, v31;
	vm2 =	vgt.f32 v37, v14;
	v23 =	vsel vm9, v30, v29  }
0x1d1: {  	v62 =	vld [tilespmem:s3+$0x0];
	vm5 =	vgt.f32 v22, v20;
	v46 =	vsel vm9, $0xD, v6;
	vm6 =	vgt.f32 v25, v23  }
0x1d2: {  	s20 =	sadd.s32 s7, s20;
	v48 =	vld [tilespmem:s29+$0x0];
	s11 =	sadd.s32 s11, s28;
	v14 =	vsel vm2, v37, v14;
	v15 =	vsel vm5, v22, v20;
	v17 =	vsel vm6, v25, v23  }
0x1d3: {  	v27 =	vld [tilespmem:s20+$0x0];
	s29 =	sadd.s32 s10, s11;
	v20 =	vsel vm3, v39, v38;
	vm3 =	vgt.f32 v13, v16;
	vm7 =	vgt.f32 v17, v15  }
0x1d4: {  	v22 =	vsel vm4, v42, v40;
	v13 =	vsel vm3, v13, v16;
	v23 =	vld [tilespmem:s29+$0x0];
	v15 =	vsel vm7, v17, v15  }
0x1d5: {  	s19 =	sadd.s32 s7, s19;
	v28 =	vld [tilespmem:s14+$0x0];
	v16 =	vsel vm5, v44, v43;
	v17 =	vsel vm6, v47, v46;
	vm4 =	vgt.f32 v15, v13  }
0x1d6: {  	s1 =	sadd.s32 s7, s23;
	v24 =	vld [tilespmem:s19+$0x0];
	v20 =	vsel vm3, v22, v20;
	v17 =	vsel vm7, v17, v16;
	v13 =	vsel vm4, v15, v13  }
0x1d7: {  	s9 =	sadd.s32 s7, s22;
	v60 =	vld [tilespmem:s1+$0x0];
	v15 =	vsel vm2, $0x12, v36;
	v20 =	vsel vm4, v17, v20;
	vm2 =	vgt.f32 v14, v13  }
0x1d8: {  	s23 =	sadd.s32 s7, s12;
	v29 =	vld [tilespmem:s9+$0x0];
	vm8 =	vgt.f32 v41, v35;
	vm3 =	vgt.f32 v34, v33;
	v14 =	vsel vm2, v15, v20  }
0x1d9: {  	s25 =	sadd.s32 s7, s13;
	v22 =	vsel vm3, v34, v33;
	v16 =	vld [tilespmem:s23+$0x0];
	vm9 =	veq.s32 v14, v23;
	v20 =	vshll.u32 v14, $0x7  }
0x1da: {  	s6 =	sadd.s32 $0x2, s6;
	s5 =	sadd.s32 s7, s21;
	s7 =	sadd.s32 s7, s11;
	vm5 =	vgt.f32 v28, v27;
	v17 =	vld [tilespmem:s25+$0x0];
	vm10 =	vne.s32 v14, v23;
	v63 =	vor.u32 v9, v20  }
0x1db: {  	p1 =	slt.u32 s6, $0xE;
	vm6 =	vgt.f32 v48, v45;
	v27 =	vsel vm5, v28, v27;
	vm4 =	vgt.f32 v24, v18;
	v13 =	vld [tilespmem:s7+$0x0]  }
.Ltmp4:
0x1dc: {  	s30 =	simm.s32 $0x14C00;
	vm7 =	vgt.f32 v21, v19;
	v26 =	vsel vm6, v48, v45;
	v25 =	vsel vm4, v24, v18;
	v15 =	vld [tilespmem:s5+$0x0];
	(pc) =	sbr.rel @p1 .LBB2_8-.Ltmp4, $4  }
0x1dd: {  	[tilespmem:v12+s30+$0x0] =	vst.idx.add.s32.msk vm1, v10;
	vm1 =	vgt.f32 v60, v29;
	vm2 =	vgt.f32 v62, v61;
	v14 =	vshll.u32 v23, $0x7  }
0x1de: {  	v23 =	vsel vm8, v41, v35;
	v24 =	vsel vm2, v62, v61;
	v14 =	vor.u32 v9, v14  }
0x1df: {  	s22 =	simm.s32 $0x14000;
	v18 =	vsel vm7, $0x1, v0;
	v20 =	vsel vm7, v21, v19;
	v21 =	vsel vm1, v60, v29;
	[tilespmem:v63+s30+$0x0] =	vst.idx.add.s32.msk vm9, v10  }
0x1e0: {  	v19 =	vsel vm3, $0x3, v1;
	vm7 =	vgt.f32 v26, v23;
	vm3 =	vgt.f32 v22, v20;
	[tilespmem:v63+s22+$0x0] =	vst.idx.add.s32.msk vm10, v10  }
0x1e1: {  	v28 =	vsel vm8, $0x5, v2;
	vm14 =	vgt.f32 v27, v25  }
0x1e2: {  	vm9 =	vgt.f32 v24, v21;
	v20 =	vsel vm3, v22, v20;
	v46 =	vsel vm7, v26, v23  }
0x1e3: {  	vm10 =	vgt.f32 v17, v16;
	v48 =	vsel vm6, $0x7, v3;
	v49 =	vsel vm4, $0x9, v4  }
0x1e4: {  	v50 =	vsel vm5, $0xB, v5;
	v51 =	vsel vm1, $0xD, v6;
	v52 =	vsel vm2, $0xF, v7  }
0x1e5: {  	v53 =	vsel vm3, v19, v18;
	v47 =	vsel vm14, v27, v25;
	vm11 =	vgt.f32 v46, v20  }
0x1e6: {  	v21 =	vsel vm9, v24, v21;
	v16 =	vsel vm10, v17, v16;
	v54 =	vsel vm7, v48, v28  }
0x1e7: {  	v55 =	vsel vm14, v50, v49;
	v56 =	vsel vm9, v52, v51;
	vm15 =	vgt.f32 v21, v47  }
0x1e8: {  	v59 =	vsel vm10, $0x11, v8;
	v20 =	vsel vm11, v46, v20;
	v21 =	vsel vm15, v21, v47  }
0x1e9: {  	vm13 =	vgt.f32 v15, v16;
	v17 =	vsel vm11, v54, v53;
	vm12 =	vgt.f32 v21, v20  }
0x1ea: {  	v57 =	vsel vm15, v56, v55;
	v15 =	vsel vm13, v15, v16;
	v58 =	vsel vm12, v21, v20  }
0x1eb: {  	v61 =	vsel vm13, $0x12, v59;
	v60 =	vsel vm12, v57, v17;
	vm14 =	vgt.f32 v15, v58  }
0x1ec: {  	v15 =	vsel vm14, v61, v60  }
0x1ed: {  	vm1 =	veq.s32 v15, v13;
	v16 =	vshll.u32 v15, $0x7  }
0x1ee: {  	vm15 =	vne.s32 v15, v13;
	v62 =	vor.u32 v9, v16  }
0x1ef: {  	v63 =	vshll.u32 v13, $0x7;
	s2 =	sadd.s32 $0x1, s2  }
0x1f0: {  	[tilespmem:v14+s24+$0x0] =	vst.idx.add.s32.msk $0xffff, v10;
	p1 =	sne.s32 s2, $0x8;
	v13 =	vor.u32 v9, v63  }
.Ltmp5:
0x1f1: {  	[tilespmem:v12+s22+$0x0] =	vst.idx.add.s32.msk vm0, v10;
	(pc) =	sbr.rel @p1 .LBB2_7-.Ltmp5, $4  }
0x1f2: {  	[tilespmem:v11+s24+$0x0] =	vst.idx.add.s32.msk $0xffff, v10  }
0x1f3: {  	[tilespmem:v62+s30+$0x0] =	vst.idx.add.s32.msk vm1, v10  }
0x1f4: {  	[tilespmem:v62+s22+$0x0] =	vst.idx.add.s32.msk vm15, v10  }
0x1f5: {  	[tilespmem:v13+s24+$0x0] =	vst.idx.add.s32.msk $0xffff, v10  }
.Ltmp6:
0x1f6: {  	(pc) =	sbr.rel @p0 .LBB2_12-.Ltmp6, $1  }
0x1f7: {  	_ =	sdelay $0x3  }
0x1f8: {  	s0 =	sld [smem:$0x7EF];
	_ =	sdelay $0x2  }
0x1f9: {  	s0 =	sadd.s32 $0x3, s0  }
0x1fa: {  	s1 =	sshrl.u32 s0, $0x7  }
0x1fb: {  	s0 =	sshll.u32 s0, $0xB;
	s2 =	smul.u32 $0x4C0000, s1  }
0x1fc: {  	s3 =	sld [smem:$0x7F6];
	s0 =	sand.u32 $0x3F000, s0  }
0x1fd: {  	s25 =	simm.s32 $0x800;
	s4 =	simm.s32 $0x40000;
	s2 =	sor.u32 s0, s2  }
0x1fe: {  	s5 =	simm.s32 $0x9800;
	s1 =	sshll.u32 s1, $0x12;
	s2 =	sshrl.u32 s2, $0x3  }
0x1ff: {  	s26 =	sld [smem:$0x7F8];
	s0 =	sor.u32 s0, s1;
	s2 =	sadd.s32 s2, s3  }
0x200: {  	[tilespmem:s5], [sflag:$0x2] =	stream.strided.gather [hbm4b:s2+s25], $0x9800, s4, s25, $0x38;
	[tilespmem:$0x16400] =	vst v63  }
.Ltmp7:
0x201: {  	s31 =	sld [smem:$0x7F2];
	s0 =	sshrl.u32 s0, $0x3;
	(pc) =	sbr.rel .LBB2_2-.Ltmp7, $4  }
0x202: {  	s28 =	simm.s32 $0x0;
	s29 =	simm.s32 $0x13800;
	s0 =	sadd.s32 s0, s26  }
0x203: {  	[tilespmem:s29], [sflag:$0x2] =	stream.linear.gather [hbm4b:s0+s28], $0x800, $0x38;
	[tilespmem:$0x16400] =	vst v63  }
0x204: {  	s0 =	sadd.s32 $0x1, s31  }
0x205: {  	[smem:$0x7F2] =	sst s0  }
.LBB2_13:
0x206: {  	_ =	sfence.sel $0x180000  }
0x207: {  	[bflag:$0x0] =	sbarrier.arrive $0xFFFF  }
0x208: {  	_ =	strace $0x90000047  }
0x209: {  	s0 =	stileid.u32;
	[bflag:$0x2] =	sbarrier.arrive $0xFFFF  }
0x20a: {  	p0 =	sne.s32 s0, $0x0;
	s0 =	rddreg [dreg:$0x3]  }
0x20b: {  	s0 =	sadd.s32 @!p0 $0x100000, s0  }
0x20c: {  	[sflag:s0] =	ssyncadd.tile.s32 @!p0 $0x1;
	_ =	shalt  }
.Lfunc_end2:
_tile_overlayer_lowered:
.L_overlay_start_2:
0x20d: {  	(tag) =	ssettag $0x2  }
0x20e: {  	s0 =	rddreg [dreg:$0x0];
	s2 =	stileid.u32  }
0x20f: {  	s1 =	rddreg [dreg:$0x1];
	p0 =	sne.s32 s2, $0x0  }
0x210: {  	s3 =	rddreg [dreg:$0x2];
	[bflag:$0x3] =	sbarrier.arrive $0xFFFF;
	s2 =	simm.s32 @!p0 $0x1C03  }
0x211: {  	[timem:s3], [sflag:s2] =	dma.local @!p0 [hbm:s0], s1  }
0x212: {  	s0 =	simm.s32 @!p0 $0x3  }
0x213: {  	_ =	swait.ge @!p0 [sflag:s0], s1  }
0x214: {  	s1 =	ssub.s32 @!p0 $0x0, s1;
	[sflag:s0] =	ssyncset.done @!p0 $0x0  }
0x215: {  	[sflag:s0] =	ssyncadd.s32 @!p0 s1  }
0x216: {  	[bflag:$0x3] =	sbarrier.arrive $0xFFFF  }
0x217: {  	_ =	shalt  }

</sc_bundles>
